<compile_context>
chip_gen: v7x
topology: tpu7x:2x2x1
jax: 0.10.2.dev20260603
libtpu: 0.0.44.dev20260713+nightly
codegen_flags: <defaults>
</compile_context>

<pallas_src>
import jax
import jax.numpy as jnp
from jax import lax
from jax.experimental import pallas as pl
from jax.experimental.pallas import tpu as pltpu
from jax.experimental.pallas import tpu_sc as plsc

NC, NS, L = 2, 16, 16
NW = NC * NS
B, H, D = 16384, 200, 10
DP = 16
RPW = B // NW
CH = 16
G = RPW // CH
CI = CH * H
NHID = 5
NUM_ROWS = 1000008
WB1 = NHID * L


def _body(x_hbm, tbl_hbm, wts_hbm, out_hbm,
          idx_v, rows_v, wts_v, out_v, sem, gsem):
    wid = lax.axis_index("s") * NC + lax.axis_index("c")

    pltpu.sync_copy(wts_hbm, wts_v)
    w1vecs = [wts_v[pl.ds(k * L, L)] for k in range(NHID)]
    w1s = [[w1vecs[k][d] for d in range(D)] for k in range(NHID)]
    tail = wts_v[pl.ds(WB1, L)]
    b1s = [tail[k] for k in range(NHID)]
    w2s = [tail[NHID + k] for k in range(NHID)]
    b2s = tail[2 * NHID]

    lane = lax.iota(jnp.int32, L)
    z16 = jnp.zeros((L,), jnp.float32)

    def start(g, buf):
        pltpu.sync_copy(x_hbm.at[wid, g], idx_v.at[buf])
        pltpu.async_copy(tbl_hbm.at[idx_v.at[buf]], rows_v.at[buf], gsem)

    start(0, 0)

    def chunk(g, carry):
        buf = lax.rem(g, 2)
        pltpu.make_async_copy(tbl_hbm.at[idx_v.at[buf]],
                              rows_v.at[buf], gsem).wait()
        pl.when(g + 1 < G)(lambda: start(g + 1, 1 - buf))

        zvec = z16
        for s in range(CH):
            base = s * H

            def inner(u, accs):
                a0, a1, a2, a3 = accs
                r = base + u * 8
                a0 = a0 + rows_v[buf, r]
                a1 = a1 + rows_v[buf, r + 1]
                a2 = a2 + rows_v[buf, r + 2]
                a3 = a3 + rows_v[buf, r + 3]
                a0 = a0 + rows_v[buf, r + 4]
                a1 = a1 + rows_v[buf, r + 5]
                a2 = a2 + rows_v[buf, r + 6]
                a3 = a3 + rows_v[buf, r + 7]
                return a0, a1, a2, a3

            a0, a1, a2, a3 = lax.fori_loop(0, H // 8, inner,
                                           (z16, z16, z16, z16))
            acc = (a0 + a1) + (a2 + a3)

            es = [acc[d] for d in range(D)]
            z = b2s
            for k in range(NHID):
                t = b1s[k]
                for d in range(D):
                    t = t + es[d] * w1s[k][d]
                z = z + w2s[k] * jnp.maximum(t, 0.0)
            zvec = jnp.where(lane == s, z, zvec)

        out_v[pl.ds(g * CH, CH)] = 1.0 / (1.0 + jnp.exp(-zvec))
        return carry

    lax.fori_loop(0, G, chunk, 0)
    pltpu.sync_copy(out_v, out_hbm.at[pl.ds(wid * RPW, RPW)])


def kernel(x, emb_table, w1, b1, w2, b2):
    tbl = jnp.pad(emb_table,
                  ((0, NUM_ROWS - emb_table.shape[0]), (0, DP - D)))
    x_r = x.reshape(NW, G, CI)
    w1p = jnp.pad((w1 / H).astype(jnp.float32), ((0, 0), (0, L - D)))
    wts = jnp.concatenate([
        w1p.reshape(-1),
        b1.reshape(-1),
        w2.reshape(-1),
        b2.reshape(-1),
        jnp.zeros((5,), jnp.float32),
    ])

    run = pl.kernel(
        _body,
        out_type=jax.ShapeDtypeStruct((B,), jnp.float32),
        mesh=plsc.VectorSubcoreMesh(core_axis_name="c", subcore_axis_name="s"),
        compiler_params=pltpu.CompilerParams(use_tc_tiling_on_sc=False),
        scratch_types=[
            pltpu.VMEM((2, CI), jnp.int32),
            pltpu.VMEM((2, CI, DP), jnp.float32),
            pltpu.VMEM((96,), jnp.float32),
            pltpu.VMEM((RPW,), jnp.float32),
            pltpu.SemaphoreType.DMA,
            pltpu.SemaphoreType.DMA,
        ],
    )
    out = run(x_r, tbl, wts)
    return out.reshape(B, 1)

# --- scband reference (transcript-rebuilt; emitter-appended) ---
"""Pipeline reference for scband-model-19310172963128 (READ-ONLY COPY).

The authoritative reference and input builder live on the scoring server;
editing this copy changes nothing except your own understanding.
"""

import jax, jax.numpy as jnp
import numpy as np

NUM_VOCAB = 1000000
EMB_DIM = 10
BATCH = 16384
HIST = 200

def setup_inputs(seed: int = 0) -> dict:
    key = jax.random.key(seed)
    k_x, k_emb, k_w1, k_b1, k_w2, k_b2 = jax.random.split(key, 6)
    x = jax.random.randint(k_x, (BATCH, HIST), 0, NUM_VOCAB, dtype=jnp.int64 if jax.config.jax_enable_x64 else jnp.int32).astype(jnp.int32)
    emb_table = jax.random.normal(k_emb, (NUM_VOCAB + 1, EMB_DIM), dtype=jnp.float32)
    # torch nn.Linear default init approximated with uniform
    w1 = jax.random.uniform(k_w1, (5, EMB_DIM), dtype=jnp.float32, minval=-1.0, maxval=1.0) / jnp.sqrt(EMB_DIM)
    b1 = jax.random.uniform(k_b1, (5,), dtype=jnp.float32, minval=-1.0, maxval=1.0) / jnp.sqrt(EMB_DIM)
    w2 = jax.random.uniform(k_w2, (1, 5), dtype=jnp.float32, minval=-1.0, maxval=1.0) / jnp.sqrt(5.0)
    b2 = jax.random.uniform(k_b2, (1,), dtype=jnp.float32, minval=-1.0, maxval=1.0) / jnp.sqrt(5.0)
    return {"x": x, "emb_table": emb_table, "w1": w1, "b1": b1, "w2": w2, "b2": b2}

def reference(x, emb_table, w1, b1, w2, b2):
    # embedding lookup: [B, L] -> [B, L, D]
    h = jnp.take(emb_table, x, axis=0)
    # mean over sequence dim
    h = h.mean(axis=1)
    # linear1 + relu
    h = h @ w1.T + b1
    h = jax.nn.relu(h)
    # dropout is identity in eval mode
    # linear2 + sigmoid
    h = h @ w2.T + b2
    out = jax.nn.sigmoid(h)
    return out

if __name__ == "__main__":
    import jax
    _d = setup_inputs()
    print(jax.jit(kernel)(*tuple(_d.values())))

</pallas_src>

<mosaic_0001>
#map = affine_map<(d0, d1) -> (0, 0, 0)>
#map1 = affine_map<(d0, d1) -> (0, 0)>
#map2 = affine_map<(d0, d1) -> (0)>
module attributes {stable_mosaic.version = 14 : i64} {
  func.func @_body(%arg0: i32, %arg1: i32, %arg2: memref<32x32x3200xi32, #tpu.memory_space<hbm>>, %arg3: memref<1000008x16xf32, #tpu.memory_space<hbm>>, %arg4: memref<96xf32, #tpu.memory_space<hbm>>, %arg5: memref<16384xf32, #tpu.memory_space<hbm>>, %arg6: memref<2x3200xi32, #tpu.memory_space<vmem>>, %arg7: memref<2x3200x16xf32, #tpu.memory_space<vmem>>, %arg8: memref<96xf32, #tpu.memory_space<vmem>>, %arg9: memref<512xf32, #tpu.memory_space<vmem>>, %arg10: memref<!tpu.dma_semaphore, #tpu.memory_space<semaphore_mem>>, %arg11: memref<!tpu.dma_semaphore, #tpu.memory_space<semaphore_mem>>) attributes {dimension_semantics = [#tpu.dimension_semantics<core_parallel>, #tpu.dimension_semantics<subcore_parallel>], iteration_bounds = array<i64: 2, 16>, scalar_prefetch = 0 : i64, scratch_operands = 6 : i64, tpu.core_type = #tpu.core_type<sc_vector_subcore>, window_params = [{transform_indices = #map}, {transform_indices = #map1}, {transform_indices = #map2}, {transform_indices = #map2}]} {
    %mul3A = arith.constant 2 : i32
    %mul3A_0 = arith.muli %arg1, %mul3A : i32
    %add3A = arith.addi %mul3A_0, %arg0 : i32
    "tpu.region"() ({
      %run_scoped3A_158 = tpu.sem_alloc : memref<!tpu.dma_semaphore, #tpu.memory_space<semaphore_mem>>
      tpu.enqueue_dma source(%arg4 : memref<96xf32, #tpu.memory_space<hbm>>) target(%arg8 : memref<96xf32, #tpu.memory_space<vmem>>) target_semaphore(%run_scoped3A_158 : memref<!tpu.dma_semaphore, #tpu.memory_space<semaphore_mem>>)
      tpu.wait_dma2 semaphore(%run_scoped3A_158 : memref<!tpu.dma_semaphore, #tpu.memory_space<semaphore_mem>>) src(%arg4 : memref<96xf32, #tpu.memory_space<hbm>>) dst(%arg8 : memref<96xf32, #tpu.memory_space<vmem>>)
      tpu.yield
    }) : () -> ()
    %get3A = arith.constant 0 : index
    %get3A_1 = tpu.vector_load %arg8[%get3A] {strides = array<i32>} : memref<96xf32, #tpu.memory_space<vmem>>, vector<16xf32>,
    %get3A_2 = vector.shape_cast %get3A_1 : vector<16xf32> to vector<16xf32>
    %get3A_3 = arith.constant 16 : index
    %get3A_4 = tpu.vector_load %arg8[%get3A_3] {strides = array<i32>} : memref<96xf32, #tpu.memory_space<vmem>>, vector<16xf32>,
    %get3A_5 = vector.shape_cast %get3A_4 : vector<16xf32> to vector<16xf32>
    %get3A_6 = arith.constant 32 : index
    %get3A_7 = tpu.vector_load %arg8[%get3A_6] {strides = array<i32>} : memref<96xf32, #tpu.memory_space<vmem>>, vector<16xf32>,
    %get3A_8 = vector.shape_cast %get3A_7 : vector<16xf32> to vector<16xf32>
    %get3A_9 = arith.constant 48 : index
    %get3A_10 = tpu.vector_load %arg8[%get3A_9] {strides = array<i32>} : memref<96xf32, #tpu.memory_space<vmem>>, vector<16xf32>,
    %get3A_11 = vector.shape_cast %get3A_10 : vector<16xf32> to vector<16xf32>
    %get3A_12 = arith.constant 64 : index
    %get3A_13 = tpu.vector_load %arg8[%get3A_12] {strides = array<i32>} : memref<96xf32, #tpu.memory_space<vmem>>, vector<16xf32>,
    %get3A_14 = vector.shape_cast %get3A_13 : vector<16xf32> to vector<16xf32>
    %slice3A = vector.extract_strided_slice %get3A_2 {offsets = [0], sizes = [1], strides = [1]} : vector<16xf32> to vector<1xf32>
    %squeeze3A = vector.extract %slice3A[0] : f32 from vector<1xf32>
    %slice3A_15 = vector.extract_strided_slice %get3A_2 {offsets = [1], sizes = [1], strides = [1]} : vector<16xf32> to vector<1xf32>
    %squeeze3A_16 = vector.extract %slice3A_15[0] : f32 from vector<1xf32>
    %slice3A_17 = vector.extract_strided_slice %get3A_2 {offsets = [2], sizes = [1], strides = [1]} : vector<16xf32> to vector<1xf32>
    %squeeze3A_18 = vector.extract %slice3A_17[0] : f32 from vector<1xf32>
    %slice3A_19 = vector.extract_strided_slice %get3A_2 {offsets = [3], sizes = [1], strides = [1]} : vector<16xf32> to vector<1xf32>
    %squeeze3A_20 = vector.extract %slice3A_19[0] : f32 from vector<1xf32>
    %slice3A_21 = vector.extract_strided_slice %get3A_2 {offsets = [4], sizes = [1], strides = [1]} : vector<16xf32> to vector<1xf32>
    %squeeze3A_22 = vector.extract %slice3A_21[0] : f32 from vector<1xf32>
    %slice3A_23 = vector.extract_strided_slice %get3A_2 {offsets = [5], sizes = [1], strides = [1]} : vector<16xf32> to vector<1xf32>
    %squeeze3A_24 = vector.extract %slice3A_23[0] : f32 from vector<1xf32>
    %slice3A_25 = vector.extract_strided_slice %get3A_2 {offsets = [6], sizes = [1], strides = [1]} : vector<16xf32> to vector<1xf32>
    %squeeze3A_26 = vector.extract %slice3A_25[0] : f32 from vector<1xf32>
    %slice3A_27 = vector.extract_strided_slice %get3A_2 {offsets = [7], sizes = [1], strides = [1]} : vector<16xf32> to vector<1xf32>
    %squeeze3A_28 = vector.extract %slice3A_27[0] : f32 from vector<1xf32>
    %slice3A_29 = vector.extract_strided_slice %get3A_2 {offsets = [8], sizes = [1], strides = [1]} : vector<16xf32> to vector<1xf32>
    %squeeze3A_30 = vector.extract %slice3A_29[0] : f32 from vector<1xf32>
    %slice3A_31 = vector.extract_strided_slice %get3A_2 {offsets = [9], sizes = [1], strides = [1]} : vector<16xf32> to vector<1xf32>
    %squeeze3A_32 = vector.extract %slice3A_31[0] : f32 from vector<1xf32>
    %slice3A_33 = vector.extract_strided_slice %get3A_5 {offsets = [0], sizes = [1], strides = [1]} : vector<16xf32> to vector<1xf32>
    %squeeze3A_34 = vector.extract %slice3A_33[0] : f32 from vector<1xf32>
    %slice3A_35 = vector.extract_strided_slice %get3A_5 {offsets = [1], sizes = [1], strides = [1]} : vector<16xf32> to vector<1xf32>
    %squeeze3A_36 = vector.extract %slice3A_35[0] : f32 from vector<1xf32>
    %slice3A_37 = vector.extract_strided_slice %get3A_5 {offsets = [2], sizes = [1], strides = [1]} : vector<16xf32> to vector<1xf32>
    %squeeze3A_38 = vector.extract %slice3A_37[0] : f32 from vector<1xf32>
    %slice3A_39 = vector.extract_strided_slice %get3A_5 {offsets = [3], sizes = [1], strides = [1]} : vector<16xf32> to vector<1xf32>
    %squeeze3A_40 = vector.extract %slice3A_39[0] : f32 from vector<1xf32>
    %slice3A_41 = vector.extract_strided_slice %get3A_5 {offsets = [4], sizes = [1], strides = [1]} : vector<16xf32> to vector<1xf32>
    %squeeze3A_42 = vector.extract %slice3A_41[0] : f32 from vector<1xf32>
    %slice3A_43 = vector.extract_strided_slice %get3A_5 {offsets = [5], sizes = [1], strides = [1]} : vector<16xf32> to vector<1xf32>
    %squeeze3A_44 = vector.extract %slice3A_43[0] : f32 from vector<1xf32>
    %slice3A_45 = vector.extract_strided_slice %get3A_5 {offsets = [6], sizes = [1], strides = [1]} : vector<16xf32> to vector<1xf32>
    %squeeze3A_46 = vector.extract %slice3A_45[0] : f32 from vector<1xf32>
    %slice3A_47 = vector.extract_strided_slice %get3A_5 {offsets = [7], sizes = [1], strides = [1]} : vector<16xf32> to vector<1xf32>
    %squeeze3A_48 = vector.extract %slice3A_47[0] : f32 from vector<1xf32>
    %slice3A_49 = vector.extract_strided_slice %get3A_5 {offsets = [8], sizes = [1], strides = [1]} : vector<16xf32> to vector<1xf32>
    %squeeze3A_50 = vector.extract %slice3A_49[0] : f32 from vector<1xf32>
    %slice3A_51 = vector.extract_strided_slice %get3A_5 {offsets = [9], sizes = [1], strides = [1]} : vector<16xf32> to vector<1xf32>
    %squeeze3A_52 = vector.extract %slice3A_51[0] : f32 from vector<1xf32>
    %slice3A_53 = vector.extract_strided_slice %get3A_8 {offsets = [0], sizes = [1], strides = [1]} : vector<16xf32> to vector<1xf32>
    %squeeze3A_54 = vector.extract %slice3A_53[0] : f32 from vector<1xf32>
    %slice3A_55 = vector.extract_strided_slice %get3A_8 {offsets = [1], sizes = [1], strides = [1]} : vector<16xf32> to vector<1xf32>
    %squeeze3A_56 = vector.extract %slice3A_55[0] : f32 from vector<1xf32>
    %slice3A_57 = vector.extract_strided_slice %get3A_8 {offsets = [2], sizes = [1], strides = [1]} : vector<16xf32> to vector<1xf32>
    %squeeze3A_58 = vector.extract %slice3A_57[0] : f32 from vector<1xf32>
    %slice3A_59 = vector.extract_strided_slice %get3A_8 {offsets = [3], sizes = [1], strides = [1]} : vector<16xf32> to vector<1xf32>
    %squeeze3A_60 = vector.extract %slice3A_59[0] : f32 from vector<1xf32>
    %slice3A_61 = vector.extract_strided_slice %get3A_8 {offsets = [4], sizes = [1], strides = [1]} : vector<16xf32> to vector<1xf32>
    %squeeze3A_62 = vector.extract %slice3A_61[0] : f32 from vector<1xf32>
    %slice3A_63 = vector.extract_strided_slice %get3A_8 {offsets = [5], sizes = [1], strides = [1]} : vector<16xf32> to vector<1xf32>
    %squeeze3A_64 = vector.extract %slice3A_63[0] : f32 from vector<1xf32>
    %slice3A_65 = vector.extract_strided_slice %get3A_8 {offsets = [6], sizes = [1], strides = [1]} : vector<16xf32> to vector<1xf32>
    %squeeze3A_66 = vector.extract %slice3A_65[0] : f32 from vector<1xf32>
    %slice3A_67 = vector.extract_strided_slice %get3A_8 {offsets = [7], sizes = [1], strides = [1]} : vector<16xf32> to vector<1xf32>
    %squeeze3A_68 = vector.extract %slice3A_67[0] : f32 from vector<1xf32>
    %slice3A_69 = vector.extract_strided_slice %get3A_8 {offsets = [8], sizes = [1], strides = [1]} : vector<16xf32> to vector<1xf32>
    %squeeze3A_70 = vector.extract %slice3A_69[0] : f32 from vector<1xf32>
    %slice3A_71 = vector.extract_strided_slice %get3A_8 {offsets = [9], sizes = [1], strides = [1]} : vector<16xf32> to vector<1xf32>
    %squeeze3A_72 = vector.extract %slice3A_71[0] : f32 from vector<1xf32>
    %slice3A_73 = vector.extract_strided_slice %get3A_11 {offsets = [0], sizes = [1], strides = [1]} : vector<16xf32> to vector<1xf32>
    %squeeze3A_74 = vector.extract %slice3A_73[0] : f32 from vector<1xf32>
    %slice3A_75 = vector.extract_strided_slice %get3A_11 {offsets = [1], sizes = [1], strides = [1]} : vector<16xf32> to vector<1xf32>
    %squeeze3A_76 = vector.extract %slice3A_75[0] : f32 from vector<1xf32>
    %slice3A_77 = vector.extract_strided_slice %get3A_11 {offsets = [2], sizes = [1], strides = [1]} : vector<16xf32> to vector<1xf32>
    %squeeze3A_78 = vector.extract %slice3A_77[0] : f32 from vector<1xf32>
    %slice3A_79 = vector.extract_strided_slice %get3A_11 {offsets = [3], sizes = [1], strides = [1]} : vector<16xf32> to vector<1xf32>
    %squeeze3A_80 = vector.extract %slice3A_79[0] : f32 from vector<1xf32>
    %slice3A_81 = vector.extract_strided_slice %get3A_11 {offsets = [4], sizes = [1], strides = [1]} : vector<16xf32> to vector<1xf32>
    %squeeze3A_82 = vector.extract %slice3A_81[0] : f32 from vector<1xf32>
    %slice3A_83 = vector.extract_strided_slice %get3A_11 {offsets = [5], sizes = [1], strides = [1]} : vector<16xf32> to vector<1xf32>
    %squeeze3A_84 = vector.extract %slice3A_83[0] : f32 from vector<1xf32>
    %slice3A_85 = vector.extract_strided_slice %get3A_11 {offsets = [6], sizes = [1], strides = [1]} : vector<16xf32> to vector<1xf32>
    %squeeze3A_86 = vector.extract %slice3A_85[0] : f32 from vector<1xf32>
    %slice3A_87 = vector.extract_strided_slice %get3A_11 {offsets = [7], sizes = [1], strides = [1]} : vector<16xf32> to vector<1xf32>
    %squeeze3A_88 = vector.extract %slice3A_87[0] : f32 from vector<1xf32>
    %slice3A_89 = vector.extract_strided_slice %get3A_11 {offsets = [8], sizes = [1], strides = [1]} : vector<16xf32> to vector<1xf32>
    %squeeze3A_90 = vector.extract %slice3A_89[0] : f32 from vector<1xf32>
    %slice3A_91 = vector.extract_strided_slice %get3A_11 {offsets = [9], sizes = [1], strides = [1]} : vector<16xf32> to vector<1xf32>
    %squeeze3A_92 = vector.extract %slice3A_91[0] : f32 from vector<1xf32>
    %slice3A_93 = vector.extract_strided_slice %get3A_14 {offsets = [0], sizes = [1], strides = [1]} : vector<16xf32> to vector<1xf32>
    %squeeze3A_94 = vector.extract %slice3A_93[0] : f32 from vector<1xf32>
    %slice3A_95 = vector.extract_strided_slice %get3A_14 {offsets = [1], sizes = [1], strides = [1]} : vector<16xf32> to vector<1xf32>
    %squeeze3A_96 = vector.extract %slice3A_95[0] : f32 from vector<1xf32>
    %slice3A_97 = vector.extract_strided_slice %get3A_14 {offsets = [2], sizes = [1], strides = [1]} : vector<16xf32> to vector<1xf32>
    %squeeze3A_98 = vector.extract %slice3A_97[0] : f32 from vector<1xf32>
    %slice3A_99 = vector.extract_strided_slice %get3A_14 {offsets = [3], sizes = [1], strides = [1]} : vector<16xf32> to vector<1xf32>
    %squeeze3A_100 = vector.extract %slice3A_99[0] : f32 from vector<1xf32>
    %slice3A_101 = vector.extract_strided_slice %get3A_14 {offsets = [4], sizes = [1], strides = [1]} : vector<16xf32> to vector<1xf32>
    %squeeze3A_102 = vector.extract %slice3A_101[0] : f32 from vector<1xf32>
    %slice3A_103 = vector.extract_strided_slice %get3A_14 {offsets = [5], sizes = [1], strides = [1]} : vector<16xf32> to vector<1xf32>
    %squeeze3A_104 = vector.extract %slice3A_103[0] : f32 from vector<1xf32>
    %slice3A_105 = vector.extract_strided_slice %get3A_14 {offsets = [6], sizes = [1], strides = [1]} : vector<16xf32> to vector<1xf32>
    %squeeze3A_106 = vector.extract %slice3A_105[0] : f32 from vector<1xf32>
    %slice3A_107 = vector.extract_strided_slice %get3A_14 {offsets = [7], sizes = [1], strides = [1]} : vector<16xf32> to vector<1xf32>
    %squeeze3A_108 = vector.extract %slice3A_107[0] : f32 from vector<1xf32>
    %slice3A_109 = vector.extract_strided_slice %get3A_14 {offsets = [8], sizes = [1], strides = [1]} : vector<16xf32> to vector<1xf32>
    %squeeze3A_110 = vector.extract %slice3A_109[0] : f32 from vector<1xf32>
    %slice3A_111 = vector.extract_strided_slice %get3A_14 {offsets = [9], sizes = [1], strides = [1]} : vector<16xf32> to vector<1xf32>
    %squeeze3A_112 = vector.extract %slice3A_111[0] : f32 from vector<1xf32>
    %get3A_113 = arith.constant 80 : index
    %get3A_114 = tpu.vector_load %arg8[%get3A_113] {strides = array<i32>} : memref<96xf32, #tpu.memory_space<vmem>>, vector<16xf32>,
    %get3A_115 = vector.shape_cast %get3A_114 : vector<16xf32> to vector<16xf32>
    %slice3A_116 = vector.extract_strided_slice %get3A_115 {offsets = [0], sizes = [1], strides = [1]} : vector<16xf32> to vector<1xf32>
    %squeeze3A_117 = vector.extract %slice3A_116[0] : f32 from vector<1xf32>
    %slice3A_118 = vector.extract_strided_slice %get3A_115 {offsets = [1], sizes = [1], strides = [1]} : vector<16xf32> to vector<1xf32>
    %squeeze3A_119 = vector.extract %slice3A_118[0] : f32 from vector<1xf32>
    %slice3A_120 = vector.extract_strided_slice %get3A_115 {offsets = [2], sizes = [1], strides = [1]} : vector<16xf32> to vector<1xf32>
    %squeeze3A_121 = vector.extract %slice3A_120[0] : f32 from vector<1xf32>
    %slice3A_122 = vector.extract_strided_slice %get3A_115 {offsets = [3], sizes = [1], strides = [1]} : vector<16xf32> to vector<1xf32>
    %squeeze3A_123 = vector.extract %slice3A_122[0] : f32 from vector<1xf32>
    %slice3A_124 = vector.extract_strided_slice %get3A_115 {offsets = [4], sizes = [1], strides = [1]} : vector<16xf32> to vector<1xf32>
    %squeeze3A_125 = vector.extract %slice3A_124[0] : f32 from vector<1xf32>
    %slice3A_126 = vector.extract_strided_slice %get3A_115 {offsets = [5], sizes = [1], strides = [1]} : vector<16xf32> to vector<1xf32>
    %squeeze3A_127 = vector.extract %slice3A_126[0] : f32 from vector<1xf32>
    %slice3A_128 = vector.extract_strided_slice %get3A_115 {offsets = [6], sizes = [1], strides = [1]} : vector<16xf32> to vector<1xf32>
    %squeeze3A_129 = vector.extract %slice3A_128[0] : f32 from vector<1xf32>
    %slice3A_130 = vector.extract_strided_slice %get3A_115 {offsets = [7], sizes = [1], strides = [1]} : vector<16xf32> to vector<1xf32>
    %squeeze3A_131 = vector.extract %slice3A_130[0] : f32 from vector<1xf32>
    %slice3A_132 = vector.extract_strided_slice %get3A_115 {offsets = [8], sizes = [1], strides = [1]} : vector<16xf32> to vector<1xf32>
    %squeeze3A_133 = vector.extract %slice3A_132[0] : f32 from vector<1xf32>
    %slice3A_134 = vector.extract_strided_slice %get3A_115 {offsets = [9], sizes = [1], strides = [1]} : vector<16xf32> to vector<1xf32>
    %squeeze3A_135 = vector.extract %slice3A_134[0] : f32 from vector<1xf32>
    %slice3A_136 = vector.extract_strided_slice %get3A_115 {offsets = [10], sizes = [1], strides = [1]} : vector<16xf32> to vector<1xf32>
    %squeeze3A_137 = vector.extract %slice3A_136[0] : f32 from vector<1xf32>
    %iota3A = tpu.iota {dimensions = array<i32: 0>} : vector<16xi32>
    %broadcast_in_dim3A = arith.constant 0.000000e+00 : f32
    %broadcast_in_dim3A_138 = vector.broadcast %broadcast_in_dim3A : f32 to vector<16xf32>
    %run_scoped3A = arith.constant 0 : i32
    %run_scoped3A_139 = arith.constant 0 : i32
    "tpu.region"() ({
      %run_scoped3A_158 = tpu.sem_alloc : memref<!tpu.dma_semaphore, #tpu.memory_space<semaphore_mem>>
      %dma_start3A_159 = arith.constant 0 : i32
      %dma_start3A_160 = tpu.memref_slice %arg6[%run_scoped3A_139, %dma_start3A_159] : memref<2x3200xi32, #tpu.memory_space<vmem>> -> memref<1x3200xi32, #tpu.memory_space<vmem>>
      %dma_start3A_161 = tpu.memref_squeeze %dma_start3A_160 : memref<1x3200xi32, #tpu.memory_space<vmem>> -> memref<3200xi32, #tpu.memory_space<vmem>>
      %dma_start3A_162 = arith.constant 0 : i32
      %dma_start3A_163 = tpu.memref_slice %arg2[%add3A, %run_scoped3A, %dma_start3A_162] : memref<32x32x3200xi32, #tpu.memory_space<hbm>> -> memref<1x1x3200xi32, #tpu.memory_space<hbm>>
      %dma_start3A_164 = tpu.memref_squeeze %dma_start3A_163 : memref<1x1x3200xi32, #tpu.memory_space<hbm>> -> memref<3200xi32, #tpu.memory_space<hbm>>
      %dma_start3A_165 = arith.constant 0 : i32
      %dma_start3A_166 = tpu.memref_slice %arg6[%run_scoped3A_139, %dma_start3A_165] : memref<2x3200xi32, #tpu.memory_space<vmem>> -> memref<1x3200xi32, #tpu.memory_space<vmem>>
      %dma_start3A_167 = tpu.memref_squeeze %dma_start3A_166 : memref<1x3200xi32, #tpu.memory_space<vmem>> -> memref<3200xi32, #tpu.memory_space<vmem>>
      %dma_start3A_168 = arith.constant 0 : i32
      %dma_start3A_169 = tpu.memref_slice %arg2[%add3A, %run_scoped3A, %dma_start3A_168] : memref<32x32x3200xi32, #tpu.memory_space<hbm>> -> memref<1x1x3200xi32, #tpu.memory_space<hbm>>
      %dma_start3A_170 = tpu.memref_squeeze %dma_start3A_169 : memref<1x1x3200xi32, #tpu.memory_space<hbm>> -> memref<3200xi32, #tpu.memory_space<hbm>>
      tpu.enqueue_dma source(%dma_start3A_170 : memref<3200xi32, #tpu.memory_space<hbm>>) target(%dma_start3A_167 : memref<3200xi32, #tpu.memory_space<vmem>>) target_semaphore(%run_scoped3A_158 : memref<!tpu.dma_semaphore, #tpu.memory_space<semaphore_mem>>)
      %dma_wait3A = arith.constant 0 : i32
      %dma_wait3A_171 = tpu.memref_slice %arg6[%run_scoped3A_139, %dma_wait3A] : memref<2x3200xi32, #tpu.memory_space<vmem>> -> memref<1x3200xi32, #tpu.memory_space<vmem>>
      %dma_wait3A_172 = tpu.memref_squeeze %dma_wait3A_171 : memref<1x3200xi32, #tpu.memory_space<vmem>> -> memref<3200xi32, #tpu.memory_space<vmem>>
      %dma_wait3A_173 = arith.constant 0 : i32
      %dma_wait3A_174 = tpu.memref_slice %arg2[%add3A, %run_scoped3A, %dma_wait3A_173] : memref<32x32x3200xi32, #tpu.memory_space<hbm>> -> memref<1x1x3200xi32, #tpu.memory_space<hbm>>
      %dma_wait3A_175 = tpu.memref_squeeze %dma_wait3A_174 : memref<1x1x3200xi32, #tpu.memory_space<hbm>> -> memref<3200xi32, #tpu.memory_space<hbm>>
      %dma_wait3A_176 = arith.constant 0 : i32
      %dma_wait3A_177 = tpu.memref_slice %arg6[%run_scoped3A_139, %dma_wait3A_176] : memref<2x3200xi32, #tpu.memory_space<vmem>> -> memref<1x3200xi32, #tpu.memory_space<vmem>>
      %dma_wait3A_178 = tpu.memref_squeeze %dma_wait3A_177 : memref<1x3200xi32, #tpu.memory_space<vmem>> -> memref<3200xi32, #tpu.memory_space<vmem>>
      %dma_wait3A_179 = arith.constant 0 : i32
      %dma_wait3A_180 = tpu.memref_slice %arg2[%add3A, %run_scoped3A, %dma_wait3A_179] : memref<32x32x3200xi32, #tpu.memory_space<hbm>> -> memref<1x1x3200xi32, #tpu.memory_space<hbm>>
      %dma_wait3A_181 = tpu.memref_squeeze %dma_wait3A_180 : memref<1x1x3200xi32, #tpu.memory_space<hbm>> -> memref<3200xi32, #tpu.memory_space<hbm>>
      tpu.wait_dma2 semaphore(%run_scoped3A_158 : memref<!tpu.dma_semaphore, #tpu.memory_space<semaphore_mem>>) src(%dma_wait3A_181 : memref<3200xi32, #tpu.memory_space<hbm>>) dst(%dma_wait3A_178 : memref<3200xi32, #tpu.memory_space<vmem>>)
      tpu.yield
    }) : () -> ()
    %dma_start3A = arith.constant 0 : i32
    %dma_start3A_140 = arith.constant 0 : i32
    %dma_start3A_141 = arith.constant 0 : i32
    %dma_start3A_142 = arith.constant 0 : i32
    %dma_start3A_143 = tpu.memref_slice %arg7[%dma_start3A_140, %dma_start3A_141, %dma_start3A_142] : memref<2x3200x16xf32, #tpu.memory_space<vmem>> -> memref<1x3200x16xf32, #tpu.memory_space<vmem>>
    %dma_start3A_144 = tpu.memref_squeeze %dma_start3A_143 : memref<1x3200x16xf32, #tpu.memory_space<vmem>> -> memref<3200x16xf32, #tpu.memory_space<vmem>>
    %dma_start3A_145 = arith.constant 0 : i32
    %dma_start3A_146 = tpu.memref_slice %arg6[%dma_start3A, %dma_start3A_145] : memref<2x3200xi32, #tpu.memory_space<vmem>> -> memref<1x3200xi32, #tpu.memory_space<vmem>>
    %dma_start3A_147 = tpu.memref_squeeze %dma_start3A_146 : memref<1x3200xi32, #tpu.memory_space<vmem>> -> memref<3200xi32, #tpu.memory_space<vmem>>
    %dma_start3A_148 = arith.constant 0 : i32
    %dma_start3A_149 = arith.constant 0 : i32
    %dma_start3A_150 = tpu.memref_slice %arg3[%dma_start3A_148, %dma_start3A_149] : memref<1000008x16xf32, #tpu.memory_space<hbm>> -> memref<1000008x16xf32, #tpu.memory_space<hbm>>
    tpu.enqueue_indirect_dma source(%dma_start3A_150 : memref<1000008x16xf32, #tpu.memory_space<hbm>>) target(%dma_start3A_144 : memref<3200x16xf32, #tpu.memory_space<vmem>>) offsets(%dma_start3A_147 : memref<3200xi32, #tpu.memory_space<vmem>>) semaphore(%arg11 : memref<!tpu.dma_semaphore, #tpu.memory_space<semaphore_mem>>)
    %scan3A = arith.constant 0 : i32
    %scan3A_151 = arith.constant 0 : i32
    %scan3A_152 = arith.constant 32 : i32
    %scan3A_153 = arith.addi %scan3A_151, %scan3A_152 : i32
    %scan3A_154 = arith.constant 1 : i32
    scf.for %scan3A_158 = %scan3A_151 to %scan3A_153 step %scan3A_154  : i32 {
      %rem3A = arith.constant 2 : i32
      %rem3A_159 = arith.remsi %scan3A_158, %rem3A : i32
      %dma_wait3A = arith.constant 0 : i32
      %dma_wait3A_160 = arith.constant 0 : i32
      %dma_wait3A_161 = tpu.memref_slice %arg7[%rem3A_159, %dma_wait3A, %dma_wait3A_160] : memref<2x3200x16xf32, #tpu.memory_space<vmem>> -> memref<1x3200x16xf32, #tpu.memory_space<vmem>>
      %dma_wait3A_162 = tpu.memref_squeeze %dma_wait3A_161 : memref<1x3200x16xf32, #tpu.memory_space<vmem>> -> memref<3200x16xf32, #tpu.memory_space<vmem>>
      %dma_wait3A_163 = arith.constant 0 : i32
      %dma_wait3A_164 = tpu.memref_slice %arg6[%rem3A_159, %dma_wait3A_163] : memref<2x3200xi32, #tpu.memory_space<vmem>> -> memref<1x3200xi32, #tpu.memory_space<vmem>>
      %dma_wait3A_165 = tpu.memref_squeeze %dma_wait3A_164 : memref<1x3200xi32, #tpu.memory_space<vmem>> -> memref<3200xi32, #tpu.memory_space<vmem>>
      %dma_wait3A_166 = arith.constant 0 : i32
      %dma_wait3A_167 = arith.constant 0 : i32
      %dma_wait3A_168 = tpu.memref_slice %arg3[%dma_wait3A_166, %dma_wait3A_167] : memref<1000008x16xf32, #tpu.memory_space<hbm>> -> memref<1000008x16xf32, #tpu.memory_space<hbm>>
      tpu.wait_indirect_dma semaphore(%arg11 : memref<!tpu.dma_semaphore, #tpu.memory_space<semaphore_mem>>) src(%dma_wait3A_168 : memref<1000008x16xf32, #tpu.memory_space<hbm>>) dst(%dma_wait3A_162 : memref<3200x16xf32, #tpu.memory_space<vmem>>)
      %add3A_169 = arith.constant 1 : i32
      %add3A_170 = arith.addi %scan3A_158, %add3A_169 : i32
      %lt3A = arith.constant 32 : i32
      %lt3A_171 = arith.cmpi slt, %add3A_170, %lt3A : i32
      %convert_element_type3A = arith.extui %lt3A_171 : i1 to i32
      %cond3A = arith.constant 0 : i32
      %cond3A_172 = arith.cmpi ne, %convert_element_type3A, %cond3A : i32
      scf.if %cond3A_172 {
        %add3A_2646 = arith.constant 1 : i32
        %add3A_2647 = arith.addi %scan3A_158, %add3A_2646 : i32
        %sub3A = arith.constant 1 : i32
        %sub3A_2648 = arith.subi %sub3A, %rem3A_159 : i32
        "tpu.region"() ({
          %run_scoped3A_2659 = tpu.sem_alloc : memref<!tpu.dma_semaphore, #tpu.memory_space<semaphore_mem>>
          %dma_start3A_2660 = arith.constant 0 : i32
          %dma_start3A_2661 = tpu.memref_slice %arg6[%sub3A_2648, %dma_start3A_2660] : memref<2x3200xi32, #tpu.memory_space<vmem>> -> memref<1x3200xi32, #tpu.memory_space<vmem>>
          %dma_start3A_2662 = tpu.memref_squeeze %dma_start3A_2661 : memref<1x3200xi32, #tpu.memory_space<vmem>> -> memref<3200xi32, #tpu.memory_space<vmem>>
          %dma_start3A_2663 = arith.constant 0 : i32
          %dma_start3A_2664 = tpu.memref_slice %arg2[%add3A, %add3A_2647, %dma_start3A_2663] : memref<32x32x3200xi32, #tpu.memory_space<hbm>> -> memref<1x1x3200xi32, #tpu.memory_space<hbm>>
          %dma_start3A_2665 = tpu.memref_squeeze %dma_start3A_2664 : memref<1x1x3200xi32, #tpu.memory_space<hbm>> -> memref<3200xi32, #tpu.memory_space<hbm>>
          %dma_start3A_2666 = arith.constant 0 : i32
          %dma_start3A_2667 = tpu.memref_slice %arg6[%sub3A_2648, %dma_start3A_2666] : memref<2x3200xi32, #tpu.memory_space<vmem>> -> memref<1x3200xi32, #tpu.memory_space<vmem>>
          %dma_start3A_2668 = tpu.memref_squeeze %dma_start3A_2667 : memref<1x3200xi32, #tpu.memory_space<vmem>> -> memref<3200xi32, #tpu.memory_space<vmem>>
          %dma_start3A_2669 = arith.constant 0 : i32
          %dma_start3A_2670 = tpu.memref_slice %arg2[%add3A, %add3A_2647, %dma_start3A_2669] : memref<32x32x3200xi32, #tpu.memory_space<hbm>> -> memref<1x1x3200xi32, #tpu.memory_space<hbm>>
          %dma_start3A_2671 = tpu.memref_squeeze %dma_start3A_2670 : memref<1x1x3200xi32, #tpu.memory_space<hbm>> -> memref<3200xi32, #tpu.memory_space<hbm>>
          tpu.enqueue_dma source(%dma_start3A_2671 : memref<3200xi32, #tpu.memory_space<hbm>>) target(%dma_start3A_2668 : memref<3200xi32, #tpu.memory_space<vmem>>) target_semaphore(%run_scoped3A_2659 : memref<!tpu.dma_semaphore, #tpu.memory_space<semaphore_mem>>)
          %dma_wait3A_2672 = arith.constant 0 : i32
          %dma_wait3A_2673 = tpu.memref_slice %arg6[%sub3A_2648, %dma_wait3A_2672] : memref<2x3200xi32, #tpu.memory_space<vmem>> -> memref<1x3200xi32, #tpu.memory_space<vmem>>
          %dma_wait3A_2674 = tpu.memref_squeeze %dma_wait3A_2673 : memref<1x3200xi32, #tpu.memory_space<vmem>> -> memref<3200xi32, #tpu.memory_space<vmem>>
          %dma_wait3A_2675 = arith.constant 0 : i32
          %dma_wait3A_2676 = tpu.memref_slice %arg2[%add3A, %add3A_2647, %dma_wait3A_2675] : memref<32x32x3200xi32, #tpu.memory_space<hbm>> -> memref<1x1x3200xi32, #tpu.memory_space<hbm>>
          %dma_wait3A_2677 = tpu.memref_squeeze %dma_wait3A_2676 : memref<1x1x3200xi32, #tpu.memory_space<hbm>> -> memref<3200xi32, #tpu.memory_space<hbm>>
          %dma_wait3A_2678 = arith.constant 0 : i32
          %dma_wait3A_2679 = tpu.memref_slice %arg6[%sub3A_2648, %dma_wait3A_2678] : memref<2x3200xi32, #tpu.memory_space<vmem>> -> memref<1x3200xi32, #tpu.memory_space<vmem>>
          %dma_wait3A_2680 = tpu.memref_squeeze %dma_wait3A_2679 : memref<1x3200xi32, #tpu.memory_space<vmem>> -> memref<3200xi32, #tpu.memory_space<vmem>>
          %dma_wait3A_2681 = arith.constant 0 : i32
          %dma_wait3A_2682 = tpu.memref_slice %arg2[%add3A, %add3A_2647, %dma_wait3A_2681] : memref<32x32x3200xi32, #tpu.memory_space<hbm>> -> memref<1x1x3200xi32, #tpu.memory_space<hbm>>
          %dma_wait3A_2683 = tpu.memref_squeeze %dma_wait3A_2682 : memref<1x1x3200xi32, #tpu.memory_space<hbm>> -> memref<3200xi32, #tpu.memory_space<hbm>>
          tpu.wait_dma2 semaphore(%run_scoped3A_2659 : memref<!tpu.dma_semaphore, #tpu.memory_space<semaphore_mem>>) src(%dma_wait3A_2683 : memref<3200xi32, #tpu.memory_space<hbm>>) dst(%dma_wait3A_2680 : memref<3200xi32, #tpu.memory_space<vmem>>)
          tpu.yield
        }) : () -> ()
        %dma_start3A_2649 = arith.constant 0 : i32
        %dma_start3A_2650 = arith.constant 0 : i32
        %dma_start3A_2651 = tpu.memref_slice %arg7[%sub3A_2648, %dma_start3A_2649, %dma_start3A_2650] : memref<2x3200x16xf32, #tpu.memory_space<vmem>> -> memref<1x3200x16xf32, #tpu.memory_space<vmem>>
        %dma_start3A_2652 = tpu.memref_squeeze %dma_start3A_2651 : memref<1x3200x16xf32, #tpu.memory_space<vmem>> -> memref<3200x16xf32, #tpu.memory_space<vmem>>
        %dma_start3A_2653 = arith.constant 0 : i32
        %dma_start3A_2654 = tpu.memref_slice %arg6[%sub3A_2648, %dma_start3A_2653] : memref<2x3200xi32, #tpu.memory_space<vmem>> -> memref<1x3200xi32, #tpu.memory_space<vmem>>
        %dma_start3A_2655 = tpu.memref_squeeze %dma_start3A_2654 : memref<1x3200xi32, #tpu.memory_space<vmem>> -> memref<3200xi32, #tpu.memory_space<vmem>>
        %dma_start3A_2656 = arith.constant 0 : i32
        %dma_start3A_2657 = arith.constant 0 : i32
        %dma_start3A_2658 = tpu.memref_slice %arg3[%dma_start3A_2656, %dma_start3A_2657] : memref<1000008x16xf32, #tpu.memory_space<hbm>> -> memref<1000008x16xf32, #tpu.memory_space<hbm>>
        tpu.enqueue_indirect_dma source(%dma_start3A_2658 : memref<1000008x16xf32, #tpu.memory_space<hbm>>) target(%dma_start3A_2652 : memref<3200x16xf32, #tpu.memory_space<vmem>>) offsets(%dma_start3A_2655 : memref<3200xi32, #tpu.memory_space<vmem>>) semaphore(%arg11 : memref<!tpu.dma_semaphore, #tpu.memory_space<semaphore_mem>>)
      } else {
      }
      %scan3A_173 = arith.constant 0 : i32
      %scan3A_174 = arith.constant 25 : i32
      %scan3A_175 = arith.addi %scan3A_173, %scan3A_174 : i32
      %scan3A_176 = arith.constant 1 : i32
      %scan3A_177:4 = scf.for %scan3A_2646 = %scan3A_173 to %scan3A_175 step %scan3A_176 iter_args(%scan3A_2647 = %broadcast_in_dim3A_138, %scan3A_2648 = %broadcast_in_dim3A_138, %scan3A_2649 = %broadcast_in_dim3A_138, %scan3A_2650 = %broadcast_in_dim3A_138) -> (vector<16xf32>, vector<16xf32>, vector<16xf32>, vector<16xf32>)  : i32 {
        %mul3A_2651 = arith.constant 8 : i32
        %mul3A_2652 = arith.muli %scan3A_2646, %mul3A_2651 : i32
        %add3A_2653 = arith.constant 0 : i32
        %add3A_2654 = arith.addi %add3A_2653, %mul3A_2652 : i32
        %get3A_2655 = arith.index_cast %rem3A_159 : i32 to index
        %get3A_2656 = arith.index_cast %add3A_2654 : i32 to index
        %get3A_2657 = arith.constant 0 : index
        %get3A_2658 = tpu.vector_load %arg7[%get3A_2655, %get3A_2656, %get3A_2657] {strides = array<i32>} : memref<2x3200x16xf32, #tpu.memory_space<vmem>>, vector<1x1x16xf32>,
        %get3A_2659 = vector.shape_cast %get3A_2658 : vector<1x1x16xf32> to vector<16xf32>
        %add3A_2660 = arith.addf %scan3A_2647, %get3A_2659 : vector<16xf32>
        %add3A_2661 = arith.constant 1 : i32
        %add3A_2662 = arith.addi %add3A_2654, %add3A_2661 : i32
        %get3A_2663 = arith.index_cast %rem3A_159 : i32 to index
        %get3A_2664 = arith.index_cast %add3A_2662 : i32 to index
        %get3A_2665 = arith.constant 0 : index
        %get3A_2666 = tpu.vector_load %arg7[%get3A_2663, %get3A_2664, %get3A_2665] {strides = array<i32>} : memref<2x3200x16xf32, #tpu.memory_space<vmem>>, vector<1x1x16xf32>,
        %get3A_2667 = vector.shape_cast %get3A_2666 : vector<1x1x16xf32> to vector<16xf32>
        %add3A_2668 = arith.addf %scan3A_2648, %get3A_2667 : vector<16xf32>
        %add3A_2669 = arith.constant 2 : i32
        %add3A_2670 = arith.addi %add3A_2654, %add3A_2669 : i32
        %get3A_2671 = arith.index_cast %rem3A_159 : i32 to index
        %get3A_2672 = arith.index_cast %add3A_2670 : i32 to index
        %get3A_2673 = arith.constant 0 : index
        %get3A_2674 = tpu.vector_load %arg7[%get3A_2671, %get3A_2672, %get3A_2673] {strides = array<i32>} : memref<2x3200x16xf32, #tpu.memory_space<vmem>>, vector<1x1x16xf32>,
        %get3A_2675 = vector.shape_cast %get3A_2674 : vector<1x1x16xf32> to vector<16xf32>
        %add3A_2676 = arith.addf %scan3A_2649, %get3A_2675 : vector<16xf32>
        %add3A_2677 = arith.constant 3 : i32
        %add3A_2678 = arith.addi %add3A_2654, %add3A_2677 : i32
        %get3A_2679 = arith.index_cast %rem3A_159 : i32 to index
        %get3A_2680 = arith.index_cast %add3A_2678 : i32 to index
        %get3A_2681 = arith.constant 0 : index
        %get3A_2682 = tpu.vector_load %arg7[%get3A_2679, %get3A_2680, %get3A_2681] {strides = array<i32>} : memref<2x3200x16xf32, #tpu.memory_space<vmem>>, vector<1x1x16xf32>,
        %get3A_2683 = vector.shape_cast %get3A_2682 : vector<1x1x16xf32> to vector<16xf32>
        %add3A_2684 = arith.addf %scan3A_2650, %get3A_2683 : vector<16xf32>
        %add3A_2685 = arith.constant 4 : i32
        %add3A_2686 = arith.addi %add3A_2654, %add3A_2685 : i32
        %get3A_2687 = arith.index_cast %rem3A_159 : i32 to index
        %get3A_2688 = arith.index_cast %add3A_2686 : i32 to index
        %get3A_2689 = arith.constant 0 : index
        %get3A_2690 = tpu.vector_load %arg7[%get3A_2687, %get3A_2688, %get3A_2689] {strides = array<i32>} : memref<2x3200x16xf32, #tpu.memory_space<vmem>>, vector<1x1x16xf32>,
        %get3A_2691 = vector.shape_cast %get3A_2690 : vector<1x1x16xf32> to vector<16xf32>
        %add3A_2692 = arith.addf %add3A_2660, %get3A_2691 : vector<16xf32>
        %add3A_2693 = arith.constant 5 : i32
        %add3A_2694 = arith.addi %add3A_2654, %add3A_2693 : i32
        %get3A_2695 = arith.index_cast %rem3A_159 : i32 to index
        %get3A_2696 = arith.index_cast %add3A_2694 : i32 to index
        %get3A_2697 = arith.constant 0 : index
        %get3A_2698 = tpu.vector_load %arg7[%get3A_2695, %get3A_2696, %get3A_2697] {strides = array<i32>} : memref<2x3200x16xf32, #tpu.memory_space<vmem>>, vector<1x1x16xf32>,
        %get3A_2699 = vector.shape_cast %get3A_2698 : vector<1x1x16xf32> to vector<16xf32>
        %add3A_2700 = arith.addf %add3A_2668, %get3A_2699 : vector<16xf32>
        %add3A_2701 = arith.constant 6 : i32
        %add3A_2702 = arith.addi %add3A_2654, %add3A_2701 : i32
        %get3A_2703 = arith.index_cast %rem3A_159 : i32 to index
        %get3A_2704 = arith.index_cast %add3A_2702 : i32 to index
        %get3A_2705 = arith.constant 0 : index
        %get3A_2706 = tpu.vector_load %arg7[%get3A_2703, %get3A_2704, %get3A_2705] {strides = array<i32>} : memref<2x3200x16xf32, #tpu.memory_space<vmem>>, vector<1x1x16xf32>,
        %get3A_2707 = vector.shape_cast %get3A_2706 : vector<1x1x16xf32> to vector<16xf32>
        %add3A_2708 = arith.addf %add3A_2676, %get3A_2707 : vector<16xf32>
        %add3A_2709 = arith.constant 7 : i32
        %add3A_2710 = arith.addi %add3A_2654, %add3A_2709 : i32
        %get3A_2711 = arith.index_cast %rem3A_159 : i32 to index
        %get3A_2712 = arith.index_cast %add3A_2710 : i32 to index
        %get3A_2713 = arith.constant 0 : index
        %get3A_2714 = tpu.vector_load %arg7[%get3A_2711, %get3A_2712, %get3A_2713] {strides = array<i32>} : memref<2x3200x16xf32, #tpu.memory_space<vmem>>, vector<1x1x16xf32>,
        %get3A_2715 = vector.shape_cast %get3A_2714 : vector<1x1x16xf32> to vector<16xf32>
        %add3A_2716 = arith.addf %add3A_2684, %get3A_2715 : vector<16xf32>
        scf.yield %add3A_2692, %add3A_2700, %add3A_2708, %add3A_2716 : vector<16xf32>, vector<16xf32>, vector<16xf32>, vector<16xf32>
      }
      %scan3A_178 = arith.constant 25 : i32
      %add3A_179 = arith.addf %scan3A_177#0, %scan3A_177#1 : vector<16xf32>
      %add3A_180 = arith.addf %scan3A_177#2, %scan3A_177#3 : vector<16xf32>
      %add3A_181 = arith.addf %add3A_179, %add3A_180 : vector<16xf32>
      %slice3A_182 = vector.extract_strided_slice %add3A_181 {offsets = [0], sizes = [1], strides = [1]} : vector<16xf32> to vector<1xf32>
      %squeeze3A_183 = vector.extract %slice3A_182[0] : f32 from vector<1xf32>
      %slice3A_184 = vector.extract_strided_slice %add3A_181 {offsets = [1], sizes = [1], strides = [1]} : vector<16xf32> to vector<1xf32>
      %squeeze3A_185 = vector.extract %slice3A_184[0] : f32 from vector<1xf32>
      %slice3A_186 = vector.extract_strided_slice %add3A_181 {offsets = [2], sizes = [1], strides = [1]} : vector<16xf32> to vector<1xf32>
      %squeeze3A_187 = vector.extract %slice3A_186[0] : f32 from vector<1xf32>
      %slice3A_188 = vector.extract_strided_slice %add3A_181 {offsets = [3], sizes = [1], strides = [1]} : vector<16xf32> to vector<1xf32>
      %squeeze3A_189 = vector.extract %slice3A_188[0] : f32 from vector<1xf32>
      %slice3A_190 = vector.extract_strided_slice %add3A_181 {offsets = [4], sizes = [1], strides = [1]} : vector<16xf32> to vector<1xf32>
      %squeeze3A_191 = vector.extract %slice3A_190[0] : f32 from vector<1xf32>
      %slice3A_192 = vector.extract_strided_slice %add3A_181 {offsets = [5], sizes = [1], strides = [1]} : vector<16xf32> to vector<1xf32>
      %squeeze3A_193 = vector.extract %slice3A_192[0] : f32 from vector<1xf32>
      %slice3A_194 = vector.extract_strided_slice %add3A_181 {offsets = [6], sizes = [1], strides = [1]} : vector<16xf32> to vector<1xf32>
      %squeeze3A_195 = vector.extract %slice3A_194[0] : f32 from vector<1xf32>
      %slice3A_196 = vector.extract_strided_slice %add3A_181 {offsets = [7], sizes = [1], strides = [1]} : vector<16xf32> to vector<1xf32>
      %squeeze3A_197 = vector.extract %slice3A_196[0] : f32 from vector<1xf32>
      %slice3A_198 = vector.extract_strided_slice %add3A_181 {offsets = [8], sizes = [1], strides = [1]} : vector<16xf32> to vector<1xf32>
      %squeeze3A_199 = vector.extract %slice3A_198[0] : f32 from vector<1xf32>
      %slice3A_200 = vector.extract_strided_slice %add3A_181 {offsets = [9], sizes = [1], strides = [1]} : vector<16xf32> to vector<1xf32>
      %squeeze3A_201 = vector.extract %slice3A_200[0] : f32 from vector<1xf32>
      %mul3A_202 = arith.mulf %squeeze3A_183, %squeeze3A : f32
      %add3A_203 = arith.addf %squeeze3A_117, %mul3A_202 : f32
      %mul3A_204 = arith.mulf %squeeze3A_185, %squeeze3A_16 : f32
      %add3A_205 = arith.addf %add3A_203, %mul3A_204 : f32
      %mul3A_206 = arith.mulf %squeeze3A_187, %squeeze3A_18 : f32
      %add3A_207 = arith.addf %add3A_205, %mul3A_206 : f32
      %mul3A_208 = arith.mulf %squeeze3A_189, %squeeze3A_20 : f32
      %add3A_209 = arith.addf %add3A_207, %mul3A_208 : f32
      %mul3A_210 = arith.mulf %squeeze3A_191, %squeeze3A_22 : f32
      %add3A_211 = arith.addf %add3A_209, %mul3A_210 : f32
      %mul3A_212 = arith.mulf %squeeze3A_193, %squeeze3A_24 : f32
      %add3A_213 = arith.addf %add3A_211, %mul3A_212 : f32
      %mul3A_214 = arith.mulf %squeeze3A_195, %squeeze3A_26 : f32
      %add3A_215 = arith.addf %add3A_213, %mul3A_214 : f32
      %mul3A_216 = arith.mulf %squeeze3A_197, %squeeze3A_28 : f32
      %add3A_217 = arith.addf %add3A_215, %mul3A_216 : f32
      %mul3A_218 = arith.mulf %squeeze3A_199, %squeeze3A_30 : f32
      %add3A_219 = arith.addf %add3A_217, %mul3A_218 : f32
      %mul3A_220 = arith.mulf %squeeze3A_201, %squeeze3A_32 : f32
      %add3A_221 = arith.addf %add3A_219, %mul3A_220 : f32
      %max3A = arith.constant 0.000000e+00 : f32
      %max3A_222 = arith.maximumf %add3A_221, %max3A : f32
      %mul3A_223 = arith.mulf %squeeze3A_127, %max3A_222 : f32
      %add3A_224 = arith.addf %squeeze3A_137, %mul3A_223 : f32
      %mul3A_225 = arith.mulf %squeeze3A_183, %squeeze3A_34 : f32
      %add3A_226 = arith.addf %squeeze3A_119, %mul3A_225 : f32
      %mul3A_227 = arith.mulf %squeeze3A_185, %squeeze3A_36 : f32
      %add3A_228 = arith.addf %add3A_226, %mul3A_227 : f32
      %mul3A_229 = arith.mulf %squeeze3A_187, %squeeze3A_38 : f32
      %add3A_230 = arith.addf %add3A_228, %mul3A_229 : f32
      %mul3A_231 = arith.mulf %squeeze3A_189, %squeeze3A_40 : f32
      %add3A_232 = arith.addf %add3A_230, %mul3A_231 : f32
      %mul3A_233 = arith.mulf %squeeze3A_191, %squeeze3A_42 : f32
      %add3A_234 = arith.addf %add3A_232, %mul3A_233 : f32
      %mul3A_235 = arith.mulf %squeeze3A_193, %squeeze3A_44 : f32
      %add3A_236 = arith.addf %add3A_234, %mul3A_235 : f32
      %mul3A_237 = arith.mulf %squeeze3A_195, %squeeze3A_46 : f32
      %add3A_238 = arith.addf %add3A_236, %mul3A_237 : f32
      %mul3A_239 = arith.mulf %squeeze3A_197, %squeeze3A_48 : f32
      %add3A_240 = arith.addf %add3A_238, %mul3A_239 : f32
      %mul3A_241 = arith.mulf %squeeze3A_199, %squeeze3A_50 : f32
      %add3A_242 = arith.addf %add3A_240, %mul3A_241 : f32
      %mul3A_243 = arith.mulf %squeeze3A_201, %squeeze3A_52 : f32
      %add3A_244 = arith.addf %add3A_242, %mul3A_243 : f32
      %max3A_245 = arith.constant 0.000000e+00 : f32
      %max3A_246 = arith.maximumf %add3A_244, %max3A_245 : f32
      %mul3A_247 = arith.mulf %squeeze3A_129, %max3A_246 : f32
      %add3A_248 = arith.addf %add3A_224, %mul3A_247 : f32
      %mul3A_249 = arith.mulf %squeeze3A_183, %squeeze3A_54 : f32
      %add3A_250 = arith.addf %squeeze3A_121, %mul3A_249 : f32
      %mul3A_251 = arith.mulf %squeeze3A_185, %squeeze3A_56 : f32
      %add3A_252 = arith.addf %add3A_250, %mul3A_251 : f32
      %mul3A_253 = arith.mulf %squeeze3A_187, %squeeze3A_58 : f32
      %add3A_254 = arith.addf %add3A_252, %mul3A_253 : f32
      %mul3A_255 = arith.mulf %squeeze3A_189, %squeeze3A_60 : f32
      %add3A_256 = arith.addf %add3A_254, %mul3A_255 : f32
      %mul3A_257 = arith.mulf %squeeze3A_191, %squeeze3A_62 : f32
      %add3A_258 = arith.addf %add3A_256, %mul3A_257 : f32
      %mul3A_259 = arith.mulf %squeeze3A_193, %squeeze3A_64 : f32
      %add3A_260 = arith.addf %add3A_258, %mul3A_259 : f32
      %mul3A_261 = arith.mulf %squeeze3A_195, %squeeze3A_66 : f32
      %add3A_262 = arith.addf %add3A_260, %mul3A_261 : f32
      %mul3A_263 = arith.mulf %squeeze3A_197, %squeeze3A_68 : f32
      %add3A_264 = arith.addf %add3A_262, %mul3A_263 : f32
      %mul3A_265 = arith.mulf %squeeze3A_199, %squeeze3A_70 : f32
      %add3A_266 = arith.addf %add3A_264, %mul3A_265 : f32
      %mul3A_267 = arith.mulf %squeeze3A_201, %squeeze3A_72 : f32
      %add3A_268 = arith.addf %add3A_266, %mul3A_267 : f32
      %max3A_269 = arith.constant 0.000000e+00 : f32
      %max3A_270 = arith.maximumf %add3A_268, %max3A_269 : f32
      %mul3A_271 = arith.mulf %squeeze3A_131, %max3A_270 : f32
      %add3A_272 = arith.addf %add3A_248, %mul3A_271 : f32
      %mul3A_273 = arith.mulf %squeeze3A_183, %squeeze3A_74 : f32
      %add3A_274 = arith.addf %squeeze3A_123, %mul3A_273 : f32
      %mul3A_275 = arith.mulf %squeeze3A_185, %squeeze3A_76 : f32
      %add3A_276 = arith.addf %add3A_274, %mul3A_275 : f32
      %mul3A_277 = arith.mulf %squeeze3A_187, %squeeze3A_78 : f32
      %add3A_278 = arith.addf %add3A_276, %mul3A_277 : f32
      %mul3A_279 = arith.mulf %squeeze3A_189, %squeeze3A_80 : f32
      %add3A_280 = arith.addf %add3A_278, %mul3A_279 : f32
      %mul3A_281 = arith.mulf %squeeze3A_191, %squeeze3A_82 : f32
      %add3A_282 = arith.addf %add3A_280, %mul3A_281 : f32
      %mul3A_283 = arith.mulf %squeeze3A_193, %squeeze3A_84 : f32
      %add3A_284 = arith.addf %add3A_282, %mul3A_283 : f32
      %mul3A_285 = arith.mulf %squeeze3A_195, %squeeze3A_86 : f32
      %add3A_286 = arith.addf %add3A_284, %mul3A_285 : f32
      %mul3A_287 = arith.mulf %squeeze3A_197, %squeeze3A_88 : f32
      %add3A_288 = arith.addf %add3A_286, %mul3A_287 : f32
      %mul3A_289 = arith.mulf %squeeze3A_199, %squeeze3A_90 : f32
      %add3A_290 = arith.addf %add3A_288, %mul3A_289 : f32
      %mul3A_291 = arith.mulf %squeeze3A_201, %squeeze3A_92 : f32
      %add3A_292 = arith.addf %add3A_290, %mul3A_291 : f32
      %max3A_293 = arith.constant 0.000000e+00 : f32
      %max3A_294 = arith.maximumf %add3A_292, %max3A_293 : f32
      %mul3A_295 = arith.mulf %squeeze3A_133, %max3A_294 : f32
      %add3A_296 = arith.addf %add3A_272, %mul3A_295 : f32
      %mul3A_297 = arith.mulf %squeeze3A_183, %squeeze3A_94 : f32
      %add3A_298 = arith.addf %squeeze3A_125, %mul3A_297 : f32
      %mul3A_299 = arith.mulf %squeeze3A_185, %squeeze3A_96 : f32
      %add3A_300 = arith.addf %add3A_298, %mul3A_299 : f32
      %mul3A_301 = arith.mulf %squeeze3A_187, %squeeze3A_98 : f32
      %add3A_302 = arith.addf %add3A_300, %mul3A_301 : f32
      %mul3A_303 = arith.mulf %squeeze3A_189, %squeeze3A_100 : f32
      %add3A_304 = arith.addf %add3A_302, %mul3A_303 : f32
      %mul3A_305 = arith.mulf %squeeze3A_191, %squeeze3A_102 : f32
      %add3A_306 = arith.addf %add3A_304, %mul3A_305 : f32
      %mul3A_307 = arith.mulf %squeeze3A_193, %squeeze3A_104 : f32
      %add3A_308 = arith.addf %add3A_306, %mul3A_307 : f32
      %mul3A_309 = arith.mulf %squeeze3A_195, %squeeze3A_106 : f32
      %add3A_310 = arith.addf %add3A_308, %mul3A_309 : f32
      %mul3A_311 = arith.mulf %squeeze3A_197, %squeeze3A_108 : f32
      %add3A_312 = arith.addf %add3A_310, %mul3A_311 : f32
      %mul3A_313 = arith.mulf %squeeze3A_199, %squeeze3A_110 : f32
      %add3A_314 = arith.addf %add3A_312, %mul3A_313 : f32
      %mul3A_315 = arith.mulf %squeeze3A_201, %squeeze3A_112 : f32
      %add3A_316 = arith.addf %add3A_314, %mul3A_315 : f32
      %max3A_317 = arith.constant 0.000000e+00 : f32
      %max3A_318 = arith.maximumf %add3A_316, %max3A_317 : f32
      %mul3A_319 = arith.mulf %squeeze3A_135, %max3A_318 : f32
      %add3A_320 = arith.addf %add3A_296, %mul3A_319 : f32
      %eq3A = arith.constant 0 : i32
      %eq3A_321 = vector.broadcast %eq3A : i32 to vector<16xi32>
      %eq3A_322 = arith.cmpi eq, %iota3A, %eq3A_321 : vector<16xi32>
      %broadcast_in_dim3A_323 = vector.broadcast %add3A_320 : f32 to vector<16xf32>
      %select_n3A = arith.select %eq3A_322, %broadcast_in_dim3A_323, %broadcast_in_dim3A_138 : vector<16xi1>, vector<16xf32>
      %scan3A_324 = arith.constant 0 : i32
      %scan3A_325 = arith.constant 25 : i32
      %scan3A_326 = arith.addi %scan3A_324, %scan3A_325 : i32
      %scan3A_327 = arith.constant 1 : i32
      %scan3A_328:4 = scf.for %scan3A_2646 = %scan3A_324 to %scan3A_326 step %scan3A_327 iter_args(%scan3A_2647 = %broadcast_in_dim3A_138, %scan3A_2648 = %broadcast_in_dim3A_138, %scan3A_2649 = %broadcast_in_dim3A_138, %scan3A_2650 = %broadcast_in_dim3A_138) -> (vector<16xf32>, vector<16xf32>, vector<16xf32>, vector<16xf32>)  : i32 {
        %mul3A_2651 = arith.constant 8 : i32
        %mul3A_2652 = arith.muli %scan3A_2646, %mul3A_2651 : i32
        %add3A_2653 = arith.constant 200 : i32
        %add3A_2654 = arith.addi %add3A_2653, %mul3A_2652 : i32
        %get3A_2655 = arith.index_cast %rem3A_159 : i32 to index
        %get3A_2656 = arith.index_cast %add3A_2654 : i32 to index
        %get3A_2657 = arith.constant 0 : index
        %get3A_2658 = tpu.vector_load %arg7[%get3A_2655, %get3A_2656, %get3A_2657] {strides = array<i32>} : memref<2x3200x16xf32, #tpu.memory_space<vmem>>, vector<1x1x16xf32>,
        %get3A_2659 = vector.shape_cast %get3A_2658 : vector<1x1x16xf32> to vector<16xf32>
        %add3A_2660 = arith.addf %scan3A_2647, %get3A_2659 : vector<16xf32>
        %add3A_2661 = arith.constant 1 : i32
        %add3A_2662 = arith.addi %add3A_2654, %add3A_2661 : i32
        %get3A_2663 = arith.index_cast %rem3A_159 : i32 to index
        %get3A_2664 = arith.index_cast %add3A_2662 : i32 to index
        %get3A_2665 = arith.constant 0 : index
        %get3A_2666 = tpu.vector_load %arg7[%get3A_2663, %get3A_2664, %get3A_2665] {strides = array<i32>} : memref<2x3200x16xf32, #tpu.memory_space<vmem>>, vector<1x1x16xf32>,
        %get3A_2667 = vector.shape_cast %get3A_2666 : vector<1x1x16xf32> to vector<16xf32>
        %add3A_2668 = arith.addf %scan3A_2648, %get3A_2667 : vector<16xf32>
        %add3A_2669 = arith.constant 2 : i32
        %add3A_2670 = arith.addi %add3A_2654, %add3A_2669 : i32
        %get3A_2671 = arith.index_cast %rem3A_159 : i32 to index
        %get3A_2672 = arith.index_cast %add3A_2670 : i32 to index
        %get3A_2673 = arith.constant 0 : index
        %get3A_2674 = tpu.vector_load %arg7[%get3A_2671, %get3A_2672, %get3A_2673] {strides = array<i32>} : memref<2x3200x16xf32, #tpu.memory_space<vmem>>, vector<1x1x16xf32>,
        %get3A_2675 = vector.shape_cast %get3A_2674 : vector<1x1x16xf32> to vector<16xf32>
        %add3A_2676 = arith.addf %scan3A_2649, %get3A_2675 : vector<16xf32>
        %add3A_2677 = arith.constant 3 : i32
        %add3A_2678 = arith.addi %add3A_2654, %add3A_2677 : i32
        %get3A_2679 = arith.index_cast %rem3A_159 : i32 to index
        %get3A_2680 = arith.index_cast %add3A_2678 : i32 to index
        %get3A_2681 = arith.constant 0 : index
        %get3A_2682 = tpu.vector_load %arg7[%get3A_2679, %get3A_2680, %get3A_2681] {strides = array<i32>} : memref<2x3200x16xf32, #tpu.memory_space<vmem>>, vector<1x1x16xf32>,
        %get3A_2683 = vector.shape_cast %get3A_2682 : vector<1x1x16xf32> to vector<16xf32>
        %add3A_2684 = arith.addf %scan3A_2650, %get3A_2683 : vector<16xf32>
        %add3A_2685 = arith.constant 4 : i32
        %add3A_2686 = arith.addi %add3A_2654, %add3A_2685 : i32
        %get3A_2687 = arith.index_cast %rem3A_159 : i32 to index
        %get3A_2688 = arith.index_cast %add3A_2686 : i32 to index
        %get3A_2689 = arith.constant 0 : index
        %get3A_2690 = tpu.vector_load %arg7[%get3A_2687, %get3A_2688, %get3A_2689] {strides = array<i32>} : memref<2x3200x16xf32, #tpu.memory_space<vmem>>, vector<1x1x16xf32>,
        %get3A_2691 = vector.shape_cast %get3A_2690 : vector<1x1x16xf32> to vector<16xf32>
        %add3A_2692 = arith.addf %add3A_2660, %get3A_2691 : vector<16xf32>
        %add3A_2693 = arith.constant 5 : i32
        %add3A_2694 = arith.addi %add3A_2654, %add3A_2693 : i32
        %get3A_2695 = arith.index_cast %rem3A_159 : i32 to index
        %get3A_2696 = arith.index_cast %add3A_2694 : i32 to index
        %get3A_2697 = arith.constant 0 : index
        %get3A_2698 = tpu.vector_load %arg7[%get3A_2695, %get3A_2696, %get3A_2697] {strides = array<i32>} : memref<2x3200x16xf32, #tpu.memory_space<vmem>>, vector<1x1x16xf32>,
        %get3A_2699 = vector.shape_cast %get3A_2698 : vector<1x1x16xf32> to vector<16xf32>
        %add3A_2700 = arith.addf %add3A_2668, %get3A_2699 : vector<16xf32>
        %add3A_2701 = arith.constant 6 : i32
        %add3A_2702 = arith.addi %add3A_2654, %add3A_2701 : i32
        %get3A_2703 = arith.index_cast %rem3A_159 : i32 to index
        %get3A_2704 = arith.index_cast %add3A_2702 : i32 to index
        %get3A_2705 = arith.constant 0 : index
        %get3A_2706 = tpu.vector_load %arg7[%get3A_2703, %get3A_2704, %get3A_2705] {strides = array<i32>} : memref<2x3200x16xf32, #tpu.memory_space<vmem>>, vector<1x1x16xf32>,
        %get3A_2707 = vector.shape_cast %get3A_2706 : vector<1x1x16xf32> to vector<16xf32>
        %add3A_2708 = arith.addf %add3A_2676, %get3A_2707 : vector<16xf32>
        %add3A_2709 = arith.constant 7 : i32
        %add3A_2710 = arith.addi %add3A_2654, %add3A_2709 : i32
        %get3A_2711 = arith.index_cast %rem3A_159 : i32 to index
        %get3A_2712 = arith.index_cast %add3A_2710 : i32 to index
        %get3A_2713 = arith.constant 0 : index
        %get3A_2714 = tpu.vector_load %arg7[%get3A_2711, %get3A_2712, %get3A_2713] {strides = array<i32>} : memref<2x3200x16xf32, #tpu.memory_space<vmem>>, vector<1x1x16xf32>,
        %get3A_2715 = vector.shape_cast %get3A_2714 : vector<1x1x16xf32> to vector<16xf32>
        %add3A_2716 = arith.addf %add3A_2684, %get3A_2715 : vector<16xf32>
        scf.yield %add3A_2692, %add3A_2700, %add3A_2708, %add3A_2716 : vector<16xf32>, vector<16xf32>, vector<16xf32>, vector<16xf32>
      }
      %scan3A_329 = arith.constant 25 : i32
      %add3A_330 = arith.addf %scan3A_328#0, %scan3A_328#1 : vector<16xf32>
      %add3A_331 = arith.addf %scan3A_328#2, %scan3A_328#3 : vector<16xf32>
      %add3A_332 = arith.addf %add3A_330, %add3A_331 : vector<16xf32>
      %slice3A_333 = vector.extract_strided_slice %add3A_332 {offsets = [0], sizes = [1], strides = [1]} : vector<16xf32> to vector<1xf32>
      %squeeze3A_334 = vector.extract %slice3A_333[0] : f32 from vector<1xf32>
      %slice3A_335 = vector.extract_strided_slice %add3A_332 {offsets = [1], sizes = [1], strides = [1]} : vector<16xf32> to vector<1xf32>
      %squeeze3A_336 = vector.extract %slice3A_335[0] : f32 from vector<1xf32>
      %slice3A_337 = vector.extract_strided_slice %add3A_332 {offsets = [2], sizes = [1], strides = [1]} : vector<16xf32> to vector<1xf32>
      %squeeze3A_338 = vector.extract %slice3A_337[0] : f32 from vector<1xf32>
      %slice3A_339 = vector.extract_strided_slice %add3A_332 {offsets = [3], sizes = [1], strides = [1]} : vector<16xf32> to vector<1xf32>
      %squeeze3A_340 = vector.extract %slice3A_339[0] : f32 from vector<1xf32>
      %slice3A_341 = vector.extract_strided_slice %add3A_332 {offsets = [4], sizes = [1], strides = [1]} : vector<16xf32> to vector<1xf32>
      %squeeze3A_342 = vector.extract %slice3A_341[0] : f32 from vector<1xf32>
      %slice3A_343 = vector.extract_strided_slice %add3A_332 {offsets = [5], sizes = [1], strides = [1]} : vector<16xf32> to vector<1xf32>
      %squeeze3A_344 = vector.extract %slice3A_343[0] : f32 from vector<1xf32>
      %slice3A_345 = vector.extract_strided_slice %add3A_332 {offsets = [6], sizes = [1], strides = [1]} : vector<16xf32> to vector<1xf32>
      %squeeze3A_346 = vector.extract %slice3A_345[0] : f32 from vector<1xf32>
      %slice3A_347 = vector.extract_strided_slice %add3A_332 {offsets = [7], sizes = [1], strides = [1]} : vector<16xf32> to vector<1xf32>
      %squeeze3A_348 = vector.extract %slice3A_347[0] : f32 from vector<1xf32>
      %slice3A_349 = vector.extract_strided_slice %add3A_332 {offsets = [8], sizes = [1], strides = [1]} : vector<16xf32> to vector<1xf32>
      %squeeze3A_350 = vector.extract %slice3A_349[0] : f32 from vector<1xf32>
      %slice3A_351 = vector.extract_strided_slice %add3A_332 {offsets = [9], sizes = [1], strides = [1]} : vector<16xf32> to vector<1xf32>
      %squeeze3A_352 = vector.extract %slice3A_351[0] : f32 from vector<1xf32>
      %mul3A_353 = arith.mulf %squeeze3A_334, %squeeze3A : f32
      %add3A_354 = arith.addf %squeeze3A_117, %mul3A_353 : f32
      %mul3A_355 = arith.mulf %squeeze3A_336, %squeeze3A_16 : f32
      %add3A_356 = arith.addf %add3A_354, %mul3A_355 : f32
      %mul3A_357 = arith.mulf %squeeze3A_338, %squeeze3A_18 : f32
      %add3A_358 = arith.addf %add3A_356, %mul3A_357 : f32
      %mul3A_359 = arith.mulf %squeeze3A_340, %squeeze3A_20 : f32
      %add3A_360 = arith.addf %add3A_358, %mul3A_359 : f32
      %mul3A_361 = arith.mulf %squeeze3A_342, %squeeze3A_22 : f32
      %add3A_362 = arith.addf %add3A_360, %mul3A_361 : f32
      %mul3A_363 = arith.mulf %squeeze3A_344, %squeeze3A_24 : f32
      %add3A_364 = arith.addf %add3A_362, %mul3A_363 : f32
      %mul3A_365 = arith.mulf %squeeze3A_346, %squeeze3A_26 : f32
      %add3A_366 = arith.addf %add3A_364, %mul3A_365 : f32
      %mul3A_367 = arith.mulf %squeeze3A_348, %squeeze3A_28 : f32
      %add3A_368 = arith.addf %add3A_366, %mul3A_367 : f32
      %mul3A_369 = arith.mulf %squeeze3A_350, %squeeze3A_30 : f32
      %add3A_370 = arith.addf %add3A_368, %mul3A_369 : f32
      %mul3A_371 = arith.mulf %squeeze3A_352, %squeeze3A_32 : f32
      %add3A_372 = arith.addf %add3A_370, %mul3A_371 : f32
      %max3A_373 = arith.constant 0.000000e+00 : f32
      %max3A_374 = arith.maximumf %add3A_372, %max3A_373 : f32
      %mul3A_375 = arith.mulf %squeeze3A_127, %max3A_374 : f32
      %add3A_376 = arith.addf %squeeze3A_137, %mul3A_375 : f32
      %mul3A_377 = arith.mulf %squeeze3A_334, %squeeze3A_34 : f32
      %add3A_378 = arith.addf %squeeze3A_119, %mul3A_377 : f32
      %mul3A_379 = arith.mulf %squeeze3A_336, %squeeze3A_36 : f32
      %add3A_380 = arith.addf %add3A_378, %mul3A_379 : f32
      %mul3A_381 = arith.mulf %squeeze3A_338, %squeeze3A_38 : f32
      %add3A_382 = arith.addf %add3A_380, %mul3A_381 : f32
      %mul3A_383 = arith.mulf %squeeze3A_340, %squeeze3A_40 : f32
      %add3A_384 = arith.addf %add3A_382, %mul3A_383 : f32
      %mul3A_385 = arith.mulf %squeeze3A_342, %squeeze3A_42 : f32
      %add3A_386 = arith.addf %add3A_384, %mul3A_385 : f32
      %mul3A_387 = arith.mulf %squeeze3A_344, %squeeze3A_44 : f32
      %add3A_388 = arith.addf %add3A_386, %mul3A_387 : f32
      %mul3A_389 = arith.mulf %squeeze3A_346, %squeeze3A_46 : f32
      %add3A_390 = arith.addf %add3A_388, %mul3A_389 : f32
      %mul3A_391 = arith.mulf %squeeze3A_348, %squeeze3A_48 : f32
      %add3A_392 = arith.addf %add3A_390, %mul3A_391 : f32
      %mul3A_393 = arith.mulf %squeeze3A_350, %squeeze3A_50 : f32
      %add3A_394 = arith.addf %add3A_392, %mul3A_393 : f32
      %mul3A_395 = arith.mulf %squeeze3A_352, %squeeze3A_52 : f32
      %add3A_396 = arith.addf %add3A_394, %mul3A_395 : f32
      %max3A_397 = arith.constant 0.000000e+00 : f32
      %max3A_398 = arith.maximumf %add3A_396, %max3A_397 : f32
      %mul3A_399 = arith.mulf %squeeze3A_129, %max3A_398 : f32
      %add3A_400 = arith.addf %add3A_376, %mul3A_399 : f32
      %mul3A_401 = arith.mulf %squeeze3A_334, %squeeze3A_54 : f32
      %add3A_402 = arith.addf %squeeze3A_121, %mul3A_401 : f32
      %mul3A_403 = arith.mulf %squeeze3A_336, %squeeze3A_56 : f32
      %add3A_404 = arith.addf %add3A_402, %mul3A_403 : f32
      %mul3A_405 = arith.mulf %squeeze3A_338, %squeeze3A_58 : f32
      %add3A_406 = arith.addf %add3A_404, %mul3A_405 : f32
      %mul3A_407 = arith.mulf %squeeze3A_340, %squeeze3A_60 : f32
      %add3A_408 = arith.addf %add3A_406, %mul3A_407 : f32
      %mul3A_409 = arith.mulf %squeeze3A_342, %squeeze3A_62 : f32
      %add3A_410 = arith.addf %add3A_408, %mul3A_409 : f32
      %mul3A_411 = arith.mulf %squeeze3A_344, %squeeze3A_64 : f32
      %add3A_412 = arith.addf %add3A_410, %mul3A_411 : f32
      %mul3A_413 = arith.mulf %squeeze3A_346, %squeeze3A_66 : f32
      %add3A_414 = arith.addf %add3A_412, %mul3A_413 : f32
      %mul3A_415 = arith.mulf %squeeze3A_348, %squeeze3A_68 : f32
      %add3A_416 = arith.addf %add3A_414, %mul3A_415 : f32
      %mul3A_417 = arith.mulf %squeeze3A_350, %squeeze3A_70 : f32
      %add3A_418 = arith.addf %add3A_416, %mul3A_417 : f32
      %mul3A_419 = arith.mulf %squeeze3A_352, %squeeze3A_72 : f32
      %add3A_420 = arith.addf %add3A_418, %mul3A_419 : f32
      %max3A_421 = arith.constant 0.000000e+00 : f32
      %max3A_422 = arith.maximumf %add3A_420, %max3A_421 : f32
      %mul3A_423 = arith.mulf %squeeze3A_131, %max3A_422 : f32
      %add3A_424 = arith.addf %add3A_400, %mul3A_423 : f32
      %mul3A_425 = arith.mulf %squeeze3A_334, %squeeze3A_74 : f32
      %add3A_426 = arith.addf %squeeze3A_123, %mul3A_425 : f32
      %mul3A_427 = arith.mulf %squeeze3A_336, %squeeze3A_76 : f32
      %add3A_428 = arith.addf %add3A_426, %mul3A_427 : f32
      %mul3A_429 = arith.mulf %squeeze3A_338, %squeeze3A_78 : f32
      %add3A_430 = arith.addf %add3A_428, %mul3A_429 : f32
      %mul3A_431 = arith.mulf %squeeze3A_340, %squeeze3A_80 : f32
      %add3A_432 = arith.addf %add3A_430, %mul3A_431 : f32
      %mul3A_433 = arith.mulf %squeeze3A_342, %squeeze3A_82 : f32
      %add3A_434 = arith.addf %add3A_432, %mul3A_433 : f32
      %mul3A_435 = arith.mulf %squeeze3A_344, %squeeze3A_84 : f32
      %add3A_436 = arith.addf %add3A_434, %mul3A_435 : f32
      %mul3A_437 = arith.mulf %squeeze3A_346, %squeeze3A_86 : f32
      %add3A_438 = arith.addf %add3A_436, %mul3A_437 : f32
      %mul3A_439 = arith.mulf %squeeze3A_348, %squeeze3A_88 : f32
      %add3A_440 = arith.addf %add3A_438, %mul3A_439 : f32
      %mul3A_441 = arith.mulf %squeeze3A_350, %squeeze3A_90 : f32
      %add3A_442 = arith.addf %add3A_440, %mul3A_441 : f32
      %mul3A_443 = arith.mulf %squeeze3A_352, %squeeze3A_92 : f32
      %add3A_444 = arith.addf %add3A_442, %mul3A_443 : f32
      %max3A_445 = arith.constant 0.000000e+00 : f32
      %max3A_446 = arith.maximumf %add3A_444, %max3A_445 : f32
      %mul3A_447 = arith.mulf %squeeze3A_133, %max3A_446 : f32
      %add3A_448 = arith.addf %add3A_424, %mul3A_447 : f32
      %mul3A_449 = arith.mulf %squeeze3A_334, %squeeze3A_94 : f32
      %add3A_450 = arith.addf %squeeze3A_125, %mul3A_449 : f32
      %mul3A_451 = arith.mulf %squeeze3A_336, %squeeze3A_96 : f32
      %add3A_452 = arith.addf %add3A_450, %mul3A_451 : f32
      %mul3A_453 = arith.mulf %squeeze3A_338, %squeeze3A_98 : f32
      %add3A_454 = arith.addf %add3A_452, %mul3A_453 : f32
      %mul3A_455 = arith.mulf %squeeze3A_340, %squeeze3A_100 : f32
      %add3A_456 = arith.addf %add3A_454, %mul3A_455 : f32
      %mul3A_457 = arith.mulf %squeeze3A_342, %squeeze3A_102 : f32
      %add3A_458 = arith.addf %add3A_456, %mul3A_457 : f32
      %mul3A_459 = arith.mulf %squeeze3A_344, %squeeze3A_104 : f32
      %add3A_460 = arith.addf %add3A_458, %mul3A_459 : f32
      %mul3A_461 = arith.mulf %squeeze3A_346, %squeeze3A_106 : f32
      %add3A_462 = arith.addf %add3A_460, %mul3A_461 : f32
      %mul3A_463 = arith.mulf %squeeze3A_348, %squeeze3A_108 : f32
      %add3A_464 = arith.addf %add3A_462, %mul3A_463 : f32
      %mul3A_465 = arith.mulf %squeeze3A_350, %squeeze3A_110 : f32
      %add3A_466 = arith.addf %add3A_464, %mul3A_465 : f32
      %mul3A_467 = arith.mulf %squeeze3A_352, %squeeze3A_112 : f32
      %add3A_468 = arith.addf %add3A_466, %mul3A_467 : f32
      %max3A_469 = arith.constant 0.000000e+00 : f32
      %max3A_470 = arith.maximumf %add3A_468, %max3A_469 : f32
      %mul3A_471 = arith.mulf %squeeze3A_135, %max3A_470 : f32
      %add3A_472 = arith.addf %add3A_448, %mul3A_471 : f32
      %eq3A_473 = arith.constant 1 : i32
      %eq3A_474 = vector.broadcast %eq3A_473 : i32 to vector<16xi32>
      %eq3A_475 = arith.cmpi eq, %iota3A, %eq3A_474 : vector<16xi32>
      %broadcast_in_dim3A_476 = vector.broadcast %add3A_472 : f32 to vector<16xf32>
      %select_n3A_477 = arith.select %eq3A_475, %broadcast_in_dim3A_476, %select_n3A : vector<16xi1>, vector<16xf32>
      %scan3A_478 = arith.constant 0 : i32
      %scan3A_479 = arith.constant 25 : i32
      %scan3A_480 = arith.addi %scan3A_478, %scan3A_479 : i32
      %scan3A_481 = arith.constant 1 : i32
      %scan3A_482:4 = scf.for %scan3A_2646 = %scan3A_478 to %scan3A_480 step %scan3A_481 iter_args(%scan3A_2647 = %broadcast_in_dim3A_138, %scan3A_2648 = %broadcast_in_dim3A_138, %scan3A_2649 = %broadcast_in_dim3A_138, %scan3A_2650 = %broadcast_in_dim3A_138) -> (vector<16xf32>, vector<16xf32>, vector<16xf32>, vector<16xf32>)  : i32 {
        %mul3A_2651 = arith.constant 8 : i32
        %mul3A_2652 = arith.muli %scan3A_2646, %mul3A_2651 : i32
        %add3A_2653 = arith.constant 400 : i32
        %add3A_2654 = arith.addi %add3A_2653, %mul3A_2652 : i32
        %get3A_2655 = arith.index_cast %rem3A_159 : i32 to index
        %get3A_2656 = arith.index_cast %add3A_2654 : i32 to index
        %get3A_2657 = arith.constant 0 : index
        %get3A_2658 = tpu.vector_load %arg7[%get3A_2655, %get3A_2656, %get3A_2657] {strides = array<i32>} : memref<2x3200x16xf32, #tpu.memory_space<vmem>>, vector<1x1x16xf32>,
        %get3A_2659 = vector.shape_cast %get3A_2658 : vector<1x1x16xf32> to vector<16xf32>
        %add3A_2660 = arith.addf %scan3A_2647, %get3A_2659 : vector<16xf32>
        %add3A_2661 = arith.constant 1 : i32
        %add3A_2662 = arith.addi %add3A_2654, %add3A_2661 : i32
        %get3A_2663 = arith.index_cast %rem3A_159 : i32 to index
        %get3A_2664 = arith.index_cast %add3A_2662 : i32 to index
        %get3A_2665 = arith.constant 0 : index
        %get3A_2666 = tpu.vector_load %arg7[%get3A_2663, %get3A_2664, %get3A_2665] {strides = array<i32>} : memref<2x3200x16xf32, #tpu.memory_space<vmem>>, vector<1x1x16xf32>,
        %get3A_2667 = vector.shape_cast %get3A_2666 : vector<1x1x16xf32> to vector<16xf32>
        %add3A_2668 = arith.addf %scan3A_2648, %get3A_2667 : vector<16xf32>
        %add3A_2669 = arith.constant 2 : i32
        %add3A_2670 = arith.addi %add3A_2654, %add3A_2669 : i32
        %get3A_2671 = arith.index_cast %rem3A_159 : i32 to index
        %get3A_2672 = arith.index_cast %add3A_2670 : i32 to index
        %get3A_2673 = arith.constant 0 : index
        %get3A_2674 = tpu.vector_load %arg7[%get3A_2671, %get3A_2672, %get3A_2673] {strides = array<i32>} : memref<2x3200x16xf32, #tpu.memory_space<vmem>>, vector<1x1x16xf32>,
        %get3A_2675 = vector.shape_cast %get3A_2674 : vector<1x1x16xf32> to vector<16xf32>
        %add3A_2676 = arith.addf %scan3A_2649, %get3A_2675 : vector<16xf32>
        %add3A_2677 = arith.constant 3 : i32
        %add3A_2678 = arith.addi %add3A_2654, %add3A_2677 : i32
        %get3A_2679 = arith.index_cast %rem3A_159 : i32 to index
        %get3A_2680 = arith.index_cast %add3A_2678 : i32 to index
        %get3A_2681 = arith.constant 0 : index
        %get3A_2682 = tpu.vector_load %arg7[%get3A_2679, %get3A_2680, %get3A_2681] {strides = array<i32>} : memref<2x3200x16xf32, #tpu.memory_space<vmem>>, vector<1x1x16xf32>,
        %get3A_2683 = vector.shape_cast %get3A_2682 : vector<1x1x16xf32> to vector<16xf32>
        %add3A_2684 = arith.addf %scan3A_2650, %get3A_2683 : vector<16xf32>
        %add3A_2685 = arith.constant 4 : i32
        %add3A_2686 = arith.addi %add3A_2654, %add3A_2685 : i32
        %get3A_2687 = arith.index_cast %rem3A_159 : i32 to index
        %get3A_2688 = arith.index_cast %add3A_2686 : i32 to index
        %get3A_2689 = arith.constant 0 : index
        %get3A_2690 = tpu.vector_load %arg7[%get3A_2687, %get3A_2688, %get3A_2689] {strides = array<i32>} : memref<2x3200x16xf32, #tpu.memory_space<vmem>>, vector<1x1x16xf32>,
        %get3A_2691 = vector.shape_cast %get3A_2690 : vector<1x1x16xf32> to vector<16xf32>
        %add3A_2692 = arith.addf %add3A_2660, %get3A_2691 : vector<16xf32>
        %add3A_2693 = arith.constant 5 : i32
        %add3A_2694 = arith.addi %add3A_2654, %add3A_2693 : i32
        %get3A_2695 = arith.index_cast %rem3A_159 : i32 to index
        %get3A_2696 = arith.index_cast %add3A_2694 : i32 to index
        %get3A_2697 = arith.constant 0 : index
        %get3A_2698 = tpu.vector_load %arg7[%get3A_2695, %get3A_2696, %get3A_2697] {strides = array<i32>} : memref<2x3200x16xf32, #tpu.memory_space<vmem>>, vector<1x1x16xf32>,
        %get3A_2699 = vector.shape_cast %get3A_2698 : vector<1x1x16xf32> to vector<16xf32>
        %add3A_2700 = arith.addf %add3A_2668, %get3A_2699 : vector<16xf32>
        %add3A_2701 = arith.constant 6 : i32
        %add3A_2702 = arith.addi %add3A_2654, %add3A_2701 : i32
        %get3A_2703 = arith.index_cast %rem3A_159 : i32 to index
        %get3A_2704 = arith.index_cast %add3A_2702 : i32 to index
        %get3A_2705 = arith.constant 0 : index
        %get3A_2706 = tpu.vector_load %arg7[%get3A_2703, %get3A_2704, %get3A_2705] {strides = array<i32>} : memref<2x3200x16xf32, #tpu.memory_space<vmem>>, vector<1x1x16xf32>,
        %get3A_2707 = vector.shape_cast %get3A_2706 : vector<1x1x16xf32> to vector<16xf32>
        %add3A_2708 = arith.addf %add3A_2676, %get3A_2707 : vector<16xf32>
        %add3A_2709 = arith.constant 7 : i32
        %add3A_2710 = arith.addi %add3A_2654, %add3A_2709 : i32
        %get3A_2711 = arith.index_cast %rem3A_159 : i32 to index
        %get3A_2712 = arith.index_cast %add3A_2710 : i32 to index
        %get3A_2713 = arith.constant 0 : index
        %get3A_2714 = tpu.vector_load %arg7[%get3A_2711, %get3A_2712, %get3A_2713] {strides = array<i32>} : memref<2x3200x16xf32, #tpu.memory_space<vmem>>, vector<1x1x16xf32>,
        %get3A_2715 = vector.shape_cast %get3A_2714 : vector<1x1x16xf32> to vector<16xf32>
        %add3A_2716 = arith.addf %add3A_2684, %get3A_2715 : vector<16xf32>
        scf.yield %add3A_2692, %add3A_2700, %add3A_2708, %add3A_2716 : vector<16xf32>, vector<16xf32>, vector<16xf32>, vector<16xf32>
      }
      %scan3A_483 = arith.constant 25 : i32
      %add3A_484 = arith.addf %scan3A_482#0, %scan3A_482#1 : vector<16xf32>
      %add3A_485 = arith.addf %scan3A_482#2, %scan3A_482#3 : vector<16xf32>
      %add3A_486 = arith.addf %add3A_484, %add3A_485 : vector<16xf32>
      %slice3A_487 = vector.extract_strided_slice %add3A_486 {offsets = [0], sizes = [1], strides = [1]} : vector<16xf32> to vector<1xf32>
      %squeeze3A_488 = vector.extract %slice3A_487[0] : f32 from vector<1xf32>
      %slice3A_489 = vector.extract_strided_slice %add3A_486 {offsets = [1], sizes = [1], strides = [1]} : vector<16xf32> to vector<1xf32>
      %squeeze3A_490 = vector.extract %slice3A_489[0] : f32 from vector<1xf32>
      %slice3A_491 = vector.extract_strided_slice %add3A_486 {offsets = [2], sizes = [1], strides = [1]} : vector<16xf32> to vector<1xf32>
      %squeeze3A_492 = vector.extract %slice3A_491[0] : f32 from vector<1xf32>
      %slice3A_493 = vector.extract_strided_slice %add3A_486 {offsets = [3], sizes = [1], strides = [1]} : vector<16xf32> to vector<1xf32>
      %squeeze3A_494 = vector.extract %slice3A_493[0] : f32 from vector<1xf32>
      %slice3A_495 = vector.extract_strided_slice %add3A_486 {offsets = [4], sizes = [1], strides = [1]} : vector<16xf32> to vector<1xf32>
      %squeeze3A_496 = vector.extract %slice3A_495[0] : f32 from vector<1xf32>
      %slice3A_497 = vector.extract_strided_slice %add3A_486 {offsets = [5], sizes = [1], strides = [1]} : vector<16xf32> to vector<1xf32>
      %squeeze3A_498 = vector.extract %slice3A_497[0] : f32 from vector<1xf32>
      %slice3A_499 = vector.extract_strided_slice %add3A_486 {offsets = [6], sizes = [1], strides = [1]} : vector<16xf32> to vector<1xf32>
      %squeeze3A_500 = vector.extract %slice3A_499[0] : f32 from vector<1xf32>
      %slice3A_501 = vector.extract_strided_slice %add3A_486 {offsets = [7], sizes = [1], strides = [1]} : vector<16xf32> to vector<1xf32>
      %squeeze3A_502 = vector.extract %slice3A_501[0] : f32 from vector<1xf32>
      %slice3A_503 = vector.extract_strided_slice %add3A_486 {offsets = [8], sizes = [1], strides = [1]} : vector<16xf32> to vector<1xf32>
      %squeeze3A_504 = vector.extract %slice3A_503[0] : f32 from vector<1xf32>
      %slice3A_505 = vector.extract_strided_slice %add3A_486 {offsets = [9], sizes = [1], strides = [1]} : vector<16xf32> to vector<1xf32>
      %squeeze3A_506 = vector.extract %slice3A_505[0] : f32 from vector<1xf32>
      %mul3A_507 = arith.mulf %squeeze3A_488, %squeeze3A : f32
      %add3A_508 = arith.addf %squeeze3A_117, %mul3A_507 : f32
      %mul3A_509 = arith.mulf %squeeze3A_490, %squeeze3A_16 : f32
      %add3A_510 = arith.addf %add3A_508, %mul3A_509 : f32
      %mul3A_511 = arith.mulf %squeeze3A_492, %squeeze3A_18 : f32
      %add3A_512 = arith.addf %add3A_510, %mul3A_511 : f32
      %mul3A_513 = arith.mulf %squeeze3A_494, %squeeze3A_20 : f32
      %add3A_514 = arith.addf %add3A_512, %mul3A_513 : f32
      %mul3A_515 = arith.mulf %squeeze3A_496, %squeeze3A_22 : f32
      %add3A_516 = arith.addf %add3A_514, %mul3A_515 : f32
      %mul3A_517 = arith.mulf %squeeze3A_498, %squeeze3A_24 : f32
      %add3A_518 = arith.addf %add3A_516, %mul3A_517 : f32
      %mul3A_519 = arith.mulf %squeeze3A_500, %squeeze3A_26 : f32
      %add3A_520 = arith.addf %add3A_518, %mul3A_519 : f32
      %mul3A_521 = arith.mulf %squeeze3A_502, %squeeze3A_28 : f32
      %add3A_522 = arith.addf %add3A_520, %mul3A_521 : f32
      %mul3A_523 = arith.mulf %squeeze3A_504, %squeeze3A_30 : f32
      %add3A_524 = arith.addf %add3A_522, %mul3A_523 : f32
      %mul3A_525 = arith.mulf %squeeze3A_506, %squeeze3A_32 : f32
      %add3A_526 = arith.addf %add3A_524, %mul3A_525 : f32
      %max3A_527 = arith.constant 0.000000e+00 : f32
      %max3A_528 = arith.maximumf %add3A_526, %max3A_527 : f32
      %mul3A_529 = arith.mulf %squeeze3A_127, %max3A_528 : f32
      %add3A_530 = arith.addf %squeeze3A_137, %mul3A_529 : f32
      %mul3A_531 = arith.mulf %squeeze3A_488, %squeeze3A_34 : f32
      %add3A_532 = arith.addf %squeeze3A_119, %mul3A_531 : f32
      %mul3A_533 = arith.mulf %squeeze3A_490, %squeeze3A_36 : f32
      %add3A_534 = arith.addf %add3A_532, %mul3A_533 : f32
      %mul3A_535 = arith.mulf %squeeze3A_492, %squeeze3A_38 : f32
      %add3A_536 = arith.addf %add3A_534, %mul3A_535 : f32
      %mul3A_537 = arith.mulf %squeeze3A_494, %squeeze3A_40 : f32
      %add3A_538 = arith.addf %add3A_536, %mul3A_537 : f32
      %mul3A_539 = arith.mulf %squeeze3A_496, %squeeze3A_42 : f32
      %add3A_540 = arith.addf %add3A_538, %mul3A_539 : f32
      %mul3A_541 = arith.mulf %squeeze3A_498, %squeeze3A_44 : f32
      %add3A_542 = arith.addf %add3A_540, %mul3A_541 : f32
      %mul3A_543 = arith.mulf %squeeze3A_500, %squeeze3A_46 : f32
      %add3A_544 = arith.addf %add3A_542, %mul3A_543 : f32
      %mul3A_545 = arith.mulf %squeeze3A_502, %squeeze3A_48 : f32
      %add3A_546 = arith.addf %add3A_544, %mul3A_545 : f32
      %mul3A_547 = arith.mulf %squeeze3A_504, %squeeze3A_50 : f32
      %add3A_548 = arith.addf %add3A_546, %mul3A_547 : f32
      %mul3A_549 = arith.mulf %squeeze3A_506, %squeeze3A_52 : f32
      %add3A_550 = arith.addf %add3A_548, %mul3A_549 : f32
      %max3A_551 = arith.constant 0.000000e+00 : f32
      %max3A_552 = arith.maximumf %add3A_550, %max3A_551 : f32
      %mul3A_553 = arith.mulf %squeeze3A_129, %max3A_552 : f32
      %add3A_554 = arith.addf %add3A_530, %mul3A_553 : f32
      %mul3A_555 = arith.mulf %squeeze3A_488, %squeeze3A_54 : f32
      %add3A_556 = arith.addf %squeeze3A_121, %mul3A_555 : f32
      %mul3A_557 = arith.mulf %squeeze3A_490, %squeeze3A_56 : f32
      %add3A_558 = arith.addf %add3A_556, %mul3A_557 : f32
      %mul3A_559 = arith.mulf %squeeze3A_492, %squeeze3A_58 : f32
      %add3A_560 = arith.addf %add3A_558, %mul3A_559 : f32
      %mul3A_561 = arith.mulf %squeeze3A_494, %squeeze3A_60 : f32
      %add3A_562 = arith.addf %add3A_560, %mul3A_561 : f32
      %mul3A_563 = arith.mulf %squeeze3A_496, %squeeze3A_62 : f32
      %add3A_564 = arith.addf %add3A_562, %mul3A_563 : f32
      %mul3A_565 = arith.mulf %squeeze3A_498, %squeeze3A_64 : f32
      %add3A_566 = arith.addf %add3A_564, %mul3A_565 : f32
      %mul3A_567 = arith.mulf %squeeze3A_500, %squeeze3A_66 : f32
      %add3A_568 = arith.addf %add3A_566, %mul3A_567 : f32
      %mul3A_569 = arith.mulf %squeeze3A_502, %squeeze3A_68 : f32
      %add3A_570 = arith.addf %add3A_568, %mul3A_569 : f32
      %mul3A_571 = arith.mulf %squeeze3A_504, %squeeze3A_70 : f32
      %add3A_572 = arith.addf %add3A_570, %mul3A_571 : f32
      %mul3A_573 = arith.mulf %squeeze3A_506, %squeeze3A_72 : f32
      %add3A_574 = arith.addf %add3A_572, %mul3A_573 : f32
      %max3A_575 = arith.constant 0.000000e+00 : f32
      %max3A_576 = arith.maximumf %add3A_574, %max3A_575 : f32
      %mul3A_577 = arith.mulf %squeeze3A_131, %max3A_576 : f32
      %add3A_578 = arith.addf %add3A_554, %mul3A_577 : f32
      %mul3A_579 = arith.mulf %squeeze3A_488, %squeeze3A_74 : f32
      %add3A_580 = arith.addf %squeeze3A_123, %mul3A_579 : f32
      %mul3A_581 = arith.mulf %squeeze3A_490, %squeeze3A_76 : f32
      %add3A_582 = arith.addf %add3A_580, %mul3A_581 : f32
      %mul3A_583 = arith.mulf %squeeze3A_492, %squeeze3A_78 : f32
      %add3A_584 = arith.addf %add3A_582, %mul3A_583 : f32
      %mul3A_585 = arith.mulf %squeeze3A_494, %squeeze3A_80 : f32
      %add3A_586 = arith.addf %add3A_584, %mul3A_585 : f32
      %mul3A_587 = arith.mulf %squeeze3A_496, %squeeze3A_82 : f32
      %add3A_588 = arith.addf %add3A_586, %mul3A_587 : f32
      %mul3A_589 = arith.mulf %squeeze3A_498, %squeeze3A_84 : f32
      %add3A_590 = arith.addf %add3A_588, %mul3A_589 : f32
      %mul3A_591 = arith.mulf %squeeze3A_500, %squeeze3A_86 : f32
      %add3A_592 = arith.addf %add3A_590, %mul3A_591 : f32
      %mul3A_593 = arith.mulf %squeeze3A_502, %squeeze3A_88 : f32
      %add3A_594 = arith.addf %add3A_592, %mul3A_593 : f32
      %mul3A_595 = arith.mulf %squeeze3A_504, %squeeze3A_90 : f32
      %add3A_596 = arith.addf %add3A_594, %mul3A_595 : f32
      %mul3A_597 = arith.mulf %squeeze3A_506, %squeeze3A_92 : f32
      %add3A_598 = arith.addf %add3A_596, %mul3A_597 : f32
      %max3A_599 = arith.constant 0.000000e+00 : f32
      %max3A_600 = arith.maximumf %add3A_598, %max3A_599 : f32
      %mul3A_601 = arith.mulf %squeeze3A_133, %max3A_600 : f32
      %add3A_602 = arith.addf %add3A_578, %mul3A_601 : f32
      %mul3A_603 = arith.mulf %squeeze3A_488, %squeeze3A_94 : f32
      %add3A_604 = arith.addf %squeeze3A_125, %mul3A_603 : f32
      %mul3A_605 = arith.mulf %squeeze3A_490, %squeeze3A_96 : f32
      %add3A_606 = arith.addf %add3A_604, %mul3A_605 : f32
      %mul3A_607 = arith.mulf %squeeze3A_492, %squeeze3A_98 : f32
      %add3A_608 = arith.addf %add3A_606, %mul3A_607 : f32
      %mul3A_609 = arith.mulf %squeeze3A_494, %squeeze3A_100 : f32
      %add3A_610 = arith.addf %add3A_608, %mul3A_609 : f32
      %mul3A_611 = arith.mulf %squeeze3A_496, %squeeze3A_102 : f32
      %add3A_612 = arith.addf %add3A_610, %mul3A_611 : f32
      %mul3A_613 = arith.mulf %squeeze3A_498, %squeeze3A_104 : f32
      %add3A_614 = arith.addf %add3A_612, %mul3A_613 : f32
      %mul3A_615 = arith.mulf %squeeze3A_500, %squeeze3A_106 : f32
      %add3A_616 = arith.addf %add3A_614, %mul3A_615 : f32
      %mul3A_617 = arith.mulf %squeeze3A_502, %squeeze3A_108 : f32
      %add3A_618 = arith.addf %add3A_616, %mul3A_617 : f32
      %mul3A_619 = arith.mulf %squeeze3A_504, %squeeze3A_110 : f32
      %add3A_620 = arith.addf %add3A_618, %mul3A_619 : f32
      %mul3A_621 = arith.mulf %squeeze3A_506, %squeeze3A_112 : f32
      %add3A_622 = arith.addf %add3A_620, %mul3A_621 : f32
      %max3A_623 = arith.constant 0.000000e+00 : f32
      %max3A_624 = arith.maximumf %add3A_622, %max3A_623 : f32
      %mul3A_625 = arith.mulf %squeeze3A_135, %max3A_624 : f32
      %add3A_626 = arith.addf %add3A_602, %mul3A_625 : f32
      %eq3A_627 = arith.constant 2 : i32
      %eq3A_628 = vector.broadcast %eq3A_627 : i32 to vector<16xi32>
      %eq3A_629 = arith.cmpi eq, %iota3A, %eq3A_628 : vector<16xi32>
      %broadcast_in_dim3A_630 = vector.broadcast %add3A_626 : f32 to vector<16xf32>
      %select_n3A_631 = arith.select %eq3A_629, %broadcast_in_dim3A_630, %select_n3A_477 : vector<16xi1>, vector<16xf32>
      %scan3A_632 = arith.constant 0 : i32
      %scan3A_633 = arith.constant 25 : i32
      %scan3A_634 = arith.addi %scan3A_632, %scan3A_633 : i32
      %scan3A_635 = arith.constant 1 : i32
      %scan3A_636:4 = scf.for %scan3A_2646 = %scan3A_632 to %scan3A_634 step %scan3A_635 iter_args(%scan3A_2647 = %broadcast_in_dim3A_138, %scan3A_2648 = %broadcast_in_dim3A_138, %scan3A_2649 = %broadcast_in_dim3A_138, %scan3A_2650 = %broadcast_in_dim3A_138) -> (vector<16xf32>, vector<16xf32>, vector<16xf32>, vector<16xf32>)  : i32 {
        %mul3A_2651 = arith.constant 8 : i32
        %mul3A_2652 = arith.muli %scan3A_2646, %mul3A_2651 : i32
        %add3A_2653 = arith.constant 600 : i32
        %add3A_2654 = arith.addi %add3A_2653, %mul3A_2652 : i32
        %get3A_2655 = arith.index_cast %rem3A_159 : i32 to index
        %get3A_2656 = arith.index_cast %add3A_2654 : i32 to index
        %get3A_2657 = arith.constant 0 : index
        %get3A_2658 = tpu.vector_load %arg7[%get3A_2655, %get3A_2656, %get3A_2657] {strides = array<i32>} : memref<2x3200x16xf32, #tpu.memory_space<vmem>>, vector<1x1x16xf32>,
        %get3A_2659 = vector.shape_cast %get3A_2658 : vector<1x1x16xf32> to vector<16xf32>
        %add3A_2660 = arith.addf %scan3A_2647, %get3A_2659 : vector<16xf32>
        %add3A_2661 = arith.constant 1 : i32
        %add3A_2662 = arith.addi %add3A_2654, %add3A_2661 : i32
        %get3A_2663 = arith.index_cast %rem3A_159 : i32 to index
        %get3A_2664 = arith.index_cast %add3A_2662 : i32 to index
        %get3A_2665 = arith.constant 0 : index
        %get3A_2666 = tpu.vector_load %arg7[%get3A_2663, %get3A_2664, %get3A_2665] {strides = array<i32>} : memref<2x3200x16xf32, #tpu.memory_space<vmem>>, vector<1x1x16xf32>,
        %get3A_2667 = vector.shape_cast %get3A_2666 : vector<1x1x16xf32> to vector<16xf32>
        %add3A_2668 = arith.addf %scan3A_2648, %get3A_2667 : vector<16xf32>
        %add3A_2669 = arith.constant 2 : i32
        %add3A_2670 = arith.addi %add3A_2654, %add3A_2669 : i32
        %get3A_2671 = arith.index_cast %rem3A_159 : i32 to index
        %get3A_2672 = arith.index_cast %add3A_2670 : i32 to index
        %get3A_2673 = arith.constant 0 : index
        %get3A_2674 = tpu.vector_load %arg7[%get3A_2671, %get3A_2672, %get3A_2673] {strides = array<i32>} : memref<2x3200x16xf32, #tpu.memory_space<vmem>>, vector<1x1x16xf32>,
        %get3A_2675 = vector.shape_cast %get3A_2674 : vector<1x1x16xf32> to vector<16xf32>
        %add3A_2676 = arith.addf %scan3A_2649, %get3A_2675 : vector<16xf32>
        %add3A_2677 = arith.constant 3 : i32
        %add3A_2678 = arith.addi %add3A_2654, %add3A_2677 : i32
        %get3A_2679 = arith.index_cast %rem3A_159 : i32 to index
        %get3A_2680 = arith.index_cast %add3A_2678 : i32 to index
        %get3A_2681 = arith.constant 0 : index
        %get3A_2682 = tpu.vector_load %arg7[%get3A_2679, %get3A_2680, %get3A_2681] {strides = array<i32>} : memref<2x3200x16xf32, #tpu.memory_space<vmem>>, vector<1x1x16xf32>,
        %get3A_2683 = vector.shape_cast %get3A_2682 : vector<1x1x16xf32> to vector<16xf32>
        %add3A_2684 = arith.addf %scan3A_2650, %get3A_2683 : vector<16xf32>
        %add3A_2685 = arith.constant 4 : i32
        %add3A_2686 = arith.addi %add3A_2654, %add3A_2685 : i32
        %get3A_2687 = arith.index_cast %rem3A_159 : i32 to index
        %get3A_2688 = arith.index_cast %add3A_2686 : i32 to index
        %get3A_2689 = arith.constant 0 : index
        %get3A_2690 = tpu.vector_load %arg7[%get3A_2687, %get3A_2688, %get3A_2689] {strides = array<i32>} : memref<2x3200x16xf32, #tpu.memory_space<vmem>>, vector<1x1x16xf32>,
        %get3A_2691 = vector.shape_cast %get3A_2690 : vector<1x1x16xf32> to vector<16xf32>
        %add3A_2692 = arith.addf %add3A_2660, %get3A_2691 : vector<16xf32>
        %add3A_2693 = arith.constant 5 : i32
        %add3A_2694 = arith.addi %add3A_2654, %add3A_2693 : i32
        %get3A_2695 = arith.index_cast %rem3A_159 : i32 to index
        %get3A_2696 = arith.index_cast %add3A_2694 : i32 to index
        %get3A_2697 = arith.constant 0 : index
        %get3A_2698 = tpu.vector_load %arg7[%get3A_2695, %get3A_2696, %get3A_2697] {strides = array<i32>} : memref<2x3200x16xf32, #tpu.memory_space<vmem>>, vector<1x1x16xf32>,
        %get3A_2699 = vector.shape_cast %get3A_2698 : vector<1x1x16xf32> to vector<16xf32>
        %add3A_2700 = arith.addf %add3A_2668, %get3A_2699 : vector<16xf32>
        %add3A_2701 = arith.constant 6 : i32
        %add3A_2702 = arith.addi %add3A_2654, %add3A_2701 : i32
        %get3A_2703 = arith.index_cast %rem3A_159 : i32 to index
        %get3A_2704 = arith.index_cast %add3A_2702 : i32 to index
        %get3A_2705 = arith.constant 0 : index
        %get3A_2706 = tpu.vector_load %arg7[%get3A_2703, %get3A_2704, %get3A_2705] {strides = array<i32>} : memref<2x3200x16xf32, #tpu.memory_space<vmem>>, vector<1x1x16xf32>,
        %get3A_2707 = vector.shape_cast %get3A_2706 : vector<1x1x16xf32> to vector<16xf32>
        %add3A_2708 = arith.addf %add3A_2676, %get3A_2707 : vector<16xf32>
        %add3A_2709 = arith.constant 7 : i32
        %add3A_2710 = arith.addi %add3A_2654, %add3A_2709 : i32
        %get3A_2711 = arith.index_cast %rem3A_159 : i32 to index
        %get3A_2712 = arith.index_cast %add3A_2710 : i32 to index
        %get3A_2713 = arith.constant 0 : index
        %get3A_2714 = tpu.vector_load %arg7[%get3A_2711, %get3A_2712, %get3A_2713] {strides = array<i32>} : memref<2x3200x16xf32, #tpu.memory_space<vmem>>, vector<1x1x16xf32>,
        %get3A_2715 = vector.shape_cast %get3A_2714 : vector<1x1x16xf32> to vector<16xf32>
        %add3A_2716 = arith.addf %add3A_2684, %get3A_2715 : vector<16xf32>
        scf.yield %add3A_2692, %add3A_2700, %add3A_2708, %add3A_2716 : vector<16xf32>, vector<16xf32>, vector<16xf32>, vector<16xf32>
      }
      %scan3A_637 = arith.constant 25 : i32
      %add3A_638 = arith.addf %scan3A_636#0, %scan3A_636#1 : vector<16xf32>
      %add3A_639 = arith.addf %scan3A_636#2, %scan3A_636#3 : vector<16xf32>
      %add3A_640 = arith.addf %add3A_638, %add3A_639 : vector<16xf32>
      %slice3A_641 = vector.extract_strided_slice %add3A_640 {offsets = [0], sizes = [1], strides = [1]} : vector<16xf32> to vector<1xf32>
      %squeeze3A_642 = vector.extract %slice3A_641[0] : f32 from vector<1xf32>
      %slice3A_643 = vector.extract_strided_slice %add3A_640 {offsets = [1], sizes = [1], strides = [1]} : vector<16xf32> to vector<1xf32>
      %squeeze3A_644 = vector.extract %slice3A_643[0] : f32 from vector<1xf32>
      %slice3A_645 = vector.extract_strided_slice %add3A_640 {offsets = [2], sizes = [1], strides = [1]} : vector<16xf32> to vector<1xf32>
      %squeeze3A_646 = vector.extract %slice3A_645[0] : f32 from vector<1xf32>
      %slice3A_647 = vector.extract_strided_slice %add3A_640 {offsets = [3], sizes = [1], strides = [1]} : vector<16xf32> to vector<1xf32>
      %squeeze3A_648 = vector.extract %slice3A_647[0] : f32 from vector<1xf32>
      %slice3A_649 = vector.extract_strided_slice %add3A_640 {offsets = [4], sizes = [1], strides = [1]} : vector<16xf32> to vector<1xf32>
      %squeeze3A_650 = vector.extract %slice3A_649[0] : f32 from vector<1xf32>
      %slice3A_651 = vector.extract_strided_slice %add3A_640 {offsets = [5], sizes = [1], strides = [1]} : vector<16xf32> to vector<1xf32>
      %squeeze3A_652 = vector.extract %slice3A_651[0] : f32 from vector<1xf32>
      %slice3A_653 = vector.extract_strided_slice %add3A_640 {offsets = [6], sizes = [1], strides = [1]} : vector<16xf32> to vector<1xf32>
      %squeeze3A_654 = vector.extract %slice3A_653[0] : f32 from vector<1xf32>
      %slice3A_655 = vector.extract_strided_slice %add3A_640 {offsets = [7], sizes = [1], strides = [1]} : vector<16xf32> to vector<1xf32>
      %squeeze3A_656 = vector.extract %slice3A_655[0] : f32 from vector<1xf32>
      %slice3A_657 = vector.extract_strided_slice %add3A_640 {offsets = [8], sizes = [1], strides = [1]} : vector<16xf32> to vector<1xf32>
      %squeeze3A_658 = vector.extract %slice3A_657[0] : f32 from vector<1xf32>
      %slice3A_659 = vector.extract_strided_slice %add3A_640 {offsets = [9], sizes = [1], strides = [1]} : vector<16xf32> to vector<1xf32>
      %squeeze3A_660 = vector.extract %slice3A_659[0] : f32 from vector<1xf32>
      %mul3A_661 = arith.mulf %squeeze3A_642, %squeeze3A : f32
      %add3A_662 = arith.addf %squeeze3A_117, %mul3A_661 : f32
      %mul3A_663 = arith.mulf %squeeze3A_644, %squeeze3A_16 : f32
      %add3A_664 = arith.addf %add3A_662, %mul3A_663 : f32
      %mul3A_665 = arith.mulf %squeeze3A_646, %squeeze3A_18 : f32
      %add3A_666 = arith.addf %add3A_664, %mul3A_665 : f32
      %mul3A_667 = arith.mulf %squeeze3A_648, %squeeze3A_20 : f32
      %add3A_668 = arith.addf %add3A_666, %mul3A_667 : f32
      %mul3A_669 = arith.mulf %squeeze3A_650, %squeeze3A_22 : f32
      %add3A_670 = arith.addf %add3A_668, %mul3A_669 : f32
      %mul3A_671 = arith.mulf %squeeze3A_652, %squeeze3A_24 : f32
      %add3A_672 = arith.addf %add3A_670, %mul3A_671 : f32
      %mul3A_673 = arith.mulf %squeeze3A_654, %squeeze3A_26 : f32
      %add3A_674 = arith.addf %add3A_672, %mul3A_673 : f32
      %mul3A_675 = arith.mulf %squeeze3A_656, %squeeze3A_28 : f32
      %add3A_676 = arith.addf %add3A_674, %mul3A_675 : f32
      %mul3A_677 = arith.mulf %squeeze3A_658, %squeeze3A_30 : f32
      %add3A_678 = arith.addf %add3A_676, %mul3A_677 : f32
      %mul3A_679 = arith.mulf %squeeze3A_660, %squeeze3A_32 : f32
      %add3A_680 = arith.addf %add3A_678, %mul3A_679 : f32
      %max3A_681 = arith.constant 0.000000e+00 : f32
      %max3A_682 = arith.maximumf %add3A_680, %max3A_681 : f32
      %mul3A_683 = arith.mulf %squeeze3A_127, %max3A_682 : f32
      %add3A_684 = arith.addf %squeeze3A_137, %mul3A_683 : f32
      %mul3A_685 = arith.mulf %squeeze3A_642, %squeeze3A_34 : f32
      %add3A_686 = arith.addf %squeeze3A_119, %mul3A_685 : f32
      %mul3A_687 = arith.mulf %squeeze3A_644, %squeeze3A_36 : f32
      %add3A_688 = arith.addf %add3A_686, %mul3A_687 : f32
      %mul3A_689 = arith.mulf %squeeze3A_646, %squeeze3A_38 : f32
      %add3A_690 = arith.addf %add3A_688, %mul3A_689 : f32
      %mul3A_691 = arith.mulf %squeeze3A_648, %squeeze3A_40 : f32
      %add3A_692 = arith.addf %add3A_690, %mul3A_691 : f32
      %mul3A_693 = arith.mulf %squeeze3A_650, %squeeze3A_42 : f32
      %add3A_694 = arith.addf %add3A_692, %mul3A_693 : f32
      %mul3A_695 = arith.mulf %squeeze3A_652, %squeeze3A_44 : f32
      %add3A_696 = arith.addf %add3A_694, %mul3A_695 : f32
      %mul3A_697 = arith.mulf %squeeze3A_654, %squeeze3A_46 : f32
      %add3A_698 = arith.addf %add3A_696, %mul3A_697 : f32
      %mul3A_699 = arith.mulf %squeeze3A_656, %squeeze3A_48 : f32
      %add3A_700 = arith.addf %add3A_698, %mul3A_699 : f32
      %mul3A_701 = arith.mulf %squeeze3A_658, %squeeze3A_50 : f32
      %add3A_702 = arith.addf %add3A_700, %mul3A_701 : f32
      %mul3A_703 = arith.mulf %squeeze3A_660, %squeeze3A_52 : f32
      %add3A_704 = arith.addf %add3A_702, %mul3A_703 : f32
      %max3A_705 = arith.constant 0.000000e+00 : f32
      %max3A_706 = arith.maximumf %add3A_704, %max3A_705 : f32
      %mul3A_707 = arith.mulf %squeeze3A_129, %max3A_706 : f32
      %add3A_708 = arith.addf %add3A_684, %mul3A_707 : f32
      %mul3A_709 = arith.mulf %squeeze3A_642, %squeeze3A_54 : f32
      %add3A_710 = arith.addf %squeeze3A_121, %mul3A_709 : f32
      %mul3A_711 = arith.mulf %squeeze3A_644, %squeeze3A_56 : f32
      %add3A_712 = arith.addf %add3A_710, %mul3A_711 : f32
      %mul3A_713 = arith.mulf %squeeze3A_646, %squeeze3A_58 : f32
      %add3A_714 = arith.addf %add3A_712, %mul3A_713 : f32
      %mul3A_715 = arith.mulf %squeeze3A_648, %squeeze3A_60 : f32
      %add3A_716 = arith.addf %add3A_714, %mul3A_715 : f32
      %mul3A_717 = arith.mulf %squeeze3A_650, %squeeze3A_62 : f32
      %add3A_718 = arith.addf %add3A_716, %mul3A_717 : f32
      %mul3A_719 = arith.mulf %squeeze3A_652, %squeeze3A_64 : f32
      %add3A_720 = arith.addf %add3A_718, %mul3A_719 : f32
      %mul3A_721 = arith.mulf %squeeze3A_654, %squeeze3A_66 : f32
      %add3A_722 = arith.addf %add3A_720, %mul3A_721 : f32
      %mul3A_723 = arith.mulf %squeeze3A_656, %squeeze3A_68 : f32
      %add3A_724 = arith.addf %add3A_722, %mul3A_723 : f32
      %mul3A_725 = arith.mulf %squeeze3A_658, %squeeze3A_70 : f32
      %add3A_726 = arith.addf %add3A_724, %mul3A_725 : f32
      %mul3A_727 = arith.mulf %squeeze3A_660, %squeeze3A_72 : f32
      %add3A_728 = arith.addf %add3A_726, %mul3A_727 : f32
      %max3A_729 = arith.constant 0.000000e+00 : f32
      %max3A_730 = arith.maximumf %add3A_728, %max3A_729 : f32
      %mul3A_731 = arith.mulf %squeeze3A_131, %max3A_730 : f32
      %add3A_732 = arith.addf %add3A_708, %mul3A_731 : f32
      %mul3A_733 = arith.mulf %squeeze3A_642, %squeeze3A_74 : f32
      %add3A_734 = arith.addf %squeeze3A_123, %mul3A_733 : f32
      %mul3A_735 = arith.mulf %squeeze3A_644, %squeeze3A_76 : f32
      %add3A_736 = arith.addf %add3A_734, %mul3A_735 : f32
      %mul3A_737 = arith.mulf %squeeze3A_646, %squeeze3A_78 : f32
      %add3A_738 = arith.addf %add3A_736, %mul3A_737 : f32
      %mul3A_739 = arith.mulf %squeeze3A_648, %squeeze3A_80 : f32
      %add3A_740 = arith.addf %add3A_738, %mul3A_739 : f32
      %mul3A_741 = arith.mulf %squeeze3A_650, %squeeze3A_82 : f32
      %add3A_742 = arith.addf %add3A_740, %mul3A_741 : f32
      %mul3A_743 = arith.mulf %squeeze3A_652, %squeeze3A_84 : f32
      %add3A_744 = arith.addf %add3A_742, %mul3A_743 : f32
      %mul3A_745 = arith.mulf %squeeze3A_654, %squeeze3A_86 : f32
      %add3A_746 = arith.addf %add3A_744, %mul3A_745 : f32
      %mul3A_747 = arith.mulf %squeeze3A_656, %squeeze3A_88 : f32
      %add3A_748 = arith.addf %add3A_746, %mul3A_747 : f32
      %mul3A_749 = arith.mulf %squeeze3A_658, %squeeze3A_90 : f32
      %add3A_750 = arith.addf %add3A_748, %mul3A_749 : f32
      %mul3A_751 = arith.mulf %squeeze3A_660, %squeeze3A_92 : f32
      %add3A_752 = arith.addf %add3A_750, %mul3A_751 : f32
      %max3A_753 = arith.constant 0.000000e+00 : f32
      %max3A_754 = arith.maximumf %add3A_752, %max3A_753 : f32
      %mul3A_755 = arith.mulf %squeeze3A_133, %max3A_754 : f32
      %add3A_756 = arith.addf %add3A_732, %mul3A_755 : f32
      %mul3A_757 = arith.mulf %squeeze3A_642, %squeeze3A_94 : f32
      %add3A_758 = arith.addf %squeeze3A_125, %mul3A_757 : f32
      %mul3A_759 = arith.mulf %squeeze3A_644, %squeeze3A_96 : f32
      %add3A_760 = arith.addf %add3A_758, %mul3A_759 : f32
      %mul3A_761 = arith.mulf %squeeze3A_646, %squeeze3A_98 : f32
      %add3A_762 = arith.addf %add3A_760, %mul3A_761 : f32
      %mul3A_763 = arith.mulf %squeeze3A_648, %squeeze3A_100 : f32
      %add3A_764 = arith.addf %add3A_762, %mul3A_763 : f32
      %mul3A_765 = arith.mulf %squeeze3A_650, %squeeze3A_102 : f32
      %add3A_766 = arith.addf %add3A_764, %mul3A_765 : f32
      %mul3A_767 = arith.mulf %squeeze3A_652, %squeeze3A_104 : f32
      %add3A_768 = arith.addf %add3A_766, %mul3A_767 : f32
      %mul3A_769 = arith.mulf %squeeze3A_654, %squeeze3A_106 : f32
      %add3A_770 = arith.addf %add3A_768, %mul3A_769 : f32
      %mul3A_771 = arith.mulf %squeeze3A_656, %squeeze3A_108 : f32
      %add3A_772 = arith.addf %add3A_770, %mul3A_771 : f32
      %mul3A_773 = arith.mulf %squeeze3A_658, %squeeze3A_110 : f32
      %add3A_774 = arith.addf %add3A_772, %mul3A_773 : f32
      %mul3A_775 = arith.mulf %squeeze3A_660, %squeeze3A_112 : f32
      %add3A_776 = arith.addf %add3A_774, %mul3A_775 : f32
      %max3A_777 = arith.constant 0.000000e+00 : f32
      %max3A_778 = arith.maximumf %add3A_776, %max3A_777 : f32
      %mul3A_779 = arith.mulf %squeeze3A_135, %max3A_778 : f32
      %add3A_780 = arith.addf %add3A_756, %mul3A_779 : f32
      %eq3A_781 = arith.constant 3 : i32
      %eq3A_782 = vector.broadcast %eq3A_781 : i32 to vector<16xi32>
      %eq3A_783 = arith.cmpi eq, %iota3A, %eq3A_782 : vector<16xi32>
      %broadcast_in_dim3A_784 = vector.broadcast %add3A_780 : f32 to vector<16xf32>
      %select_n3A_785 = arith.select %eq3A_783, %broadcast_in_dim3A_784, %select_n3A_631 : vector<16xi1>, vector<16xf32>
      %scan3A_786 = arith.constant 0 : i32
      %scan3A_787 = arith.constant 25 : i32
      %scan3A_788 = arith.addi %scan3A_786, %scan3A_787 : i32
      %scan3A_789 = arith.constant 1 : i32
      %scan3A_790:4 = scf.for %scan3A_2646 = %scan3A_786 to %scan3A_788 step %scan3A_789 iter_args(%scan3A_2647 = %broadcast_in_dim3A_138, %scan3A_2648 = %broadcast_in_dim3A_138, %scan3A_2649 = %broadcast_in_dim3A_138, %scan3A_2650 = %broadcast_in_dim3A_138) -> (vector<16xf32>, vector<16xf32>, vector<16xf32>, vector<16xf32>)  : i32 {
        %mul3A_2651 = arith.constant 8 : i32
        %mul3A_2652 = arith.muli %scan3A_2646, %mul3A_2651 : i32
        %add3A_2653 = arith.constant 800 : i32
        %add3A_2654 = arith.addi %add3A_2653, %mul3A_2652 : i32
        %get3A_2655 = arith.index_cast %rem3A_159 : i32 to index
        %get3A_2656 = arith.index_cast %add3A_2654 : i32 to index
        %get3A_2657 = arith.constant 0 : index
        %get3A_2658 = tpu.vector_load %arg7[%get3A_2655, %get3A_2656, %get3A_2657] {strides = array<i32>} : memref<2x3200x16xf32, #tpu.memory_space<vmem>>, vector<1x1x16xf32>,
        %get3A_2659 = vector.shape_cast %get3A_2658 : vector<1x1x16xf32> to vector<16xf32>
        %add3A_2660 = arith.addf %scan3A_2647, %get3A_2659 : vector<16xf32>
        %add3A_2661 = arith.constant 1 : i32
        %add3A_2662 = arith.addi %add3A_2654, %add3A_2661 : i32
        %get3A_2663 = arith.index_cast %rem3A_159 : i32 to index
        %get3A_2664 = arith.index_cast %add3A_2662 : i32 to index
        %get3A_2665 = arith.constant 0 : index
        %get3A_2666 = tpu.vector_load %arg7[%get3A_2663, %get3A_2664, %get3A_2665] {strides = array<i32>} : memref<2x3200x16xf32, #tpu.memory_space<vmem>>, vector<1x1x16xf32>,
        %get3A_2667 = vector.shape_cast %get3A_2666 : vector<1x1x16xf32> to vector<16xf32>
        %add3A_2668 = arith.addf %scan3A_2648, %get3A_2667 : vector<16xf32>
        %add3A_2669 = arith.constant 2 : i32
        %add3A_2670 = arith.addi %add3A_2654, %add3A_2669 : i32
        %get3A_2671 = arith.index_cast %rem3A_159 : i32 to index
        %get3A_2672 = arith.index_cast %add3A_2670 : i32 to index
        %get3A_2673 = arith.constant 0 : index
        %get3A_2674 = tpu.vector_load %arg7[%get3A_2671, %get3A_2672, %get3A_2673] {strides = array<i32>} : memref<2x3200x16xf32, #tpu.memory_space<vmem>>, vector<1x1x16xf32>,
        %get3A_2675 = vector.shape_cast %get3A_2674 : vector<1x1x16xf32> to vector<16xf32>
        %add3A_2676 = arith.addf %scan3A_2649, %get3A_2675 : vector<16xf32>
        %add3A_2677 = arith.constant 3 : i32
        %add3A_2678 = arith.addi %add3A_2654, %add3A_2677 : i32
        %get3A_2679 = arith.index_cast %rem3A_159 : i32 to index
        %get3A_2680 = arith.index_cast %add3A_2678 : i32 to index
        %get3A_2681 = arith.constant 0 : index
        %get3A_2682 = tpu.vector_load %arg7[%get3A_2679, %get3A_2680, %get3A_2681] {strides = array<i32>} : memref<2x3200x16xf32, #tpu.memory_space<vmem>>, vector<1x1x16xf32>,
        %get3A_2683 = vector.shape_cast %get3A_2682 : vector<1x1x16xf32> to vector<16xf32>
        %add3A_2684 = arith.addf %scan3A_2650, %get3A_2683 : vector<16xf32>
        %add3A_2685 = arith.constant 4 : i32
        %add3A_2686 = arith.addi %add3A_2654, %add3A_2685 : i32
        %get3A_2687 = arith.index_cast %rem3A_159 : i32 to index
        %get3A_2688 = arith.index_cast %add3A_2686 : i32 to index
        %get3A_2689 = arith.constant 0 : index
        %get3A_2690 = tpu.vector_load %arg7[%get3A_2687, %get3A_2688, %get3A_2689] {strides = array<i32>} : memref<2x3200x16xf32, #tpu.memory_space<vmem>>, vector<1x1x16xf32>,
        %get3A_2691 = vector.shape_cast %get3A_2690 : vector<1x1x16xf32> to vector<16xf32>
        %add3A_2692 = arith.addf %add3A_2660, %get3A_2691 : vector<16xf32>
        %add3A_2693 = arith.constant 5 : i32
        %add3A_2694 = arith.addi %add3A_2654, %add3A_2693 : i32
        %get3A_2695 = arith.index_cast %rem3A_159 : i32 to index
        %get3A_2696 = arith.index_cast %add3A_2694 : i32 to index
        %get3A_2697 = arith.constant 0 : index
        %get3A_2698 = tpu.vector_load %arg7[%get3A_2695, %get3A_2696, %get3A_2697] {strides = array<i32>} : memref<2x3200x16xf32, #tpu.memory_space<vmem>>, vector<1x1x16xf32>,
        %get3A_2699 = vector.shape_cast %get3A_2698 : vector<1x1x16xf32> to vector<16xf32>
        %add3A_2700 = arith.addf %add3A_2668, %get3A_2699 : vector<16xf32>
        %add3A_2701 = arith.constant 6 : i32
        %add3A_2702 = arith.addi %add3A_2654, %add3A_2701 : i32
        %get3A_2703 = arith.index_cast %rem3A_159 : i32 to index
        %get3A_2704 = arith.index_cast %add3A_2702 : i32 to index
        %get3A_2705 = arith.constant 0 : index
        %get3A_2706 = tpu.vector_load %arg7[%get3A_2703, %get3A_2704, %get3A_2705] {strides = array<i32>} : memref<2x3200x16xf32, #tpu.memory_space<vmem>>, vector<1x1x16xf32>,
        %get3A_2707 = vector.shape_cast %get3A_2706 : vector<1x1x16xf32> to vector<16xf32>
        %add3A_2708 = arith.addf %add3A_2676, %get3A_2707 : vector<16xf32>
        %add3A_2709 = arith.constant 7 : i32
        %add3A_2710 = arith.addi %add3A_2654, %add3A_2709 : i32
        %get3A_2711 = arith.index_cast %rem3A_159 : i32 to index
        %get3A_2712 = arith.index_cast %add3A_2710 : i32 to index
        %get3A_2713 = arith.constant 0 : index
        %get3A_2714 = tpu.vector_load %arg7[%get3A_2711, %get3A_2712, %get3A_2713] {strides = array<i32>} : memref<2x3200x16xf32, #tpu.memory_space<vmem>>, vector<1x1x16xf32>,
        %get3A_2715 = vector.shape_cast %get3A_2714 : vector<1x1x16xf32> to vector<16xf32>
        %add3A_2716 = arith.addf %add3A_2684, %get3A_2715 : vector<16xf32>
        scf.yield %add3A_2692, %add3A_2700, %add3A_2708, %add3A_2716 : vector<16xf32>, vector<16xf32>, vector<16xf32>, vector<16xf32>
      }
      %scan3A_791 = arith.constant 25 : i32
      %add3A_792 = arith.addf %scan3A_790#0, %scan3A_790#1 : vector<16xf32>
      %add3A_793 = arith.addf %scan3A_790#2, %scan3A_790#3 : vector<16xf32>
      %add3A_794 = arith.addf %add3A_792, %add3A_793 : vector<16xf32>
      %slice3A_795 = vector.extract_strided_slice %add3A_794 {offsets = [0], sizes = [1], strides = [1]} : vector<16xf32> to vector<1xf32>
      %squeeze3A_796 = vector.extract %slice3A_795[0] : f32 from vector<1xf32>
      %slice3A_797 = vector.extract_strided_slice %add3A_794 {offsets = [1], sizes = [1], strides = [1]} : vector<16xf32> to vector<1xf32>
      %squeeze3A_798 = vector.extract %slice3A_797[0] : f32 from vector<1xf32>
      %slice3A_799 = vector.extract_strided_slice %add3A_794 {offsets = [2], sizes = [1], strides = [1]} : vector<16xf32> to vector<1xf32>
      %squeeze3A_800 = vector.extract %slice3A_799[0] : f32 from vector<1xf32>
      %slice3A_801 = vector.extract_strided_slice %add3A_794 {offsets = [3], sizes = [1], strides = [1]} : vector<16xf32> to vector<1xf32>
      %squeeze3A_802 = vector.extract %slice3A_801[0] : f32 from vector<1xf32>
      %slice3A_803 = vector.extract_strided_slice %add3A_794 {offsets = [4], sizes = [1], strides = [1]} : vector<16xf32> to vector<1xf32>
      %squeeze3A_804 = vector.extract %slice3A_803[0] : f32 from vector<1xf32>
      %slice3A_805 = vector.extract_strided_slice %add3A_794 {offsets = [5], sizes = [1], strides = [1]} : vector<16xf32> to vector<1xf32>
      %squeeze3A_806 = vector.extract %slice3A_805[0] : f32 from vector<1xf32>
      %slice3A_807 = vector.extract_strided_slice %add3A_794 {offsets = [6], sizes = [1], strides = [1]} : vector<16xf32> to vector<1xf32>
      %squeeze3A_808 = vector.extract %slice3A_807[0] : f32 from vector<1xf32>
      %slice3A_809 = vector.extract_strided_slice %add3A_794 {offsets = [7], sizes = [1], strides = [1]} : vector<16xf32> to vector<1xf32>
      %squeeze3A_810 = vector.extract %slice3A_809[0] : f32 from vector<1xf32>
      %slice3A_811 = vector.extract_strided_slice %add3A_794 {offsets = [8], sizes = [1], strides = [1]} : vector<16xf32> to vector<1xf32>
      %squeeze3A_812 = vector.extract %slice3A_811[0] : f32 from vector<1xf32>
      %slice3A_813 = vector.extract_strided_slice %add3A_794 {offsets = [9], sizes = [1], strides = [1]} : vector<16xf32> to vector<1xf32>
      %squeeze3A_814 = vector.extract %slice3A_813[0] : f32 from vector<1xf32>
      %mul3A_815 = arith.mulf %squeeze3A_796, %squeeze3A : f32
      %add3A_816 = arith.addf %squeeze3A_117, %mul3A_815 : f32
      %mul3A_817 = arith.mulf %squeeze3A_798, %squeeze3A_16 : f32
      %add3A_818 = arith.addf %add3A_816, %mul3A_817 : f32
      %mul3A_819 = arith.mulf %squeeze3A_800, %squeeze3A_18 : f32
      %add3A_820 = arith.addf %add3A_818, %mul3A_819 : f32
      %mul3A_821 = arith.mulf %squeeze3A_802, %squeeze3A_20 : f32
      %add3A_822 = arith.addf %add3A_820, %mul3A_821 : f32
      %mul3A_823 = arith.mulf %squeeze3A_804, %squeeze3A_22 : f32
      %add3A_824 = arith.addf %add3A_822, %mul3A_823 : f32
      %mul3A_825 = arith.mulf %squeeze3A_806, %squeeze3A_24 : f32
      %add3A_826 = arith.addf %add3A_824, %mul3A_825 : f32
      %mul3A_827 = arith.mulf %squeeze3A_808, %squeeze3A_26 : f32
      %add3A_828 = arith.addf %add3A_826, %mul3A_827 : f32
      %mul3A_829 = arith.mulf %squeeze3A_810, %squeeze3A_28 : f32
      %add3A_830 = arith.addf %add3A_828, %mul3A_829 : f32
      %mul3A_831 = arith.mulf %squeeze3A_812, %squeeze3A_30 : f32
      %add3A_832 = arith.addf %add3A_830, %mul3A_831 : f32
      %mul3A_833 = arith.mulf %squeeze3A_814, %squeeze3A_32 : f32
      %add3A_834 = arith.addf %add3A_832, %mul3A_833 : f32
      %max3A_835 = arith.constant 0.000000e+00 : f32
      %max3A_836 = arith.maximumf %add3A_834, %max3A_835 : f32
      %mul3A_837 = arith.mulf %squeeze3A_127, %max3A_836 : f32
      %add3A_838 = arith.addf %squeeze3A_137, %mul3A_837 : f32
      %mul3A_839 = arith.mulf %squeeze3A_796, %squeeze3A_34 : f32
      %add3A_840 = arith.addf %squeeze3A_119, %mul3A_839 : f32
      %mul3A_841 = arith.mulf %squeeze3A_798, %squeeze3A_36 : f32
      %add3A_842 = arith.addf %add3A_840, %mul3A_841 : f32
      %mul3A_843 = arith.mulf %squeeze3A_800, %squeeze3A_38 : f32
      %add3A_844 = arith.addf %add3A_842, %mul3A_843 : f32
      %mul3A_845 = arith.mulf %squeeze3A_802, %squeeze3A_40 : f32
      %add3A_846 = arith.addf %add3A_844, %mul3A_845 : f32
      %mul3A_847 = arith.mulf %squeeze3A_804, %squeeze3A_42 : f32
      %add3A_848 = arith.addf %add3A_846, %mul3A_847 : f32
      %mul3A_849 = arith.mulf %squeeze3A_806, %squeeze3A_44 : f32
      %add3A_850 = arith.addf %add3A_848, %mul3A_849 : f32
      %mul3A_851 = arith.mulf %squeeze3A_808, %squeeze3A_46 : f32
      %add3A_852 = arith.addf %add3A_850, %mul3A_851 : f32
      %mul3A_853 = arith.mulf %squeeze3A_810, %squeeze3A_48 : f32
      %add3A_854 = arith.addf %add3A_852, %mul3A_853 : f32
      %mul3A_855 = arith.mulf %squeeze3A_812, %squeeze3A_50 : f32
      %add3A_856 = arith.addf %add3A_854, %mul3A_855 : f32
      %mul3A_857 = arith.mulf %squeeze3A_814, %squeeze3A_52 : f32
      %add3A_858 = arith.addf %add3A_856, %mul3A_857 : f32
      %max3A_859 = arith.constant 0.000000e+00 : f32
      %max3A_860 = arith.maximumf %add3A_858, %max3A_859 : f32
      %mul3A_861 = arith.mulf %squeeze3A_129, %max3A_860 : f32
      %add3A_862 = arith.addf %add3A_838, %mul3A_861 : f32
      %mul3A_863 = arith.mulf %squeeze3A_796, %squeeze3A_54 : f32
      %add3A_864 = arith.addf %squeeze3A_121, %mul3A_863 : f32
      %mul3A_865 = arith.mulf %squeeze3A_798, %squeeze3A_56 : f32
      %add3A_866 = arith.addf %add3A_864, %mul3A_865 : f32
      %mul3A_867 = arith.mulf %squeeze3A_800, %squeeze3A_58 : f32
      %add3A_868 = arith.addf %add3A_866, %mul3A_867 : f32
      %mul3A_869 = arith.mulf %squeeze3A_802, %squeeze3A_60 : f32
      %add3A_870 = arith.addf %add3A_868, %mul3A_869 : f32
      %mul3A_871 = arith.mulf %squeeze3A_804, %squeeze3A_62 : f32
      %add3A_872 = arith.addf %add3A_870, %mul3A_871 : f32
      %mul3A_873 = arith.mulf %squeeze3A_806, %squeeze3A_64 : f32
      %add3A_874 = arith.addf %add3A_872, %mul3A_873 : f32
      %mul3A_875 = arith.mulf %squeeze3A_808, %squeeze3A_66 : f32
      %add3A_876 = arith.addf %add3A_874, %mul3A_875 : f32
      %mul3A_877 = arith.mulf %squeeze3A_810, %squeeze3A_68 : f32
      %add3A_878 = arith.addf %add3A_876, %mul3A_877 : f32
      %mul3A_879 = arith.mulf %squeeze3A_812, %squeeze3A_70 : f32
      %add3A_880 = arith.addf %add3A_878, %mul3A_879 : f32
      %mul3A_881 = arith.mulf %squeeze3A_814, %squeeze3A_72 : f32
      %add3A_882 = arith.addf %add3A_880, %mul3A_881 : f32
      %max3A_883 = arith.constant 0.000000e+00 : f32
      %max3A_884 = arith.maximumf %add3A_882, %max3A_883 : f32
      %mul3A_885 = arith.mulf %squeeze3A_131, %max3A_884 : f32
      %add3A_886 = arith.addf %add3A_862, %mul3A_885 : f32
      %mul3A_887 = arith.mulf %squeeze3A_796, %squeeze3A_74 : f32
      %add3A_888 = arith.addf %squeeze3A_123, %mul3A_887 : f32
      %mul3A_889 = arith.mulf %squeeze3A_798, %squeeze3A_76 : f32
      %add3A_890 = arith.addf %add3A_888, %mul3A_889 : f32
      %mul3A_891 = arith.mulf %squeeze3A_800, %squeeze3A_78 : f32
      %add3A_892 = arith.addf %add3A_890, %mul3A_891 : f32
      %mul3A_893 = arith.mulf %squeeze3A_802, %squeeze3A_80 : f32
      %add3A_894 = arith.addf %add3A_892, %mul3A_893 : f32
      %mul3A_895 = arith.mulf %squeeze3A_804, %squeeze3A_82 : f32
      %add3A_896 = arith.addf %add3A_894, %mul3A_895 : f32
      %mul3A_897 = arith.mulf %squeeze3A_806, %squeeze3A_84 : f32
      %add3A_898 = arith.addf %add3A_896, %mul3A_897 : f32
      %mul3A_899 = arith.mulf %squeeze3A_808, %squeeze3A_86 : f32
      %add3A_900 = arith.addf %add3A_898, %mul3A_899 : f32
      %mul3A_901 = arith.mulf %squeeze3A_810, %squeeze3A_88 : f32
      %add3A_902 = arith.addf %add3A_900, %mul3A_901 : f32
      %mul3A_903 = arith.mulf %squeeze3A_812, %squeeze3A_90 : f32
      %add3A_904 = arith.addf %add3A_902, %mul3A_903 : f32
      %mul3A_905 = arith.mulf %squeeze3A_814, %squeeze3A_92 : f32
      %add3A_906 = arith.addf %add3A_904, %mul3A_905 : f32
      %max3A_907 = arith.constant 0.000000e+00 : f32
      %max3A_908 = arith.maximumf %add3A_906, %max3A_907 : f32
      %mul3A_909 = arith.mulf %squeeze3A_133, %max3A_908 : f32
      %add3A_910 = arith.addf %add3A_886, %mul3A_909 : f32
      %mul3A_911 = arith.mulf %squeeze3A_796, %squeeze3A_94 : f32
      %add3A_912 = arith.addf %squeeze3A_125, %mul3A_911 : f32
      %mul3A_913 = arith.mulf %squeeze3A_798, %squeeze3A_96 : f32
      %add3A_914 = arith.addf %add3A_912, %mul3A_913 : f32
      %mul3A_915 = arith.mulf %squeeze3A_800, %squeeze3A_98 : f32
      %add3A_916 = arith.addf %add3A_914, %mul3A_915 : f32
      %mul3A_917 = arith.mulf %squeeze3A_802, %squeeze3A_100 : f32
      %add3A_918 = arith.addf %add3A_916, %mul3A_917 : f32
      %mul3A_919 = arith.mulf %squeeze3A_804, %squeeze3A_102 : f32
      %add3A_920 = arith.addf %add3A_918, %mul3A_919 : f32
      %mul3A_921 = arith.mulf %squeeze3A_806, %squeeze3A_104 : f32
      %add3A_922 = arith.addf %add3A_920, %mul3A_921 : f32
      %mul3A_923 = arith.mulf %squeeze3A_808, %squeeze3A_106 : f32
      %add3A_924 = arith.addf %add3A_922, %mul3A_923 : f32
      %mul3A_925 = arith.mulf %squeeze3A_810, %squeeze3A_108 : f32
      %add3A_926 = arith.addf %add3A_924, %mul3A_925 : f32
      %mul3A_927 = arith.mulf %squeeze3A_812, %squeeze3A_110 : f32
      %add3A_928 = arith.addf %add3A_926, %mul3A_927 : f32
      %mul3A_929 = arith.mulf %squeeze3A_814, %squeeze3A_112 : f32
      %add3A_930 = arith.addf %add3A_928, %mul3A_929 : f32
      %max3A_931 = arith.constant 0.000000e+00 : f32
      %max3A_932 = arith.maximumf %add3A_930, %max3A_931 : f32
      %mul3A_933 = arith.mulf %squeeze3A_135, %max3A_932 : f32
      %add3A_934 = arith.addf %add3A_910, %mul3A_933 : f32
      %eq3A_935 = arith.constant 4 : i32
      %eq3A_936 = vector.broadcast %eq3A_935 : i32 to vector<16xi32>
      %eq3A_937 = arith.cmpi eq, %iota3A, %eq3A_936 : vector<16xi32>
      %broadcast_in_dim3A_938 = vector.broadcast %add3A_934 : f32 to vector<16xf32>
      %select_n3A_939 = arith.select %eq3A_937, %broadcast_in_dim3A_938, %select_n3A_785 : vector<16xi1>, vector<16xf32>
      %scan3A_940 = arith.constant 0 : i32
      %scan3A_941 = arith.constant 25 : i32
      %scan3A_942 = arith.addi %scan3A_940, %scan3A_941 : i32
      %scan3A_943 = arith.constant 1 : i32
      %scan3A_944:4 = scf.for %scan3A_2646 = %scan3A_940 to %scan3A_942 step %scan3A_943 iter_args(%scan3A_2647 = %broadcast_in_dim3A_138, %scan3A_2648 = %broadcast_in_dim3A_138, %scan3A_2649 = %broadcast_in_dim3A_138, %scan3A_2650 = %broadcast_in_dim3A_138) -> (vector<16xf32>, vector<16xf32>, vector<16xf32>, vector<16xf32>)  : i32 {
        %mul3A_2651 = arith.constant 8 : i32
        %mul3A_2652 = arith.muli %scan3A_2646, %mul3A_2651 : i32
        %add3A_2653 = arith.constant 1000 : i32
        %add3A_2654 = arith.addi %add3A_2653, %mul3A_2652 : i32
        %get3A_2655 = arith.index_cast %rem3A_159 : i32 to index
        %get3A_2656 = arith.index_cast %add3A_2654 : i32 to index
        %get3A_2657 = arith.constant 0 : index
        %get3A_2658 = tpu.vector_load %arg7[%get3A_2655, %get3A_2656, %get3A_2657] {strides = array<i32>} : memref<2x3200x16xf32, #tpu.memory_space<vmem>>, vector<1x1x16xf32>,
        %get3A_2659 = vector.shape_cast %get3A_2658 : vector<1x1x16xf32> to vector<16xf32>
        %add3A_2660 = arith.addf %scan3A_2647, %get3A_2659 : vector<16xf32>
        %add3A_2661 = arith.constant 1 : i32
        %add3A_2662 = arith.addi %add3A_2654, %add3A_2661 : i32
        %get3A_2663 = arith.index_cast %rem3A_159 : i32 to index
        %get3A_2664 = arith.index_cast %add3A_2662 : i32 to index
        %get3A_2665 = arith.constant 0 : index
        %get3A_2666 = tpu.vector_load %arg7[%get3A_2663, %get3A_2664, %get3A_2665] {strides = array<i32>} : memref<2x3200x16xf32, #tpu.memory_space<vmem>>, vector<1x1x16xf32>,
        %get3A_2667 = vector.shape_cast %get3A_2666 : vector<1x1x16xf32> to vector<16xf32>
        %add3A_2668 = arith.addf %scan3A_2648, %get3A_2667 : vector<16xf32>
        %add3A_2669 = arith.constant 2 : i32
        %add3A_2670 = arith.addi %add3A_2654, %add3A_2669 : i32
        %get3A_2671 = arith.index_cast %rem3A_159 : i32 to index
        %get3A_2672 = arith.index_cast %add3A_2670 : i32 to index
        %get3A_2673 = arith.constant 0 : index
        %get3A_2674 = tpu.vector_load %arg7[%get3A_2671, %get3A_2672, %get3A_2673] {strides = array<i32>} : memref<2x3200x16xf32, #tpu.memory_space<vmem>>, vector<1x1x16xf32>,
        %get3A_2675 = vector.shape_cast %get3A_2674 : vector<1x1x16xf32> to vector<16xf32>
        %add3A_2676 = arith.addf %scan3A_2649, %get3A_2675 : vector<16xf32>
        %add3A_2677 = arith.constant 3 : i32
        %add3A_2678 = arith.addi %add3A_2654, %add3A_2677 : i32
        %get3A_2679 = arith.index_cast %rem3A_159 : i32 to index
        %get3A_2680 = arith.index_cast %add3A_2678 : i32 to index
        %get3A_2681 = arith.constant 0 : index
        %get3A_2682 = tpu.vector_load %arg7[%get3A_2679, %get3A_2680, %get3A_2681] {strides = array<i32>} : memref<2x3200x16xf32, #tpu.memory_space<vmem>>, vector<1x1x16xf32>,
        %get3A_2683 = vector.shape_cast %get3A_2682 : vector<1x1x16xf32> to vector<16xf32>
        %add3A_2684 = arith.addf %scan3A_2650, %get3A_2683 : vector<16xf32>
        %add3A_2685 = arith.constant 4 : i32
        %add3A_2686 = arith.addi %add3A_2654, %add3A_2685 : i32
        %get3A_2687 = arith.index_cast %rem3A_159 : i32 to index
        %get3A_2688 = arith.index_cast %add3A_2686 : i32 to index
        %get3A_2689 = arith.constant 0 : index
        %get3A_2690 = tpu.vector_load %arg7[%get3A_2687, %get3A_2688, %get3A_2689] {strides = array<i32>} : memref<2x3200x16xf32, #tpu.memory_space<vmem>>, vector<1x1x16xf32>,
        %get3A_2691 = vector.shape_cast %get3A_2690 : vector<1x1x16xf32> to vector<16xf32>
        %add3A_2692 = arith.addf %add3A_2660, %get3A_2691 : vector<16xf32>
        %add3A_2693 = arith.constant 5 : i32
        %add3A_2694 = arith.addi %add3A_2654, %add3A_2693 : i32
        %get3A_2695 = arith.index_cast %rem3A_159 : i32 to index
        %get3A_2696 = arith.index_cast %add3A_2694 : i32 to index
        %get3A_2697 = arith.constant 0 : index
        %get3A_2698 = tpu.vector_load %arg7[%get3A_2695, %get3A_2696, %get3A_2697] {strides = array<i32>} : memref<2x3200x16xf32, #tpu.memory_space<vmem>>, vector<1x1x16xf32>,
        %get3A_2699 = vector.shape_cast %get3A_2698 : vector<1x1x16xf32> to vector<16xf32>
        %add3A_2700 = arith.addf %add3A_2668, %get3A_2699 : vector<16xf32>
        %add3A_2701 = arith.constant 6 : i32
        %add3A_2702 = arith.addi %add3A_2654, %add3A_2701 : i32
        %get3A_2703 = arith.index_cast %rem3A_159 : i32 to index
        %get3A_2704 = arith.index_cast %add3A_2702 : i32 to index
        %get3A_2705 = arith.constant 0 : index
        %get3A_2706 = tpu.vector_load %arg7[%get3A_2703, %get3A_2704, %get3A_2705] {strides = array<i32>} : memref<2x3200x16xf32, #tpu.memory_space<vmem>>, vector<1x1x16xf32>,
        %get3A_2707 = vector.shape_cast %get3A_2706 : vector<1x1x16xf32> to vector<16xf32>
        %add3A_2708 = arith.addf %add3A_2676, %get3A_2707 : vector<16xf32>
        %add3A_2709 = arith.constant 7 : i32
        %add3A_2710 = arith.addi %add3A_2654, %add3A_2709 : i32
        %get3A_2711 = arith.index_cast %rem3A_159 : i32 to index
        %get3A_2712 = arith.index_cast %add3A_2710 : i32 to index
        %get3A_2713 = arith.constant 0 : index
        %get3A_2714 = tpu.vector_load %arg7[%get3A_2711, %get3A_2712, %get3A_2713] {strides = array<i32>} : memref<2x3200x16xf32, #tpu.memory_space<vmem>>, vector<1x1x16xf32>,
        %get3A_2715 = vector.shape_cast %get3A_2714 : vector<1x1x16xf32> to vector<16xf32>
        %add3A_2716 = arith.addf %add3A_2684, %get3A_2715 : vector<16xf32>
        scf.yield %add3A_2692, %add3A_2700, %add3A_2708, %add3A_2716 : vector<16xf32>, vector<16xf32>, vector<16xf32>, vector<16xf32>
      }
      %scan3A_945 = arith.constant 25 : i32
      %add3A_946 = arith.addf %scan3A_944#0, %scan3A_944#1 : vector<16xf32>
      %add3A_947 = arith.addf %scan3A_944#2, %scan3A_944#3 : vector<16xf32>
      %add3A_948 = arith.addf %add3A_946, %add3A_947 : vector<16xf32>
      %slice3A_949 = vector.extract_strided_slice %add3A_948 {offsets = [0], sizes = [1], strides = [1]} : vector<16xf32> to vector<1xf32>
      %squeeze3A_950 = vector.extract %slice3A_949[0] : f32 from vector<1xf32>
      %slice3A_951 = vector.extract_strided_slice %add3A_948 {offsets = [1], sizes = [1], strides = [1]} : vector<16xf32> to vector<1xf32>
      %squeeze3A_952 = vector.extract %slice3A_951[0] : f32 from vector<1xf32>
      %slice3A_953 = vector.extract_strided_slice %add3A_948 {offsets = [2], sizes = [1], strides = [1]} : vector<16xf32> to vector<1xf32>
      %squeeze3A_954 = vector.extract %slice3A_953[0] : f32 from vector<1xf32>
      %slice3A_955 = vector.extract_strided_slice %add3A_948 {offsets = [3], sizes = [1], strides = [1]} : vector<16xf32> to vector<1xf32>
      %squeeze3A_956 = vector.extract %slice3A_955[0] : f32 from vector<1xf32>
      %slice3A_957 = vector.extract_strided_slice %add3A_948 {offsets = [4], sizes = [1], strides = [1]} : vector<16xf32> to vector<1xf32>
      %squeeze3A_958 = vector.extract %slice3A_957[0] : f32 from vector<1xf32>
      %slice3A_959 = vector.extract_strided_slice %add3A_948 {offsets = [5], sizes = [1], strides = [1]} : vector<16xf32> to vector<1xf32>
      %squeeze3A_960 = vector.extract %slice3A_959[0] : f32 from vector<1xf32>
      %slice3A_961 = vector.extract_strided_slice %add3A_948 {offsets = [6], sizes = [1], strides = [1]} : vector<16xf32> to vector<1xf32>
      %squeeze3A_962 = vector.extract %slice3A_961[0] : f32 from vector<1xf32>
      %slice3A_963 = vector.extract_strided_slice %add3A_948 {offsets = [7], sizes = [1], strides = [1]} : vector<16xf32> to vector<1xf32>
      %squeeze3A_964 = vector.extract %slice3A_963[0] : f32 from vector<1xf32>
      %slice3A_965 = vector.extract_strided_slice %add3A_948 {offsets = [8], sizes = [1], strides = [1]} : vector<16xf32> to vector<1xf32>
      %squeeze3A_966 = vector.extract %slice3A_965[0] : f32 from vector<1xf32>
      %slice3A_967 = vector.extract_strided_slice %add3A_948 {offsets = [9], sizes = [1], strides = [1]} : vector<16xf32> to vector<1xf32>
      %squeeze3A_968 = vector.extract %slice3A_967[0] : f32 from vector<1xf32>
      %mul3A_969 = arith.mulf %squeeze3A_950, %squeeze3A : f32
      %add3A_970 = arith.addf %squeeze3A_117, %mul3A_969 : f32
      %mul3A_971 = arith.mulf %squeeze3A_952, %squeeze3A_16 : f32
      %add3A_972 = arith.addf %add3A_970, %mul3A_971 : f32
      %mul3A_973 = arith.mulf %squeeze3A_954, %squeeze3A_18 : f32
      %add3A_974 = arith.addf %add3A_972, %mul3A_973 : f32
      %mul3A_975 = arith.mulf %squeeze3A_956, %squeeze3A_20 : f32
      %add3A_976 = arith.addf %add3A_974, %mul3A_975 : f32
      %mul3A_977 = arith.mulf %squeeze3A_958, %squeeze3A_22 : f32
      %add3A_978 = arith.addf %add3A_976, %mul3A_977 : f32
      %mul3A_979 = arith.mulf %squeeze3A_960, %squeeze3A_24 : f32
      %add3A_980 = arith.addf %add3A_978, %mul3A_979 : f32
      %mul3A_981 = arith.mulf %squeeze3A_962, %squeeze3A_26 : f32
      %add3A_982 = arith.addf %add3A_980, %mul3A_981 : f32
      %mul3A_983 = arith.mulf %squeeze3A_964, %squeeze3A_28 : f32
      %add3A_984 = arith.addf %add3A_982, %mul3A_983 : f32
      %mul3A_985 = arith.mulf %squeeze3A_966, %squeeze3A_30 : f32
      %add3A_986 = arith.addf %add3A_984, %mul3A_985 : f32
      %mul3A_987 = arith.mulf %squeeze3A_968, %squeeze3A_32 : f32
      %add3A_988 = arith.addf %add3A_986, %mul3A_987 : f32
      %max3A_989 = arith.constant 0.000000e+00 : f32
      %max3A_990 = arith.maximumf %add3A_988, %max3A_989 : f32
      %mul3A_991 = arith.mulf %squeeze3A_127, %max3A_990 : f32
      %add3A_992 = arith.addf %squeeze3A_137, %mul3A_991 : f32
      %mul3A_993 = arith.mulf %squeeze3A_950, %squeeze3A_34 : f32
      %add3A_994 = arith.addf %squeeze3A_119, %mul3A_993 : f32
      %mul3A_995 = arith.mulf %squeeze3A_952, %squeeze3A_36 : f32
      %add3A_996 = arith.addf %add3A_994, %mul3A_995 : f32
      %mul3A_997 = arith.mulf %squeeze3A_954, %squeeze3A_38 : f32
      %add3A_998 = arith.addf %add3A_996, %mul3A_997 : f32
      %mul3A_999 = arith.mulf %squeeze3A_956, %squeeze3A_40 : f32
      %add3A_1000 = arith.addf %add3A_998, %mul3A_999 : f32
      %mul3A_1001 = arith.mulf %squeeze3A_958, %squeeze3A_42 : f32
      %add3A_1002 = arith.addf %add3A_1000, %mul3A_1001 : f32
      %mul3A_1003 = arith.mulf %squeeze3A_960, %squeeze3A_44 : f32
      %add3A_1004 = arith.addf %add3A_1002, %mul3A_1003 : f32
      %mul3A_1005 = arith.mulf %squeeze3A_962, %squeeze3A_46 : f32
      %add3A_1006 = arith.addf %add3A_1004, %mul3A_1005 : f32
      %mul3A_1007 = arith.mulf %squeeze3A_964, %squeeze3A_48 : f32
      %add3A_1008 = arith.addf %add3A_1006, %mul3A_1007 : f32
      %mul3A_1009 = arith.mulf %squeeze3A_966, %squeeze3A_50 : f32
      %add3A_1010 = arith.addf %add3A_1008, %mul3A_1009 : f32
      %mul3A_1011 = arith.mulf %squeeze3A_968, %squeeze3A_52 : f32
      %add3A_1012 = arith.addf %add3A_1010, %mul3A_1011 : f32
      %max3A_1013 = arith.constant 0.000000e+00 : f32
      %max3A_1014 = arith.maximumf %add3A_1012, %max3A_1013 : f32
      %mul3A_1015 = arith.mulf %squeeze3A_129, %max3A_1014 : f32
      %add3A_1016 = arith.addf %add3A_992, %mul3A_1015 : f32
      %mul3A_1017 = arith.mulf %squeeze3A_950, %squeeze3A_54 : f32
      %add3A_1018 = arith.addf %squeeze3A_121, %mul3A_1017 : f32
      %mul3A_1019 = arith.mulf %squeeze3A_952, %squeeze3A_56 : f32
      %add3A_1020 = arith.addf %add3A_1018, %mul3A_1019 : f32
      %mul3A_1021 = arith.mulf %squeeze3A_954, %squeeze3A_58 : f32
      %add3A_1022 = arith.addf %add3A_1020, %mul3A_1021 : f32
      %mul3A_1023 = arith.mulf %squeeze3A_956, %squeeze3A_60 : f32
      %add3A_1024 = arith.addf %add3A_1022, %mul3A_1023 : f32
      %mul3A_1025 = arith.mulf %squeeze3A_958, %squeeze3A_62 : f32
      %add3A_1026 = arith.addf %add3A_1024, %mul3A_1025 : f32
      %mul3A_1027 = arith.mulf %squeeze3A_960, %squeeze3A_64 : f32
      %add3A_1028 = arith.addf %add3A_1026, %mul3A_1027 : f32
      %mul3A_1029 = arith.mulf %squeeze3A_962, %squeeze3A_66 : f32
      %add3A_1030 = arith.addf %add3A_1028, %mul3A_1029 : f32
      %mul3A_1031 = arith.mulf %squeeze3A_964, %squeeze3A_68 : f32
      %add3A_1032 = arith.addf %add3A_1030, %mul3A_1031 : f32
      %mul3A_1033 = arith.mulf %squeeze3A_966, %squeeze3A_70 : f32
      %add3A_1034 = arith.addf %add3A_1032, %mul3A_1033 : f32
      %mul3A_1035 = arith.mulf %squeeze3A_968, %squeeze3A_72 : f32
      %add3A_1036 = arith.addf %add3A_1034, %mul3A_1035 : f32
      %max3A_1037 = arith.constant 0.000000e+00 : f32
      %max3A_1038 = arith.maximumf %add3A_1036, %max3A_1037 : f32
      %mul3A_1039 = arith.mulf %squeeze3A_131, %max3A_1038 : f32
      %add3A_1040 = arith.addf %add3A_1016, %mul3A_1039 : f32
      %mul3A_1041 = arith.mulf %squeeze3A_950, %squeeze3A_74 : f32
      %add3A_1042 = arith.addf %squeeze3A_123, %mul3A_1041 : f32
      %mul3A_1043 = arith.mulf %squeeze3A_952, %squeeze3A_76 : f32
      %add3A_1044 = arith.addf %add3A_1042, %mul3A_1043 : f32
      %mul3A_1045 = arith.mulf %squeeze3A_954, %squeeze3A_78 : f32
      %add3A_1046 = arith.addf %add3A_1044, %mul3A_1045 : f32
      %mul3A_1047 = arith.mulf %squeeze3A_956, %squeeze3A_80 : f32
      %add3A_1048 = arith.addf %add3A_1046, %mul3A_1047 : f32
      %mul3A_1049 = arith.mulf %squeeze3A_958, %squeeze3A_82 : f32
      %add3A_1050 = arith.addf %add3A_1048, %mul3A_1049 : f32
      %mul3A_1051 = arith.mulf %squeeze3A_960, %squeeze3A_84 : f32
      %add3A_1052 = arith.addf %add3A_1050, %mul3A_1051 : f32
      %mul3A_1053 = arith.mulf %squeeze3A_962, %squeeze3A_86 : f32
      %add3A_1054 = arith.addf %add3A_1052, %mul3A_1053 : f32
      %mul3A_1055 = arith.mulf %squeeze3A_964, %squeeze3A_88 : f32
      %add3A_1056 = arith.addf %add3A_1054, %mul3A_1055 : f32
      %mul3A_1057 = arith.mulf %squeeze3A_966, %squeeze3A_90 : f32
      %add3A_1058 = arith.addf %add3A_1056, %mul3A_1057 : f32
      %mul3A_1059 = arith.mulf %squeeze3A_968, %squeeze3A_92 : f32
      %add3A_1060 = arith.addf %add3A_1058, %mul3A_1059 : f32
      %max3A_1061 = arith.constant 0.000000e+00 : f32
      %max3A_1062 = arith.maximumf %add3A_1060, %max3A_1061 : f32
      %mul3A_1063 = arith.mulf %squeeze3A_133, %max3A_1062 : f32
      %add3A_1064 = arith.addf %add3A_1040, %mul3A_1063 : f32
      %mul3A_1065 = arith.mulf %squeeze3A_950, %squeeze3A_94 : f32
      %add3A_1066 = arith.addf %squeeze3A_125, %mul3A_1065 : f32
      %mul3A_1067 = arith.mulf %squeeze3A_952, %squeeze3A_96 : f32
      %add3A_1068 = arith.addf %add3A_1066, %mul3A_1067 : f32
      %mul3A_1069 = arith.mulf %squeeze3A_954, %squeeze3A_98 : f32
      %add3A_1070 = arith.addf %add3A_1068, %mul3A_1069 : f32
      %mul3A_1071 = arith.mulf %squeeze3A_956, %squeeze3A_100 : f32
      %add3A_1072 = arith.addf %add3A_1070, %mul3A_1071 : f32
      %mul3A_1073 = arith.mulf %squeeze3A_958, %squeeze3A_102 : f32
      %add3A_1074 = arith.addf %add3A_1072, %mul3A_1073 : f32
      %mul3A_1075 = arith.mulf %squeeze3A_960, %squeeze3A_104 : f32
      %add3A_1076 = arith.addf %add3A_1074, %mul3A_1075 : f32
      %mul3A_1077 = arith.mulf %squeeze3A_962, %squeeze3A_106 : f32
      %add3A_1078 = arith.addf %add3A_1076, %mul3A_1077 : f32
      %mul3A_1079 = arith.mulf %squeeze3A_964, %squeeze3A_108 : f32
      %add3A_1080 = arith.addf %add3A_1078, %mul3A_1079 : f32
      %mul3A_1081 = arith.mulf %squeeze3A_966, %squeeze3A_110 : f32
      %add3A_1082 = arith.addf %add3A_1080, %mul3A_1081 : f32
      %mul3A_1083 = arith.mulf %squeeze3A_968, %squeeze3A_112 : f32
      %add3A_1084 = arith.addf %add3A_1082, %mul3A_1083 : f32
      %max3A_1085 = arith.constant 0.000000e+00 : f32
      %max3A_1086 = arith.maximumf %add3A_1084, %max3A_1085 : f32
      %mul3A_1087 = arith.mulf %squeeze3A_135, %max3A_1086 : f32
      %add3A_1088 = arith.addf %add3A_1064, %mul3A_1087 : f32
      %eq3A_1089 = arith.constant 5 : i32
      %eq3A_1090 = vector.broadcast %eq3A_1089 : i32 to vector<16xi32>
      %eq3A_1091 = arith.cmpi eq, %iota3A, %eq3A_1090 : vector<16xi32>
      %broadcast_in_dim3A_1092 = vector.broadcast %add3A_1088 : f32 to vector<16xf32>
      %select_n3A_1093 = arith.select %eq3A_1091, %broadcast_in_dim3A_1092, %select_n3A_939 : vector<16xi1>, vector<16xf32>
      %scan3A_1094 = arith.constant 0 : i32
      %scan3A_1095 = arith.constant 25 : i32
      %scan3A_1096 = arith.addi %scan3A_1094, %scan3A_1095 : i32
      %scan3A_1097 = arith.constant 1 : i32
      %scan3A_1098:4 = scf.for %scan3A_2646 = %scan3A_1094 to %scan3A_1096 step %scan3A_1097 iter_args(%scan3A_2647 = %broadcast_in_dim3A_138, %scan3A_2648 = %broadcast_in_dim3A_138, %scan3A_2649 = %broadcast_in_dim3A_138, %scan3A_2650 = %broadcast_in_dim3A_138) -> (vector<16xf32>, vector<16xf32>, vector<16xf32>, vector<16xf32>)  : i32 {
        %mul3A_2651 = arith.constant 8 : i32
        %mul3A_2652 = arith.muli %scan3A_2646, %mul3A_2651 : i32
        %add3A_2653 = arith.constant 1200 : i32
        %add3A_2654 = arith.addi %add3A_2653, %mul3A_2652 : i32
        %get3A_2655 = arith.index_cast %rem3A_159 : i32 to index
        %get3A_2656 = arith.index_cast %add3A_2654 : i32 to index
        %get3A_2657 = arith.constant 0 : index
        %get3A_2658 = tpu.vector_load %arg7[%get3A_2655, %get3A_2656, %get3A_2657] {strides = array<i32>} : memref<2x3200x16xf32, #tpu.memory_space<vmem>>, vector<1x1x16xf32>,
        %get3A_2659 = vector.shape_cast %get3A_2658 : vector<1x1x16xf32> to vector<16xf32>
        %add3A_2660 = arith.addf %scan3A_2647, %get3A_2659 : vector<16xf32>
        %add3A_2661 = arith.constant 1 : i32
        %add3A_2662 = arith.addi %add3A_2654, %add3A_2661 : i32
        %get3A_2663 = arith.index_cast %rem3A_159 : i32 to index
        %get3A_2664 = arith.index_cast %add3A_2662 : i32 to index
        %get3A_2665 = arith.constant 0 : index
        %get3A_2666 = tpu.vector_load %arg7[%get3A_2663, %get3A_2664, %get3A_2665] {strides = array<i32>} : memref<2x3200x16xf32, #tpu.memory_space<vmem>>, vector<1x1x16xf32>,
        %get3A_2667 = vector.shape_cast %get3A_2666 : vector<1x1x16xf32> to vector<16xf32>
        %add3A_2668 = arith.addf %scan3A_2648, %get3A_2667 : vector<16xf32>
        %add3A_2669 = arith.constant 2 : i32
        %add3A_2670 = arith.addi %add3A_2654, %add3A_2669 : i32
        %get3A_2671 = arith.index_cast %rem3A_159 : i32 to index
        %get3A_2672 = arith.index_cast %add3A_2670 : i32 to index
        %get3A_2673 = arith.constant 0 : index
        %get3A_2674 = tpu.vector_load %arg7[%get3A_2671, %get3A_2672, %get3A_2673] {strides = array<i32>} : memref<2x3200x16xf32, #tpu.memory_space<vmem>>, vector<1x1x16xf32>,
        %get3A_2675 = vector.shape_cast %get3A_2674 : vector<1x1x16xf32> to vector<16xf32>
        %add3A_2676 = arith.addf %scan3A_2649, %get3A_2675 : vector<16xf32>
        %add3A_2677 = arith.constant 3 : i32
        %add3A_2678 = arith.addi %add3A_2654, %add3A_2677 : i32
        %get3A_2679 = arith.index_cast %rem3A_159 : i32 to index
        %get3A_2680 = arith.index_cast %add3A_2678 : i32 to index
        %get3A_2681 = arith.constant 0 : index
        %get3A_2682 = tpu.vector_load %arg7[%get3A_2679, %get3A_2680, %get3A_2681] {strides = array<i32>} : memref<2x3200x16xf32, #tpu.memory_space<vmem>>, vector<1x1x16xf32>,
        %get3A_2683 = vector.shape_cast %get3A_2682 : vector<1x1x16xf32> to vector<16xf32>
        %add3A_2684 = arith.addf %scan3A_2650, %get3A_2683 : vector<16xf32>
        %add3A_2685 = arith.constant 4 : i32
        %add3A_2686 = arith.addi %add3A_2654, %add3A_2685 : i32
        %get3A_2687 = arith.index_cast %rem3A_159 : i32 to index
        %get3A_2688 = arith.index_cast %add3A_2686 : i32 to index
        %get3A_2689 = arith.constant 0 : index
        %get3A_2690 = tpu.vector_load %arg7[%get3A_2687, %get3A_2688, %get3A_2689] {strides = array<i32>} : memref<2x3200x16xf32, #tpu.memory_space<vmem>>, vector<1x1x16xf32>,
        %get3A_2691 = vector.shape_cast %get3A_2690 : vector<1x1x16xf32> to vector<16xf32>
        %add3A_2692 = arith.addf %add3A_2660, %get3A_2691 : vector<16xf32>
        %add3A_2693 = arith.constant 5 : i32
        %add3A_2694 = arith.addi %add3A_2654, %add3A_2693 : i32
        %get3A_2695 = arith.index_cast %rem3A_159 : i32 to index
        %get3A_2696 = arith.index_cast %add3A_2694 : i32 to index
        %get3A_2697 = arith.constant 0 : index
        %get3A_2698 = tpu.vector_load %arg7[%get3A_2695, %get3A_2696, %get3A_2697] {strides = array<i32>} : memref<2x3200x16xf32, #tpu.memory_space<vmem>>, vector<1x1x16xf32>,
        %get3A_2699 = vector.shape_cast %get3A_2698 : vector<1x1x16xf32> to vector<16xf32>
        %add3A_2700 = arith.addf %add3A_2668, %get3A_2699 : vector<16xf32>
        %add3A_2701 = arith.constant 6 : i32
        %add3A_2702 = arith.addi %add3A_2654, %add3A_2701 : i32
        %get3A_2703 = arith.index_cast %rem3A_159 : i32 to index
        %get3A_2704 = arith.index_cast %add3A_2702 : i32 to index
        %get3A_2705 = arith.constant 0 : index
        %get3A_2706 = tpu.vector_load %arg7[%get3A_2703, %get3A_2704, %get3A_2705] {strides = array<i32>} : memref<2x3200x16xf32, #tpu.memory_space<vmem>>, vector<1x1x16xf32>,
        %get3A_2707 = vector.shape_cast %get3A_2706 : vector<1x1x16xf32> to vector<16xf32>
        %add3A_2708 = arith.addf %add3A_2676, %get3A_2707 : vector<16xf32>
        %add3A_2709 = arith.constant 7 : i32
        %add3A_2710 = arith.addi %add3A_2654, %add3A_2709 : i32
        %get3A_2711 = arith.index_cast %rem3A_159 : i32 to index
        %get3A_2712 = arith.index_cast %add3A_2710 : i32 to index
        %get3A_2713 = arith.constant 0 : index
        %get3A_2714 = tpu.vector_load %arg7[%get3A_2711, %get3A_2712, %get3A_2713] {strides = array<i32>} : memref<2x3200x16xf32, #tpu.memory_space<vmem>>, vector<1x1x16xf32>,
        %get3A_2715 = vector.shape_cast %get3A_2714 : vector<1x1x16xf32> to vector<16xf32>
        %add3A_2716 = arith.addf %add3A_2684, %get3A_2715 : vector<16xf32>
        scf.yield %add3A_2692, %add3A_2700, %add3A_2708, %add3A_2716 : vector<16xf32>, vector<16xf32>, vector<16xf32>, vector<16xf32>
      }
      %scan3A_1099 = arith.constant 25 : i32
      %add3A_1100 = arith.addf %scan3A_1098#0, %scan3A_1098#1 : vector<16xf32>
      %add3A_1101 = arith.addf %scan3A_1098#2, %scan3A_1098#3 : vector<16xf32>
      %add3A_1102 = arith.addf %add3A_1100, %add3A_1101 : vector<16xf32>
      %slice3A_1103 = vector.extract_strided_slice %add3A_1102 {offsets = [0], sizes = [1], strides = [1]} : vector<16xf32> to vector<1xf32>
      %squeeze3A_1104 = vector.extract %slice3A_1103[0] : f32 from vector<1xf32>
      %slice3A_1105 = vector.extract_strided_slice %add3A_1102 {offsets = [1], sizes = [1], strides = [1]} : vector<16xf32> to vector<1xf32>
      %squeeze3A_1106 = vector.extract %slice3A_1105[0] : f32 from vector<1xf32>
      %slice3A_1107 = vector.extract_strided_slice %add3A_1102 {offsets = [2], sizes = [1], strides = [1]} : vector<16xf32> to vector<1xf32>
      %squeeze3A_1108 = vector.extract %slice3A_1107[0] : f32 from vector<1xf32>
      %slice3A_1109 = vector.extract_strided_slice %add3A_1102 {offsets = [3], sizes = [1], strides = [1]} : vector<16xf32> to vector<1xf32>
      %squeeze3A_1110 = vector.extract %slice3A_1109[0] : f32 from vector<1xf32>
      %slice3A_1111 = vector.extract_strided_slice %add3A_1102 {offsets = [4], sizes = [1], strides = [1]} : vector<16xf32> to vector<1xf32>
      %squeeze3A_1112 = vector.extract %slice3A_1111[0] : f32 from vector<1xf32>
      %slice3A_1113 = vector.extract_strided_slice %add3A_1102 {offsets = [5], sizes = [1], strides = [1]} : vector<16xf32> to vector<1xf32>
      %squeeze3A_1114 = vector.extract %slice3A_1113[0] : f32 from vector<1xf32>
      %slice3A_1115 = vector.extract_strided_slice %add3A_1102 {offsets = [6], sizes = [1], strides = [1]} : vector<16xf32> to vector<1xf32>
      %squeeze3A_1116 = vector.extract %slice3A_1115[0] : f32 from vector<1xf32>
      %slice3A_1117 = vector.extract_strided_slice %add3A_1102 {offsets = [7], sizes = [1], strides = [1]} : vector<16xf32> to vector<1xf32>
      %squeeze3A_1118 = vector.extract %slice3A_1117[0] : f32 from vector<1xf32>
      %slice3A_1119 = vector.extract_strided_slice %add3A_1102 {offsets = [8], sizes = [1], strides = [1]} : vector<16xf32> to vector<1xf32>
      %squeeze3A_1120 = vector.extract %slice3A_1119[0] : f32 from vector<1xf32>
      %slice3A_1121 = vector.extract_strided_slice %add3A_1102 {offsets = [9], sizes = [1], strides = [1]} : vector<16xf32> to vector<1xf32>
      %squeeze3A_1122 = vector.extract %slice3A_1121[0] : f32 from vector<1xf32>
      %mul3A_1123 = arith.mulf %squeeze3A_1104, %squeeze3A : f32
      %add3A_1124 = arith.addf %squeeze3A_117, %mul3A_1123 : f32
      %mul3A_1125 = arith.mulf %squeeze3A_1106, %squeeze3A_16 : f32
      %add3A_1126 = arith.addf %add3A_1124, %mul3A_1125 : f32
      %mul3A_1127 = arith.mulf %squeeze3A_1108, %squeeze3A_18 : f32
      %add3A_1128 = arith.addf %add3A_1126, %mul3A_1127 : f32
      %mul3A_1129 = arith.mulf %squeeze3A_1110, %squeeze3A_20 : f32
      %add3A_1130 = arith.addf %add3A_1128, %mul3A_1129 : f32
      %mul3A_1131 = arith.mulf %squeeze3A_1112, %squeeze3A_22 : f32
      %add3A_1132 = arith.addf %add3A_1130, %mul3A_1131 : f32
      %mul3A_1133 = arith.mulf %squeeze3A_1114, %squeeze3A_24 : f32
      %add3A_1134 = arith.addf %add3A_1132, %mul3A_1133 : f32
      %mul3A_1135 = arith.mulf %squeeze3A_1116, %squeeze3A_26 : f32
      %add3A_1136 = arith.addf %add3A_1134, %mul3A_1135 : f32
      %mul3A_1137 = arith.mulf %squeeze3A_1118, %squeeze3A_28 : f32
      %add3A_1138 = arith.addf %add3A_1136, %mul3A_1137 : f32
      %mul3A_1139 = arith.mulf %squeeze3A_1120, %squeeze3A_30 : f32
      %add3A_1140 = arith.addf %add3A_1138, %mul3A_1139 : f32
      %mul3A_1141 = arith.mulf %squeeze3A_1122, %squeeze3A_32 : f32
      %add3A_1142 = arith.addf %add3A_1140, %mul3A_1141 : f32
      %max3A_1143 = arith.constant 0.000000e+00 : f32
      %max3A_1144 = arith.maximumf %add3A_1142, %max3A_1143 : f32
      %mul3A_1145 = arith.mulf %squeeze3A_127, %max3A_1144 : f32
      %add3A_1146 = arith.addf %squeeze3A_137, %mul3A_1145 : f32
      %mul3A_1147 = arith.mulf %squeeze3A_1104, %squeeze3A_34 : f32
      %add3A_1148 = arith.addf %squeeze3A_119, %mul3A_1147 : f32
      %mul3A_1149 = arith.mulf %squeeze3A_1106, %squeeze3A_36 : f32
      %add3A_1150 = arith.addf %add3A_1148, %mul3A_1149 : f32
      %mul3A_1151 = arith.mulf %squeeze3A_1108, %squeeze3A_38 : f32
      %add3A_1152 = arith.addf %add3A_1150, %mul3A_1151 : f32
      %mul3A_1153 = arith.mulf %squeeze3A_1110, %squeeze3A_40 : f32
      %add3A_1154 = arith.addf %add3A_1152, %mul3A_1153 : f32
      %mul3A_1155 = arith.mulf %squeeze3A_1112, %squeeze3A_42 : f32
      %add3A_1156 = arith.addf %add3A_1154, %mul3A_1155 : f32
      %mul3A_1157 = arith.mulf %squeeze3A_1114, %squeeze3A_44 : f32
      %add3A_1158 = arith.addf %add3A_1156, %mul3A_1157 : f32
      %mul3A_1159 = arith.mulf %squeeze3A_1116, %squeeze3A_46 : f32
      %add3A_1160 = arith.addf %add3A_1158, %mul3A_1159 : f32
      %mul3A_1161 = arith.mulf %squeeze3A_1118, %squeeze3A_48 : f32
      %add3A_1162 = arith.addf %add3A_1160, %mul3A_1161 : f32
      %mul3A_1163 = arith.mulf %squeeze3A_1120, %squeeze3A_50 : f32
      %add3A_1164 = arith.addf %add3A_1162, %mul3A_1163 : f32
      %mul3A_1165 = arith.mulf %squeeze3A_1122, %squeeze3A_52 : f32
      %add3A_1166 = arith.addf %add3A_1164, %mul3A_1165 : f32
      %max3A_1167 = arith.constant 0.000000e+00 : f32
      %max3A_1168 = arith.maximumf %add3A_1166, %max3A_1167 : f32
      %mul3A_1169 = arith.mulf %squeeze3A_129, %max3A_1168 : f32
      %add3A_1170 = arith.addf %add3A_1146, %mul3A_1169 : f32
      %mul3A_1171 = arith.mulf %squeeze3A_1104, %squeeze3A_54 : f32
      %add3A_1172 = arith.addf %squeeze3A_121, %mul3A_1171 : f32
      %mul3A_1173 = arith.mulf %squeeze3A_1106, %squeeze3A_56 : f32
      %add3A_1174 = arith.addf %add3A_1172, %mul3A_1173 : f32
      %mul3A_1175 = arith.mulf %squeeze3A_1108, %squeeze3A_58 : f32
      %add3A_1176 = arith.addf %add3A_1174, %mul3A_1175 : f32
      %mul3A_1177 = arith.mulf %squeeze3A_1110, %squeeze3A_60 : f32
      %add3A_1178 = arith.addf %add3A_1176, %mul3A_1177 : f32
      %mul3A_1179 = arith.mulf %squeeze3A_1112, %squeeze3A_62 : f32
      %add3A_1180 = arith.addf %add3A_1178, %mul3A_1179 : f32
      %mul3A_1181 = arith.mulf %squeeze3A_1114, %squeeze3A_64 : f32
      %add3A_1182 = arith.addf %add3A_1180, %mul3A_1181 : f32
      %mul3A_1183 = arith.mulf %squeeze3A_1116, %squeeze3A_66 : f32
      %add3A_1184 = arith.addf %add3A_1182, %mul3A_1183 : f32
      %mul3A_1185 = arith.mulf %squeeze3A_1118, %squeeze3A_68 : f32
      %add3A_1186 = arith.addf %add3A_1184, %mul3A_1185 : f32
      %mul3A_1187 = arith.mulf %squeeze3A_1120, %squeeze3A_70 : f32
      %add3A_1188 = arith.addf %add3A_1186, %mul3A_1187 : f32
      %mul3A_1189 = arith.mulf %squeeze3A_1122, %squeeze3A_72 : f32
      %add3A_1190 = arith.addf %add3A_1188, %mul3A_1189 : f32
      %max3A_1191 = arith.constant 0.000000e+00 : f32
      %max3A_1192 = arith.maximumf %add3A_1190, %max3A_1191 : f32
      %mul3A_1193 = arith.mulf %squeeze3A_131, %max3A_1192 : f32
      %add3A_1194 = arith.addf %add3A_1170, %mul3A_1193 : f32
      %mul3A_1195 = arith.mulf %squeeze3A_1104, %squeeze3A_74 : f32
      %add3A_1196 = arith.addf %squeeze3A_123, %mul3A_1195 : f32
      %mul3A_1197 = arith.mulf %squeeze3A_1106, %squeeze3A_76 : f32
      %add3A_1198 = arith.addf %add3A_1196, %mul3A_1197 : f32
      %mul3A_1199 = arith.mulf %squeeze3A_1108, %squeeze3A_78 : f32
      %add3A_1200 = arith.addf %add3A_1198, %mul3A_1199 : f32
      %mul3A_1201 = arith.mulf %squeeze3A_1110, %squeeze3A_80 : f32
      %add3A_1202 = arith.addf %add3A_1200, %mul3A_1201 : f32
      %mul3A_1203 = arith.mulf %squeeze3A_1112, %squeeze3A_82 : f32
      %add3A_1204 = arith.addf %add3A_1202, %mul3A_1203 : f32
      %mul3A_1205 = arith.mulf %squeeze3A_1114, %squeeze3A_84 : f32
      %add3A_1206 = arith.addf %add3A_1204, %mul3A_1205 : f32
      %mul3A_1207 = arith.mulf %squeeze3A_1116, %squeeze3A_86 : f32
      %add3A_1208 = arith.addf %add3A_1206, %mul3A_1207 : f32
      %mul3A_1209 = arith.mulf %squeeze3A_1118, %squeeze3A_88 : f32
      %add3A_1210 = arith.addf %add3A_1208, %mul3A_1209 : f32
      %mul3A_1211 = arith.mulf %squeeze3A_1120, %squeeze3A_90 : f32
      %add3A_1212 = arith.addf %add3A_1210, %mul3A_1211 : f32
      %mul3A_1213 = arith.mulf %squeeze3A_1122, %squeeze3A_92 : f32
      %add3A_1214 = arith.addf %add3A_1212, %mul3A_1213 : f32
      %max3A_1215 = arith.constant 0.000000e+00 : f32
      %max3A_1216 = arith.maximumf %add3A_1214, %max3A_1215 : f32
      %mul3A_1217 = arith.mulf %squeeze3A_133, %max3A_1216 : f32
      %add3A_1218 = arith.addf %add3A_1194, %mul3A_1217 : f32
      %mul3A_1219 = arith.mulf %squeeze3A_1104, %squeeze3A_94 : f32
      %add3A_1220 = arith.addf %squeeze3A_125, %mul3A_1219 : f32
      %mul3A_1221 = arith.mulf %squeeze3A_1106, %squeeze3A_96 : f32
      %add3A_1222 = arith.addf %add3A_1220, %mul3A_1221 : f32
      %mul3A_1223 = arith.mulf %squeeze3A_1108, %squeeze3A_98 : f32
      %add3A_1224 = arith.addf %add3A_1222, %mul3A_1223 : f32
      %mul3A_1225 = arith.mulf %squeeze3A_1110, %squeeze3A_100 : f32
      %add3A_1226 = arith.addf %add3A_1224, %mul3A_1225 : f32
      %mul3A_1227 = arith.mulf %squeeze3A_1112, %squeeze3A_102 : f32
      %add3A_1228 = arith.addf %add3A_1226, %mul3A_1227 : f32
      %mul3A_1229 = arith.mulf %squeeze3A_1114, %squeeze3A_104 : f32
      %add3A_1230 = arith.addf %add3A_1228, %mul3A_1229 : f32
      %mul3A_1231 = arith.mulf %squeeze3A_1116, %squeeze3A_106 : f32
      %add3A_1232 = arith.addf %add3A_1230, %mul3A_1231 : f32
      %mul3A_1233 = arith.mulf %squeeze3A_1118, %squeeze3A_108 : f32
      %add3A_1234 = arith.addf %add3A_1232, %mul3A_1233 : f32
      %mul3A_1235 = arith.mulf %squeeze3A_1120, %squeeze3A_110 : f32
      %add3A_1236 = arith.addf %add3A_1234, %mul3A_1235 : f32
      %mul3A_1237 = arith.mulf %squeeze3A_1122, %squeeze3A_112 : f32
      %add3A_1238 = arith.addf %add3A_1236, %mul3A_1237 : f32
      %max3A_1239 = arith.constant 0.000000e+00 : f32
      %max3A_1240 = arith.maximumf %add3A_1238, %max3A_1239 : f32
      %mul3A_1241 = arith.mulf %squeeze3A_135, %max3A_1240 : f32
      %add3A_1242 = arith.addf %add3A_1218, %mul3A_1241 : f32
      %eq3A_1243 = arith.constant 6 : i32
      %eq3A_1244 = vector.broadcast %eq3A_1243 : i32 to vector<16xi32>
      %eq3A_1245 = arith.cmpi eq, %iota3A, %eq3A_1244 : vector<16xi32>
      %broadcast_in_dim3A_1246 = vector.broadcast %add3A_1242 : f32 to vector<16xf32>
      %select_n3A_1247 = arith.select %eq3A_1245, %broadcast_in_dim3A_1246, %select_n3A_1093 : vector<16xi1>, vector<16xf32>
      %scan3A_1248 = arith.constant 0 : i32
      %scan3A_1249 = arith.constant 25 : i32
      %scan3A_1250 = arith.addi %scan3A_1248, %scan3A_1249 : i32
      %scan3A_1251 = arith.constant 1 : i32
      %scan3A_1252:4 = scf.for %scan3A_2646 = %scan3A_1248 to %scan3A_1250 step %scan3A_1251 iter_args(%scan3A_2647 = %broadcast_in_dim3A_138, %scan3A_2648 = %broadcast_in_dim3A_138, %scan3A_2649 = %broadcast_in_dim3A_138, %scan3A_2650 = %broadcast_in_dim3A_138) -> (vector<16xf32>, vector<16xf32>, vector<16xf32>, vector<16xf32>)  : i32 {
        %mul3A_2651 = arith.constant 8 : i32
        %mul3A_2652 = arith.muli %scan3A_2646, %mul3A_2651 : i32
        %add3A_2653 = arith.constant 1400 : i32
        %add3A_2654 = arith.addi %add3A_2653, %mul3A_2652 : i32
        %get3A_2655 = arith.index_cast %rem3A_159 : i32 to index
        %get3A_2656 = arith.index_cast %add3A_2654 : i32 to index
        %get3A_2657 = arith.constant 0 : index
        %get3A_2658 = tpu.vector_load %arg7[%get3A_2655, %get3A_2656, %get3A_2657] {strides = array<i32>} : memref<2x3200x16xf32, #tpu.memory_space<vmem>>, vector<1x1x16xf32>,
        %get3A_2659 = vector.shape_cast %get3A_2658 : vector<1x1x16xf32> to vector<16xf32>
        %add3A_2660 = arith.addf %scan3A_2647, %get3A_2659 : vector<16xf32>
        %add3A_2661 = arith.constant 1 : i32
        %add3A_2662 = arith.addi %add3A_2654, %add3A_2661 : i32
        %get3A_2663 = arith.index_cast %rem3A_159 : i32 to index
        %get3A_2664 = arith.index_cast %add3A_2662 : i32 to index
        %get3A_2665 = arith.constant 0 : index
        %get3A_2666 = tpu.vector_load %arg7[%get3A_2663, %get3A_2664, %get3A_2665] {strides = array<i32>} : memref<2x3200x16xf32, #tpu.memory_space<vmem>>, vector<1x1x16xf32>,
        %get3A_2667 = vector.shape_cast %get3A_2666 : vector<1x1x16xf32> to vector<16xf32>
        %add3A_2668 = arith.addf %scan3A_2648, %get3A_2667 : vector<16xf32>
        %add3A_2669 = arith.constant 2 : i32
        %add3A_2670 = arith.addi %add3A_2654, %add3A_2669 : i32
        %get3A_2671 = arith.index_cast %rem3A_159 : i32 to index
        %get3A_2672 = arith.index_cast %add3A_2670 : i32 to index
        %get3A_2673 = arith.constant 0 : index
        %get3A_2674 = tpu.vector_load %arg7[%get3A_2671, %get3A_2672, %get3A_2673] {strides = array<i32>} : memref<2x3200x16xf32, #tpu.memory_space<vmem>>, vector<1x1x16xf32>,
        %get3A_2675 = vector.shape_cast %get3A_2674 : vector<1x1x16xf32> to vector<16xf32>
        %add3A_2676 = arith.addf %scan3A_2649, %get3A_2675 : vector<16xf32>
        %add3A_2677 = arith.constant 3 : i32
        %add3A_2678 = arith.addi %add3A_2654, %add3A_2677 : i32
        %get3A_2679 = arith.index_cast %rem3A_159 : i32 to index
        %get3A_2680 = arith.index_cast %add3A_2678 : i32 to index
        %get3A_2681 = arith.constant 0 : index
        %get3A_2682 = tpu.vector_load %arg7[%get3A_2679, %get3A_2680, %get3A_2681] {strides = array<i32>} : memref<2x3200x16xf32, #tpu.memory_space<vmem>>, vector<1x1x16xf32>,
        %get3A_2683 = vector.shape_cast %get3A_2682 : vector<1x1x16xf32> to vector<16xf32>
        %add3A_2684 = arith.addf %scan3A_2650, %get3A_2683 : vector<16xf32>
        %add3A_2685 = arith.constant 4 : i32
        %add3A_2686 = arith.addi %add3A_2654, %add3A_2685 : i32
        %get3A_2687 = arith.index_cast %rem3A_159 : i32 to index
        %get3A_2688 = arith.index_cast %add3A_2686 : i32 to index
        %get3A_2689 = arith.constant 0 : index
        %get3A_2690 = tpu.vector_load %arg7[%get3A_2687, %get3A_2688, %get3A_2689] {strides = array<i32>} : memref<2x3200x16xf32, #tpu.memory_space<vmem>>, vector<1x1x16xf32>,
        %get3A_2691 = vector.shape_cast %get3A_2690 : vector<1x1x16xf32> to vector<16xf32>
        %add3A_2692 = arith.addf %add3A_2660, %get3A_2691 : vector<16xf32>
        %add3A_2693 = arith.constant 5 : i32
        %add3A_2694 = arith.addi %add3A_2654, %add3A_2693 : i32
        %get3A_2695 = arith.index_cast %rem3A_159 : i32 to index
        %get3A_2696 = arith.index_cast %add3A_2694 : i32 to index
        %get3A_2697 = arith.constant 0 : index
        %get3A_2698 = tpu.vector_load %arg7[%get3A_2695, %get3A_2696, %get3A_2697] {strides = array<i32>} : memref<2x3200x16xf32, #tpu.memory_space<vmem>>, vector<1x1x16xf32>,
        %get3A_2699 = vector.shape_cast %get3A_2698 : vector<1x1x16xf32> to vector<16xf32>
        %add3A_2700 = arith.addf %add3A_2668, %get3A_2699 : vector<16xf32>
        %add3A_2701 = arith.constant 6 : i32
        %add3A_2702 = arith.addi %add3A_2654, %add3A_2701 : i32
        %get3A_2703 = arith.index_cast %rem3A_159 : i32 to index
        %get3A_2704 = arith.index_cast %add3A_2702 : i32 to index
        %get3A_2705 = arith.constant 0 : index
        %get3A_2706 = tpu.vector_load %arg7[%get3A_2703, %get3A_2704, %get3A_2705] {strides = array<i32>} : memref<2x3200x16xf32, #tpu.memory_space<vmem>>, vector<1x1x16xf32>,
        %get3A_2707 = vector.shape_cast %get3A_2706 : vector<1x1x16xf32> to vector<16xf32>
        %add3A_2708 = arith.addf %add3A_2676, %get3A_2707 : vector<16xf32>
        %add3A_2709 = arith.constant 7 : i32
        %add3A_2710 = arith.addi %add3A_2654, %add3A_2709 : i32
        %get3A_2711 = arith.index_cast %rem3A_159 : i32 to index
        %get3A_2712 = arith.index_cast %add3A_2710 : i32 to index
        %get3A_2713 = arith.constant 0 : index
        %get3A_2714 = tpu.vector_load %arg7[%get3A_2711, %get3A_2712, %get3A_2713] {strides = array<i32>} : memref<2x3200x16xf32, #tpu.memory_space<vmem>>, vector<1x1x16xf32>,
        %get3A_2715 = vector.shape_cast %get3A_2714 : vector<1x1x16xf32> to vector<16xf32>
        %add3A_2716 = arith.addf %add3A_2684, %get3A_2715 : vector<16xf32>
        scf.yield %add3A_2692, %add3A_2700, %add3A_2708, %add3A_2716 : vector<16xf32>, vector<16xf32>, vector<16xf32>, vector<16xf32>
      }
      %scan3A_1253 = arith.constant 25 : i32
      %add3A_1254 = arith.addf %scan3A_1252#0, %scan3A_1252#1 : vector<16xf32>
      %add3A_1255 = arith.addf %scan3A_1252#2, %scan3A_1252#3 : vector<16xf32>
      %add3A_1256 = arith.addf %add3A_1254, %add3A_1255 : vector<16xf32>
      %slice3A_1257 = vector.extract_strided_slice %add3A_1256 {offsets = [0], sizes = [1], strides = [1]} : vector<16xf32> to vector<1xf32>
      %squeeze3A_1258 = vector.extract %slice3A_1257[0] : f32 from vector<1xf32>
      %slice3A_1259 = vector.extract_strided_slice %add3A_1256 {offsets = [1], sizes = [1], strides = [1]} : vector<16xf32> to vector<1xf32>
      %squeeze3A_1260 = vector.extract %slice3A_1259[0] : f32 from vector<1xf32>
      %slice3A_1261 = vector.extract_strided_slice %add3A_1256 {offsets = [2], sizes = [1], strides = [1]} : vector<16xf32> to vector<1xf32>
      %squeeze3A_1262 = vector.extract %slice3A_1261[0] : f32 from vector<1xf32>
      %slice3A_1263 = vector.extract_strided_slice %add3A_1256 {offsets = [3], sizes = [1], strides = [1]} : vector<16xf32> to vector<1xf32>
      %squeeze3A_1264 = vector.extract %slice3A_1263[0] : f32 from vector<1xf32>
      %slice3A_1265 = vector.extract_strided_slice %add3A_1256 {offsets = [4], sizes = [1], strides = [1]} : vector<16xf32> to vector<1xf32>
      %squeeze3A_1266 = vector.extract %slice3A_1265[0] : f32 from vector<1xf32>
      %slice3A_1267 = vector.extract_strided_slice %add3A_1256 {offsets = [5], sizes = [1], strides = [1]} : vector<16xf32> to vector<1xf32>
      %squeeze3A_1268 = vector.extract %slice3A_1267[0] : f32 from vector<1xf32>
      %slice3A_1269 = vector.extract_strided_slice %add3A_1256 {offsets = [6], sizes = [1], strides = [1]} : vector<16xf32> to vector<1xf32>
      %squeeze3A_1270 = vector.extract %slice3A_1269[0] : f32 from vector<1xf32>
      %slice3A_1271 = vector.extract_strided_slice %add3A_1256 {offsets = [7], sizes = [1], strides = [1]} : vector<16xf32> to vector<1xf32>
      %squeeze3A_1272 = vector.extract %slice3A_1271[0] : f32 from vector<1xf32>
      %slice3A_1273 = vector.extract_strided_slice %add3A_1256 {offsets = [8], sizes = [1], strides = [1]} : vector<16xf32> to vector<1xf32>
      %squeeze3A_1274 = vector.extract %slice3A_1273[0] : f32 from vector<1xf32>
      %slice3A_1275 = vector.extract_strided_slice %add3A_1256 {offsets = [9], sizes = [1], strides = [1]} : vector<16xf32> to vector<1xf32>
      %squeeze3A_1276 = vector.extract %slice3A_1275[0] : f32 from vector<1xf32>
      %mul3A_1277 = arith.mulf %squeeze3A_1258, %squeeze3A : f32
      %add3A_1278 = arith.addf %squeeze3A_117, %mul3A_1277 : f32
      %mul3A_1279 = arith.mulf %squeeze3A_1260, %squeeze3A_16 : f32
      %add3A_1280 = arith.addf %add3A_1278, %mul3A_1279 : f32
      %mul3A_1281 = arith.mulf %squeeze3A_1262, %squeeze3A_18 : f32
      %add3A_1282 = arith.addf %add3A_1280, %mul3A_1281 : f32
      %mul3A_1283 = arith.mulf %squeeze3A_1264, %squeeze3A_20 : f32
      %add3A_1284 = arith.addf %add3A_1282, %mul3A_1283 : f32
      %mul3A_1285 = arith.mulf %squeeze3A_1266, %squeeze3A_22 : f32
      %add3A_1286 = arith.addf %add3A_1284, %mul3A_1285 : f32
      %mul3A_1287 = arith.mulf %squeeze3A_1268, %squeeze3A_24 : f32
      %add3A_1288 = arith.addf %add3A_1286, %mul3A_1287 : f32
      %mul3A_1289 = arith.mulf %squeeze3A_1270, %squeeze3A_26 : f32
      %add3A_1290 = arith.addf %add3A_1288, %mul3A_1289 : f32
      %mul3A_1291 = arith.mulf %squeeze3A_1272, %squeeze3A_28 : f32
      %add3A_1292 = arith.addf %add3A_1290, %mul3A_1291 : f32
      %mul3A_1293 = arith.mulf %squeeze3A_1274, %squeeze3A_30 : f32
      %add3A_1294 = arith.addf %add3A_1292, %mul3A_1293 : f32
      %mul3A_1295 = arith.mulf %squeeze3A_1276, %squeeze3A_32 : f32
      %add3A_1296 = arith.addf %add3A_1294, %mul3A_1295 : f32
      %max3A_1297 = arith.constant 0.000000e+00 : f32
      %max3A_1298 = arith.maximumf %add3A_1296, %max3A_1297 : f32
      %mul3A_1299 = arith.mulf %squeeze3A_127, %max3A_1298 : f32
      %add3A_1300 = arith.addf %squeeze3A_137, %mul3A_1299 : f32
      %mul3A_1301 = arith.mulf %squeeze3A_1258, %squeeze3A_34 : f32
      %add3A_1302 = arith.addf %squeeze3A_119, %mul3A_1301 : f32
      %mul3A_1303 = arith.mulf %squeeze3A_1260, %squeeze3A_36 : f32
      %add3A_1304 = arith.addf %add3A_1302, %mul3A_1303 : f32
      %mul3A_1305 = arith.mulf %squeeze3A_1262, %squeeze3A_38 : f32
      %add3A_1306 = arith.addf %add3A_1304, %mul3A_1305 : f32
      %mul3A_1307 = arith.mulf %squeeze3A_1264, %squeeze3A_40 : f32
      %add3A_1308 = arith.addf %add3A_1306, %mul3A_1307 : f32
      %mul3A_1309 = arith.mulf %squeeze3A_1266, %squeeze3A_42 : f32
      %add3A_1310 = arith.addf %add3A_1308, %mul3A_1309 : f32
      %mul3A_1311 = arith.mulf %squeeze3A_1268, %squeeze3A_44 : f32
      %add3A_1312 = arith.addf %add3A_1310, %mul3A_1311 : f32
      %mul3A_1313 = arith.mulf %squeeze3A_1270, %squeeze3A_46 : f32
      %add3A_1314 = arith.addf %add3A_1312, %mul3A_1313 : f32
      %mul3A_1315 = arith.mulf %squeeze3A_1272, %squeeze3A_48 : f32
      %add3A_1316 = arith.addf %add3A_1314, %mul3A_1315 : f32
      %mul3A_1317 = arith.mulf %squeeze3A_1274, %squeeze3A_50 : f32
      %add3A_1318 = arith.addf %add3A_1316, %mul3A_1317 : f32
      %mul3A_1319 = arith.mulf %squeeze3A_1276, %squeeze3A_52 : f32
      %add3A_1320 = arith.addf %add3A_1318, %mul3A_1319 : f32
      %max3A_1321 = arith.constant 0.000000e+00 : f32
      %max3A_1322 = arith.maximumf %add3A_1320, %max3A_1321 : f32
      %mul3A_1323 = arith.mulf %squeeze3A_129, %max3A_1322 : f32
      %add3A_1324 = arith.addf %add3A_1300, %mul3A_1323 : f32
      %mul3A_1325 = arith.mulf %squeeze3A_1258, %squeeze3A_54 : f32
      %add3A_1326 = arith.addf %squeeze3A_121, %mul3A_1325 : f32
      %mul3A_1327 = arith.mulf %squeeze3A_1260, %squeeze3A_56 : f32
      %add3A_1328 = arith.addf %add3A_1326, %mul3A_1327 : f32
      %mul3A_1329 = arith.mulf %squeeze3A_1262, %squeeze3A_58 : f32
      %add3A_1330 = arith.addf %add3A_1328, %mul3A_1329 : f32
      %mul3A_1331 = arith.mulf %squeeze3A_1264, %squeeze3A_60 : f32
      %add3A_1332 = arith.addf %add3A_1330, %mul3A_1331 : f32
      %mul3A_1333 = arith.mulf %squeeze3A_1266, %squeeze3A_62 : f32
      %add3A_1334 = arith.addf %add3A_1332, %mul3A_1333 : f32
      %mul3A_1335 = arith.mulf %squeeze3A_1268, %squeeze3A_64 : f32
      %add3A_1336 = arith.addf %add3A_1334, %mul3A_1335 : f32
      %mul3A_1337 = arith.mulf %squeeze3A_1270, %squeeze3A_66 : f32
      %add3A_1338 = arith.addf %add3A_1336, %mul3A_1337 : f32
      %mul3A_1339 = arith.mulf %squeeze3A_1272, %squeeze3A_68 : f32
      %add3A_1340 = arith.addf %add3A_1338, %mul3A_1339 : f32
      %mul3A_1341 = arith.mulf %squeeze3A_1274, %squeeze3A_70 : f32
      %add3A_1342 = arith.addf %add3A_1340, %mul3A_1341 : f32
      %mul3A_1343 = arith.mulf %squeeze3A_1276, %squeeze3A_72 : f32
      %add3A_1344 = arith.addf %add3A_1342, %mul3A_1343 : f32
      %max3A_1345 = arith.constant 0.000000e+00 : f32
      %max3A_1346 = arith.maximumf %add3A_1344, %max3A_1345 : f32
      %mul3A_1347 = arith.mulf %squeeze3A_131, %max3A_1346 : f32
      %add3A_1348 = arith.addf %add3A_1324, %mul3A_1347 : f32
      %mul3A_1349 = arith.mulf %squeeze3A_1258, %squeeze3A_74 : f32
      %add3A_1350 = arith.addf %squeeze3A_123, %mul3A_1349 : f32
      %mul3A_1351 = arith.mulf %squeeze3A_1260, %squeeze3A_76 : f32
      %add3A_1352 = arith.addf %add3A_1350, %mul3A_1351 : f32
      %mul3A_1353 = arith.mulf %squeeze3A_1262, %squeeze3A_78 : f32
      %add3A_1354 = arith.addf %add3A_1352, %mul3A_1353 : f32
      %mul3A_1355 = arith.mulf %squeeze3A_1264, %squeeze3A_80 : f32
      %add3A_1356 = arith.addf %add3A_1354, %mul3A_1355 : f32
      %mul3A_1357 = arith.mulf %squeeze3A_1266, %squeeze3A_82 : f32
      %add3A_1358 = arith.addf %add3A_1356, %mul3A_1357 : f32
      %mul3A_1359 = arith.mulf %squeeze3A_1268, %squeeze3A_84 : f32
      %add3A_1360 = arith.addf %add3A_1358, %mul3A_1359 : f32
      %mul3A_1361 = arith.mulf %squeeze3A_1270, %squeeze3A_86 : f32
      %add3A_1362 = arith.addf %add3A_1360, %mul3A_1361 : f32
      %mul3A_1363 = arith.mulf %squeeze3A_1272, %squeeze3A_88 : f32
      %add3A_1364 = arith.addf %add3A_1362, %mul3A_1363 : f32
      %mul3A_1365 = arith.mulf %squeeze3A_1274, %squeeze3A_90 : f32
      %add3A_1366 = arith.addf %add3A_1364, %mul3A_1365 : f32
      %mul3A_1367 = arith.mulf %squeeze3A_1276, %squeeze3A_92 : f32
      %add3A_1368 = arith.addf %add3A_1366, %mul3A_1367 : f32
      %max3A_1369 = arith.constant 0.000000e+00 : f32
      %max3A_1370 = arith.maximumf %add3A_1368, %max3A_1369 : f32
      %mul3A_1371 = arith.mulf %squeeze3A_133, %max3A_1370 : f32
      %add3A_1372 = arith.addf %add3A_1348, %mul3A_1371 : f32
      %mul3A_1373 = arith.mulf %squeeze3A_1258, %squeeze3A_94 : f32
      %add3A_1374 = arith.addf %squeeze3A_125, %mul3A_1373 : f32
      %mul3A_1375 = arith.mulf %squeeze3A_1260, %squeeze3A_96 : f32
      %add3A_1376 = arith.addf %add3A_1374, %mul3A_1375 : f32
      %mul3A_1377 = arith.mulf %squeeze3A_1262, %squeeze3A_98 : f32
      %add3A_1378 = arith.addf %add3A_1376, %mul3A_1377 : f32
      %mul3A_1379 = arith.mulf %squeeze3A_1264, %squeeze3A_100 : f32
      %add3A_1380 = arith.addf %add3A_1378, %mul3A_1379 : f32
      %mul3A_1381 = arith.mulf %squeeze3A_1266, %squeeze3A_102 : f32
      %add3A_1382 = arith.addf %add3A_1380, %mul3A_1381 : f32
      %mul3A_1383 = arith.mulf %squeeze3A_1268, %squeeze3A_104 : f32
      %add3A_1384 = arith.addf %add3A_1382, %mul3A_1383 : f32
      %mul3A_1385 = arith.mulf %squeeze3A_1270, %squeeze3A_106 : f32
      %add3A_1386 = arith.addf %add3A_1384, %mul3A_1385 : f32
      %mul3A_1387 = arith.mulf %squeeze3A_1272, %squeeze3A_108 : f32
      %add3A_1388 = arith.addf %add3A_1386, %mul3A_1387 : f32
      %mul3A_1389 = arith.mulf %squeeze3A_1274, %squeeze3A_110 : f32
      %add3A_1390 = arith.addf %add3A_1388, %mul3A_1389 : f32
      %mul3A_1391 = arith.mulf %squeeze3A_1276, %squeeze3A_112 : f32
      %add3A_1392 = arith.addf %add3A_1390, %mul3A_1391 : f32
      %max3A_1393 = arith.constant 0.000000e+00 : f32
      %max3A_1394 = arith.maximumf %add3A_1392, %max3A_1393 : f32
      %mul3A_1395 = arith.mulf %squeeze3A_135, %max3A_1394 : f32
      %add3A_1396 = arith.addf %add3A_1372, %mul3A_1395 : f32
      %eq3A_1397 = arith.constant 7 : i32
      %eq3A_1398 = vector.broadcast %eq3A_1397 : i32 to vector<16xi32>
      %eq3A_1399 = arith.cmpi eq, %iota3A, %eq3A_1398 : vector<16xi32>
      %broadcast_in_dim3A_1400 = vector.broadcast %add3A_1396 : f32 to vector<16xf32>
      %select_n3A_1401 = arith.select %eq3A_1399, %broadcast_in_dim3A_1400, %select_n3A_1247 : vector<16xi1>, vector<16xf32>
      %scan3A_1402 = arith.constant 0 : i32
      %scan3A_1403 = arith.constant 25 : i32
      %scan3A_1404 = arith.addi %scan3A_1402, %scan3A_1403 : i32
      %scan3A_1405 = arith.constant 1 : i32
      %scan3A_1406:4 = scf.for %scan3A_2646 = %scan3A_1402 to %scan3A_1404 step %scan3A_1405 iter_args(%scan3A_2647 = %broadcast_in_dim3A_138, %scan3A_2648 = %broadcast_in_dim3A_138, %scan3A_2649 = %broadcast_in_dim3A_138, %scan3A_2650 = %broadcast_in_dim3A_138) -> (vector<16xf32>, vector<16xf32>, vector<16xf32>, vector<16xf32>)  : i32 {
        %mul3A_2651 = arith.constant 8 : i32
        %mul3A_2652 = arith.muli %scan3A_2646, %mul3A_2651 : i32
        %add3A_2653 = arith.constant 1600 : i32
        %add3A_2654 = arith.addi %add3A_2653, %mul3A_2652 : i32
        %get3A_2655 = arith.index_cast %rem3A_159 : i32 to index
        %get3A_2656 = arith.index_cast %add3A_2654 : i32 to index
        %get3A_2657 = arith.constant 0 : index
        %get3A_2658 = tpu.vector_load %arg7[%get3A_2655, %get3A_2656, %get3A_2657] {strides = array<i32>} : memref<2x3200x16xf32, #tpu.memory_space<vmem>>, vector<1x1x16xf32>,
        %get3A_2659 = vector.shape_cast %get3A_2658 : vector<1x1x16xf32> to vector<16xf32>
        %add3A_2660 = arith.addf %scan3A_2647, %get3A_2659 : vector<16xf32>
        %add3A_2661 = arith.constant 1 : i32
        %add3A_2662 = arith.addi %add3A_2654, %add3A_2661 : i32
        %get3A_2663 = arith.index_cast %rem3A_159 : i32 to index
        %get3A_2664 = arith.index_cast %add3A_2662 : i32 to index
        %get3A_2665 = arith.constant 0 : index
        %get3A_2666 = tpu.vector_load %arg7[%get3A_2663, %get3A_2664, %get3A_2665] {strides = array<i32>} : memref<2x3200x16xf32, #tpu.memory_space<vmem>>, vector<1x1x16xf32>,
        %get3A_2667 = vector.shape_cast %get3A_2666 : vector<1x1x16xf32> to vector<16xf32>
        %add3A_2668 = arith.addf %scan3A_2648, %get3A_2667 : vector<16xf32>
        %add3A_2669 = arith.constant 2 : i32
        %add3A_2670 = arith.addi %add3A_2654, %add3A_2669 : i32
        %get3A_2671 = arith.index_cast %rem3A_159 : i32 to index
        %get3A_2672 = arith.index_cast %add3A_2670 : i32 to index
        %get3A_2673 = arith.constant 0 : index
        %get3A_2674 = tpu.vector_load %arg7[%get3A_2671, %get3A_2672, %get3A_2673] {strides = array<i32>} : memref<2x3200x16xf32, #tpu.memory_space<vmem>>, vector<1x1x16xf32>,
        %get3A_2675 = vector.shape_cast %get3A_2674 : vector<1x1x16xf32> to vector<16xf32>
        %add3A_2676 = arith.addf %scan3A_2649, %get3A_2675 : vector<16xf32>
        %add3A_2677 = arith.constant 3 : i32
        %add3A_2678 = arith.addi %add3A_2654, %add3A_2677 : i32
        %get3A_2679 = arith.index_cast %rem3A_159 : i32 to index
        %get3A_2680 = arith.index_cast %add3A_2678 : i32 to index
        %get3A_2681 = arith.constant 0 : index
        %get3A_2682 = tpu.vector_load %arg7[%get3A_2679, %get3A_2680, %get3A_2681] {strides = array<i32>} : memref<2x3200x16xf32, #tpu.memory_space<vmem>>, vector<1x1x16xf32>,
        %get3A_2683 = vector.shape_cast %get3A_2682 : vector<1x1x16xf32> to vector<16xf32>
        %add3A_2684 = arith.addf %scan3A_2650, %get3A_2683 : vector<16xf32>
        %add3A_2685 = arith.constant 4 : i32
        %add3A_2686 = arith.addi %add3A_2654, %add3A_2685 : i32
        %get3A_2687 = arith.index_cast %rem3A_159 : i32 to index
        %get3A_2688 = arith.index_cast %add3A_2686 : i32 to index
        %get3A_2689 = arith.constant 0 : index
        %get3A_2690 = tpu.vector_load %arg7[%get3A_2687, %get3A_2688, %get3A_2689] {strides = array<i32>} : memref<2x3200x16xf32, #tpu.memory_space<vmem>>, vector<1x1x16xf32>,
        %get3A_2691 = vector.shape_cast %get3A_2690 : vector<1x1x16xf32> to vector<16xf32>
        %add3A_2692 = arith.addf %add3A_2660, %get3A_2691 : vector<16xf32>
        %add3A_2693 = arith.constant 5 : i32
        %add3A_2694 = arith.addi %add3A_2654, %add3A_2693 : i32
        %get3A_2695 = arith.index_cast %rem3A_159 : i32 to index
        %get3A_2696 = arith.index_cast %add3A_2694 : i32 to index
        %get3A_2697 = arith.constant 0 : index
        %get3A_2698 = tpu.vector_load %arg7[%get3A_2695, %get3A_2696, %get3A_2697] {strides = array<i32>} : memref<2x3200x16xf32, #tpu.memory_space<vmem>>, vector<1x1x16xf32>,
        %get3A_2699 = vector.shape_cast %get3A_2698 : vector<1x1x16xf32> to vector<16xf32>
        %add3A_2700 = arith.addf %add3A_2668, %get3A_2699 : vector<16xf32>
        %add3A_2701 = arith.constant 6 : i32
        %add3A_2702 = arith.addi %add3A_2654, %add3A_2701 : i32
        %get3A_2703 = arith.index_cast %rem3A_159 : i32 to index
        %get3A_2704 = arith.index_cast %add3A_2702 : i32 to index
        %get3A_2705 = arith.constant 0 : index
        %get3A_2706 = tpu.vector_load %arg7[%get3A_2703, %get3A_2704, %get3A_2705] {strides = array<i32>} : memref<2x3200x16xf32, #tpu.memory_space<vmem>>, vector<1x1x16xf32>,
        %get3A_2707 = vector.shape_cast %get3A_2706 : vector<1x1x16xf32> to vector<16xf32>
        %add3A_2708 = arith.addf %add3A_2676, %get3A_2707 : vector<16xf32>
        %add3A_2709 = arith.constant 7 : i32
        %add3A_2710 = arith.addi %add3A_2654, %add3A_2709 : i32
        %get3A_2711 = arith.index_cast %rem3A_159 : i32 to index
        %get3A_2712 = arith.index_cast %add3A_2710 : i32 to index
        %get3A_2713 = arith.constant 0 : index
        %get3A_2714 = tpu.vector_load %arg7[%get3A_2711, %get3A_2712, %get3A_2713] {strides = array<i32>} : memref<2x3200x16xf32, #tpu.memory_space<vmem>>, vector<1x1x16xf32>,
        %get3A_2715 = vector.shape_cast %get3A_2714 : vector<1x1x16xf32> to vector<16xf32>
        %add3A_2716 = arith.addf %add3A_2684, %get3A_2715 : vector<16xf32>
        scf.yield %add3A_2692, %add3A_2700, %add3A_2708, %add3A_2716 : vector<16xf32>, vector<16xf32>, vector<16xf32>, vector<16xf32>
      }
      %scan3A_1407 = arith.constant 25 : i32
      %add3A_1408 = arith.addf %scan3A_1406#0, %scan3A_1406#1 : vector<16xf32>
      %add3A_1409 = arith.addf %scan3A_1406#2, %scan3A_1406#3 : vector<16xf32>
      %add3A_1410 = arith.addf %add3A_1408, %add3A_1409 : vector<16xf32>
      %slice3A_1411 = vector.extract_strided_slice %add3A_1410 {offsets = [0], sizes = [1], strides = [1]} : vector<16xf32> to vector<1xf32>
      %squeeze3A_1412 = vector.extract %slice3A_1411[0] : f32 from vector<1xf32>
      %slice3A_1413 = vector.extract_strided_slice %add3A_1410 {offsets = [1], sizes = [1], strides = [1]} : vector<16xf32> to vector<1xf32>
      %squeeze3A_1414 = vector.extract %slice3A_1413[0] : f32 from vector<1xf32>
      %slice3A_1415 = vector.extract_strided_slice %add3A_1410 {offsets = [2], sizes = [1], strides = [1]} : vector<16xf32> to vector<1xf32>
      %squeeze3A_1416 = vector.extract %slice3A_1415[0] : f32 from vector<1xf32>
      %slice3A_1417 = vector.extract_strided_slice %add3A_1410 {offsets = [3], sizes = [1], strides = [1]} : vector<16xf32> to vector<1xf32>
      %squeeze3A_1418 = vector.extract %slice3A_1417[0] : f32 from vector<1xf32>
      %slice3A_1419 = vector.extract_strided_slice %add3A_1410 {offsets = [4], sizes = [1], strides = [1]} : vector<16xf32> to vector<1xf32>
      %squeeze3A_1420 = vector.extract %slice3A_1419[0] : f32 from vector<1xf32>
      %slice3A_1421 = vector.extract_strided_slice %add3A_1410 {offsets = [5], sizes = [1], strides = [1]} : vector<16xf32> to vector<1xf32>
      %squeeze3A_1422 = vector.extract %slice3A_1421[0] : f32 from vector<1xf32>
      %slice3A_1423 = vector.extract_strided_slice %add3A_1410 {offsets = [6], sizes = [1], strides = [1]} : vector<16xf32> to vector<1xf32>
      %squeeze3A_1424 = vector.extract %slice3A_1423[0] : f32 from vector<1xf32>
      %slice3A_1425 = vector.extract_strided_slice %add3A_1410 {offsets = [7], sizes = [1], strides = [1]} : vector<16xf32> to vector<1xf32>
      %squeeze3A_1426 = vector.extract %slice3A_1425[0] : f32 from vector<1xf32>
      %slice3A_1427 = vector.extract_strided_slice %add3A_1410 {offsets = [8], sizes = [1], strides = [1]} : vector<16xf32> to vector<1xf32>
      %squeeze3A_1428 = vector.extract %slice3A_1427[0] : f32 from vector<1xf32>
      %slice3A_1429 = vector.extract_strided_slice %add3A_1410 {offsets = [9], sizes = [1], strides = [1]} : vector<16xf32> to vector<1xf32>
      %squeeze3A_1430 = vector.extract %slice3A_1429[0] : f32 from vector<1xf32>
      %mul3A_1431 = arith.mulf %squeeze3A_1412, %squeeze3A : f32
      %add3A_1432 = arith.addf %squeeze3A_117, %mul3A_1431 : f32
      %mul3A_1433 = arith.mulf %squeeze3A_1414, %squeeze3A_16 : f32
      %add3A_1434 = arith.addf %add3A_1432, %mul3A_1433 : f32
      %mul3A_1435 = arith.mulf %squeeze3A_1416, %squeeze3A_18 : f32
      %add3A_1436 = arith.addf %add3A_1434, %mul3A_1435 : f32
      %mul3A_1437 = arith.mulf %squeeze3A_1418, %squeeze3A_20 : f32
      %add3A_1438 = arith.addf %add3A_1436, %mul3A_1437 : f32
      %mul3A_1439 = arith.mulf %squeeze3A_1420, %squeeze3A_22 : f32
      %add3A_1440 = arith.addf %add3A_1438, %mul3A_1439 : f32
      %mul3A_1441 = arith.mulf %squeeze3A_1422, %squeeze3A_24 : f32
      %add3A_1442 = arith.addf %add3A_1440, %mul3A_1441 : f32
      %mul3A_1443 = arith.mulf %squeeze3A_1424, %squeeze3A_26 : f32
      %add3A_1444 = arith.addf %add3A_1442, %mul3A_1443 : f32
      %mul3A_1445 = arith.mulf %squeeze3A_1426, %squeeze3A_28 : f32
      %add3A_1446 = arith.addf %add3A_1444, %mul3A_1445 : f32
      %mul3A_1447 = arith.mulf %squeeze3A_1428, %squeeze3A_30 : f32
      %add3A_1448 = arith.addf %add3A_1446, %mul3A_1447 : f32
      %mul3A_1449 = arith.mulf %squeeze3A_1430, %squeeze3A_32 : f32
      %add3A_1450 = arith.addf %add3A_1448, %mul3A_1449 : f32
      %max3A_1451 = arith.constant 0.000000e+00 : f32
      %max3A_1452 = arith.maximumf %add3A_1450, %max3A_1451 : f32
      %mul3A_1453 = arith.mulf %squeeze3A_127, %max3A_1452 : f32
      %add3A_1454 = arith.addf %squeeze3A_137, %mul3A_1453 : f32
      %mul3A_1455 = arith.mulf %squeeze3A_1412, %squeeze3A_34 : f32
      %add3A_1456 = arith.addf %squeeze3A_119, %mul3A_1455 : f32
      %mul3A_1457 = arith.mulf %squeeze3A_1414, %squeeze3A_36 : f32
      %add3A_1458 = arith.addf %add3A_1456, %mul3A_1457 : f32
      %mul3A_1459 = arith.mulf %squeeze3A_1416, %squeeze3A_38 : f32
      %add3A_1460 = arith.addf %add3A_1458, %mul3A_1459 : f32
      %mul3A_1461 = arith.mulf %squeeze3A_1418, %squeeze3A_40 : f32
      %add3A_1462 = arith.addf %add3A_1460, %mul3A_1461 : f32
      %mul3A_1463 = arith.mulf %squeeze3A_1420, %squeeze3A_42 : f32
      %add3A_1464 = arith.addf %add3A_1462, %mul3A_1463 : f32
      %mul3A_1465 = arith.mulf %squeeze3A_1422, %squeeze3A_44 : f32
      %add3A_1466 = arith.addf %add3A_1464, %mul3A_1465 : f32
      %mul3A_1467 = arith.mulf %squeeze3A_1424, %squeeze3A_46 : f32
      %add3A_1468 = arith.addf %add3A_1466, %mul3A_1467 : f32
      %mul3A_1469 = arith.mulf %squeeze3A_1426, %squeeze3A_48 : f32
      %add3A_1470 = arith.addf %add3A_1468, %mul3A_1469 : f32
      %mul3A_1471 = arith.mulf %squeeze3A_1428, %squeeze3A_50 : f32
      %add3A_1472 = arith.addf %add3A_1470, %mul3A_1471 : f32
      %mul3A_1473 = arith.mulf %squeeze3A_1430, %squeeze3A_52 : f32
      %add3A_1474 = arith.addf %add3A_1472, %mul3A_1473 : f32
      %max3A_1475 = arith.constant 0.000000e+00 : f32
      %max3A_1476 = arith.maximumf %add3A_1474, %max3A_1475 : f32
      %mul3A_1477 = arith.mulf %squeeze3A_129, %max3A_1476 : f32
      %add3A_1478 = arith.addf %add3A_1454, %mul3A_1477 : f32
      %mul3A_1479 = arith.mulf %squeeze3A_1412, %squeeze3A_54 : f32
      %add3A_1480 = arith.addf %squeeze3A_121, %mul3A_1479 : f32
      %mul3A_1481 = arith.mulf %squeeze3A_1414, %squeeze3A_56 : f32
      %add3A_1482 = arith.addf %add3A_1480, %mul3A_1481 : f32
      %mul3A_1483 = arith.mulf %squeeze3A_1416, %squeeze3A_58 : f32
      %add3A_1484 = arith.addf %add3A_1482, %mul3A_1483 : f32
      %mul3A_1485 = arith.mulf %squeeze3A_1418, %squeeze3A_60 : f32
      %add3A_1486 = arith.addf %add3A_1484, %mul3A_1485 : f32
      %mul3A_1487 = arith.mulf %squeeze3A_1420, %squeeze3A_62 : f32
      %add3A_1488 = arith.addf %add3A_1486, %mul3A_1487 : f32
      %mul3A_1489 = arith.mulf %squeeze3A_1422, %squeeze3A_64 : f32
      %add3A_1490 = arith.addf %add3A_1488, %mul3A_1489 : f32
      %mul3A_1491 = arith.mulf %squeeze3A_1424, %squeeze3A_66 : f32
      %add3A_1492 = arith.addf %add3A_1490, %mul3A_1491 : f32
      %mul3A_1493 = arith.mulf %squeeze3A_1426, %squeeze3A_68 : f32
      %add3A_1494 = arith.addf %add3A_1492, %mul3A_1493 : f32
      %mul3A_1495 = arith.mulf %squeeze3A_1428, %squeeze3A_70 : f32
      %add3A_1496 = arith.addf %add3A_1494, %mul3A_1495 : f32
      %mul3A_1497 = arith.mulf %squeeze3A_1430, %squeeze3A_72 : f32
      %add3A_1498 = arith.addf %add3A_1496, %mul3A_1497 : f32
      %max3A_1499 = arith.constant 0.000000e+00 : f32
      %max3A_1500 = arith.maximumf %add3A_1498, %max3A_1499 : f32
      %mul3A_1501 = arith.mulf %squeeze3A_131, %max3A_1500 : f32
      %add3A_1502 = arith.addf %add3A_1478, %mul3A_1501 : f32
      %mul3A_1503 = arith.mulf %squeeze3A_1412, %squeeze3A_74 : f32
      %add3A_1504 = arith.addf %squeeze3A_123, %mul3A_1503 : f32
      %mul3A_1505 = arith.mulf %squeeze3A_1414, %squeeze3A_76 : f32
      %add3A_1506 = arith.addf %add3A_1504, %mul3A_1505 : f32
      %mul3A_1507 = arith.mulf %squeeze3A_1416, %squeeze3A_78 : f32
      %add3A_1508 = arith.addf %add3A_1506, %mul3A_1507 : f32
      %mul3A_1509 = arith.mulf %squeeze3A_1418, %squeeze3A_80 : f32
      %add3A_1510 = arith.addf %add3A_1508, %mul3A_1509 : f32
      %mul3A_1511 = arith.mulf %squeeze3A_1420, %squeeze3A_82 : f32
      %add3A_1512 = arith.addf %add3A_1510, %mul3A_1511 : f32
      %mul3A_1513 = arith.mulf %squeeze3A_1422, %squeeze3A_84 : f32
      %add3A_1514 = arith.addf %add3A_1512, %mul3A_1513 : f32
      %mul3A_1515 = arith.mulf %squeeze3A_1424, %squeeze3A_86 : f32
      %add3A_1516 = arith.addf %add3A_1514, %mul3A_1515 : f32
      %mul3A_1517 = arith.mulf %squeeze3A_1426, %squeeze3A_88 : f32
      %add3A_1518 = arith.addf %add3A_1516, %mul3A_1517 : f32
      %mul3A_1519 = arith.mulf %squeeze3A_1428, %squeeze3A_90 : f32
      %add3A_1520 = arith.addf %add3A_1518, %mul3A_1519 : f32
      %mul3A_1521 = arith.mulf %squeeze3A_1430, %squeeze3A_92 : f32
      %add3A_1522 = arith.addf %add3A_1520, %mul3A_1521 : f32
      %max3A_1523 = arith.constant 0.000000e+00 : f32
      %max3A_1524 = arith.maximumf %add3A_1522, %max3A_1523 : f32
      %mul3A_1525 = arith.mulf %squeeze3A_133, %max3A_1524 : f32
      %add3A_1526 = arith.addf %add3A_1502, %mul3A_1525 : f32
      %mul3A_1527 = arith.mulf %squeeze3A_1412, %squeeze3A_94 : f32
      %add3A_1528 = arith.addf %squeeze3A_125, %mul3A_1527 : f32
      %mul3A_1529 = arith.mulf %squeeze3A_1414, %squeeze3A_96 : f32
      %add3A_1530 = arith.addf %add3A_1528, %mul3A_1529 : f32
      %mul3A_1531 = arith.mulf %squeeze3A_1416, %squeeze3A_98 : f32
      %add3A_1532 = arith.addf %add3A_1530, %mul3A_1531 : f32
      %mul3A_1533 = arith.mulf %squeeze3A_1418, %squeeze3A_100 : f32
      %add3A_1534 = arith.addf %add3A_1532, %mul3A_1533 : f32
      %mul3A_1535 = arith.mulf %squeeze3A_1420, %squeeze3A_102 : f32
      %add3A_1536 = arith.addf %add3A_1534, %mul3A_1535 : f32
      %mul3A_1537 = arith.mulf %squeeze3A_1422, %squeeze3A_104 : f32
      %add3A_1538 = arith.addf %add3A_1536, %mul3A_1537 : f32
      %mul3A_1539 = arith.mulf %squeeze3A_1424, %squeeze3A_106 : f32
      %add3A_1540 = arith.addf %add3A_1538, %mul3A_1539 : f32
      %mul3A_1541 = arith.mulf %squeeze3A_1426, %squeeze3A_108 : f32
      %add3A_1542 = arith.addf %add3A_1540, %mul3A_1541 : f32
      %mul3A_1543 = arith.mulf %squeeze3A_1428, %squeeze3A_110 : f32
      %add3A_1544 = arith.addf %add3A_1542, %mul3A_1543 : f32
      %mul3A_1545 = arith.mulf %squeeze3A_1430, %squeeze3A_112 : f32
      %add3A_1546 = arith.addf %add3A_1544, %mul3A_1545 : f32
      %max3A_1547 = arith.constant 0.000000e+00 : f32
      %max3A_1548 = arith.maximumf %add3A_1546, %max3A_1547 : f32
      %mul3A_1549 = arith.mulf %squeeze3A_135, %max3A_1548 : f32
      %add3A_1550 = arith.addf %add3A_1526, %mul3A_1549 : f32
      %eq3A_1551 = arith.constant 8 : i32
      %eq3A_1552 = vector.broadcast %eq3A_1551 : i32 to vector<16xi32>
      %eq3A_1553 = arith.cmpi eq, %iota3A, %eq3A_1552 : vector<16xi32>
      %broadcast_in_dim3A_1554 = vector.broadcast %add3A_1550 : f32 to vector<16xf32>
      %select_n3A_1555 = arith.select %eq3A_1553, %broadcast_in_dim3A_1554, %select_n3A_1401 : vector<16xi1>, vector<16xf32>
      %scan3A_1556 = arith.constant 0 : i32
      %scan3A_1557 = arith.constant 25 : i32
      %scan3A_1558 = arith.addi %scan3A_1556, %scan3A_1557 : i32
      %scan3A_1559 = arith.constant 1 : i32
      %scan3A_1560:4 = scf.for %scan3A_2646 = %scan3A_1556 to %scan3A_1558 step %scan3A_1559 iter_args(%scan3A_2647 = %broadcast_in_dim3A_138, %scan3A_2648 = %broadcast_in_dim3A_138, %scan3A_2649 = %broadcast_in_dim3A_138, %scan3A_2650 = %broadcast_in_dim3A_138) -> (vector<16xf32>, vector<16xf32>, vector<16xf32>, vector<16xf32>)  : i32 {
        %mul3A_2651 = arith.constant 8 : i32
        %mul3A_2652 = arith.muli %scan3A_2646, %mul3A_2651 : i32
        %add3A_2653 = arith.constant 1800 : i32
        %add3A_2654 = arith.addi %add3A_2653, %mul3A_2652 : i32
        %get3A_2655 = arith.index_cast %rem3A_159 : i32 to index
        %get3A_2656 = arith.index_cast %add3A_2654 : i32 to index
        %get3A_2657 = arith.constant 0 : index
        %get3A_2658 = tpu.vector_load %arg7[%get3A_2655, %get3A_2656, %get3A_2657] {strides = array<i32>} : memref<2x3200x16xf32, #tpu.memory_space<vmem>>, vector<1x1x16xf32>,
        %get3A_2659 = vector.shape_cast %get3A_2658 : vector<1x1x16xf32> to vector<16xf32>
        %add3A_2660 = arith.addf %scan3A_2647, %get3A_2659 : vector<16xf32>
        %add3A_2661 = arith.constant 1 : i32
        %add3A_2662 = arith.addi %add3A_2654, %add3A_2661 : i32
        %get3A_2663 = arith.index_cast %rem3A_159 : i32 to index
        %get3A_2664 = arith.index_cast %add3A_2662 : i32 to index
        %get3A_2665 = arith.constant 0 : index
        %get3A_2666 = tpu.vector_load %arg7[%get3A_2663, %get3A_2664, %get3A_2665] {strides = array<i32>} : memref<2x3200x16xf32, #tpu.memory_space<vmem>>, vector<1x1x16xf32>,
        %get3A_2667 = vector.shape_cast %get3A_2666 : vector<1x1x16xf32> to vector<16xf32>
        %add3A_2668 = arith.addf %scan3A_2648, %get3A_2667 : vector<16xf32>
        %add3A_2669 = arith.constant 2 : i32
        %add3A_2670 = arith.addi %add3A_2654, %add3A_2669 : i32
        %get3A_2671 = arith.index_cast %rem3A_159 : i32 to index
        %get3A_2672 = arith.index_cast %add3A_2670 : i32 to index
        %get3A_2673 = arith.constant 0 : index
        %get3A_2674 = tpu.vector_load %arg7[%get3A_2671, %get3A_2672, %get3A_2673] {strides = array<i32>} : memref<2x3200x16xf32, #tpu.memory_space<vmem>>, vector<1x1x16xf32>,
        %get3A_2675 = vector.shape_cast %get3A_2674 : vector<1x1x16xf32> to vector<16xf32>
        %add3A_2676 = arith.addf %scan3A_2649, %get3A_2675 : vector<16xf32>
        %add3A_2677 = arith.constant 3 : i32
        %add3A_2678 = arith.addi %add3A_2654, %add3A_2677 : i32
        %get3A_2679 = arith.index_cast %rem3A_159 : i32 to index
        %get3A_2680 = arith.index_cast %add3A_2678 : i32 to index
        %get3A_2681 = arith.constant 0 : index
        %get3A_2682 = tpu.vector_load %arg7[%get3A_2679, %get3A_2680, %get3A_2681] {strides = array<i32>} : memref<2x3200x16xf32, #tpu.memory_space<vmem>>, vector<1x1x16xf32>,
        %get3A_2683 = vector.shape_cast %get3A_2682 : vector<1x1x16xf32> to vector<16xf32>
        %add3A_2684 = arith.addf %scan3A_2650, %get3A_2683 : vector<16xf32>
        %add3A_2685 = arith.constant 4 : i32
        %add3A_2686 = arith.addi %add3A_2654, %add3A_2685 : i32
        %get3A_2687 = arith.index_cast %rem3A_159 : i32 to index
        %get3A_2688 = arith.index_cast %add3A_2686 : i32 to index
        %get3A_2689 = arith.constant 0 : index
        %get3A_2690 = tpu.vector_load %arg7[%get3A_2687, %get3A_2688, %get3A_2689] {strides = array<i32>} : memref<2x3200x16xf32, #tpu.memory_space<vmem>>, vector<1x1x16xf32>,
        %get3A_2691 = vector.shape_cast %get3A_2690 : vector<1x1x16xf32> to vector<16xf32>
        %add3A_2692 = arith.addf %add3A_2660, %get3A_2691 : vector<16xf32>
        %add3A_2693 = arith.constant 5 : i32
        %add3A_2694 = arith.addi %add3A_2654, %add3A_2693 : i32
        %get3A_2695 = arith.index_cast %rem3A_159 : i32 to index
        %get3A_2696 = arith.index_cast %add3A_2694 : i32 to index
        %get3A_2697 = arith.constant 0 : index
        %get3A_2698 = tpu.vector_load %arg7[%get3A_2695, %get3A_2696, %get3A_2697] {strides = array<i32>} : memref<2x3200x16xf32, #tpu.memory_space<vmem>>, vector<1x1x16xf32>,
        %get3A_2699 = vector.shape_cast %get3A_2698 : vector<1x1x16xf32> to vector<16xf32>
        %add3A_2700 = arith.addf %add3A_2668, %get3A_2699 : vector<16xf32>
        %add3A_2701 = arith.constant 6 : i32
        %add3A_2702 = arith.addi %add3A_2654, %add3A_2701 : i32
        %get3A_2703 = arith.index_cast %rem3A_159 : i32 to index
        %get3A_2704 = arith.index_cast %add3A_2702 : i32 to index
        %get3A_2705 = arith.constant 0 : index
        %get3A_2706 = tpu.vector_load %arg7[%get3A_2703, %get3A_2704, %get3A_2705] {strides = array<i32>} : memref<2x3200x16xf32, #tpu.memory_space<vmem>>, vector<1x1x16xf32>,
        %get3A_2707 = vector.shape_cast %get3A_2706 : vector<1x1x16xf32> to vector<16xf32>
        %add3A_2708 = arith.addf %add3A_2676, %get3A_2707 : vector<16xf32>
        %add3A_2709 = arith.constant 7 : i32
        %add3A_2710 = arith.addi %add3A_2654, %add3A_2709 : i32
        %get3A_2711 = arith.index_cast %rem3A_159 : i32 to index
        %get3A_2712 = arith.index_cast %add3A_2710 : i32 to index
        %get3A_2713 = arith.constant 0 : index
        %get3A_2714 = tpu.vector_load %arg7[%get3A_2711, %get3A_2712, %get3A_2713] {strides = array<i32>} : memref<2x3200x16xf32, #tpu.memory_space<vmem>>, vector<1x1x16xf32>,
        %get3A_2715 = vector.shape_cast %get3A_2714 : vector<1x1x16xf32> to vector<16xf32>
        %add3A_2716 = arith.addf %add3A_2684, %get3A_2715 : vector<16xf32>
        scf.yield %add3A_2692, %add3A_2700, %add3A_2708, %add3A_2716 : vector<16xf32>, vector<16xf32>, vector<16xf32>, vector<16xf32>
      }
      %scan3A_1561 = arith.constant 25 : i32
      %add3A_1562 = arith.addf %scan3A_1560#0, %scan3A_1560#1 : vector<16xf32>
      %add3A_1563 = arith.addf %scan3A_1560#2, %scan3A_1560#3 : vector<16xf32>
      %add3A_1564 = arith.addf %add3A_1562, %add3A_1563 : vector<16xf32>
      %slice3A_1565 = vector.extract_strided_slice %add3A_1564 {offsets = [0], sizes = [1], strides = [1]} : vector<16xf32> to vector<1xf32>
      %squeeze3A_1566 = vector.extract %slice3A_1565[0] : f32 from vector<1xf32>
      %slice3A_1567 = vector.extract_strided_slice %add3A_1564 {offsets = [1], sizes = [1], strides = [1]} : vector<16xf32> to vector<1xf32>
      %squeeze3A_1568 = vector.extract %slice3A_1567[0] : f32 from vector<1xf32>
      %slice3A_1569 = vector.extract_strided_slice %add3A_1564 {offsets = [2], sizes = [1], strides = [1]} : vector<16xf32> to vector<1xf32>
      %squeeze3A_1570 = vector.extract %slice3A_1569[0] : f32 from vector<1xf32>
      %slice3A_1571 = vector.extract_strided_slice %add3A_1564 {offsets = [3], sizes = [1], strides = [1]} : vector<16xf32> to vector<1xf32>
      %squeeze3A_1572 = vector.extract %slice3A_1571[0] : f32 from vector<1xf32>
      %slice3A_1573 = vector.extract_strided_slice %add3A_1564 {offsets = [4], sizes = [1], strides = [1]} : vector<16xf32> to vector<1xf32>
      %squeeze3A_1574 = vector.extract %slice3A_1573[0] : f32 from vector<1xf32>
      %slice3A_1575 = vector.extract_strided_slice %add3A_1564 {offsets = [5], sizes = [1], strides = [1]} : vector<16xf32> to vector<1xf32>
      %squeeze3A_1576 = vector.extract %slice3A_1575[0] : f32 from vector<1xf32>
      %slice3A_1577 = vector.extract_strided_slice %add3A_1564 {offsets = [6], sizes = [1], strides = [1]} : vector<16xf32> to vector<1xf32>
      %squeeze3A_1578 = vector.extract %slice3A_1577[0] : f32 from vector<1xf32>
      %slice3A_1579 = vector.extract_strided_slice %add3A_1564 {offsets = [7], sizes = [1], strides = [1]} : vector<16xf32> to vector<1xf32>
      %squeeze3A_1580 = vector.extract %slice3A_1579[0] : f32 from vector<1xf32>
      %slice3A_1581 = vector.extract_strided_slice %add3A_1564 {offsets = [8], sizes = [1], strides = [1]} : vector<16xf32> to vector<1xf32>
      %squeeze3A_1582 = vector.extract %slice3A_1581[0] : f32 from vector<1xf32>
      %slice3A_1583 = vector.extract_strided_slice %add3A_1564 {offsets = [9], sizes = [1], strides = [1]} : vector<16xf32> to vector<1xf32>
      %squeeze3A_1584 = vector.extract %slice3A_1583[0] : f32 from vector<1xf32>
      %mul3A_1585 = arith.mulf %squeeze3A_1566, %squeeze3A : f32
      %add3A_1586 = arith.addf %squeeze3A_117, %mul3A_1585 : f32
      %mul3A_1587 = arith.mulf %squeeze3A_1568, %squeeze3A_16 : f32
      %add3A_1588 = arith.addf %add3A_1586, %mul3A_1587 : f32
      %mul3A_1589 = arith.mulf %squeeze3A_1570, %squeeze3A_18 : f32
      %add3A_1590 = arith.addf %add3A_1588, %mul3A_1589 : f32
      %mul3A_1591 = arith.mulf %squeeze3A_1572, %squeeze3A_20 : f32
      %add3A_1592 = arith.addf %add3A_1590, %mul3A_1591 : f32
      %mul3A_1593 = arith.mulf %squeeze3A_1574, %squeeze3A_22 : f32
      %add3A_1594 = arith.addf %add3A_1592, %mul3A_1593 : f32
      %mul3A_1595 = arith.mulf %squeeze3A_1576, %squeeze3A_24 : f32
      %add3A_1596 = arith.addf %add3A_1594, %mul3A_1595 : f32
      %mul3A_1597 = arith.mulf %squeeze3A_1578, %squeeze3A_26 : f32
      %add3A_1598 = arith.addf %add3A_1596, %mul3A_1597 : f32
      %mul3A_1599 = arith.mulf %squeeze3A_1580, %squeeze3A_28 : f32
      %add3A_1600 = arith.addf %add3A_1598, %mul3A_1599 : f32
      %mul3A_1601 = arith.mulf %squeeze3A_1582, %squeeze3A_30 : f32
      %add3A_1602 = arith.addf %add3A_1600, %mul3A_1601 : f32
      %mul3A_1603 = arith.mulf %squeeze3A_1584, %squeeze3A_32 : f32
      %add3A_1604 = arith.addf %add3A_1602, %mul3A_1603 : f32
      %max3A_1605 = arith.constant 0.000000e+00 : f32
      %max3A_1606 = arith.maximumf %add3A_1604, %max3A_1605 : f32
      %mul3A_1607 = arith.mulf %squeeze3A_127, %max3A_1606 : f32
      %add3A_1608 = arith.addf %squeeze3A_137, %mul3A_1607 : f32
      %mul3A_1609 = arith.mulf %squeeze3A_1566, %squeeze3A_34 : f32
      %add3A_1610 = arith.addf %squeeze3A_119, %mul3A_1609 : f32
      %mul3A_1611 = arith.mulf %squeeze3A_1568, %squeeze3A_36 : f32
      %add3A_1612 = arith.addf %add3A_1610, %mul3A_1611 : f32
      %mul3A_1613 = arith.mulf %squeeze3A_1570, %squeeze3A_38 : f32
      %add3A_1614 = arith.addf %add3A_1612, %mul3A_1613 : f32
      %mul3A_1615 = arith.mulf %squeeze3A_1572, %squeeze3A_40 : f32
      %add3A_1616 = arith.addf %add3A_1614, %mul3A_1615 : f32
      %mul3A_1617 = arith.mulf %squeeze3A_1574, %squeeze3A_42 : f32
      %add3A_1618 = arith.addf %add3A_1616, %mul3A_1617 : f32
      %mul3A_1619 = arith.mulf %squeeze3A_1576, %squeeze3A_44 : f32
      %add3A_1620 = arith.addf %add3A_1618, %mul3A_1619 : f32
      %mul3A_1621 = arith.mulf %squeeze3A_1578, %squeeze3A_46 : f32
      %add3A_1622 = arith.addf %add3A_1620, %mul3A_1621 : f32
      %mul3A_1623 = arith.mulf %squeeze3A_1580, %squeeze3A_48 : f32
      %add3A_1624 = arith.addf %add3A_1622, %mul3A_1623 : f32
      %mul3A_1625 = arith.mulf %squeeze3A_1582, %squeeze3A_50 : f32
      %add3A_1626 = arith.addf %add3A_1624, %mul3A_1625 : f32
      %mul3A_1627 = arith.mulf %squeeze3A_1584, %squeeze3A_52 : f32
      %add3A_1628 = arith.addf %add3A_1626, %mul3A_1627 : f32
      %max3A_1629 = arith.constant 0.000000e+00 : f32
      %max3A_1630 = arith.maximumf %add3A_1628, %max3A_1629 : f32
      %mul3A_1631 = arith.mulf %squeeze3A_129, %max3A_1630 : f32
      %add3A_1632 = arith.addf %add3A_1608, %mul3A_1631 : f32
      %mul3A_1633 = arith.mulf %squeeze3A_1566, %squeeze3A_54 : f32
      %add3A_1634 = arith.addf %squeeze3A_121, %mul3A_1633 : f32
      %mul3A_1635 = arith.mulf %squeeze3A_1568, %squeeze3A_56 : f32
      %add3A_1636 = arith.addf %add3A_1634, %mul3A_1635 : f32
      %mul3A_1637 = arith.mulf %squeeze3A_1570, %squeeze3A_58 : f32
      %add3A_1638 = arith.addf %add3A_1636, %mul3A_1637 : f32
      %mul3A_1639 = arith.mulf %squeeze3A_1572, %squeeze3A_60 : f32
      %add3A_1640 = arith.addf %add3A_1638, %mul3A_1639 : f32
      %mul3A_1641 = arith.mulf %squeeze3A_1574, %squeeze3A_62 : f32
      %add3A_1642 = arith.addf %add3A_1640, %mul3A_1641 : f32
      %mul3A_1643 = arith.mulf %squeeze3A_1576, %squeeze3A_64 : f32
      %add3A_1644 = arith.addf %add3A_1642, %mul3A_1643 : f32
      %mul3A_1645 = arith.mulf %squeeze3A_1578, %squeeze3A_66 : f32
      %add3A_1646 = arith.addf %add3A_1644, %mul3A_1645 : f32
      %mul3A_1647 = arith.mulf %squeeze3A_1580, %squeeze3A_68 : f32
      %add3A_1648 = arith.addf %add3A_1646, %mul3A_1647 : f32
      %mul3A_1649 = arith.mulf %squeeze3A_1582, %squeeze3A_70 : f32
      %add3A_1650 = arith.addf %add3A_1648, %mul3A_1649 : f32
      %mul3A_1651 = arith.mulf %squeeze3A_1584, %squeeze3A_72 : f32
      %add3A_1652 = arith.addf %add3A_1650, %mul3A_1651 : f32
      %max3A_1653 = arith.constant 0.000000e+00 : f32
      %max3A_1654 = arith.maximumf %add3A_1652, %max3A_1653 : f32
      %mul3A_1655 = arith.mulf %squeeze3A_131, %max3A_1654 : f32
      %add3A_1656 = arith.addf %add3A_1632, %mul3A_1655 : f32
      %mul3A_1657 = arith.mulf %squeeze3A_1566, %squeeze3A_74 : f32
      %add3A_1658 = arith.addf %squeeze3A_123, %mul3A_1657 : f32
      %mul3A_1659 = arith.mulf %squeeze3A_1568, %squeeze3A_76 : f32
      %add3A_1660 = arith.addf %add3A_1658, %mul3A_1659 : f32
      %mul3A_1661 = arith.mulf %squeeze3A_1570, %squeeze3A_78 : f32
      %add3A_1662 = arith.addf %add3A_1660, %mul3A_1661 : f32
      %mul3A_1663 = arith.mulf %squeeze3A_1572, %squeeze3A_80 : f32
      %add3A_1664 = arith.addf %add3A_1662, %mul3A_1663 : f32
      %mul3A_1665 = arith.mulf %squeeze3A_1574, %squeeze3A_82 : f32
      %add3A_1666 = arith.addf %add3A_1664, %mul3A_1665 : f32
      %mul3A_1667 = arith.mulf %squeeze3A_1576, %squeeze3A_84 : f32
      %add3A_1668 = arith.addf %add3A_1666, %mul3A_1667 : f32
      %mul3A_1669 = arith.mulf %squeeze3A_1578, %squeeze3A_86 : f32
      %add3A_1670 = arith.addf %add3A_1668, %mul3A_1669 : f32
      %mul3A_1671 = arith.mulf %squeeze3A_1580, %squeeze3A_88 : f32
      %add3A_1672 = arith.addf %add3A_1670, %mul3A_1671 : f32
      %mul3A_1673 = arith.mulf %squeeze3A_1582, %squeeze3A_90 : f32
      %add3A_1674 = arith.addf %add3A_1672, %mul3A_1673 : f32
      %mul3A_1675 = arith.mulf %squeeze3A_1584, %squeeze3A_92 : f32
      %add3A_1676 = arith.addf %add3A_1674, %mul3A_1675 : f32
      %max3A_1677 = arith.constant 0.000000e+00 : f32
      %max3A_1678 = arith.maximumf %add3A_1676, %max3A_1677 : f32
      %mul3A_1679 = arith.mulf %squeeze3A_133, %max3A_1678 : f32
      %add3A_1680 = arith.addf %add3A_1656, %mul3A_1679 : f32
      %mul3A_1681 = arith.mulf %squeeze3A_1566, %squeeze3A_94 : f32
      %add3A_1682 = arith.addf %squeeze3A_125, %mul3A_1681 : f32
      %mul3A_1683 = arith.mulf %squeeze3A_1568, %squeeze3A_96 : f32
      %add3A_1684 = arith.addf %add3A_1682, %mul3A_1683 : f32
      %mul3A_1685 = arith.mulf %squeeze3A_1570, %squeeze3A_98 : f32
      %add3A_1686 = arith.addf %add3A_1684, %mul3A_1685 : f32
      %mul3A_1687 = arith.mulf %squeeze3A_1572, %squeeze3A_100 : f32
      %add3A_1688 = arith.addf %add3A_1686, %mul3A_1687 : f32
      %mul3A_1689 = arith.mulf %squeeze3A_1574, %squeeze3A_102 : f32
      %add3A_1690 = arith.addf %add3A_1688, %mul3A_1689 : f32
      %mul3A_1691 = arith.mulf %squeeze3A_1576, %squeeze3A_104 : f32
      %add3A_1692 = arith.addf %add3A_1690, %mul3A_1691 : f32
      %mul3A_1693 = arith.mulf %squeeze3A_1578, %squeeze3A_106 : f32
      %add3A_1694 = arith.addf %add3A_1692, %mul3A_1693 : f32
      %mul3A_1695 = arith.mulf %squeeze3A_1580, %squeeze3A_108 : f32
      %add3A_1696 = arith.addf %add3A_1694, %mul3A_1695 : f32
      %mul3A_1697 = arith.mulf %squeeze3A_1582, %squeeze3A_110 : f32
      %add3A_1698 = arith.addf %add3A_1696, %mul3A_1697 : f32
      %mul3A_1699 = arith.mulf %squeeze3A_1584, %squeeze3A_112 : f32
      %add3A_1700 = arith.addf %add3A_1698, %mul3A_1699 : f32
      %max3A_1701 = arith.constant 0.000000e+00 : f32
      %max3A_1702 = arith.maximumf %add3A_1700, %max3A_1701 : f32
      %mul3A_1703 = arith.mulf %squeeze3A_135, %max3A_1702 : f32
      %add3A_1704 = arith.addf %add3A_1680, %mul3A_1703 : f32
      %eq3A_1705 = arith.constant 9 : i32
      %eq3A_1706 = vector.broadcast %eq3A_1705 : i32 to vector<16xi32>
      %eq3A_1707 = arith.cmpi eq, %iota3A, %eq3A_1706 : vector<16xi32>
      %broadcast_in_dim3A_1708 = vector.broadcast %add3A_1704 : f32 to vector<16xf32>
      %select_n3A_1709 = arith.select %eq3A_1707, %broadcast_in_dim3A_1708, %select_n3A_1555 : vector<16xi1>, vector<16xf32>
      %scan3A_1710 = arith.constant 0 : i32
      %scan3A_1711 = arith.constant 25 : i32
      %scan3A_1712 = arith.addi %scan3A_1710, %scan3A_1711 : i32
      %scan3A_1713 = arith.constant 1 : i32
      %scan3A_1714:4 = scf.for %scan3A_2646 = %scan3A_1710 to %scan3A_1712 step %scan3A_1713 iter_args(%scan3A_2647 = %broadcast_in_dim3A_138, %scan3A_2648 = %broadcast_in_dim3A_138, %scan3A_2649 = %broadcast_in_dim3A_138, %scan3A_2650 = %broadcast_in_dim3A_138) -> (vector<16xf32>, vector<16xf32>, vector<16xf32>, vector<16xf32>)  : i32 {
        %mul3A_2651 = arith.constant 8 : i32
        %mul3A_2652 = arith.muli %scan3A_2646, %mul3A_2651 : i32
        %add3A_2653 = arith.constant 2000 : i32
        %add3A_2654 = arith.addi %add3A_2653, %mul3A_2652 : i32
        %get3A_2655 = arith.index_cast %rem3A_159 : i32 to index
        %get3A_2656 = arith.index_cast %add3A_2654 : i32 to index
        %get3A_2657 = arith.constant 0 : index
        %get3A_2658 = tpu.vector_load %arg7[%get3A_2655, %get3A_2656, %get3A_2657] {strides = array<i32>} : memref<2x3200x16xf32, #tpu.memory_space<vmem>>, vector<1x1x16xf32>,
        %get3A_2659 = vector.shape_cast %get3A_2658 : vector<1x1x16xf32> to vector<16xf32>
        %add3A_2660 = arith.addf %scan3A_2647, %get3A_2659 : vector<16xf32>
        %add3A_2661 = arith.constant 1 : i32
        %add3A_2662 = arith.addi %add3A_2654, %add3A_2661 : i32
        %get3A_2663 = arith.index_cast %rem3A_159 : i32 to index
        %get3A_2664 = arith.index_cast %add3A_2662 : i32 to index
        %get3A_2665 = arith.constant 0 : index
        %get3A_2666 = tpu.vector_load %arg7[%get3A_2663, %get3A_2664, %get3A_2665] {strides = array<i32>} : memref<2x3200x16xf32, #tpu.memory_space<vmem>>, vector<1x1x16xf32>,
        %get3A_2667 = vector.shape_cast %get3A_2666 : vector<1x1x16xf32> to vector<16xf32>
        %add3A_2668 = arith.addf %scan3A_2648, %get3A_2667 : vector<16xf32>
        %add3A_2669 = arith.constant 2 : i32
        %add3A_2670 = arith.addi %add3A_2654, %add3A_2669 : i32
        %get3A_2671 = arith.index_cast %rem3A_159 : i32 to index
        %get3A_2672 = arith.index_cast %add3A_2670 : i32 to index
        %get3A_2673 = arith.constant 0 : index
        %get3A_2674 = tpu.vector_load %arg7[%get3A_2671, %get3A_2672, %get3A_2673] {strides = array<i32>} : memref<2x3200x16xf32, #tpu.memory_space<vmem>>, vector<1x1x16xf32>,
        %get3A_2675 = vector.shape_cast %get3A_2674 : vector<1x1x16xf32> to vector<16xf32>
        %add3A_2676 = arith.addf %scan3A_2649, %get3A_2675 : vector<16xf32>
        %add3A_2677 = arith.constant 3 : i32
        %add3A_2678 = arith.addi %add3A_2654, %add3A_2677 : i32
        %get3A_2679 = arith.index_cast %rem3A_159 : i32 to index
        %get3A_2680 = arith.index_cast %add3A_2678 : i32 to index
        %get3A_2681 = arith.constant 0 : index
        %get3A_2682 = tpu.vector_load %arg7[%get3A_2679, %get3A_2680, %get3A_2681] {strides = array<i32>} : memref<2x3200x16xf32, #tpu.memory_space<vmem>>, vector<1x1x16xf32>,
        %get3A_2683 = vector.shape_cast %get3A_2682 : vector<1x1x16xf32> to vector<16xf32>
        %add3A_2684 = arith.addf %scan3A_2650, %get3A_2683 : vector<16xf32>
        %add3A_2685 = arith.constant 4 : i32
        %add3A_2686 = arith.addi %add3A_2654, %add3A_2685 : i32
        %get3A_2687 = arith.index_cast %rem3A_159 : i32 to index
        %get3A_2688 = arith.index_cast %add3A_2686 : i32 to index
        %get3A_2689 = arith.constant 0 : index
        %get3A_2690 = tpu.vector_load %arg7[%get3A_2687, %get3A_2688, %get3A_2689] {strides = array<i32>} : memref<2x3200x16xf32, #tpu.memory_space<vmem>>, vector<1x1x16xf32>,
        %get3A_2691 = vector.shape_cast %get3A_2690 : vector<1x1x16xf32> to vector<16xf32>
        %add3A_2692 = arith.addf %add3A_2660, %get3A_2691 : vector<16xf32>
        %add3A_2693 = arith.constant 5 : i32
        %add3A_2694 = arith.addi %add3A_2654, %add3A_2693 : i32
        %get3A_2695 = arith.index_cast %rem3A_159 : i32 to index
        %get3A_2696 = arith.index_cast %add3A_2694 : i32 to index
        %get3A_2697 = arith.constant 0 : index
        %get3A_2698 = tpu.vector_load %arg7[%get3A_2695, %get3A_2696, %get3A_2697] {strides = array<i32>} : memref<2x3200x16xf32, #tpu.memory_space<vmem>>, vector<1x1x16xf32>,
        %get3A_2699 = vector.shape_cast %get3A_2698 : vector<1x1x16xf32> to vector<16xf32>
        %add3A_2700 = arith.addf %add3A_2668, %get3A_2699 : vector<16xf32>
        %add3A_2701 = arith.constant 6 : i32
        %add3A_2702 = arith.addi %add3A_2654, %add3A_2701 : i32
        %get3A_2703 = arith.index_cast %rem3A_159 : i32 to index
        %get3A_2704 = arith.index_cast %add3A_2702 : i32 to index
        %get3A_2705 = arith.constant 0 : index
        %get3A_2706 = tpu.vector_load %arg7[%get3A_2703, %get3A_2704, %get3A_2705] {strides = array<i32>} : memref<2x3200x16xf32, #tpu.memory_space<vmem>>, vector<1x1x16xf32>,
        %get3A_2707 = vector.shape_cast %get3A_2706 : vector<1x1x16xf32> to vector<16xf32>
        %add3A_2708 = arith.addf %add3A_2676, %get3A_2707 : vector<16xf32>
        %add3A_2709 = arith.constant 7 : i32
        %add3A_2710 = arith.addi %add3A_2654, %add3A_2709 : i32
        %get3A_2711 = arith.index_cast %rem3A_159 : i32 to index
        %get3A_2712 = arith.index_cast %add3A_2710 : i32 to index
        %get3A_2713 = arith.constant 0 : index
        %get3A_2714 = tpu.vector_load %arg7[%get3A_2711, %get3A_2712, %get3A_2713] {strides = array<i32>} : memref<2x3200x16xf32, #tpu.memory_space<vmem>>, vector<1x1x16xf32>,
        %get3A_2715 = vector.shape_cast %get3A_2714 : vector<1x1x16xf32> to vector<16xf32>
        %add3A_2716 = arith.addf %add3A_2684, %get3A_2715 : vector<16xf32>
        scf.yield %add3A_2692, %add3A_2700, %add3A_2708, %add3A_2716 : vector<16xf32>, vector<16xf32>, vector<16xf32>, vector<16xf32>
      }
      %scan3A_1715 = arith.constant 25 : i32
      %add3A_1716 = arith.addf %scan3A_1714#0, %scan3A_1714#1 : vector<16xf32>
      %add3A_1717 = arith.addf %scan3A_1714#2, %scan3A_1714#3 : vector<16xf32>
      %add3A_1718 = arith.addf %add3A_1716, %add3A_1717 : vector<16xf32>
      %slice3A_1719 = vector.extract_strided_slice %add3A_1718 {offsets = [0], sizes = [1], strides = [1]} : vector<16xf32> to vector<1xf32>
      %squeeze3A_1720 = vector.extract %slice3A_1719[0] : f32 from vector<1xf32>
      %slice3A_1721 = vector.extract_strided_slice %add3A_1718 {offsets = [1], sizes = [1], strides = [1]} : vector<16xf32> to vector<1xf32>
      %squeeze3A_1722 = vector.extract %slice3A_1721[0] : f32 from vector<1xf32>
      %slice3A_1723 = vector.extract_strided_slice %add3A_1718 {offsets = [2], sizes = [1], strides = [1]} : vector<16xf32> to vector<1xf32>
      %squeeze3A_1724 = vector.extract %slice3A_1723[0] : f32 from vector<1xf32>
      %slice3A_1725 = vector.extract_strided_slice %add3A_1718 {offsets = [3], sizes = [1], strides = [1]} : vector<16xf32> to vector<1xf32>
      %squeeze3A_1726 = vector.extract %slice3A_1725[0] : f32 from vector<1xf32>
      %slice3A_1727 = vector.extract_strided_slice %add3A_1718 {offsets = [4], sizes = [1], strides = [1]} : vector<16xf32> to vector<1xf32>
      %squeeze3A_1728 = vector.extract %slice3A_1727[0] : f32 from vector<1xf32>
      %slice3A_1729 = vector.extract_strided_slice %add3A_1718 {offsets = [5], sizes = [1], strides = [1]} : vector<16xf32> to vector<1xf32>
      %squeeze3A_1730 = vector.extract %slice3A_1729[0] : f32 from vector<1xf32>
      %slice3A_1731 = vector.extract_strided_slice %add3A_1718 {offsets = [6], sizes = [1], strides = [1]} : vector<16xf32> to vector<1xf32>
      %squeeze3A_1732 = vector.extract %slice3A_1731[0] : f32 from vector<1xf32>
      %slice3A_1733 = vector.extract_strided_slice %add3A_1718 {offsets = [7], sizes = [1], strides = [1]} : vector<16xf32> to vector<1xf32>
      %squeeze3A_1734 = vector.extract %slice3A_1733[0] : f32 from vector<1xf32>
      %slice3A_1735 = vector.extract_strided_slice %add3A_1718 {offsets = [8], sizes = [1], strides = [1]} : vector<16xf32> to vector<1xf32>
      %squeeze3A_1736 = vector.extract %slice3A_1735[0] : f32 from vector<1xf32>
      %slice3A_1737 = vector.extract_strided_slice %add3A_1718 {offsets = [9], sizes = [1], strides = [1]} : vector<16xf32> to vector<1xf32>
      %squeeze3A_1738 = vector.extract %slice3A_1737[0] : f32 from vector<1xf32>
      %mul3A_1739 = arith.mulf %squeeze3A_1720, %squeeze3A : f32
      %add3A_1740 = arith.addf %squeeze3A_117, %mul3A_1739 : f32
      %mul3A_1741 = arith.mulf %squeeze3A_1722, %squeeze3A_16 : f32
      %add3A_1742 = arith.addf %add3A_1740, %mul3A_1741 : f32
      %mul3A_1743 = arith.mulf %squeeze3A_1724, %squeeze3A_18 : f32
      %add3A_1744 = arith.addf %add3A_1742, %mul3A_1743 : f32
      %mul3A_1745 = arith.mulf %squeeze3A_1726, %squeeze3A_20 : f32
      %add3A_1746 = arith.addf %add3A_1744, %mul3A_1745 : f32
      %mul3A_1747 = arith.mulf %squeeze3A_1728, %squeeze3A_22 : f32
      %add3A_1748 = arith.addf %add3A_1746, %mul3A_1747 : f32
      %mul3A_1749 = arith.mulf %squeeze3A_1730, %squeeze3A_24 : f32
      %add3A_1750 = arith.addf %add3A_1748, %mul3A_1749 : f32
      %mul3A_1751 = arith.mulf %squeeze3A_1732, %squeeze3A_26 : f32
      %add3A_1752 = arith.addf %add3A_1750, %mul3A_1751 : f32
      %mul3A_1753 = arith.mulf %squeeze3A_1734, %squeeze3A_28 : f32
      %add3A_1754 = arith.addf %add3A_1752, %mul3A_1753 : f32
      %mul3A_1755 = arith.mulf %squeeze3A_1736, %squeeze3A_30 : f32
      %add3A_1756 = arith.addf %add3A_1754, %mul3A_1755 : f32
      %mul3A_1757 = arith.mulf %squeeze3A_1738, %squeeze3A_32 : f32
      %add3A_1758 = arith.addf %add3A_1756, %mul3A_1757 : f32
      %max3A_1759 = arith.constant 0.000000e+00 : f32
      %max3A_1760 = arith.maximumf %add3A_1758, %max3A_1759 : f32
      %mul3A_1761 = arith.mulf %squeeze3A_127, %max3A_1760 : f32
      %add3A_1762 = arith.addf %squeeze3A_137, %mul3A_1761 : f32
      %mul3A_1763 = arith.mulf %squeeze3A_1720, %squeeze3A_34 : f32
      %add3A_1764 = arith.addf %squeeze3A_119, %mul3A_1763 : f32
      %mul3A_1765 = arith.mulf %squeeze3A_1722, %squeeze3A_36 : f32
      %add3A_1766 = arith.addf %add3A_1764, %mul3A_1765 : f32
      %mul3A_1767 = arith.mulf %squeeze3A_1724, %squeeze3A_38 : f32
      %add3A_1768 = arith.addf %add3A_1766, %mul3A_1767 : f32
      %mul3A_1769 = arith.mulf %squeeze3A_1726, %squeeze3A_40 : f32
      %add3A_1770 = arith.addf %add3A_1768, %mul3A_1769 : f32
      %mul3A_1771 = arith.mulf %squeeze3A_1728, %squeeze3A_42 : f32
      %add3A_1772 = arith.addf %add3A_1770, %mul3A_1771 : f32
      %mul3A_1773 = arith.mulf %squeeze3A_1730, %squeeze3A_44 : f32
      %add3A_1774 = arith.addf %add3A_1772, %mul3A_1773 : f32
      %mul3A_1775 = arith.mulf %squeeze3A_1732, %squeeze3A_46 : f32
      %add3A_1776 = arith.addf %add3A_1774, %mul3A_1775 : f32
      %mul3A_1777 = arith.mulf %squeeze3A_1734, %squeeze3A_48 : f32
      %add3A_1778 = arith.addf %add3A_1776, %mul3A_1777 : f32
      %mul3A_1779 = arith.mulf %squeeze3A_1736, %squeeze3A_50 : f32
      %add3A_1780 = arith.addf %add3A_1778, %mul3A_1779 : f32
      %mul3A_1781 = arith.mulf %squeeze3A_1738, %squeeze3A_52 : f32
      %add3A_1782 = arith.addf %add3A_1780, %mul3A_1781 : f32
      %max3A_1783 = arith.constant 0.000000e+00 : f32
      %max3A_1784 = arith.maximumf %add3A_1782, %max3A_1783 : f32
      %mul3A_1785 = arith.mulf %squeeze3A_129, %max3A_1784 : f32
      %add3A_1786 = arith.addf %add3A_1762, %mul3A_1785 : f32
      %mul3A_1787 = arith.mulf %squeeze3A_1720, %squeeze3A_54 : f32
      %add3A_1788 = arith.addf %squeeze3A_121, %mul3A_1787 : f32
      %mul3A_1789 = arith.mulf %squeeze3A_1722, %squeeze3A_56 : f32
      %add3A_1790 = arith.addf %add3A_1788, %mul3A_1789 : f32
      %mul3A_1791 = arith.mulf %squeeze3A_1724, %squeeze3A_58 : f32
      %add3A_1792 = arith.addf %add3A_1790, %mul3A_1791 : f32
      %mul3A_1793 = arith.mulf %squeeze3A_1726, %squeeze3A_60 : f32
      %add3A_1794 = arith.addf %add3A_1792, %mul3A_1793 : f32
      %mul3A_1795 = arith.mulf %squeeze3A_1728, %squeeze3A_62 : f32
      %add3A_1796 = arith.addf %add3A_1794, %mul3A_1795 : f32
      %mul3A_1797 = arith.mulf %squeeze3A_1730, %squeeze3A_64 : f32
      %add3A_1798 = arith.addf %add3A_1796, %mul3A_1797 : f32
      %mul3A_1799 = arith.mulf %squeeze3A_1732, %squeeze3A_66 : f32
      %add3A_1800 = arith.addf %add3A_1798, %mul3A_1799 : f32
      %mul3A_1801 = arith.mulf %squeeze3A_1734, %squeeze3A_68 : f32
      %add3A_1802 = arith.addf %add3A_1800, %mul3A_1801 : f32
      %mul3A_1803 = arith.mulf %squeeze3A_1736, %squeeze3A_70 : f32
      %add3A_1804 = arith.addf %add3A_1802, %mul3A_1803 : f32
      %mul3A_1805 = arith.mulf %squeeze3A_1738, %squeeze3A_72 : f32
      %add3A_1806 = arith.addf %add3A_1804, %mul3A_1805 : f32
      %max3A_1807 = arith.constant 0.000000e+00 : f32
      %max3A_1808 = arith.maximumf %add3A_1806, %max3A_1807 : f32
      %mul3A_1809 = arith.mulf %squeeze3A_131, %max3A_1808 : f32
      %add3A_1810 = arith.addf %add3A_1786, %mul3A_1809 : f32
      %mul3A_1811 = arith.mulf %squeeze3A_1720, %squeeze3A_74 : f32
      %add3A_1812 = arith.addf %squeeze3A_123, %mul3A_1811 : f32
      %mul3A_1813 = arith.mulf %squeeze3A_1722, %squeeze3A_76 : f32
      %add3A_1814 = arith.addf %add3A_1812, %mul3A_1813 : f32
      %mul3A_1815 = arith.mulf %squeeze3A_1724, %squeeze3A_78 : f32
      %add3A_1816 = arith.addf %add3A_1814, %mul3A_1815 : f32
      %mul3A_1817 = arith.mulf %squeeze3A_1726, %squeeze3A_80 : f32
      %add3A_1818 = arith.addf %add3A_1816, %mul3A_1817 : f32
      %mul3A_1819 = arith.mulf %squeeze3A_1728, %squeeze3A_82 : f32
      %add3A_1820 = arith.addf %add3A_1818, %mul3A_1819 : f32
      %mul3A_1821 = arith.mulf %squeeze3A_1730, %squeeze3A_84 : f32
      %add3A_1822 = arith.addf %add3A_1820, %mul3A_1821 : f32
      %mul3A_1823 = arith.mulf %squeeze3A_1732, %squeeze3A_86 : f32
      %add3A_1824 = arith.addf %add3A_1822, %mul3A_1823 : f32
      %mul3A_1825 = arith.mulf %squeeze3A_1734, %squeeze3A_88 : f32
      %add3A_1826 = arith.addf %add3A_1824, %mul3A_1825 : f32
      %mul3A_1827 = arith.mulf %squeeze3A_1736, %squeeze3A_90 : f32
      %add3A_1828 = arith.addf %add3A_1826, %mul3A_1827 : f32
      %mul3A_1829 = arith.mulf %squeeze3A_1738, %squeeze3A_92 : f32
      %add3A_1830 = arith.addf %add3A_1828, %mul3A_1829 : f32
      %max3A_1831 = arith.constant 0.000000e+00 : f32
      %max3A_1832 = arith.maximumf %add3A_1830, %max3A_1831 : f32
      %mul3A_1833 = arith.mulf %squeeze3A_133, %max3A_1832 : f32
      %add3A_1834 = arith.addf %add3A_1810, %mul3A_1833 : f32
      %mul3A_1835 = arith.mulf %squeeze3A_1720, %squeeze3A_94 : f32
      %add3A_1836 = arith.addf %squeeze3A_125, %mul3A_1835 : f32
      %mul3A_1837 = arith.mulf %squeeze3A_1722, %squeeze3A_96 : f32
      %add3A_1838 = arith.addf %add3A_1836, %mul3A_1837 : f32
      %mul3A_1839 = arith.mulf %squeeze3A_1724, %squeeze3A_98 : f32
      %add3A_1840 = arith.addf %add3A_1838, %mul3A_1839 : f32
      %mul3A_1841 = arith.mulf %squeeze3A_1726, %squeeze3A_100 : f32
      %add3A_1842 = arith.addf %add3A_1840, %mul3A_1841 : f32
      %mul3A_1843 = arith.mulf %squeeze3A_1728, %squeeze3A_102 : f32
      %add3A_1844 = arith.addf %add3A_1842, %mul3A_1843 : f32
      %mul3A_1845 = arith.mulf %squeeze3A_1730, %squeeze3A_104 : f32
      %add3A_1846 = arith.addf %add3A_1844, %mul3A_1845 : f32
      %mul3A_1847 = arith.mulf %squeeze3A_1732, %squeeze3A_106 : f32
      %add3A_1848 = arith.addf %add3A_1846, %mul3A_1847 : f32
      %mul3A_1849 = arith.mulf %squeeze3A_1734, %squeeze3A_108 : f32
      %add3A_1850 = arith.addf %add3A_1848, %mul3A_1849 : f32
      %mul3A_1851 = arith.mulf %squeeze3A_1736, %squeeze3A_110 : f32
      %add3A_1852 = arith.addf %add3A_1850, %mul3A_1851 : f32
      %mul3A_1853 = arith.mulf %squeeze3A_1738, %squeeze3A_112 : f32
      %add3A_1854 = arith.addf %add3A_1852, %mul3A_1853 : f32
      %max3A_1855 = arith.constant 0.000000e+00 : f32
      %max3A_1856 = arith.maximumf %add3A_1854, %max3A_1855 : f32
      %mul3A_1857 = arith.mulf %squeeze3A_135, %max3A_1856 : f32
      %add3A_1858 = arith.addf %add3A_1834, %mul3A_1857 : f32
      %eq3A_1859 = arith.constant 10 : i32
      %eq3A_1860 = vector.broadcast %eq3A_1859 : i32 to vector<16xi32>
      %eq3A_1861 = arith.cmpi eq, %iota3A, %eq3A_1860 : vector<16xi32>
      %broadcast_in_dim3A_1862 = vector.broadcast %add3A_1858 : f32 to vector<16xf32>
      %select_n3A_1863 = arith.select %eq3A_1861, %broadcast_in_dim3A_1862, %select_n3A_1709 : vector<16xi1>, vector<16xf32>
      %scan3A_1864 = arith.constant 0 : i32
      %scan3A_1865 = arith.constant 25 : i32
      %scan3A_1866 = arith.addi %scan3A_1864, %scan3A_1865 : i32
      %scan3A_1867 = arith.constant 1 : i32
      %scan3A_1868:4 = scf.for %scan3A_2646 = %scan3A_1864 to %scan3A_1866 step %scan3A_1867 iter_args(%scan3A_2647 = %broadcast_in_dim3A_138, %scan3A_2648 = %broadcast_in_dim3A_138, %scan3A_2649 = %broadcast_in_dim3A_138, %scan3A_2650 = %broadcast_in_dim3A_138) -> (vector<16xf32>, vector<16xf32>, vector<16xf32>, vector<16xf32>)  : i32 {
        %mul3A_2651 = arith.constant 8 : i32
        %mul3A_2652 = arith.muli %scan3A_2646, %mul3A_2651 : i32
        %add3A_2653 = arith.constant 2200 : i32
        %add3A_2654 = arith.addi %add3A_2653, %mul3A_2652 : i32
        %get3A_2655 = arith.index_cast %rem3A_159 : i32 to index
        %get3A_2656 = arith.index_cast %add3A_2654 : i32 to index
        %get3A_2657 = arith.constant 0 : index
        %get3A_2658 = tpu.vector_load %arg7[%get3A_2655, %get3A_2656, %get3A_2657] {strides = array<i32>} : memref<2x3200x16xf32, #tpu.memory_space<vmem>>, vector<1x1x16xf32>,
        %get3A_2659 = vector.shape_cast %get3A_2658 : vector<1x1x16xf32> to vector<16xf32>
        %add3A_2660 = arith.addf %scan3A_2647, %get3A_2659 : vector<16xf32>
        %add3A_2661 = arith.constant 1 : i32
        %add3A_2662 = arith.addi %add3A_2654, %add3A_2661 : i32
        %get3A_2663 = arith.index_cast %rem3A_159 : i32 to index
        %get3A_2664 = arith.index_cast %add3A_2662 : i32 to index
        %get3A_2665 = arith.constant 0 : index
        %get3A_2666 = tpu.vector_load %arg7[%get3A_2663, %get3A_2664, %get3A_2665] {strides = array<i32>} : memref<2x3200x16xf32, #tpu.memory_space<vmem>>, vector<1x1x16xf32>,
        %get3A_2667 = vector.shape_cast %get3A_2666 : vector<1x1x16xf32> to vector<16xf32>
        %add3A_2668 = arith.addf %scan3A_2648, %get3A_2667 : vector<16xf32>
        %add3A_2669 = arith.constant 2 : i32
        %add3A_2670 = arith.addi %add3A_2654, %add3A_2669 : i32
        %get3A_2671 = arith.index_cast %rem3A_159 : i32 to index
        %get3A_2672 = arith.index_cast %add3A_2670 : i32 to index
        %get3A_2673 = arith.constant 0 : index
        %get3A_2674 = tpu.vector_load %arg7[%get3A_2671, %get3A_2672, %get3A_2673] {strides = array<i32>} : memref<2x3200x16xf32, #tpu.memory_space<vmem>>, vector<1x1x16xf32>,
        %get3A_2675 = vector.shape_cast %get3A_2674 : vector<1x1x16xf32> to vector<16xf32>
        %add3A_2676 = arith.addf %scan3A_2649, %get3A_2675 : vector<16xf32>
        %add3A_2677 = arith.constant 3 : i32
        %add3A_2678 = arith.addi %add3A_2654, %add3A_2677 : i32
        %get3A_2679 = arith.index_cast %rem3A_159 : i32 to index
        %get3A_2680 = arith.index_cast %add3A_2678 : i32 to index
        %get3A_2681 = arith.constant 0 : index
        %get3A_2682 = tpu.vector_load %arg7[%get3A_2679, %get3A_2680, %get3A_2681] {strides = array<i32>} : memref<2x3200x16xf32, #tpu.memory_space<vmem>>, vector<1x1x16xf32>,
        %get3A_2683 = vector.shape_cast %get3A_2682 : vector<1x1x16xf32> to vector<16xf32>
        %add3A_2684 = arith.addf %scan3A_2650, %get3A_2683 : vector<16xf32>
        %add3A_2685 = arith.constant 4 : i32
        %add3A_2686 = arith.addi %add3A_2654, %add3A_2685 : i32
        %get3A_2687 = arith.index_cast %rem3A_159 : i32 to index
        %get3A_2688 = arith.index_cast %add3A_2686 : i32 to index
        %get3A_2689 = arith.constant 0 : index
        %get3A_2690 = tpu.vector_load %arg7[%get3A_2687, %get3A_2688, %get3A_2689] {strides = array<i32>} : memref<2x3200x16xf32, #tpu.memory_space<vmem>>, vector<1x1x16xf32>,
        %get3A_2691 = vector.shape_cast %get3A_2690 : vector<1x1x16xf32> to vector<16xf32>
        %add3A_2692 = arith.addf %add3A_2660, %get3A_2691 : vector<16xf32>
        %add3A_2693 = arith.constant 5 : i32
        %add3A_2694 = arith.addi %add3A_2654, %add3A_2693 : i32
        %get3A_2695 = arith.index_cast %rem3A_159 : i32 to index
        %get3A_2696 = arith.index_cast %add3A_2694 : i32 to index
        %get3A_2697 = arith.constant 0 : index
        %get3A_2698 = tpu.vector_load %arg7[%get3A_2695, %get3A_2696, %get3A_2697] {strides = array<i32>} : memref<2x3200x16xf32, #tpu.memory_space<vmem>>, vector<1x1x16xf32>,
        %get3A_2699 = vector.shape_cast %get3A_2698 : vector<1x1x16xf32> to vector<16xf32>
        %add3A_2700 = arith.addf %add3A_2668, %get3A_2699 : vector<16xf32>
        %add3A_2701 = arith.constant 6 : i32
        %add3A_2702 = arith.addi %add3A_2654, %add3A_2701 : i32
        %get3A_2703 = arith.index_cast %rem3A_159 : i32 to index
        %get3A_2704 = arith.index_cast %add3A_2702 : i32 to index
        %get3A_2705 = arith.constant 0 : index
        %get3A_2706 = tpu.vector_load %arg7[%get3A_2703, %get3A_2704, %get3A_2705] {strides = array<i32>} : memref<2x3200x16xf32, #tpu.memory_space<vmem>>, vector<1x1x16xf32>,
        %get3A_2707 = vector.shape_cast %get3A_2706 : vector<1x1x16xf32> to vector<16xf32>
        %add3A_2708 = arith.addf %add3A_2676, %get3A_2707 : vector<16xf32>
        %add3A_2709 = arith.constant 7 : i32
        %add3A_2710 = arith.addi %add3A_2654, %add3A_2709 : i32
        %get3A_2711 = arith.index_cast %rem3A_159 : i32 to index
        %get3A_2712 = arith.index_cast %add3A_2710 : i32 to index
        %get3A_2713 = arith.constant 0 : index
        %get3A_2714 = tpu.vector_load %arg7[%get3A_2711, %get3A_2712, %get3A_2713] {strides = array<i32>} : memref<2x3200x16xf32, #tpu.memory_space<vmem>>, vector<1x1x16xf32>,
        %get3A_2715 = vector.shape_cast %get3A_2714 : vector<1x1x16xf32> to vector<16xf32>
        %add3A_2716 = arith.addf %add3A_2684, %get3A_2715 : vector<16xf32>
        scf.yield %add3A_2692, %add3A_2700, %add3A_2708, %add3A_2716 : vector<16xf32>, vector<16xf32>, vector<16xf32>, vector<16xf32>
      }
      %scan3A_1869 = arith.constant 25 : i32
      %add3A_1870 = arith.addf %scan3A_1868#0, %scan3A_1868#1 : vector<16xf32>
      %add3A_1871 = arith.addf %scan3A_1868#2, %scan3A_1868#3 : vector<16xf32>
      %add3A_1872 = arith.addf %add3A_1870, %add3A_1871 : vector<16xf32>
      %slice3A_1873 = vector.extract_strided_slice %add3A_1872 {offsets = [0], sizes = [1], strides = [1]} : vector<16xf32> to vector<1xf32>
      %squeeze3A_1874 = vector.extract %slice3A_1873[0] : f32 from vector<1xf32>
      %slice3A_1875 = vector.extract_strided_slice %add3A_1872 {offsets = [1], sizes = [1], strides = [1]} : vector<16xf32> to vector<1xf32>
      %squeeze3A_1876 = vector.extract %slice3A_1875[0] : f32 from vector<1xf32>
      %slice3A_1877 = vector.extract_strided_slice %add3A_1872 {offsets = [2], sizes = [1], strides = [1]} : vector<16xf32> to vector<1xf32>
      %squeeze3A_1878 = vector.extract %slice3A_1877[0] : f32 from vector<1xf32>
      %slice3A_1879 = vector.extract_strided_slice %add3A_1872 {offsets = [3], sizes = [1], strides = [1]} : vector<16xf32> to vector<1xf32>
      %squeeze3A_1880 = vector.extract %slice3A_1879[0] : f32 from vector<1xf32>
      %slice3A_1881 = vector.extract_strided_slice %add3A_1872 {offsets = [4], sizes = [1], strides = [1]} : vector<16xf32> to vector<1xf32>
      %squeeze3A_1882 = vector.extract %slice3A_1881[0] : f32 from vector<1xf32>
      %slice3A_1883 = vector.extract_strided_slice %add3A_1872 {offsets = [5], sizes = [1], strides = [1]} : vector<16xf32> to vector<1xf32>
      %squeeze3A_1884 = vector.extract %slice3A_1883[0] : f32 from vector<1xf32>
      %slice3A_1885 = vector.extract_strided_slice %add3A_1872 {offsets = [6], sizes = [1], strides = [1]} : vector<16xf32> to vector<1xf32>
      %squeeze3A_1886 = vector.extract %slice3A_1885[0] : f32 from vector<1xf32>
      %slice3A_1887 = vector.extract_strided_slice %add3A_1872 {offsets = [7], sizes = [1], strides = [1]} : vector<16xf32> to vector<1xf32>
      %squeeze3A_1888 = vector.extract %slice3A_1887[0] : f32 from vector<1xf32>
      %slice3A_1889 = vector.extract_strided_slice %add3A_1872 {offsets = [8], sizes = [1], strides = [1]} : vector<16xf32> to vector<1xf32>
      %squeeze3A_1890 = vector.extract %slice3A_1889[0] : f32 from vector<1xf32>
      %slice3A_1891 = vector.extract_strided_slice %add3A_1872 {offsets = [9], sizes = [1], strides = [1]} : vector<16xf32> to vector<1xf32>
      %squeeze3A_1892 = vector.extract %slice3A_1891[0] : f32 from vector<1xf32>
      %mul3A_1893 = arith.mulf %squeeze3A_1874, %squeeze3A : f32
      %add3A_1894 = arith.addf %squeeze3A_117, %mul3A_1893 : f32
      %mul3A_1895 = arith.mulf %squeeze3A_1876, %squeeze3A_16 : f32
      %add3A_1896 = arith.addf %add3A_1894, %mul3A_1895 : f32
      %mul3A_1897 = arith.mulf %squeeze3A_1878, %squeeze3A_18 : f32
      %add3A_1898 = arith.addf %add3A_1896, %mul3A_1897 : f32
      %mul3A_1899 = arith.mulf %squeeze3A_1880, %squeeze3A_20 : f32
      %add3A_1900 = arith.addf %add3A_1898, %mul3A_1899 : f32
      %mul3A_1901 = arith.mulf %squeeze3A_1882, %squeeze3A_22 : f32
      %add3A_1902 = arith.addf %add3A_1900, %mul3A_1901 : f32
      %mul3A_1903 = arith.mulf %squeeze3A_1884, %squeeze3A_24 : f32
      %add3A_1904 = arith.addf %add3A_1902, %mul3A_1903 : f32
      %mul3A_1905 = arith.mulf %squeeze3A_1886, %squeeze3A_26 : f32
      %add3A_1906 = arith.addf %add3A_1904, %mul3A_1905 : f32
      %mul3A_1907 = arith.mulf %squeeze3A_1888, %squeeze3A_28 : f32
      %add3A_1908 = arith.addf %add3A_1906, %mul3A_1907 : f32
      %mul3A_1909 = arith.mulf %squeeze3A_1890, %squeeze3A_30 : f32
      %add3A_1910 = arith.addf %add3A_1908, %mul3A_1909 : f32
      %mul3A_1911 = arith.mulf %squeeze3A_1892, %squeeze3A_32 : f32
      %add3A_1912 = arith.addf %add3A_1910, %mul3A_1911 : f32
      %max3A_1913 = arith.constant 0.000000e+00 : f32
      %max3A_1914 = arith.maximumf %add3A_1912, %max3A_1913 : f32
      %mul3A_1915 = arith.mulf %squeeze3A_127, %max3A_1914 : f32
      %add3A_1916 = arith.addf %squeeze3A_137, %mul3A_1915 : f32
      %mul3A_1917 = arith.mulf %squeeze3A_1874, %squeeze3A_34 : f32
      %add3A_1918 = arith.addf %squeeze3A_119, %mul3A_1917 : f32
      %mul3A_1919 = arith.mulf %squeeze3A_1876, %squeeze3A_36 : f32
      %add3A_1920 = arith.addf %add3A_1918, %mul3A_1919 : f32
      %mul3A_1921 = arith.mulf %squeeze3A_1878, %squeeze3A_38 : f32
      %add3A_1922 = arith.addf %add3A_1920, %mul3A_1921 : f32
      %mul3A_1923 = arith.mulf %squeeze3A_1880, %squeeze3A_40 : f32
      %add3A_1924 = arith.addf %add3A_1922, %mul3A_1923 : f32
      %mul3A_1925 = arith.mulf %squeeze3A_1882, %squeeze3A_42 : f32
      %add3A_1926 = arith.addf %add3A_1924, %mul3A_1925 : f32
      %mul3A_1927 = arith.mulf %squeeze3A_1884, %squeeze3A_44 : f32
      %add3A_1928 = arith.addf %add3A_1926, %mul3A_1927 : f32
      %mul3A_1929 = arith.mulf %squeeze3A_1886, %squeeze3A_46 : f32
      %add3A_1930 = arith.addf %add3A_1928, %mul3A_1929 : f32
      %mul3A_1931 = arith.mulf %squeeze3A_1888, %squeeze3A_48 : f32
      %add3A_1932 = arith.addf %add3A_1930, %mul3A_1931 : f32
      %mul3A_1933 = arith.mulf %squeeze3A_1890, %squeeze3A_50 : f32
      %add3A_1934 = arith.addf %add3A_1932, %mul3A_1933 : f32
      %mul3A_1935 = arith.mulf %squeeze3A_1892, %squeeze3A_52 : f32
      %add3A_1936 = arith.addf %add3A_1934, %mul3A_1935 : f32
      %max3A_1937 = arith.constant 0.000000e+00 : f32
      %max3A_1938 = arith.maximumf %add3A_1936, %max3A_1937 : f32
      %mul3A_1939 = arith.mulf %squeeze3A_129, %max3A_1938 : f32
      %add3A_1940 = arith.addf %add3A_1916, %mul3A_1939 : f32
      %mul3A_1941 = arith.mulf %squeeze3A_1874, %squeeze3A_54 : f32
      %add3A_1942 = arith.addf %squeeze3A_121, %mul3A_1941 : f32
      %mul3A_1943 = arith.mulf %squeeze3A_1876, %squeeze3A_56 : f32
      %add3A_1944 = arith.addf %add3A_1942, %mul3A_1943 : f32
      %mul3A_1945 = arith.mulf %squeeze3A_1878, %squeeze3A_58 : f32
      %add3A_1946 = arith.addf %add3A_1944, %mul3A_1945 : f32
      %mul3A_1947 = arith.mulf %squeeze3A_1880, %squeeze3A_60 : f32
      %add3A_1948 = arith.addf %add3A_1946, %mul3A_1947 : f32
      %mul3A_1949 = arith.mulf %squeeze3A_1882, %squeeze3A_62 : f32
      %add3A_1950 = arith.addf %add3A_1948, %mul3A_1949 : f32
      %mul3A_1951 = arith.mulf %squeeze3A_1884, %squeeze3A_64 : f32
      %add3A_1952 = arith.addf %add3A_1950, %mul3A_1951 : f32
      %mul3A_1953 = arith.mulf %squeeze3A_1886, %squeeze3A_66 : f32
      %add3A_1954 = arith.addf %add3A_1952, %mul3A_1953 : f32
      %mul3A_1955 = arith.mulf %squeeze3A_1888, %squeeze3A_68 : f32
      %add3A_1956 = arith.addf %add3A_1954, %mul3A_1955 : f32
      %mul3A_1957 = arith.mulf %squeeze3A_1890, %squeeze3A_70 : f32
      %add3A_1958 = arith.addf %add3A_1956, %mul3A_1957 : f32
      %mul3A_1959 = arith.mulf %squeeze3A_1892, %squeeze3A_72 : f32
      %add3A_1960 = arith.addf %add3A_1958, %mul3A_1959 : f32
      %max3A_1961 = arith.constant 0.000000e+00 : f32
      %max3A_1962 = arith.maximumf %add3A_1960, %max3A_1961 : f32
      %mul3A_1963 = arith.mulf %squeeze3A_131, %max3A_1962 : f32
      %add3A_1964 = arith.addf %add3A_1940, %mul3A_1963 : f32
      %mul3A_1965 = arith.mulf %squeeze3A_1874, %squeeze3A_74 : f32
      %add3A_1966 = arith.addf %squeeze3A_123, %mul3A_1965 : f32
      %mul3A_1967 = arith.mulf %squeeze3A_1876, %squeeze3A_76 : f32
      %add3A_1968 = arith.addf %add3A_1966, %mul3A_1967 : f32
      %mul3A_1969 = arith.mulf %squeeze3A_1878, %squeeze3A_78 : f32
      %add3A_1970 = arith.addf %add3A_1968, %mul3A_1969 : f32
      %mul3A_1971 = arith.mulf %squeeze3A_1880, %squeeze3A_80 : f32
      %add3A_1972 = arith.addf %add3A_1970, %mul3A_1971 : f32
      %mul3A_1973 = arith.mulf %squeeze3A_1882, %squeeze3A_82 : f32
      %add3A_1974 = arith.addf %add3A_1972, %mul3A_1973 : f32
      %mul3A_1975 = arith.mulf %squeeze3A_1884, %squeeze3A_84 : f32
      %add3A_1976 = arith.addf %add3A_1974, %mul3A_1975 : f32
      %mul3A_1977 = arith.mulf %squeeze3A_1886, %squeeze3A_86 : f32
      %add3A_1978 = arith.addf %add3A_1976, %mul3A_1977 : f32
      %mul3A_1979 = arith.mulf %squeeze3A_1888, %squeeze3A_88 : f32
      %add3A_1980 = arith.addf %add3A_1978, %mul3A_1979 : f32
      %mul3A_1981 = arith.mulf %squeeze3A_1890, %squeeze3A_90 : f32
      %add3A_1982 = arith.addf %add3A_1980, %mul3A_1981 : f32
      %mul3A_1983 = arith.mulf %squeeze3A_1892, %squeeze3A_92 : f32
      %add3A_1984 = arith.addf %add3A_1982, %mul3A_1983 : f32
      %max3A_1985 = arith.constant 0.000000e+00 : f32
      %max3A_1986 = arith.maximumf %add3A_1984, %max3A_1985 : f32
      %mul3A_1987 = arith.mulf %squeeze3A_133, %max3A_1986 : f32
      %add3A_1988 = arith.addf %add3A_1964, %mul3A_1987 : f32
      %mul3A_1989 = arith.mulf %squeeze3A_1874, %squeeze3A_94 : f32
      %add3A_1990 = arith.addf %squeeze3A_125, %mul3A_1989 : f32
      %mul3A_1991 = arith.mulf %squeeze3A_1876, %squeeze3A_96 : f32
      %add3A_1992 = arith.addf %add3A_1990, %mul3A_1991 : f32
      %mul3A_1993 = arith.mulf %squeeze3A_1878, %squeeze3A_98 : f32
      %add3A_1994 = arith.addf %add3A_1992, %mul3A_1993 : f32
      %mul3A_1995 = arith.mulf %squeeze3A_1880, %squeeze3A_100 : f32
      %add3A_1996 = arith.addf %add3A_1994, %mul3A_1995 : f32
      %mul3A_1997 = arith.mulf %squeeze3A_1882, %squeeze3A_102 : f32
      %add3A_1998 = arith.addf %add3A_1996, %mul3A_1997 : f32
      %mul3A_1999 = arith.mulf %squeeze3A_1884, %squeeze3A_104 : f32
      %add3A_2000 = arith.addf %add3A_1998, %mul3A_1999 : f32
      %mul3A_2001 = arith.mulf %squeeze3A_1886, %squeeze3A_106 : f32
      %add3A_2002 = arith.addf %add3A_2000, %mul3A_2001 : f32
      %mul3A_2003 = arith.mulf %squeeze3A_1888, %squeeze3A_108 : f32
      %add3A_2004 = arith.addf %add3A_2002, %mul3A_2003 : f32
      %mul3A_2005 = arith.mulf %squeeze3A_1890, %squeeze3A_110 : f32
      %add3A_2006 = arith.addf %add3A_2004, %mul3A_2005 : f32
      %mul3A_2007 = arith.mulf %squeeze3A_1892, %squeeze3A_112 : f32
      %add3A_2008 = arith.addf %add3A_2006, %mul3A_2007 : f32
      %max3A_2009 = arith.constant 0.000000e+00 : f32
      %max3A_2010 = arith.maximumf %add3A_2008, %max3A_2009 : f32
      %mul3A_2011 = arith.mulf %squeeze3A_135, %max3A_2010 : f32
      %add3A_2012 = arith.addf %add3A_1988, %mul3A_2011 : f32
      %eq3A_2013 = arith.constant 11 : i32
      %eq3A_2014 = vector.broadcast %eq3A_2013 : i32 to vector<16xi32>
      %eq3A_2015 = arith.cmpi eq, %iota3A, %eq3A_2014 : vector<16xi32>
      %broadcast_in_dim3A_2016 = vector.broadcast %add3A_2012 : f32 to vector<16xf32>
      %select_n3A_2017 = arith.select %eq3A_2015, %broadcast_in_dim3A_2016, %select_n3A_1863 : vector<16xi1>, vector<16xf32>
      %scan3A_2018 = arith.constant 0 : i32
      %scan3A_2019 = arith.constant 25 : i32
      %scan3A_2020 = arith.addi %scan3A_2018, %scan3A_2019 : i32
      %scan3A_2021 = arith.constant 1 : i32
      %scan3A_2022:4 = scf.for %scan3A_2646 = %scan3A_2018 to %scan3A_2020 step %scan3A_2021 iter_args(%scan3A_2647 = %broadcast_in_dim3A_138, %scan3A_2648 = %broadcast_in_dim3A_138, %scan3A_2649 = %broadcast_in_dim3A_138, %scan3A_2650 = %broadcast_in_dim3A_138) -> (vector<16xf32>, vector<16xf32>, vector<16xf32>, vector<16xf32>)  : i32 {
        %mul3A_2651 = arith.constant 8 : i32
        %mul3A_2652 = arith.muli %scan3A_2646, %mul3A_2651 : i32
        %add3A_2653 = arith.constant 2400 : i32
        %add3A_2654 = arith.addi %add3A_2653, %mul3A_2652 : i32
        %get3A_2655 = arith.index_cast %rem3A_159 : i32 to index
        %get3A_2656 = arith.index_cast %add3A_2654 : i32 to index
        %get3A_2657 = arith.constant 0 : index
        %get3A_2658 = tpu.vector_load %arg7[%get3A_2655, %get3A_2656, %get3A_2657] {strides = array<i32>} : memref<2x3200x16xf32, #tpu.memory_space<vmem>>, vector<1x1x16xf32>,
        %get3A_2659 = vector.shape_cast %get3A_2658 : vector<1x1x16xf32> to vector<16xf32>
        %add3A_2660 = arith.addf %scan3A_2647, %get3A_2659 : vector<16xf32>
        %add3A_2661 = arith.constant 1 : i32
        %add3A_2662 = arith.addi %add3A_2654, %add3A_2661 : i32
        %get3A_2663 = arith.index_cast %rem3A_159 : i32 to index
        %get3A_2664 = arith.index_cast %add3A_2662 : i32 to index
        %get3A_2665 = arith.constant 0 : index
        %get3A_2666 = tpu.vector_load %arg7[%get3A_2663, %get3A_2664, %get3A_2665] {strides = array<i32>} : memref<2x3200x16xf32, #tpu.memory_space<vmem>>, vector<1x1x16xf32>,
        %get3A_2667 = vector.shape_cast %get3A_2666 : vector<1x1x16xf32> to vector<16xf32>
        %add3A_2668 = arith.addf %scan3A_2648, %get3A_2667 : vector<16xf32>
        %add3A_2669 = arith.constant 2 : i32
        %add3A_2670 = arith.addi %add3A_2654, %add3A_2669 : i32
        %get3A_2671 = arith.index_cast %rem3A_159 : i32 to index
        %get3A_2672 = arith.index_cast %add3A_2670 : i32 to index
        %get3A_2673 = arith.constant 0 : index
        %get3A_2674 = tpu.vector_load %arg7[%get3A_2671, %get3A_2672, %get3A_2673] {strides = array<i32>} : memref<2x3200x16xf32, #tpu.memory_space<vmem>>, vector<1x1x16xf32>,
        %get3A_2675 = vector.shape_cast %get3A_2674 : vector<1x1x16xf32> to vector<16xf32>
        %add3A_2676 = arith.addf %scan3A_2649, %get3A_2675 : vector<16xf32>
        %add3A_2677 = arith.constant 3 : i32
        %add3A_2678 = arith.addi %add3A_2654, %add3A_2677 : i32
        %get3A_2679 = arith.index_cast %rem3A_159 : i32 to index
        %get3A_2680 = arith.index_cast %add3A_2678 : i32 to index
        %get3A_2681 = arith.constant 0 : index
        %get3A_2682 = tpu.vector_load %arg7[%get3A_2679, %get3A_2680, %get3A_2681] {strides = array<i32>} : memref<2x3200x16xf32, #tpu.memory_space<vmem>>, vector<1x1x16xf32>,
        %get3A_2683 = vector.shape_cast %get3A_2682 : vector<1x1x16xf32> to vector<16xf32>
        %add3A_2684 = arith.addf %scan3A_2650, %get3A_2683 : vector<16xf32>
        %add3A_2685 = arith.constant 4 : i32
        %add3A_2686 = arith.addi %add3A_2654, %add3A_2685 : i32
        %get3A_2687 = arith.index_cast %rem3A_159 : i32 to index
        %get3A_2688 = arith.index_cast %add3A_2686 : i32 to index
        %get3A_2689 = arith.constant 0 : index
        %get3A_2690 = tpu.vector_load %arg7[%get3A_2687, %get3A_2688, %get3A_2689] {strides = array<i32>} : memref<2x3200x16xf32, #tpu.memory_space<vmem>>, vector<1x1x16xf32>,
        %get3A_2691 = vector.shape_cast %get3A_2690 : vector<1x1x16xf32> to vector<16xf32>
        %add3A_2692 = arith.addf %add3A_2660, %get3A_2691 : vector<16xf32>
        %add3A_2693 = arith.constant 5 : i32
        %add3A_2694 = arith.addi %add3A_2654, %add3A_2693 : i32
        %get3A_2695 = arith.index_cast %rem3A_159 : i32 to index
        %get3A_2696 = arith.index_cast %add3A_2694 : i32 to index
        %get3A_2697 = arith.constant 0 : index
        %get3A_2698 = tpu.vector_load %arg7[%get3A_2695, %get3A_2696, %get3A_2697] {strides = array<i32>} : memref<2x3200x16xf32, #tpu.memory_space<vmem>>, vector<1x1x16xf32>,
        %get3A_2699 = vector.shape_cast %get3A_2698 : vector<1x1x16xf32> to vector<16xf32>
        %add3A_2700 = arith.addf %add3A_2668, %get3A_2699 : vector<16xf32>
        %add3A_2701 = arith.constant 6 : i32
        %add3A_2702 = arith.addi %add3A_2654, %add3A_2701 : i32
        %get3A_2703 = arith.index_cast %rem3A_159 : i32 to index
        %get3A_2704 = arith.index_cast %add3A_2702 : i32 to index
        %get3A_2705 = arith.constant 0 : index
        %get3A_2706 = tpu.vector_load %arg7[%get3A_2703, %get3A_2704, %get3A_2705] {strides = array<i32>} : memref<2x3200x16xf32, #tpu.memory_space<vmem>>, vector<1x1x16xf32>,
        %get3A_2707 = vector.shape_cast %get3A_2706 : vector<1x1x16xf32> to vector<16xf32>
        %add3A_2708 = arith.addf %add3A_2676, %get3A_2707 : vector<16xf32>
        %add3A_2709 = arith.constant 7 : i32
        %add3A_2710 = arith.addi %add3A_2654, %add3A_2709 : i32
        %get3A_2711 = arith.index_cast %rem3A_159 : i32 to index
        %get3A_2712 = arith.index_cast %add3A_2710 : i32 to index
        %get3A_2713 = arith.constant 0 : index
        %get3A_2714 = tpu.vector_load %arg7[%get3A_2711, %get3A_2712, %get3A_2713] {strides = array<i32>} : memref<2x3200x16xf32, #tpu.memory_space<vmem>>, vector<1x1x16xf32>,
        %get3A_2715 = vector.shape_cast %get3A_2714 : vector<1x1x16xf32> to vector<16xf32>
        %add3A_2716 = arith.addf %add3A_2684, %get3A_2715 : vector<16xf32>
        scf.yield %add3A_2692, %add3A_2700, %add3A_2708, %add3A_2716 : vector<16xf32>, vector<16xf32>, vector<16xf32>, vector<16xf32>
      }
      %scan3A_2023 = arith.constant 25 : i32
      %add3A_2024 = arith.addf %scan3A_2022#0, %scan3A_2022#1 : vector<16xf32>
      %add3A_2025 = arith.addf %scan3A_2022#2, %scan3A_2022#3 : vector<16xf32>
      %add3A_2026 = arith.addf %add3A_2024, %add3A_2025 : vector<16xf32>
      %slice3A_2027 = vector.extract_strided_slice %add3A_2026 {offsets = [0], sizes = [1], strides = [1]} : vector<16xf32> to vector<1xf32>
      %squeeze3A_2028 = vector.extract %slice3A_2027[0] : f32 from vector<1xf32>
      %slice3A_2029 = vector.extract_strided_slice %add3A_2026 {offsets = [1], sizes = [1], strides = [1]} : vector<16xf32> to vector<1xf32>
      %squeeze3A_2030 = vector.extract %slice3A_2029[0] : f32 from vector<1xf32>
      %slice3A_2031 = vector.extract_strided_slice %add3A_2026 {offsets = [2], sizes = [1], strides = [1]} : vector<16xf32> to vector<1xf32>
      %squeeze3A_2032 = vector.extract %slice3A_2031[0] : f32 from vector<1xf32>
      %slice3A_2033 = vector.extract_strided_slice %add3A_2026 {offsets = [3], sizes = [1], strides = [1]} : vector<16xf32> to vector<1xf32>
      %squeeze3A_2034 = vector.extract %slice3A_2033[0] : f32 from vector<1xf32>
      %slice3A_2035 = vector.extract_strided_slice %add3A_2026 {offsets = [4], sizes = [1], strides = [1]} : vector<16xf32> to vector<1xf32>
      %squeeze3A_2036 = vector.extract %slice3A_2035[0] : f32 from vector<1xf32>
      %slice3A_2037 = vector.extract_strided_slice %add3A_2026 {offsets = [5], sizes = [1], strides = [1]} : vector<16xf32> to vector<1xf32>
      %squeeze3A_2038 = vector.extract %slice3A_2037[0] : f32 from vector<1xf32>
      %slice3A_2039 = vector.extract_strided_slice %add3A_2026 {offsets = [6], sizes = [1], strides = [1]} : vector<16xf32> to vector<1xf32>
      %squeeze3A_2040 = vector.extract %slice3A_2039[0] : f32 from vector<1xf32>
      %slice3A_2041 = vector.extract_strided_slice %add3A_2026 {offsets = [7], sizes = [1], strides = [1]} : vector<16xf32> to vector<1xf32>
      %squeeze3A_2042 = vector.extract %slice3A_2041[0] : f32 from vector<1xf32>
      %slice3A_2043 = vector.extract_strided_slice %add3A_2026 {offsets = [8], sizes = [1], strides = [1]} : vector<16xf32> to vector<1xf32>
      %squeeze3A_2044 = vector.extract %slice3A_2043[0] : f32 from vector<1xf32>
      %slice3A_2045 = vector.extract_strided_slice %add3A_2026 {offsets = [9], sizes = [1], strides = [1]} : vector<16xf32> to vector<1xf32>
      %squeeze3A_2046 = vector.extract %slice3A_2045[0] : f32 from vector<1xf32>
      %mul3A_2047 = arith.mulf %squeeze3A_2028, %squeeze3A : f32
      %add3A_2048 = arith.addf %squeeze3A_117, %mul3A_2047 : f32
      %mul3A_2049 = arith.mulf %squeeze3A_2030, %squeeze3A_16 : f32
      %add3A_2050 = arith.addf %add3A_2048, %mul3A_2049 : f32
      %mul3A_2051 = arith.mulf %squeeze3A_2032, %squeeze3A_18 : f32
      %add3A_2052 = arith.addf %add3A_2050, %mul3A_2051 : f32
      %mul3A_2053 = arith.mulf %squeeze3A_2034, %squeeze3A_20 : f32
      %add3A_2054 = arith.addf %add3A_2052, %mul3A_2053 : f32
      %mul3A_2055 = arith.mulf %squeeze3A_2036, %squeeze3A_22 : f32
      %add3A_2056 = arith.addf %add3A_2054, %mul3A_2055 : f32
      %mul3A_2057 = arith.mulf %squeeze3A_2038, %squeeze3A_24 : f32
      %add3A_2058 = arith.addf %add3A_2056, %mul3A_2057 : f32
      %mul3A_2059 = arith.mulf %squeeze3A_2040, %squeeze3A_26 : f32
      %add3A_2060 = arith.addf %add3A_2058, %mul3A_2059 : f32
      %mul3A_2061 = arith.mulf %squeeze3A_2042, %squeeze3A_28 : f32
      %add3A_2062 = arith.addf %add3A_2060, %mul3A_2061 : f32
      %mul3A_2063 = arith.mulf %squeeze3A_2044, %squeeze3A_30 : f32
      %add3A_2064 = arith.addf %add3A_2062, %mul3A_2063 : f32
      %mul3A_2065 = arith.mulf %squeeze3A_2046, %squeeze3A_32 : f32
      %add3A_2066 = arith.addf %add3A_2064, %mul3A_2065 : f32
      %max3A_2067 = arith.constant 0.000000e+00 : f32
      %max3A_2068 = arith.maximumf %add3A_2066, %max3A_2067 : f32
      %mul3A_2069 = arith.mulf %squeeze3A_127, %max3A_2068 : f32
      %add3A_2070 = arith.addf %squeeze3A_137, %mul3A_2069 : f32
      %mul3A_2071 = arith.mulf %squeeze3A_2028, %squeeze3A_34 : f32
      %add3A_2072 = arith.addf %squeeze3A_119, %mul3A_2071 : f32
      %mul3A_2073 = arith.mulf %squeeze3A_2030, %squeeze3A_36 : f32
      %add3A_2074 = arith.addf %add3A_2072, %mul3A_2073 : f32
      %mul3A_2075 = arith.mulf %squeeze3A_2032, %squeeze3A_38 : f32
      %add3A_2076 = arith.addf %add3A_2074, %mul3A_2075 : f32
      %mul3A_2077 = arith.mulf %squeeze3A_2034, %squeeze3A_40 : f32
      %add3A_2078 = arith.addf %add3A_2076, %mul3A_2077 : f32
      %mul3A_2079 = arith.mulf %squeeze3A_2036, %squeeze3A_42 : f32
      %add3A_2080 = arith.addf %add3A_2078, %mul3A_2079 : f32
      %mul3A_2081 = arith.mulf %squeeze3A_2038, %squeeze3A_44 : f32
      %add3A_2082 = arith.addf %add3A_2080, %mul3A_2081 : f32
      %mul3A_2083 = arith.mulf %squeeze3A_2040, %squeeze3A_46 : f32
      %add3A_2084 = arith.addf %add3A_2082, %mul3A_2083 : f32
      %mul3A_2085 = arith.mulf %squeeze3A_2042, %squeeze3A_48 : f32
      %add3A_2086 = arith.addf %add3A_2084, %mul3A_2085 : f32
      %mul3A_2087 = arith.mulf %squeeze3A_2044, %squeeze3A_50 : f32
      %add3A_2088 = arith.addf %add3A_2086, %mul3A_2087 : f32
      %mul3A_2089 = arith.mulf %squeeze3A_2046, %squeeze3A_52 : f32
      %add3A_2090 = arith.addf %add3A_2088, %mul3A_2089 : f32
      %max3A_2091 = arith.constant 0.000000e+00 : f32
      %max3A_2092 = arith.maximumf %add3A_2090, %max3A_2091 : f32
      %mul3A_2093 = arith.mulf %squeeze3A_129, %max3A_2092 : f32
      %add3A_2094 = arith.addf %add3A_2070, %mul3A_2093 : f32
      %mul3A_2095 = arith.mulf %squeeze3A_2028, %squeeze3A_54 : f32
      %add3A_2096 = arith.addf %squeeze3A_121, %mul3A_2095 : f32
      %mul3A_2097 = arith.mulf %squeeze3A_2030, %squeeze3A_56 : f32
      %add3A_2098 = arith.addf %add3A_2096, %mul3A_2097 : f32
      %mul3A_2099 = arith.mulf %squeeze3A_2032, %squeeze3A_58 : f32
      %add3A_2100 = arith.addf %add3A_2098, %mul3A_2099 : f32
      %mul3A_2101 = arith.mulf %squeeze3A_2034, %squeeze3A_60 : f32
      %add3A_2102 = arith.addf %add3A_2100, %mul3A_2101 : f32
      %mul3A_2103 = arith.mulf %squeeze3A_2036, %squeeze3A_62 : f32
      %add3A_2104 = arith.addf %add3A_2102, %mul3A_2103 : f32
      %mul3A_2105 = arith.mulf %squeeze3A_2038, %squeeze3A_64 : f32
      %add3A_2106 = arith.addf %add3A_2104, %mul3A_2105 : f32
      %mul3A_2107 = arith.mulf %squeeze3A_2040, %squeeze3A_66 : f32
      %add3A_2108 = arith.addf %add3A_2106, %mul3A_2107 : f32
      %mul3A_2109 = arith.mulf %squeeze3A_2042, %squeeze3A_68 : f32
      %add3A_2110 = arith.addf %add3A_2108, %mul3A_2109 : f32
      %mul3A_2111 = arith.mulf %squeeze3A_2044, %squeeze3A_70 : f32
      %add3A_2112 = arith.addf %add3A_2110, %mul3A_2111 : f32
      %mul3A_2113 = arith.mulf %squeeze3A_2046, %squeeze3A_72 : f32
      %add3A_2114 = arith.addf %add3A_2112, %mul3A_2113 : f32
      %max3A_2115 = arith.constant 0.000000e+00 : f32
      %max3A_2116 = arith.maximumf %add3A_2114, %max3A_2115 : f32
      %mul3A_2117 = arith.mulf %squeeze3A_131, %max3A_2116 : f32
      %add3A_2118 = arith.addf %add3A_2094, %mul3A_2117 : f32
      %mul3A_2119 = arith.mulf %squeeze3A_2028, %squeeze3A_74 : f32
      %add3A_2120 = arith.addf %squeeze3A_123, %mul3A_2119 : f32
      %mul3A_2121 = arith.mulf %squeeze3A_2030, %squeeze3A_76 : f32
      %add3A_2122 = arith.addf %add3A_2120, %mul3A_2121 : f32
      %mul3A_2123 = arith.mulf %squeeze3A_2032, %squeeze3A_78 : f32
      %add3A_2124 = arith.addf %add3A_2122, %mul3A_2123 : f32
      %mul3A_2125 = arith.mulf %squeeze3A_2034, %squeeze3A_80 : f32
      %add3A_2126 = arith.addf %add3A_2124, %mul3A_2125 : f32
      %mul3A_2127 = arith.mulf %squeeze3A_2036, %squeeze3A_82 : f32
      %add3A_2128 = arith.addf %add3A_2126, %mul3A_2127 : f32
      %mul3A_2129 = arith.mulf %squeeze3A_2038, %squeeze3A_84 : f32
      %add3A_2130 = arith.addf %add3A_2128, %mul3A_2129 : f32
      %mul3A_2131 = arith.mulf %squeeze3A_2040, %squeeze3A_86 : f32
      %add3A_2132 = arith.addf %add3A_2130, %mul3A_2131 : f32
      %mul3A_2133 = arith.mulf %squeeze3A_2042, %squeeze3A_88 : f32
      %add3A_2134 = arith.addf %add3A_2132, %mul3A_2133 : f32
      %mul3A_2135 = arith.mulf %squeeze3A_2044, %squeeze3A_90 : f32
      %add3A_2136 = arith.addf %add3A_2134, %mul3A_2135 : f32
      %mul3A_2137 = arith.mulf %squeeze3A_2046, %squeeze3A_92 : f32
      %add3A_2138 = arith.addf %add3A_2136, %mul3A_2137 : f32
      %max3A_2139 = arith.constant 0.000000e+00 : f32
      %max3A_2140 = arith.maximumf %add3A_2138, %max3A_2139 : f32
      %mul3A_2141 = arith.mulf %squeeze3A_133, %max3A_2140 : f32
      %add3A_2142 = arith.addf %add3A_2118, %mul3A_2141 : f32
      %mul3A_2143 = arith.mulf %squeeze3A_2028, %squeeze3A_94 : f32
      %add3A_2144 = arith.addf %squeeze3A_125, %mul3A_2143 : f32
      %mul3A_2145 = arith.mulf %squeeze3A_2030, %squeeze3A_96 : f32
      %add3A_2146 = arith.addf %add3A_2144, %mul3A_2145 : f32
      %mul3A_2147 = arith.mulf %squeeze3A_2032, %squeeze3A_98 : f32
      %add3A_2148 = arith.addf %add3A_2146, %mul3A_2147 : f32
      %mul3A_2149 = arith.mulf %squeeze3A_2034, %squeeze3A_100 : f32
      %add3A_2150 = arith.addf %add3A_2148, %mul3A_2149 : f32
      %mul3A_2151 = arith.mulf %squeeze3A_2036, %squeeze3A_102 : f32
      %add3A_2152 = arith.addf %add3A_2150, %mul3A_2151 : f32
      %mul3A_2153 = arith.mulf %squeeze3A_2038, %squeeze3A_104 : f32
      %add3A_2154 = arith.addf %add3A_2152, %mul3A_2153 : f32
      %mul3A_2155 = arith.mulf %squeeze3A_2040, %squeeze3A_106 : f32
      %add3A_2156 = arith.addf %add3A_2154, %mul3A_2155 : f32
      %mul3A_2157 = arith.mulf %squeeze3A_2042, %squeeze3A_108 : f32
      %add3A_2158 = arith.addf %add3A_2156, %mul3A_2157 : f32
      %mul3A_2159 = arith.mulf %squeeze3A_2044, %squeeze3A_110 : f32
      %add3A_2160 = arith.addf %add3A_2158, %mul3A_2159 : f32
      %mul3A_2161 = arith.mulf %squeeze3A_2046, %squeeze3A_112 : f32
      %add3A_2162 = arith.addf %add3A_2160, %mul3A_2161 : f32
      %max3A_2163 = arith.constant 0.000000e+00 : f32
      %max3A_2164 = arith.maximumf %add3A_2162, %max3A_2163 : f32
      %mul3A_2165 = arith.mulf %squeeze3A_135, %max3A_2164 : f32
      %add3A_2166 = arith.addf %add3A_2142, %mul3A_2165 : f32
      %eq3A_2167 = arith.constant 12 : i32
      %eq3A_2168 = vector.broadcast %eq3A_2167 : i32 to vector<16xi32>
      %eq3A_2169 = arith.cmpi eq, %iota3A, %eq3A_2168 : vector<16xi32>
      %broadcast_in_dim3A_2170 = vector.broadcast %add3A_2166 : f32 to vector<16xf32>
      %select_n3A_2171 = arith.select %eq3A_2169, %broadcast_in_dim3A_2170, %select_n3A_2017 : vector<16xi1>, vector<16xf32>
      %scan3A_2172 = arith.constant 0 : i32
      %scan3A_2173 = arith.constant 25 : i32
      %scan3A_2174 = arith.addi %scan3A_2172, %scan3A_2173 : i32
      %scan3A_2175 = arith.constant 1 : i32
      %scan3A_2176:4 = scf.for %scan3A_2646 = %scan3A_2172 to %scan3A_2174 step %scan3A_2175 iter_args(%scan3A_2647 = %broadcast_in_dim3A_138, %scan3A_2648 = %broadcast_in_dim3A_138, %scan3A_2649 = %broadcast_in_dim3A_138, %scan3A_2650 = %broadcast_in_dim3A_138) -> (vector<16xf32>, vector<16xf32>, vector<16xf32>, vector<16xf32>)  : i32 {
        %mul3A_2651 = arith.constant 8 : i32
        %mul3A_2652 = arith.muli %scan3A_2646, %mul3A_2651 : i32
        %add3A_2653 = arith.constant 2600 : i32
        %add3A_2654 = arith.addi %add3A_2653, %mul3A_2652 : i32
        %get3A_2655 = arith.index_cast %rem3A_159 : i32 to index
        %get3A_2656 = arith.index_cast %add3A_2654 : i32 to index
        %get3A_2657 = arith.constant 0 : index
        %get3A_2658 = tpu.vector_load %arg7[%get3A_2655, %get3A_2656, %get3A_2657] {strides = array<i32>} : memref<2x3200x16xf32, #tpu.memory_space<vmem>>, vector<1x1x16xf32>,
        %get3A_2659 = vector.shape_cast %get3A_2658 : vector<1x1x16xf32> to vector<16xf32>
        %add3A_2660 = arith.addf %scan3A_2647, %get3A_2659 : vector<16xf32>
        %add3A_2661 = arith.constant 1 : i32
        %add3A_2662 = arith.addi %add3A_2654, %add3A_2661 : i32
        %get3A_2663 = arith.index_cast %rem3A_159 : i32 to index
        %get3A_2664 = arith.index_cast %add3A_2662 : i32 to index
        %get3A_2665 = arith.constant 0 : index
        %get3A_2666 = tpu.vector_load %arg7[%get3A_2663, %get3A_2664, %get3A_2665] {strides = array<i32>} : memref<2x3200x16xf32, #tpu.memory_space<vmem>>, vector<1x1x16xf32>,
        %get3A_2667 = vector.shape_cast %get3A_2666 : vector<1x1x16xf32> to vector<16xf32>
        %add3A_2668 = arith.addf %scan3A_2648, %get3A_2667 : vector<16xf32>
        %add3A_2669 = arith.constant 2 : i32
        %add3A_2670 = arith.addi %add3A_2654, %add3A_2669 : i32
        %get3A_2671 = arith.index_cast %rem3A_159 : i32 to index
        %get3A_2672 = arith.index_cast %add3A_2670 : i32 to index
        %get3A_2673 = arith.constant 0 : index
        %get3A_2674 = tpu.vector_load %arg7[%get3A_2671, %get3A_2672, %get3A_2673] {strides = array<i32>} : memref<2x3200x16xf32, #tpu.memory_space<vmem>>, vector<1x1x16xf32>,
        %get3A_2675 = vector.shape_cast %get3A_2674 : vector<1x1x16xf32> to vector<16xf32>
        %add3A_2676 = arith.addf %scan3A_2649, %get3A_2675 : vector<16xf32>
        %add3A_2677 = arith.constant 3 : i32
        %add3A_2678 = arith.addi %add3A_2654, %add3A_2677 : i32
        %get3A_2679 = arith.index_cast %rem3A_159 : i32 to index
        %get3A_2680 = arith.index_cast %add3A_2678 : i32 to index
        %get3A_2681 = arith.constant 0 : index
        %get3A_2682 = tpu.vector_load %arg7[%get3A_2679, %get3A_2680, %get3A_2681] {strides = array<i32>} : memref<2x3200x16xf32, #tpu.memory_space<vmem>>, vector<1x1x16xf32>,
        %get3A_2683 = vector.shape_cast %get3A_2682 : vector<1x1x16xf32> to vector<16xf32>
        %add3A_2684 = arith.addf %scan3A_2650, %get3A_2683 : vector<16xf32>
        %add3A_2685 = arith.constant 4 : i32
        %add3A_2686 = arith.addi %add3A_2654, %add3A_2685 : i32
        %get3A_2687 = arith.index_cast %rem3A_159 : i32 to index
        %get3A_2688 = arith.index_cast %add3A_2686 : i32 to index
        %get3A_2689 = arith.constant 0 : index
        %get3A_2690 = tpu.vector_load %arg7[%get3A_2687, %get3A_2688, %get3A_2689] {strides = array<i32>} : memref<2x3200x16xf32, #tpu.memory_space<vmem>>, vector<1x1x16xf32>,
        %get3A_2691 = vector.shape_cast %get3A_2690 : vector<1x1x16xf32> to vector<16xf32>
        %add3A_2692 = arith.addf %add3A_2660, %get3A_2691 : vector<16xf32>
        %add3A_2693 = arith.constant 5 : i32
        %add3A_2694 = arith.addi %add3A_2654, %add3A_2693 : i32
        %get3A_2695 = arith.index_cast %rem3A_159 : i32 to index
        %get3A_2696 = arith.index_cast %add3A_2694 : i32 to index
        %get3A_2697 = arith.constant 0 : index
        %get3A_2698 = tpu.vector_load %arg7[%get3A_2695, %get3A_2696, %get3A_2697] {strides = array<i32>} : memref<2x3200x16xf32, #tpu.memory_space<vmem>>, vector<1x1x16xf32>,
        %get3A_2699 = vector.shape_cast %get3A_2698 : vector<1x1x16xf32> to vector<16xf32>
        %add3A_2700 = arith.addf %add3A_2668, %get3A_2699 : vector<16xf32>
        %add3A_2701 = arith.constant 6 : i32
        %add3A_2702 = arith.addi %add3A_2654, %add3A_2701 : i32
        %get3A_2703 = arith.index_cast %rem3A_159 : i32 to index
        %get3A_2704 = arith.index_cast %add3A_2702 : i32 to index
        %get3A_2705 = arith.constant 0 : index
        %get3A_2706 = tpu.vector_load %arg7[%get3A_2703, %get3A_2704, %get3A_2705] {strides = array<i32>} : memref<2x3200x16xf32, #tpu.memory_space<vmem>>, vector<1x1x16xf32>,
        %get3A_2707 = vector.shape_cast %get3A_2706 : vector<1x1x16xf32> to vector<16xf32>
        %add3A_2708 = arith.addf %add3A_2676, %get3A_2707 : vector<16xf32>
        %add3A_2709 = arith.constant 7 : i32
        %add3A_2710 = arith.addi %add3A_2654, %add3A_2709 : i32
        %get3A_2711 = arith.index_cast %rem3A_159 : i32 to index
        %get3A_2712 = arith.index_cast %add3A_2710 : i32 to index
        %get3A_2713 = arith.constant 0 : index
        %get3A_2714 = tpu.vector_load %arg7[%get3A_2711, %get3A_2712, %get3A_2713] {strides = array<i32>} : memref<2x3200x16xf32, #tpu.memory_space<vmem>>, vector<1x1x16xf32>,
        %get3A_2715 = vector.shape_cast %get3A_2714 : vector<1x1x16xf32> to vector<16xf32>
        %add3A_2716 = arith.addf %add3A_2684, %get3A_2715 : vector<16xf32>
        scf.yield %add3A_2692, %add3A_2700, %add3A_2708, %add3A_2716 : vector<16xf32>, vector<16xf32>, vector<16xf32>, vector<16xf32>
      }
      %scan3A_2177 = arith.constant 25 : i32
      %add3A_2178 = arith.addf %scan3A_2176#0, %scan3A_2176#1 : vector<16xf32>
      %add3A_2179 = arith.addf %scan3A_2176#2, %scan3A_2176#3 : vector<16xf32>
      %add3A_2180 = arith.addf %add3A_2178, %add3A_2179 : vector<16xf32>
      %slice3A_2181 = vector.extract_strided_slice %add3A_2180 {offsets = [0], sizes = [1], strides = [1]} : vector<16xf32> to vector<1xf32>
      %squeeze3A_2182 = vector.extract %slice3A_2181[0] : f32 from vector<1xf32>
      %slice3A_2183 = vector.extract_strided_slice %add3A_2180 {offsets = [1], sizes = [1], strides = [1]} : vector<16xf32> to vector<1xf32>
      %squeeze3A_2184 = vector.extract %slice3A_2183[0] : f32 from vector<1xf32>
      %slice3A_2185 = vector.extract_strided_slice %add3A_2180 {offsets = [2], sizes = [1], strides = [1]} : vector<16xf32> to vector<1xf32>
      %squeeze3A_2186 = vector.extract %slice3A_2185[0] : f32 from vector<1xf32>
      %slice3A_2187 = vector.extract_strided_slice %add3A_2180 {offsets = [3], sizes = [1], strides = [1]} : vector<16xf32> to vector<1xf32>
      %squeeze3A_2188 = vector.extract %slice3A_2187[0] : f32 from vector<1xf32>
      %slice3A_2189 = vector.extract_strided_slice %add3A_2180 {offsets = [4], sizes = [1], strides = [1]} : vector<16xf32> to vector<1xf32>
      %squeeze3A_2190 = vector.extract %slice3A_2189[0] : f32 from vector<1xf32>
      %slice3A_2191 = vector.extract_strided_slice %add3A_2180 {offsets = [5], sizes = [1], strides = [1]} : vector<16xf32> to vector<1xf32>
      %squeeze3A_2192 = vector.extract %slice3A_2191[0] : f32 from vector<1xf32>
      %slice3A_2193 = vector.extract_strided_slice %add3A_2180 {offsets = [6], sizes = [1], strides = [1]} : vector<16xf32> to vector<1xf32>
      %squeeze3A_2194 = vector.extract %slice3A_2193[0] : f32 from vector<1xf32>
      %slice3A_2195 = vector.extract_strided_slice %add3A_2180 {offsets = [7], sizes = [1], strides = [1]} : vector<16xf32> to vector<1xf32>
      %squeeze3A_2196 = vector.extract %slice3A_2195[0] : f32 from vector<1xf32>
      %slice3A_2197 = vector.extract_strided_slice %add3A_2180 {offsets = [8], sizes = [1], strides = [1]} : vector<16xf32> to vector<1xf32>
      %squeeze3A_2198 = vector.extract %slice3A_2197[0] : f32 from vector<1xf32>
      %slice3A_2199 = vector.extract_strided_slice %add3A_2180 {offsets = [9], sizes = [1], strides = [1]} : vector<16xf32> to vector<1xf32>
      %squeeze3A_2200 = vector.extract %slice3A_2199[0] : f32 from vector<1xf32>
      %mul3A_2201 = arith.mulf %squeeze3A_2182, %squeeze3A : f32
      %add3A_2202 = arith.addf %squeeze3A_117, %mul3A_2201 : f32
      %mul3A_2203 = arith.mulf %squeeze3A_2184, %squeeze3A_16 : f32
      %add3A_2204 = arith.addf %add3A_2202, %mul3A_2203 : f32
      %mul3A_2205 = arith.mulf %squeeze3A_2186, %squeeze3A_18 : f32
      %add3A_2206 = arith.addf %add3A_2204, %mul3A_2205 : f32
      %mul3A_2207 = arith.mulf %squeeze3A_2188, %squeeze3A_20 : f32
      %add3A_2208 = arith.addf %add3A_2206, %mul3A_2207 : f32
      %mul3A_2209 = arith.mulf %squeeze3A_2190, %squeeze3A_22 : f32
      %add3A_2210 = arith.addf %add3A_2208, %mul3A_2209 : f32
      %mul3A_2211 = arith.mulf %squeeze3A_2192, %squeeze3A_24 : f32
      %add3A_2212 = arith.addf %add3A_2210, %mul3A_2211 : f32
      %mul3A_2213 = arith.mulf %squeeze3A_2194, %squeeze3A_26 : f32
      %add3A_2214 = arith.addf %add3A_2212, %mul3A_2213 : f32
      %mul3A_2215 = arith.mulf %squeeze3A_2196, %squeeze3A_28 : f32
      %add3A_2216 = arith.addf %add3A_2214, %mul3A_2215 : f32
      %mul3A_2217 = arith.mulf %squeeze3A_2198, %squeeze3A_30 : f32
      %add3A_2218 = arith.addf %add3A_2216, %mul3A_2217 : f32
      %mul3A_2219 = arith.mulf %squeeze3A_2200, %squeeze3A_32 : f32
      %add3A_2220 = arith.addf %add3A_2218, %mul3A_2219 : f32
      %max3A_2221 = arith.constant 0.000000e+00 : f32
      %max3A_2222 = arith.maximumf %add3A_2220, %max3A_2221 : f32
      %mul3A_2223 = arith.mulf %squeeze3A_127, %max3A_2222 : f32
      %add3A_2224 = arith.addf %squeeze3A_137, %mul3A_2223 : f32
      %mul3A_2225 = arith.mulf %squeeze3A_2182, %squeeze3A_34 : f32
      %add3A_2226 = arith.addf %squeeze3A_119, %mul3A_2225 : f32
      %mul3A_2227 = arith.mulf %squeeze3A_2184, %squeeze3A_36 : f32
      %add3A_2228 = arith.addf %add3A_2226, %mul3A_2227 : f32
      %mul3A_2229 = arith.mulf %squeeze3A_2186, %squeeze3A_38 : f32
      %add3A_2230 = arith.addf %add3A_2228, %mul3A_2229 : f32
      %mul3A_2231 = arith.mulf %squeeze3A_2188, %squeeze3A_40 : f32
      %add3A_2232 = arith.addf %add3A_2230, %mul3A_2231 : f32
      %mul3A_2233 = arith.mulf %squeeze3A_2190, %squeeze3A_42 : f32
      %add3A_2234 = arith.addf %add3A_2232, %mul3A_2233 : f32
      %mul3A_2235 = arith.mulf %squeeze3A_2192, %squeeze3A_44 : f32
      %add3A_2236 = arith.addf %add3A_2234, %mul3A_2235 : f32
      %mul3A_2237 = arith.mulf %squeeze3A_2194, %squeeze3A_46 : f32
      %add3A_2238 = arith.addf %add3A_2236, %mul3A_2237 : f32
      %mul3A_2239 = arith.mulf %squeeze3A_2196, %squeeze3A_48 : f32
      %add3A_2240 = arith.addf %add3A_2238, %mul3A_2239 : f32
      %mul3A_2241 = arith.mulf %squeeze3A_2198, %squeeze3A_50 : f32
      %add3A_2242 = arith.addf %add3A_2240, %mul3A_2241 : f32
      %mul3A_2243 = arith.mulf %squeeze3A_2200, %squeeze3A_52 : f32
      %add3A_2244 = arith.addf %add3A_2242, %mul3A_2243 : f32
      %max3A_2245 = arith.constant 0.000000e+00 : f32
      %max3A_2246 = arith.maximumf %add3A_2244, %max3A_2245 : f32
      %mul3A_2247 = arith.mulf %squeeze3A_129, %max3A_2246 : f32
      %add3A_2248 = arith.addf %add3A_2224, %mul3A_2247 : f32
      %mul3A_2249 = arith.mulf %squeeze3A_2182, %squeeze3A_54 : f32
      %add3A_2250 = arith.addf %squeeze3A_121, %mul3A_2249 : f32
      %mul3A_2251 = arith.mulf %squeeze3A_2184, %squeeze3A_56 : f32
      %add3A_2252 = arith.addf %add3A_2250, %mul3A_2251 : f32
      %mul3A_2253 = arith.mulf %squeeze3A_2186, %squeeze3A_58 : f32
      %add3A_2254 = arith.addf %add3A_2252, %mul3A_2253 : f32
      %mul3A_2255 = arith.mulf %squeeze3A_2188, %squeeze3A_60 : f32
      %add3A_2256 = arith.addf %add3A_2254, %mul3A_2255 : f32
      %mul3A_2257 = arith.mulf %squeeze3A_2190, %squeeze3A_62 : f32
      %add3A_2258 = arith.addf %add3A_2256, %mul3A_2257 : f32
      %mul3A_2259 = arith.mulf %squeeze3A_2192, %squeeze3A_64 : f32
      %add3A_2260 = arith.addf %add3A_2258, %mul3A_2259 : f32
      %mul3A_2261 = arith.mulf %squeeze3A_2194, %squeeze3A_66 : f32
      %add3A_2262 = arith.addf %add3A_2260, %mul3A_2261 : f32
      %mul3A_2263 = arith.mulf %squeeze3A_2196, %squeeze3A_68 : f32
      %add3A_2264 = arith.addf %add3A_2262, %mul3A_2263 : f32
      %mul3A_2265 = arith.mulf %squeeze3A_2198, %squeeze3A_70 : f32
      %add3A_2266 = arith.addf %add3A_2264, %mul3A_2265 : f32
      %mul3A_2267 = arith.mulf %squeeze3A_2200, %squeeze3A_72 : f32
      %add3A_2268 = arith.addf %add3A_2266, %mul3A_2267 : f32
      %max3A_2269 = arith.constant 0.000000e+00 : f32
      %max3A_2270 = arith.maximumf %add3A_2268, %max3A_2269 : f32
      %mul3A_2271 = arith.mulf %squeeze3A_131, %max3A_2270 : f32
      %add3A_2272 = arith.addf %add3A_2248, %mul3A_2271 : f32
      %mul3A_2273 = arith.mulf %squeeze3A_2182, %squeeze3A_74 : f32
      %add3A_2274 = arith.addf %squeeze3A_123, %mul3A_2273 : f32
      %mul3A_2275 = arith.mulf %squeeze3A_2184, %squeeze3A_76 : f32
      %add3A_2276 = arith.addf %add3A_2274, %mul3A_2275 : f32
      %mul3A_2277 = arith.mulf %squeeze3A_2186, %squeeze3A_78 : f32
      %add3A_2278 = arith.addf %add3A_2276, %mul3A_2277 : f32
      %mul3A_2279 = arith.mulf %squeeze3A_2188, %squeeze3A_80 : f32
      %add3A_2280 = arith.addf %add3A_2278, %mul3A_2279 : f32
      %mul3A_2281 = arith.mulf %squeeze3A_2190, %squeeze3A_82 : f32
      %add3A_2282 = arith.addf %add3A_2280, %mul3A_2281 : f32
      %mul3A_2283 = arith.mulf %squeeze3A_2192, %squeeze3A_84 : f32
      %add3A_2284 = arith.addf %add3A_2282, %mul3A_2283 : f32
      %mul3A_2285 = arith.mulf %squeeze3A_2194, %squeeze3A_86 : f32
      %add3A_2286 = arith.addf %add3A_2284, %mul3A_2285 : f32
      %mul3A_2287 = arith.mulf %squeeze3A_2196, %squeeze3A_88 : f32
      %add3A_2288 = arith.addf %add3A_2286, %mul3A_2287 : f32
      %mul3A_2289 = arith.mulf %squeeze3A_2198, %squeeze3A_90 : f32
      %add3A_2290 = arith.addf %add3A_2288, %mul3A_2289 : f32
      %mul3A_2291 = arith.mulf %squeeze3A_2200, %squeeze3A_92 : f32
      %add3A_2292 = arith.addf %add3A_2290, %mul3A_2291 : f32
      %max3A_2293 = arith.constant 0.000000e+00 : f32
      %max3A_2294 = arith.maximumf %add3A_2292, %max3A_2293 : f32
      %mul3A_2295 = arith.mulf %squeeze3A_133, %max3A_2294 : f32
      %add3A_2296 = arith.addf %add3A_2272, %mul3A_2295 : f32
      %mul3A_2297 = arith.mulf %squeeze3A_2182, %squeeze3A_94 : f32
      %add3A_2298 = arith.addf %squeeze3A_125, %mul3A_2297 : f32
      %mul3A_2299 = arith.mulf %squeeze3A_2184, %squeeze3A_96 : f32
      %add3A_2300 = arith.addf %add3A_2298, %mul3A_2299 : f32
      %mul3A_2301 = arith.mulf %squeeze3A_2186, %squeeze3A_98 : f32
      %add3A_2302 = arith.addf %add3A_2300, %mul3A_2301 : f32
      %mul3A_2303 = arith.mulf %squeeze3A_2188, %squeeze3A_100 : f32
      %add3A_2304 = arith.addf %add3A_2302, %mul3A_2303 : f32
      %mul3A_2305 = arith.mulf %squeeze3A_2190, %squeeze3A_102 : f32
      %add3A_2306 = arith.addf %add3A_2304, %mul3A_2305 : f32
      %mul3A_2307 = arith.mulf %squeeze3A_2192, %squeeze3A_104 : f32
      %add3A_2308 = arith.addf %add3A_2306, %mul3A_2307 : f32
      %mul3A_2309 = arith.mulf %squeeze3A_2194, %squeeze3A_106 : f32
      %add3A_2310 = arith.addf %add3A_2308, %mul3A_2309 : f32
      %mul3A_2311 = arith.mulf %squeeze3A_2196, %squeeze3A_108 : f32
      %add3A_2312 = arith.addf %add3A_2310, %mul3A_2311 : f32
      %mul3A_2313 = arith.mulf %squeeze3A_2198, %squeeze3A_110 : f32
      %add3A_2314 = arith.addf %add3A_2312, %mul3A_2313 : f32
      %mul3A_2315 = arith.mulf %squeeze3A_2200, %squeeze3A_112 : f32
      %add3A_2316 = arith.addf %add3A_2314, %mul3A_2315 : f32
      %max3A_2317 = arith.constant 0.000000e+00 : f32
      %max3A_2318 = arith.maximumf %add3A_2316, %max3A_2317 : f32
      %mul3A_2319 = arith.mulf %squeeze3A_135, %max3A_2318 : f32
      %add3A_2320 = arith.addf %add3A_2296, %mul3A_2319 : f32
      %eq3A_2321 = arith.constant 13 : i32
      %eq3A_2322 = vector.broadcast %eq3A_2321 : i32 to vector<16xi32>
      %eq3A_2323 = arith.cmpi eq, %iota3A, %eq3A_2322 : vector<16xi32>
      %broadcast_in_dim3A_2324 = vector.broadcast %add3A_2320 : f32 to vector<16xf32>
      %select_n3A_2325 = arith.select %eq3A_2323, %broadcast_in_dim3A_2324, %select_n3A_2171 : vector<16xi1>, vector<16xf32>
      %scan3A_2326 = arith.constant 0 : i32
      %scan3A_2327 = arith.constant 25 : i32
      %scan3A_2328 = arith.addi %scan3A_2326, %scan3A_2327 : i32
      %scan3A_2329 = arith.constant 1 : i32
      %scan3A_2330:4 = scf.for %scan3A_2646 = %scan3A_2326 to %scan3A_2328 step %scan3A_2329 iter_args(%scan3A_2647 = %broadcast_in_dim3A_138, %scan3A_2648 = %broadcast_in_dim3A_138, %scan3A_2649 = %broadcast_in_dim3A_138, %scan3A_2650 = %broadcast_in_dim3A_138) -> (vector<16xf32>, vector<16xf32>, vector<16xf32>, vector<16xf32>)  : i32 {
        %mul3A_2651 = arith.constant 8 : i32
        %mul3A_2652 = arith.muli %scan3A_2646, %mul3A_2651 : i32
        %add3A_2653 = arith.constant 2800 : i32
        %add3A_2654 = arith.addi %add3A_2653, %mul3A_2652 : i32
        %get3A_2655 = arith.index_cast %rem3A_159 : i32 to index
        %get3A_2656 = arith.index_cast %add3A_2654 : i32 to index
        %get3A_2657 = arith.constant 0 : index
        %get3A_2658 = tpu.vector_load %arg7[%get3A_2655, %get3A_2656, %get3A_2657] {strides = array<i32>} : memref<2x3200x16xf32, #tpu.memory_space<vmem>>, vector<1x1x16xf32>,
        %get3A_2659 = vector.shape_cast %get3A_2658 : vector<1x1x16xf32> to vector<16xf32>
        %add3A_2660 = arith.addf %scan3A_2647, %get3A_2659 : vector<16xf32>
        %add3A_2661 = arith.constant 1 : i32
        %add3A_2662 = arith.addi %add3A_2654, %add3A_2661 : i32
        %get3A_2663 = arith.index_cast %rem3A_159 : i32 to index
        %get3A_2664 = arith.index_cast %add3A_2662 : i32 to index
        %get3A_2665 = arith.constant 0 : index
        %get3A_2666 = tpu.vector_load %arg7[%get3A_2663, %get3A_2664, %get3A_2665] {strides = array<i32>} : memref<2x3200x16xf32, #tpu.memory_space<vmem>>, vector<1x1x16xf32>,
        %get3A_2667 = vector.shape_cast %get3A_2666 : vector<1x1x16xf32> to vector<16xf32>
        %add3A_2668 = arith.addf %scan3A_2648, %get3A_2667 : vector<16xf32>
        %add3A_2669 = arith.constant 2 : i32
        %add3A_2670 = arith.addi %add3A_2654, %add3A_2669 : i32
        %get3A_2671 = arith.index_cast %rem3A_159 : i32 to index
        %get3A_2672 = arith.index_cast %add3A_2670 : i32 to index
        %get3A_2673 = arith.constant 0 : index
        %get3A_2674 = tpu.vector_load %arg7[%get3A_2671, %get3A_2672, %get3A_2673] {strides = array<i32>} : memref<2x3200x16xf32, #tpu.memory_space<vmem>>, vector<1x1x16xf32>,
        %get3A_2675 = vector.shape_cast %get3A_2674 : vector<1x1x16xf32> to vector<16xf32>
        %add3A_2676 = arith.addf %scan3A_2649, %get3A_2675 : vector<16xf32>
        %add3A_2677 = arith.constant 3 : i32
        %add3A_2678 = arith.addi %add3A_2654, %add3A_2677 : i32
        %get3A_2679 = arith.index_cast %rem3A_159 : i32 to index
        %get3A_2680 = arith.index_cast %add3A_2678 : i32 to index
        %get3A_2681 = arith.constant 0 : index
        %get3A_2682 = tpu.vector_load %arg7[%get3A_2679, %get3A_2680, %get3A_2681] {strides = array<i32>} : memref<2x3200x16xf32, #tpu.memory_space<vmem>>, vector<1x1x16xf32>,
        %get3A_2683 = vector.shape_cast %get3A_2682 : vector<1x1x16xf32> to vector<16xf32>
        %add3A_2684 = arith.addf %scan3A_2650, %get3A_2683 : vector<16xf32>
        %add3A_2685 = arith.constant 4 : i32
        %add3A_2686 = arith.addi %add3A_2654, %add3A_2685 : i32
        %get3A_2687 = arith.index_cast %rem3A_159 : i32 to index
        %get3A_2688 = arith.index_cast %add3A_2686 : i32 to index
        %get3A_2689 = arith.constant 0 : index
        %get3A_2690 = tpu.vector_load %arg7[%get3A_2687, %get3A_2688, %get3A_2689] {strides = array<i32>} : memref<2x3200x16xf32, #tpu.memory_space<vmem>>, vector<1x1x16xf32>,
        %get3A_2691 = vector.shape_cast %get3A_2690 : vector<1x1x16xf32> to vector<16xf32>
        %add3A_2692 = arith.addf %add3A_2660, %get3A_2691 : vector<16xf32>
        %add3A_2693 = arith.constant 5 : i32
        %add3A_2694 = arith.addi %add3A_2654, %add3A_2693 : i32
        %get3A_2695 = arith.index_cast %rem3A_159 : i32 to index
        %get3A_2696 = arith.index_cast %add3A_2694 : i32 to index
        %get3A_2697 = arith.constant 0 : index
        %get3A_2698 = tpu.vector_load %arg7[%get3A_2695, %get3A_2696, %get3A_2697] {strides = array<i32>} : memref<2x3200x16xf32, #tpu.memory_space<vmem>>, vector<1x1x16xf32>,
        %get3A_2699 = vector.shape_cast %get3A_2698 : vector<1x1x16xf32> to vector<16xf32>
        %add3A_2700 = arith.addf %add3A_2668, %get3A_2699 : vector<16xf32>
        %add3A_2701 = arith.constant 6 : i32
        %add3A_2702 = arith.addi %add3A_2654, %add3A_2701 : i32
        %get3A_2703 = arith.index_cast %rem3A_159 : i32 to index
        %get3A_2704 = arith.index_cast %add3A_2702 : i32 to index
        %get3A_2705 = arith.constant 0 : index
        %get3A_2706 = tpu.vector_load %arg7[%get3A_2703, %get3A_2704, %get3A_2705] {strides = array<i32>} : memref<2x3200x16xf32, #tpu.memory_space<vmem>>, vector<1x1x16xf32>,
        %get3A_2707 = vector.shape_cast %get3A_2706 : vector<1x1x16xf32> to vector<16xf32>
        %add3A_2708 = arith.addf %add3A_2676, %get3A_2707 : vector<16xf32>
        %add3A_2709 = arith.constant 7 : i32
        %add3A_2710 = arith.addi %add3A_2654, %add3A_2709 : i32
        %get3A_2711 = arith.index_cast %rem3A_159 : i32 to index
        %get3A_2712 = arith.index_cast %add3A_2710 : i32 to index
        %get3A_2713 = arith.constant 0 : index
        %get3A_2714 = tpu.vector_load %arg7[%get3A_2711, %get3A_2712, %get3A_2713] {strides = array<i32>} : memref<2x3200x16xf32, #tpu.memory_space<vmem>>, vector<1x1x16xf32>,
        %get3A_2715 = vector.shape_cast %get3A_2714 : vector<1x1x16xf32> to vector<16xf32>
        %add3A_2716 = arith.addf %add3A_2684, %get3A_2715 : vector<16xf32>
        scf.yield %add3A_2692, %add3A_2700, %add3A_2708, %add3A_2716 : vector<16xf32>, vector<16xf32>, vector<16xf32>, vector<16xf32>
      }
      %scan3A_2331 = arith.constant 25 : i32
      %add3A_2332 = arith.addf %scan3A_2330#0, %scan3A_2330#1 : vector<16xf32>
      %add3A_2333 = arith.addf %scan3A_2330#2, %scan3A_2330#3 : vector<16xf32>
      %add3A_2334 = arith.addf %add3A_2332, %add3A_2333 : vector<16xf32>
      %slice3A_2335 = vector.extract_strided_slice %add3A_2334 {offsets = [0], sizes = [1], strides = [1]} : vector<16xf32> to vector<1xf32>
      %squeeze3A_2336 = vector.extract %slice3A_2335[0] : f32 from vector<1xf32>
      %slice3A_2337 = vector.extract_strided_slice %add3A_2334 {offsets = [1], sizes = [1], strides = [1]} : vector<16xf32> to vector<1xf32>
      %squeeze3A_2338 = vector.extract %slice3A_2337[0] : f32 from vector<1xf32>
      %slice3A_2339 = vector.extract_strided_slice %add3A_2334 {offsets = [2], sizes = [1], strides = [1]} : vector<16xf32> to vector<1xf32>
      %squeeze3A_2340 = vector.extract %slice3A_2339[0] : f32 from vector<1xf32>
      %slice3A_2341 = vector.extract_strided_slice %add3A_2334 {offsets = [3], sizes = [1], strides = [1]} : vector<16xf32> to vector<1xf32>
      %squeeze3A_2342 = vector.extract %slice3A_2341[0] : f32 from vector<1xf32>
      %slice3A_2343 = vector.extract_strided_slice %add3A_2334 {offsets = [4], sizes = [1], strides = [1]} : vector<16xf32> to vector<1xf32>
      %squeeze3A_2344 = vector.extract %slice3A_2343[0] : f32 from vector<1xf32>
      %slice3A_2345 = vector.extract_strided_slice %add3A_2334 {offsets = [5], sizes = [1], strides = [1]} : vector<16xf32> to vector<1xf32>
      %squeeze3A_2346 = vector.extract %slice3A_2345[0] : f32 from vector<1xf32>
      %slice3A_2347 = vector.extract_strided_slice %add3A_2334 {offsets = [6], sizes = [1], strides = [1]} : vector<16xf32> to vector<1xf32>
      %squeeze3A_2348 = vector.extract %slice3A_2347[0] : f32 from vector<1xf32>
      %slice3A_2349 = vector.extract_strided_slice %add3A_2334 {offsets = [7], sizes = [1], strides = [1]} : vector<16xf32> to vector<1xf32>
      %squeeze3A_2350 = vector.extract %slice3A_2349[0] : f32 from vector<1xf32>
      %slice3A_2351 = vector.extract_strided_slice %add3A_2334 {offsets = [8], sizes = [1], strides = [1]} : vector<16xf32> to vector<1xf32>
      %squeeze3A_2352 = vector.extract %slice3A_2351[0] : f32 from vector<1xf32>
      %slice3A_2353 = vector.extract_strided_slice %add3A_2334 {offsets = [9], sizes = [1], strides = [1]} : vector<16xf32> to vector<1xf32>
      %squeeze3A_2354 = vector.extract %slice3A_2353[0] : f32 from vector<1xf32>
      %mul3A_2355 = arith.mulf %squeeze3A_2336, %squeeze3A : f32
      %add3A_2356 = arith.addf %squeeze3A_117, %mul3A_2355 : f32
      %mul3A_2357 = arith.mulf %squeeze3A_2338, %squeeze3A_16 : f32
      %add3A_2358 = arith.addf %add3A_2356, %mul3A_2357 : f32
      %mul3A_2359 = arith.mulf %squeeze3A_2340, %squeeze3A_18 : f32
      %add3A_2360 = arith.addf %add3A_2358, %mul3A_2359 : f32
      %mul3A_2361 = arith.mulf %squeeze3A_2342, %squeeze3A_20 : f32
      %add3A_2362 = arith.addf %add3A_2360, %mul3A_2361 : f32
      %mul3A_2363 = arith.mulf %squeeze3A_2344, %squeeze3A_22 : f32
      %add3A_2364 = arith.addf %add3A_2362, %mul3A_2363 : f32
      %mul3A_2365 = arith.mulf %squeeze3A_2346, %squeeze3A_24 : f32
      %add3A_2366 = arith.addf %add3A_2364, %mul3A_2365 : f32
      %mul3A_2367 = arith.mulf %squeeze3A_2348, %squeeze3A_26 : f32
      %add3A_2368 = arith.addf %add3A_2366, %mul3A_2367 : f32
      %mul3A_2369 = arith.mulf %squeeze3A_2350, %squeeze3A_28 : f32
      %add3A_2370 = arith.addf %add3A_2368, %mul3A_2369 : f32
      %mul3A_2371 = arith.mulf %squeeze3A_2352, %squeeze3A_30 : f32
      %add3A_2372 = arith.addf %add3A_2370, %mul3A_2371 : f32
      %mul3A_2373 = arith.mulf %squeeze3A_2354, %squeeze3A_32 : f32
      %add3A_2374 = arith.addf %add3A_2372, %mul3A_2373 : f32
      %max3A_2375 = arith.constant 0.000000e+00 : f32
      %max3A_2376 = arith.maximumf %add3A_2374, %max3A_2375 : f32
      %mul3A_2377 = arith.mulf %squeeze3A_127, %max3A_2376 : f32
      %add3A_2378 = arith.addf %squeeze3A_137, %mul3A_2377 : f32
      %mul3A_2379 = arith.mulf %squeeze3A_2336, %squeeze3A_34 : f32
      %add3A_2380 = arith.addf %squeeze3A_119, %mul3A_2379 : f32
      %mul3A_2381 = arith.mulf %squeeze3A_2338, %squeeze3A_36 : f32
      %add3A_2382 = arith.addf %add3A_2380, %mul3A_2381 : f32
      %mul3A_2383 = arith.mulf %squeeze3A_2340, %squeeze3A_38 : f32
      %add3A_2384 = arith.addf %add3A_2382, %mul3A_2383 : f32
      %mul3A_2385 = arith.mulf %squeeze3A_2342, %squeeze3A_40 : f32
      %add3A_2386 = arith.addf %add3A_2384, %mul3A_2385 : f32
      %mul3A_2387 = arith.mulf %squeeze3A_2344, %squeeze3A_42 : f32
      %add3A_2388 = arith.addf %add3A_2386, %mul3A_2387 : f32
      %mul3A_2389 = arith.mulf %squeeze3A_2346, %squeeze3A_44 : f32
      %add3A_2390 = arith.addf %add3A_2388, %mul3A_2389 : f32
      %mul3A_2391 = arith.mulf %squeeze3A_2348, %squeeze3A_46 : f32
      %add3A_2392 = arith.addf %add3A_2390, %mul3A_2391 : f32
      %mul3A_2393 = arith.mulf %squeeze3A_2350, %squeeze3A_48 : f32
      %add3A_2394 = arith.addf %add3A_2392, %mul3A_2393 : f32
      %mul3A_2395 = arith.mulf %squeeze3A_2352, %squeeze3A_50 : f32
      %add3A_2396 = arith.addf %add3A_2394, %mul3A_2395 : f32
      %mul3A_2397 = arith.mulf %squeeze3A_2354, %squeeze3A_52 : f32
      %add3A_2398 = arith.addf %add3A_2396, %mul3A_2397 : f32
      %max3A_2399 = arith.constant 0.000000e+00 : f32
      %max3A_2400 = arith.maximumf %add3A_2398, %max3A_2399 : f32
      %mul3A_2401 = arith.mulf %squeeze3A_129, %max3A_2400 : f32
      %add3A_2402 = arith.addf %add3A_2378, %mul3A_2401 : f32
      %mul3A_2403 = arith.mulf %squeeze3A_2336, %squeeze3A_54 : f32
      %add3A_2404 = arith.addf %squeeze3A_121, %mul3A_2403 : f32
      %mul3A_2405 = arith.mulf %squeeze3A_2338, %squeeze3A_56 : f32
      %add3A_2406 = arith.addf %add3A_2404, %mul3A_2405 : f32
      %mul3A_2407 = arith.mulf %squeeze3A_2340, %squeeze3A_58 : f32
      %add3A_2408 = arith.addf %add3A_2406, %mul3A_2407 : f32
      %mul3A_2409 = arith.mulf %squeeze3A_2342, %squeeze3A_60 : f32
      %add3A_2410 = arith.addf %add3A_2408, %mul3A_2409 : f32
      %mul3A_2411 = arith.mulf %squeeze3A_2344, %squeeze3A_62 : f32
      %add3A_2412 = arith.addf %add3A_2410, %mul3A_2411 : f32
      %mul3A_2413 = arith.mulf %squeeze3A_2346, %squeeze3A_64 : f32
      %add3A_2414 = arith.addf %add3A_2412, %mul3A_2413 : f32
      %mul3A_2415 = arith.mulf %squeeze3A_2348, %squeeze3A_66 : f32
      %add3A_2416 = arith.addf %add3A_2414, %mul3A_2415 : f32
      %mul3A_2417 = arith.mulf %squeeze3A_2350, %squeeze3A_68 : f32
      %add3A_2418 = arith.addf %add3A_2416, %mul3A_2417 : f32
      %mul3A_2419 = arith.mulf %squeeze3A_2352, %squeeze3A_70 : f32
      %add3A_2420 = arith.addf %add3A_2418, %mul3A_2419 : f32
      %mul3A_2421 = arith.mulf %squeeze3A_2354, %squeeze3A_72 : f32
      %add3A_2422 = arith.addf %add3A_2420, %mul3A_2421 : f32
      %max3A_2423 = arith.constant 0.000000e+00 : f32
      %max3A_2424 = arith.maximumf %add3A_2422, %max3A_2423 : f32
      %mul3A_2425 = arith.mulf %squeeze3A_131, %max3A_2424 : f32
      %add3A_2426 = arith.addf %add3A_2402, %mul3A_2425 : f32
      %mul3A_2427 = arith.mulf %squeeze3A_2336, %squeeze3A_74 : f32
      %add3A_2428 = arith.addf %squeeze3A_123, %mul3A_2427 : f32
      %mul3A_2429 = arith.mulf %squeeze3A_2338, %squeeze3A_76 : f32
      %add3A_2430 = arith.addf %add3A_2428, %mul3A_2429 : f32
      %mul3A_2431 = arith.mulf %squeeze3A_2340, %squeeze3A_78 : f32
      %add3A_2432 = arith.addf %add3A_2430, %mul3A_2431 : f32
      %mul3A_2433 = arith.mulf %squeeze3A_2342, %squeeze3A_80 : f32
      %add3A_2434 = arith.addf %add3A_2432, %mul3A_2433 : f32
      %mul3A_2435 = arith.mulf %squeeze3A_2344, %squeeze3A_82 : f32
      %add3A_2436 = arith.addf %add3A_2434, %mul3A_2435 : f32
      %mul3A_2437 = arith.mulf %squeeze3A_2346, %squeeze3A_84 : f32
      %add3A_2438 = arith.addf %add3A_2436, %mul3A_2437 : f32
      %mul3A_2439 = arith.mulf %squeeze3A_2348, %squeeze3A_86 : f32
      %add3A_2440 = arith.addf %add3A_2438, %mul3A_2439 : f32
      %mul3A_2441 = arith.mulf %squeeze3A_2350, %squeeze3A_88 : f32
      %add3A_2442 = arith.addf %add3A_2440, %mul3A_2441 : f32
      %mul3A_2443 = arith.mulf %squeeze3A_2352, %squeeze3A_90 : f32
      %add3A_2444 = arith.addf %add3A_2442, %mul3A_2443 : f32
      %mul3A_2445 = arith.mulf %squeeze3A_2354, %squeeze3A_92 : f32
      %add3A_2446 = arith.addf %add3A_2444, %mul3A_2445 : f32
      %max3A_2447 = arith.constant 0.000000e+00 : f32
      %max3A_2448 = arith.maximumf %add3A_2446, %max3A_2447 : f32
      %mul3A_2449 = arith.mulf %squeeze3A_133, %max3A_2448 : f32
      %add3A_2450 = arith.addf %add3A_2426, %mul3A_2449 : f32
      %mul3A_2451 = arith.mulf %squeeze3A_2336, %squeeze3A_94 : f32
      %add3A_2452 = arith.addf %squeeze3A_125, %mul3A_2451 : f32
      %mul3A_2453 = arith.mulf %squeeze3A_2338, %squeeze3A_96 : f32
      %add3A_2454 = arith.addf %add3A_2452, %mul3A_2453 : f32
      %mul3A_2455 = arith.mulf %squeeze3A_2340, %squeeze3A_98 : f32
      %add3A_2456 = arith.addf %add3A_2454, %mul3A_2455 : f32
      %mul3A_2457 = arith.mulf %squeeze3A_2342, %squeeze3A_100 : f32
      %add3A_2458 = arith.addf %add3A_2456, %mul3A_2457 : f32
      %mul3A_2459 = arith.mulf %squeeze3A_2344, %squeeze3A_102 : f32
      %add3A_2460 = arith.addf %add3A_2458, %mul3A_2459 : f32
      %mul3A_2461 = arith.mulf %squeeze3A_2346, %squeeze3A_104 : f32
      %add3A_2462 = arith.addf %add3A_2460, %mul3A_2461 : f32
      %mul3A_2463 = arith.mulf %squeeze3A_2348, %squeeze3A_106 : f32
      %add3A_2464 = arith.addf %add3A_2462, %mul3A_2463 : f32
      %mul3A_2465 = arith.mulf %squeeze3A_2350, %squeeze3A_108 : f32
      %add3A_2466 = arith.addf %add3A_2464, %mul3A_2465 : f32
      %mul3A_2467 = arith.mulf %squeeze3A_2352, %squeeze3A_110 : f32
      %add3A_2468 = arith.addf %add3A_2466, %mul3A_2467 : f32
      %mul3A_2469 = arith.mulf %squeeze3A_2354, %squeeze3A_112 : f32
      %add3A_2470 = arith.addf %add3A_2468, %mul3A_2469 : f32
      %max3A_2471 = arith.constant 0.000000e+00 : f32
      %max3A_2472 = arith.maximumf %add3A_2470, %max3A_2471 : f32
      %mul3A_2473 = arith.mulf %squeeze3A_135, %max3A_2472 : f32
      %add3A_2474 = arith.addf %add3A_2450, %mul3A_2473 : f32
      %eq3A_2475 = arith.constant 14 : i32
      %eq3A_2476 = vector.broadcast %eq3A_2475 : i32 to vector<16xi32>
      %eq3A_2477 = arith.cmpi eq, %iota3A, %eq3A_2476 : vector<16xi32>
      %broadcast_in_dim3A_2478 = vector.broadcast %add3A_2474 : f32 to vector<16xf32>
      %select_n3A_2479 = arith.select %eq3A_2477, %broadcast_in_dim3A_2478, %select_n3A_2325 : vector<16xi1>, vector<16xf32>
      %scan3A_2480 = arith.constant 0 : i32
      %scan3A_2481 = arith.constant 25 : i32
      %scan3A_2482 = arith.addi %scan3A_2480, %scan3A_2481 : i32
      %scan3A_2483 = arith.constant 1 : i32
      %scan3A_2484:4 = scf.for %scan3A_2646 = %scan3A_2480 to %scan3A_2482 step %scan3A_2483 iter_args(%scan3A_2647 = %broadcast_in_dim3A_138, %scan3A_2648 = %broadcast_in_dim3A_138, %scan3A_2649 = %broadcast_in_dim3A_138, %scan3A_2650 = %broadcast_in_dim3A_138) -> (vector<16xf32>, vector<16xf32>, vector<16xf32>, vector<16xf32>)  : i32 {
        %mul3A_2651 = arith.constant 8 : i32
        %mul3A_2652 = arith.muli %scan3A_2646, %mul3A_2651 : i32
        %add3A_2653 = arith.constant 3000 : i32
        %add3A_2654 = arith.addi %add3A_2653, %mul3A_2652 : i32
        %get3A_2655 = arith.index_cast %rem3A_159 : i32 to index
        %get3A_2656 = arith.index_cast %add3A_2654 : i32 to index
        %get3A_2657 = arith.constant 0 : index
        %get3A_2658 = tpu.vector_load %arg7[%get3A_2655, %get3A_2656, %get3A_2657] {strides = array<i32>} : memref<2x3200x16xf32, #tpu.memory_space<vmem>>, vector<1x1x16xf32>,
        %get3A_2659 = vector.shape_cast %get3A_2658 : vector<1x1x16xf32> to vector<16xf32>
        %add3A_2660 = arith.addf %scan3A_2647, %get3A_2659 : vector<16xf32>
        %add3A_2661 = arith.constant 1 : i32
        %add3A_2662 = arith.addi %add3A_2654, %add3A_2661 : i32
        %get3A_2663 = arith.index_cast %rem3A_159 : i32 to index
        %get3A_2664 = arith.index_cast %add3A_2662 : i32 to index
        %get3A_2665 = arith.constant 0 : index
        %get3A_2666 = tpu.vector_load %arg7[%get3A_2663, %get3A_2664, %get3A_2665] {strides = array<i32>} : memref<2x3200x16xf32, #tpu.memory_space<vmem>>, vector<1x1x16xf32>,
        %get3A_2667 = vector.shape_cast %get3A_2666 : vector<1x1x16xf32> to vector<16xf32>
        %add3A_2668 = arith.addf %scan3A_2648, %get3A_2667 : vector<16xf32>
        %add3A_2669 = arith.constant 2 : i32
        %add3A_2670 = arith.addi %add3A_2654, %add3A_2669 : i32
        %get3A_2671 = arith.index_cast %rem3A_159 : i32 to index
        %get3A_2672 = arith.index_cast %add3A_2670 : i32 to index
        %get3A_2673 = arith.constant 0 : index
        %get3A_2674 = tpu.vector_load %arg7[%get3A_2671, %get3A_2672, %get3A_2673] {strides = array<i32>} : memref<2x3200x16xf32, #tpu.memory_space<vmem>>, vector<1x1x16xf32>,
        %get3A_2675 = vector.shape_cast %get3A_2674 : vector<1x1x16xf32> to vector<16xf32>
        %add3A_2676 = arith.addf %scan3A_2649, %get3A_2675 : vector<16xf32>
        %add3A_2677 = arith.constant 3 : i32
        %add3A_2678 = arith.addi %add3A_2654, %add3A_2677 : i32
        %get3A_2679 = arith.index_cast %rem3A_159 : i32 to index
        %get3A_2680 = arith.index_cast %add3A_2678 : i32 to index
        %get3A_2681 = arith.constant 0 : index
        %get3A_2682 = tpu.vector_load %arg7[%get3A_2679, %get3A_2680, %get3A_2681] {strides = array<i32>} : memref<2x3200x16xf32, #tpu.memory_space<vmem>>, vector<1x1x16xf32>,
        %get3A_2683 = vector.shape_cast %get3A_2682 : vector<1x1x16xf32> to vector<16xf32>
        %add3A_2684 = arith.addf %scan3A_2650, %get3A_2683 : vector<16xf32>
        %add3A_2685 = arith.constant 4 : i32
        %add3A_2686 = arith.addi %add3A_2654, %add3A_2685 : i32
        %get3A_2687 = arith.index_cast %rem3A_159 : i32 to index
        %get3A_2688 = arith.index_cast %add3A_2686 : i32 to index
        %get3A_2689 = arith.constant 0 : index
        %get3A_2690 = tpu.vector_load %arg7[%get3A_2687, %get3A_2688, %get3A_2689] {strides = array<i32>} : memref<2x3200x16xf32, #tpu.memory_space<vmem>>, vector<1x1x16xf32>,
        %get3A_2691 = vector.shape_cast %get3A_2690 : vector<1x1x16xf32> to vector<16xf32>
        %add3A_2692 = arith.addf %add3A_2660, %get3A_2691 : vector<16xf32>
        %add3A_2693 = arith.constant 5 : i32
        %add3A_2694 = arith.addi %add3A_2654, %add3A_2693 : i32
        %get3A_2695 = arith.index_cast %rem3A_159 : i32 to index
        %get3A_2696 = arith.index_cast %add3A_2694 : i32 to index
        %get3A_2697 = arith.constant 0 : index
        %get3A_2698 = tpu.vector_load %arg7[%get3A_2695, %get3A_2696, %get3A_2697] {strides = array<i32>} : memref<2x3200x16xf32, #tpu.memory_space<vmem>>, vector<1x1x16xf32>,
        %get3A_2699 = vector.shape_cast %get3A_2698 : vector<1x1x16xf32> to vector<16xf32>
        %add3A_2700 = arith.addf %add3A_2668, %get3A_2699 : vector<16xf32>
        %add3A_2701 = arith.constant 6 : i32
        %add3A_2702 = arith.addi %add3A_2654, %add3A_2701 : i32
        %get3A_2703 = arith.index_cast %rem3A_159 : i32 to index
        %get3A_2704 = arith.index_cast %add3A_2702 : i32 to index
        %get3A_2705 = arith.constant 0 : index
        %get3A_2706 = tpu.vector_load %arg7[%get3A_2703, %get3A_2704, %get3A_2705] {strides = array<i32>} : memref<2x3200x16xf32, #tpu.memory_space<vmem>>, vector<1x1x16xf32>,
        %get3A_2707 = vector.shape_cast %get3A_2706 : vector<1x1x16xf32> to vector<16xf32>
        %add3A_2708 = arith.addf %add3A_2676, %get3A_2707 : vector<16xf32>
        %add3A_2709 = arith.constant 7 : i32
        %add3A_2710 = arith.addi %add3A_2654, %add3A_2709 : i32
        %get3A_2711 = arith.index_cast %rem3A_159 : i32 to index
        %get3A_2712 = arith.index_cast %add3A_2710 : i32 to index
        %get3A_2713 = arith.constant 0 : index
        %get3A_2714 = tpu.vector_load %arg7[%get3A_2711, %get3A_2712, %get3A_2713] {strides = array<i32>} : memref<2x3200x16xf32, #tpu.memory_space<vmem>>, vector<1x1x16xf32>,
        %get3A_2715 = vector.shape_cast %get3A_2714 : vector<1x1x16xf32> to vector<16xf32>
        %add3A_2716 = arith.addf %add3A_2684, %get3A_2715 : vector<16xf32>
        scf.yield %add3A_2692, %add3A_2700, %add3A_2708, %add3A_2716 : vector<16xf32>, vector<16xf32>, vector<16xf32>, vector<16xf32>
      }
      %scan3A_2485 = arith.constant 25 : i32
      %add3A_2486 = arith.addf %scan3A_2484#0, %scan3A_2484#1 : vector<16xf32>
      %add3A_2487 = arith.addf %scan3A_2484#2, %scan3A_2484#3 : vector<16xf32>
      %add3A_2488 = arith.addf %add3A_2486, %add3A_2487 : vector<16xf32>
      %slice3A_2489 = vector.extract_strided_slice %add3A_2488 {offsets = [0], sizes = [1], strides = [1]} : vector<16xf32> to vector<1xf32>
      %squeeze3A_2490 = vector.extract %slice3A_2489[0] : f32 from vector<1xf32>
      %slice3A_2491 = vector.extract_strided_slice %add3A_2488 {offsets = [1], sizes = [1], strides = [1]} : vector<16xf32> to vector<1xf32>
      %squeeze3A_2492 = vector.extract %slice3A_2491[0] : f32 from vector<1xf32>
      %slice3A_2493 = vector.extract_strided_slice %add3A_2488 {offsets = [2], sizes = [1], strides = [1]} : vector<16xf32> to vector<1xf32>
      %squeeze3A_2494 = vector.extract %slice3A_2493[0] : f32 from vector<1xf32>
      %slice3A_2495 = vector.extract_strided_slice %add3A_2488 {offsets = [3], sizes = [1], strides = [1]} : vector<16xf32> to vector<1xf32>
      %squeeze3A_2496 = vector.extract %slice3A_2495[0] : f32 from vector<1xf32>
      %slice3A_2497 = vector.extract_strided_slice %add3A_2488 {offsets = [4], sizes = [1], strides = [1]} : vector<16xf32> to vector<1xf32>
      %squeeze3A_2498 = vector.extract %slice3A_2497[0] : f32 from vector<1xf32>
      %slice3A_2499 = vector.extract_strided_slice %add3A_2488 {offsets = [5], sizes = [1], strides = [1]} : vector<16xf32> to vector<1xf32>
      %squeeze3A_2500 = vector.extract %slice3A_2499[0] : f32 from vector<1xf32>
      %slice3A_2501 = vector.extract_strided_slice %add3A_2488 {offsets = [6], sizes = [1], strides = [1]} : vector<16xf32> to vector<1xf32>
      %squeeze3A_2502 = vector.extract %slice3A_2501[0] : f32 from vector<1xf32>
      %slice3A_2503 = vector.extract_strided_slice %add3A_2488 {offsets = [7], sizes = [1], strides = [1]} : vector<16xf32> to vector<1xf32>
      %squeeze3A_2504 = vector.extract %slice3A_2503[0] : f32 from vector<1xf32>
      %slice3A_2505 = vector.extract_strided_slice %add3A_2488 {offsets = [8], sizes = [1], strides = [1]} : vector<16xf32> to vector<1xf32>
      %squeeze3A_2506 = vector.extract %slice3A_2505[0] : f32 from vector<1xf32>
      %slice3A_2507 = vector.extract_strided_slice %add3A_2488 {offsets = [9], sizes = [1], strides = [1]} : vector<16xf32> to vector<1xf32>
      %squeeze3A_2508 = vector.extract %slice3A_2507[0] : f32 from vector<1xf32>
      %mul3A_2509 = arith.mulf %squeeze3A_2490, %squeeze3A : f32
      %add3A_2510 = arith.addf %squeeze3A_117, %mul3A_2509 : f32
      %mul3A_2511 = arith.mulf %squeeze3A_2492, %squeeze3A_16 : f32
      %add3A_2512 = arith.addf %add3A_2510, %mul3A_2511 : f32
      %mul3A_2513 = arith.mulf %squeeze3A_2494, %squeeze3A_18 : f32
      %add3A_2514 = arith.addf %add3A_2512, %mul3A_2513 : f32
      %mul3A_2515 = arith.mulf %squeeze3A_2496, %squeeze3A_20 : f32
      %add3A_2516 = arith.addf %add3A_2514, %mul3A_2515 : f32
      %mul3A_2517 = arith.mulf %squeeze3A_2498, %squeeze3A_22 : f32
      %add3A_2518 = arith.addf %add3A_2516, %mul3A_2517 : f32
      %mul3A_2519 = arith.mulf %squeeze3A_2500, %squeeze3A_24 : f32
      %add3A_2520 = arith.addf %add3A_2518, %mul3A_2519 : f32
      %mul3A_2521 = arith.mulf %squeeze3A_2502, %squeeze3A_26 : f32
      %add3A_2522 = arith.addf %add3A_2520, %mul3A_2521 : f32
      %mul3A_2523 = arith.mulf %squeeze3A_2504, %squeeze3A_28 : f32
      %add3A_2524 = arith.addf %add3A_2522, %mul3A_2523 : f32
      %mul3A_2525 = arith.mulf %squeeze3A_2506, %squeeze3A_30 : f32
      %add3A_2526 = arith.addf %add3A_2524, %mul3A_2525 : f32
      %mul3A_2527 = arith.mulf %squeeze3A_2508, %squeeze3A_32 : f32
      %add3A_2528 = arith.addf %add3A_2526, %mul3A_2527 : f32
      %max3A_2529 = arith.constant 0.000000e+00 : f32
      %max3A_2530 = arith.maximumf %add3A_2528, %max3A_2529 : f32
      %mul3A_2531 = arith.mulf %squeeze3A_127, %max3A_2530 : f32
      %add3A_2532 = arith.addf %squeeze3A_137, %mul3A_2531 : f32
      %mul3A_2533 = arith.mulf %squeeze3A_2490, %squeeze3A_34 : f32
      %add3A_2534 = arith.addf %squeeze3A_119, %mul3A_2533 : f32
      %mul3A_2535 = arith.mulf %squeeze3A_2492, %squeeze3A_36 : f32
      %add3A_2536 = arith.addf %add3A_2534, %mul3A_2535 : f32
      %mul3A_2537 = arith.mulf %squeeze3A_2494, %squeeze3A_38 : f32
      %add3A_2538 = arith.addf %add3A_2536, %mul3A_2537 : f32
      %mul3A_2539 = arith.mulf %squeeze3A_2496, %squeeze3A_40 : f32
      %add3A_2540 = arith.addf %add3A_2538, %mul3A_2539 : f32
      %mul3A_2541 = arith.mulf %squeeze3A_2498, %squeeze3A_42 : f32
      %add3A_2542 = arith.addf %add3A_2540, %mul3A_2541 : f32
      %mul3A_2543 = arith.mulf %squeeze3A_2500, %squeeze3A_44 : f32
      %add3A_2544 = arith.addf %add3A_2542, %mul3A_2543 : f32
      %mul3A_2545 = arith.mulf %squeeze3A_2502, %squeeze3A_46 : f32
      %add3A_2546 = arith.addf %add3A_2544, %mul3A_2545 : f32
      %mul3A_2547 = arith.mulf %squeeze3A_2504, %squeeze3A_48 : f32
      %add3A_2548 = arith.addf %add3A_2546, %mul3A_2547 : f32
      %mul3A_2549 = arith.mulf %squeeze3A_2506, %squeeze3A_50 : f32
      %add3A_2550 = arith.addf %add3A_2548, %mul3A_2549 : f32
      %mul3A_2551 = arith.mulf %squeeze3A_2508, %squeeze3A_52 : f32
      %add3A_2552 = arith.addf %add3A_2550, %mul3A_2551 : f32
      %max3A_2553 = arith.constant 0.000000e+00 : f32
      %max3A_2554 = arith.maximumf %add3A_2552, %max3A_2553 : f32
      %mul3A_2555 = arith.mulf %squeeze3A_129, %max3A_2554 : f32
      %add3A_2556 = arith.addf %add3A_2532, %mul3A_2555 : f32
      %mul3A_2557 = arith.mulf %squeeze3A_2490, %squeeze3A_54 : f32
      %add3A_2558 = arith.addf %squeeze3A_121, %mul3A_2557 : f32
      %mul3A_2559 = arith.mulf %squeeze3A_2492, %squeeze3A_56 : f32
      %add3A_2560 = arith.addf %add3A_2558, %mul3A_2559 : f32
      %mul3A_2561 = arith.mulf %squeeze3A_2494, %squeeze3A_58 : f32
      %add3A_2562 = arith.addf %add3A_2560, %mul3A_2561 : f32
      %mul3A_2563 = arith.mulf %squeeze3A_2496, %squeeze3A_60 : f32
      %add3A_2564 = arith.addf %add3A_2562, %mul3A_2563 : f32
      %mul3A_2565 = arith.mulf %squeeze3A_2498, %squeeze3A_62 : f32
      %add3A_2566 = arith.addf %add3A_2564, %mul3A_2565 : f32
      %mul3A_2567 = arith.mulf %squeeze3A_2500, %squeeze3A_64 : f32
      %add3A_2568 = arith.addf %add3A_2566, %mul3A_2567 : f32
      %mul3A_2569 = arith.mulf %squeeze3A_2502, %squeeze3A_66 : f32
      %add3A_2570 = arith.addf %add3A_2568, %mul3A_2569 : f32
      %mul3A_2571 = arith.mulf %squeeze3A_2504, %squeeze3A_68 : f32
      %add3A_2572 = arith.addf %add3A_2570, %mul3A_2571 : f32
      %mul3A_2573 = arith.mulf %squeeze3A_2506, %squeeze3A_70 : f32
      %add3A_2574 = arith.addf %add3A_2572, %mul3A_2573 : f32
      %mul3A_2575 = arith.mulf %squeeze3A_2508, %squeeze3A_72 : f32
      %add3A_2576 = arith.addf %add3A_2574, %mul3A_2575 : f32
      %max3A_2577 = arith.constant 0.000000e+00 : f32
      %max3A_2578 = arith.maximumf %add3A_2576, %max3A_2577 : f32
      %mul3A_2579 = arith.mulf %squeeze3A_131, %max3A_2578 : f32
      %add3A_2580 = arith.addf %add3A_2556, %mul3A_2579 : f32
      %mul3A_2581 = arith.mulf %squeeze3A_2490, %squeeze3A_74 : f32
      %add3A_2582 = arith.addf %squeeze3A_123, %mul3A_2581 : f32
      %mul3A_2583 = arith.mulf %squeeze3A_2492, %squeeze3A_76 : f32
      %add3A_2584 = arith.addf %add3A_2582, %mul3A_2583 : f32
      %mul3A_2585 = arith.mulf %squeeze3A_2494, %squeeze3A_78 : f32
      %add3A_2586 = arith.addf %add3A_2584, %mul3A_2585 : f32
      %mul3A_2587 = arith.mulf %squeeze3A_2496, %squeeze3A_80 : f32
      %add3A_2588 = arith.addf %add3A_2586, %mul3A_2587 : f32
      %mul3A_2589 = arith.mulf %squeeze3A_2498, %squeeze3A_82 : f32
      %add3A_2590 = arith.addf %add3A_2588, %mul3A_2589 : f32
      %mul3A_2591 = arith.mulf %squeeze3A_2500, %squeeze3A_84 : f32
      %add3A_2592 = arith.addf %add3A_2590, %mul3A_2591 : f32
      %mul3A_2593 = arith.mulf %squeeze3A_2502, %squeeze3A_86 : f32
      %add3A_2594 = arith.addf %add3A_2592, %mul3A_2593 : f32
      %mul3A_2595 = arith.mulf %squeeze3A_2504, %squeeze3A_88 : f32
      %add3A_2596 = arith.addf %add3A_2594, %mul3A_2595 : f32
      %mul3A_2597 = arith.mulf %squeeze3A_2506, %squeeze3A_90 : f32
      %add3A_2598 = arith.addf %add3A_2596, %mul3A_2597 : f32
      %mul3A_2599 = arith.mulf %squeeze3A_2508, %squeeze3A_92 : f32
      %add3A_2600 = arith.addf %add3A_2598, %mul3A_2599 : f32
      %max3A_2601 = arith.constant 0.000000e+00 : f32
      %max3A_2602 = arith.maximumf %add3A_2600, %max3A_2601 : f32
      %mul3A_2603 = arith.mulf %squeeze3A_133, %max3A_2602 : f32
      %add3A_2604 = arith.addf %add3A_2580, %mul3A_2603 : f32
      %mul3A_2605 = arith.mulf %squeeze3A_2490, %squeeze3A_94 : f32
      %add3A_2606 = arith.addf %squeeze3A_125, %mul3A_2605 : f32
      %mul3A_2607 = arith.mulf %squeeze3A_2492, %squeeze3A_96 : f32
      %add3A_2608 = arith.addf %add3A_2606, %mul3A_2607 : f32
      %mul3A_2609 = arith.mulf %squeeze3A_2494, %squeeze3A_98 : f32
      %add3A_2610 = arith.addf %add3A_2608, %mul3A_2609 : f32
      %mul3A_2611 = arith.mulf %squeeze3A_2496, %squeeze3A_100 : f32
      %add3A_2612 = arith.addf %add3A_2610, %mul3A_2611 : f32
      %mul3A_2613 = arith.mulf %squeeze3A_2498, %squeeze3A_102 : f32
      %add3A_2614 = arith.addf %add3A_2612, %mul3A_2613 : f32
      %mul3A_2615 = arith.mulf %squeeze3A_2500, %squeeze3A_104 : f32
      %add3A_2616 = arith.addf %add3A_2614, %mul3A_2615 : f32
      %mul3A_2617 = arith.mulf %squeeze3A_2502, %squeeze3A_106 : f32
      %add3A_2618 = arith.addf %add3A_2616, %mul3A_2617 : f32
      %mul3A_2619 = arith.mulf %squeeze3A_2504, %squeeze3A_108 : f32
      %add3A_2620 = arith.addf %add3A_2618, %mul3A_2619 : f32
      %mul3A_2621 = arith.mulf %squeeze3A_2506, %squeeze3A_110 : f32
      %add3A_2622 = arith.addf %add3A_2620, %mul3A_2621 : f32
      %mul3A_2623 = arith.mulf %squeeze3A_2508, %squeeze3A_112 : f32
      %add3A_2624 = arith.addf %add3A_2622, %mul3A_2623 : f32
      %max3A_2625 = arith.constant 0.000000e+00 : f32
      %max3A_2626 = arith.maximumf %add3A_2624, %max3A_2625 : f32
      %mul3A_2627 = arith.mulf %squeeze3A_135, %max3A_2626 : f32
      %add3A_2628 = arith.addf %add3A_2604, %mul3A_2627 : f32
      %eq3A_2629 = arith.constant 15 : i32
      %eq3A_2630 = vector.broadcast %eq3A_2629 : i32 to vector<16xi32>
      %eq3A_2631 = arith.cmpi eq, %iota3A, %eq3A_2630 : vector<16xi32>
      %broadcast_in_dim3A_2632 = vector.broadcast %add3A_2628 : f32 to vector<16xf32>
      %select_n3A_2633 = arith.select %eq3A_2631, %broadcast_in_dim3A_2632, %select_n3A_2479 : vector<16xi1>, vector<16xf32>
      %neg3A = arith.constant 0.000000e+00 : f32
      %neg3A_2634 = vector.broadcast %neg3A : f32 to vector<16xf32>
      %neg3A_2635 = arith.subf %neg3A_2634, %select_n3A_2633 : vector<16xf32>
      %exp3A = math.exp %neg3A_2635 : vector<16xf32>
      %add3A_2636 = arith.constant 1.000000e+00 : f32
      %add3A_2637 = vector.broadcast %add3A_2636 : f32 to vector<16xf32>
      %add3A_2638 = arith.addf %add3A_2637, %exp3A : vector<16xf32>
      %div3A = arith.constant 1.000000e+00 : f32
      %div3A_2639 = vector.broadcast %div3A : f32 to vector<16xf32>
      %div3A_2640 = arith.divf %div3A_2639, %add3A_2638 : vector<16xf32>
      %mul3A_2641 = arith.constant 16 : i32
      %mul3A_2642 = arith.muli %scan3A_158, %mul3A_2641 : i32
      %swap3A = arith.index_cast %mul3A_2642 : i32 to index
      %swap3A_2643 = tpu.vector_load %arg9[%swap3A] {strides = array<i32>} : memref<512xf32, #tpu.memory_space<vmem>>, vector<16xf32>,
      %swap3A_2644 = vector.shape_cast %swap3A_2643 : vector<16xf32> to vector<16xf32>
      %swap3A_2645 = vector.shape_cast %div3A_2640 : vector<16xf32> to vector<16xf32>
      tpu.vector_store %arg9[%swap3A], %swap3A_2645 {strides = array<i32>} : memref<512xf32, #tpu.memory_space<vmem>>, vector<16xf32>,
    }
    %scan3A_155 = arith.constant 32 : i32
    %mul3A_156 = arith.constant 512 : i32
    %mul3A_157 = arith.muli %add3A, %mul3A_156 : i32
    "tpu.region"() ({
      %run_scoped3A_158 = tpu.sem_alloc : memref<!tpu.dma_semaphore, #tpu.memory_space<semaphore_mem>>
      %dma_start3A_159 = tpu.memref_slice %arg5[%mul3A_157] : memref<16384xf32, #tpu.memory_space<hbm>> -> memref<512xf32, #tpu.memory_space<hbm>>
      %dma_start3A_160 = tpu.memref_slice %arg5[%mul3A_157] : memref<16384xf32, #tpu.memory_space<hbm>> -> memref<512xf32, #tpu.memory_space<hbm>>
      tpu.enqueue_dma source(%arg9 : memref<512xf32, #tpu.memory_space<vmem>>) target(%dma_start3A_160 : memref<512xf32, #tpu.memory_space<hbm>>) target_semaphore(%run_scoped3A_158 : memref<!tpu.dma_semaphore, #tpu.memory_space<semaphore_mem>>)
      %dma_wait3A = tpu.memref_slice %arg5[%mul3A_157] : memref<16384xf32, #tpu.memory_space<hbm>> -> memref<512xf32, #tpu.memory_space<hbm>>
      %dma_wait3A_161 = tpu.memref_slice %arg5[%mul3A_157] : memref<16384xf32, #tpu.memory_space<hbm>> -> memref<512xf32, #tpu.memory_space<hbm>>
      tpu.wait_dma2 semaphore(%run_scoped3A_158 : memref<!tpu.dma_semaphore, #tpu.memory_space<semaphore_mem>>) src(%arg9 : memref<512xf32, #tpu.memory_space<vmem>>) dst(%dma_wait3A_161 : memref<512xf32, #tpu.memory_space<hbm>>)
      tpu.yield
    }) : () -> ()
    return
  }
}

</mosaic_0001>

<sc_bundles>
// kernel: kernel.3.cloned.1.call-start
scs
__scs_entry_jumppad:
0x0: {  	(pc) =	sbr.rel $0x88, $3  }
0x1: {  	(tag) =	ssettag $0x0;
	lr =	simm.s32 $0x1  }
0x2: {  	[smem:$0x3F9B] =	sst lr;
	_ =	strace $0xD0000000  }
0x3: {  	_ = 	snop  }
0x4: {  	_ = 	snop  }
0x5: {  	_ = 	snop  }
0x6: {  	_ = 	snop  }
0x7: {  	_ = 	snop  }
__scs_overlays_trampoline_lowered:
0x8: {  	[smem:$0x3FAA] =	sst s0  }
0x9: {  	[smem:$0x3FAB] =	sst s1  }
0xa: {  	[smem:$0x3FAC] =	sst s2  }
0xb: {  	[smem:$0x3FAD] =	sst s3  }
0xc: {  	[smem:$0x3FAE] =	sst s4  }
0xd: {  	[smem:$0x3FAF] =	sst s5  }
0xe: {  	[smem:$0x3FB0] =	sst s6  }
0xf: {  	[smem:$0x3FB1] =	sst s7  }
0x10: {  	[smem:$0x3FB2] =	sst s8  }
0x11: {  	[smem:$0x3FB3] =	sst s9;
	s0 =	simm.s32 @!p0 $0x0  }
0x12: {  	s1 =	sld [smem:$0x3F99];
	s0 =	simm.s32 @p0 $0x1  }
0x13: {  	[smem:$0x3FB4] =	sst s0;
	s0 =	simm.s32 @!p1 $0x0  }
0x14: {  	s2 =	sld [smem:$0x3F98];
	s0 =	simm.s32 @p1 $0x1  }
0x15: {  	[smem:$0x3FB5] =	sst s0;
	s0 =	simm.s32 @!p2 $0x0  }
0x16: {  	s3 =	sld [smem:$0x3FDB];
	s0 =	simm.s32 @p2 $0x1  }
0x17: {  	s4 =	simm.s32 $0x1BF5;
	[smem:$0x3FB7] =	sst s0  }
0x18: {  	s0 =	sld [smem:$0x3F9A];
	_ =	swait.ge [sflag:s4], $0x0  }
0x19: {  	s7 =	sld [smem:$0x3F9B]  }
0x1a: {  	s8 =	sadd.s32 $0xFFFFE003, lr  }
0x1b: {  	s9 =	sadd.s32 $0xFFFFFEF7, lr;
	s5 =	simm.s32 $0xFFFFFFFF;
	p2 =	slt.u32 s8, $0xFFFFF086  }
0x1c: {  	p1 =	slt.u32 s9, $0xF7A;
	s5 =	simm.s32 @!p2 $0x0  }
0x1d: {  	s5 =	simm.s32 @p1 $0x1;
	p0 =	seq.s32 s7, s2  }
0x1e: {  	s7 =	smul.u32 @!p0 $0xF7A, s2;
	p2 =	seq.s32 @!p0 s5, $0x0  }
0x1f: {  	s9 =	smul.u32 $0xF7A, s1;
	s8 =	simm.s32 @!p0 $0x1BF5;
	p2 =	por !p2, p0  }
0x20: {  	[sflag:s8] =	ssyncset.s32 @!p0 $0xFFFFF086;
	s6 =	sadd.s32 @!p0 s3, s7;
	s7 =	simm.s32 @!p0 $0x108  }
0x21: {  	s3 =	sadd.s32 s3, s9;
	s6 =	sadd.s32 @!p0 $0x88, s6;
	s7 =	simm.s32 @p2 $0x1082  }
0x22: {  	[simem:s7], [sflag:s8] =	dma.local @!p0 [hbm:s6], $0xF7A  }
0x23: {  	s9 =	sor.u32 $0xD0000000, s2;
	s6 =	simm.s32 $0x108;
	_ =	swait.ge @!p0 [sflag:s8], $0x0  }
0x24: {  	s3 =	sadd.s32 $0x88, s3;
	s6 =	simm.s32 @!p1 $0x1082;
	[sflag:s4] =	ssyncset.s32 $0xFFFFF086  }
0x25: {  	[simem:s6], [sflag:s4] =	dma.local [hbm:s3], $0xF7A  }
0x26: {  	[smem:$0x3F9B] =	sst s1;
	(tag) =	ssettag s2;
	_ =	strace s9  }
0x27: {  	s1 =	sld [smem:$0x3FAB]  }
0x28: {  	s2 =	sld [smem:$0x3FAC]  }
0x29: {  	s4 =	sld [smem:$0x3FAE]  }
0x2a: {  	p0 =	seq.s32 s5, $0x0;
	s5 =	sld [smem:$0x3FAF]  }
0x2b: {  	s6 =	sld [smem:$0x3FB0]  }
0x2c: {  	s7 =	sld [smem:$0x3FB1]  }
0x2d: {  	s3 =	simm.s32 $0x108;
	s8 =	sld [smem:$0x3FB2]  }
0x2e: {  	s3 =	simm.s32 @!p0 $0x1082;
	s9 =	sld [smem:$0x3FB3]  }
0x2f: {  	lr =	sadd.s32 s0, s3;
	s0 =	sld [smem:$0x3FAA]  }
0x30: {  	s3 =	sld [smem:$0x3FAD]  }
0x31: {  	[smem:$0x3FB6] =	sst s10  }
0x32: {  	s10 =	sld [smem:$0x3FB4];
	_ =	sdelay $0x3  }
0x33: {  	p0 =	seq.s32 s10, $0x1;
	s10 =	sld [smem:$0x3FB6];
	_ =	sdelay $0x3  }
0x34: {  	[smem:$0x3FB6] =	sst s10  }
0x35: {  	s10 =	sld [smem:$0x3FB5];
	_ =	sdelay $0x3  }
0x36: {  	p1 =	seq.s32 s10, $0x1;
	s10 =	sld [smem:$0x3FB6];
	_ =	sdelay $0x3  }
0x37: {  	[smem:$0x3FB6] =	sst s10  }
0x38: {  	s10 =	sld [smem:$0x3FB7]  }
0x39: {  	_ = 	snop;
	(pc) =	sbr.ind lr, $3  }
0x3a: {  	_ = 	snop  }
0x3b: {  	_ = 	snop  }
0x3c: {  	p2 =	seq.s32 s10, $0x1;
	s10 =	sld [smem:$0x3FB6]  }
0x3d: {  	_ =	shalt  }
0x3e: {  	_ =	shalt  }
0x3f: {  	_ =	shalt  }
0x40: {  	_ =	shalt  }
0x41: {  	_ =	shalt  }
0x42: {  	_ =	shalt  }
0x43: {  	_ =	shalt  }
0x44: {  	_ =	shalt  }
0x45: {  	_ =	shalt  }
0x46: {  	_ =	shalt  }
0x47: {  	_ =	shalt  }
0x48: {  	_ =	shalt  }
0x49: {  	_ =	shalt  }
0x4a: {  	_ =	shalt  }
0x4b: {  	_ =	shalt  }
0x4c: {  	_ =	shalt  }
0x4d: {  	_ =	shalt  }
0x4e: {  	_ =	shalt  }
0x4f: {  	_ =	shalt  }
0x50: {  	_ =	shalt  }
0x51: {  	_ =	shalt  }
0x52: {  	_ =	shalt  }
0x53: {  	_ =	shalt  }
0x54: {  	_ =	shalt  }
0x55: {  	_ =	shalt  }
0x56: {  	_ =	shalt  }
0x57: {  	_ =	shalt  }
0x58: {  	_ =	shalt  }
0x59: {  	_ =	shalt  }
0x5a: {  	_ =	shalt  }
0x5b: {  	_ =	shalt  }
0x5c: {  	_ =	shalt  }
0x5d: {  	_ =	shalt  }
0x5e: {  	_ =	shalt  }
0x5f: {  	_ =	shalt  }
0x60: {  	_ =	shalt  }
0x61: {  	_ =	shalt  }
0x62: {  	_ =	shalt  }
0x63: {  	_ =	shalt  }
0x64: {  	_ =	shalt  }
0x65: {  	_ =	shalt  }
0x66: {  	_ =	shalt  }
0x67: {  	_ =	shalt  }
0x68: {  	_ =	shalt  }
0x69: {  	_ =	shalt  }
0x6a: {  	_ =	shalt  }
0x6b: {  	_ =	shalt  }
0x6c: {  	_ =	shalt  }
0x6d: {  	_ =	shalt  }
0x6e: {  	_ =	shalt  }
0x6f: {  	_ =	shalt  }
0x70: {  	_ =	shalt  }
0x71: {  	_ =	shalt  }
0x72: {  	_ =	shalt  }
0x73: {  	_ =	shalt  }
0x74: {  	_ =	shalt  }
0x75: {  	_ =	shalt  }
0x76: {  	_ =	shalt  }
0x77: {  	_ =	shalt  }
0x78: {  	_ =	shalt  }
0x79: {  	_ =	shalt  }
0x7a: {  	_ =	shalt  }
0x7b: {  	_ =	shalt  }
0x7c: {  	_ =	shalt  }
0x7d: {  	_ =	shalt  }
0x7e: {  	_ =	shalt  }
0x7f: {  	_ =	shalt  }
0x80: {  	_ =	shalt  }
0x81: {  	_ =	shalt  }
0x82: {  	_ =	shalt  }
0x83: {  	_ =	shalt  }
0x84: {  	_ =	shalt  }
0x85: {  	_ =	shalt  }
0x86: {  	_ =	shalt  }
0x87: {  	_ =	shalt  }
.Lfunc_end0:
.L_simem_size_0:
called_computation_lowered:
.L_overlay_start_0:
0x88: {  	s2 =	sld [smem:$0x3FD9]  }
0x89: {  	s3 =	sld [smem:$0x3FFE];
	_ =	sdelay $0x1  }
0x8a: {  	s1 =	srdreg.scid  }
0x8b: {  	s0 =	sand.u32 $0x1, s1  }
0x8c: {  	s17 =	sshll.u32 s0, $0xA;
	s2 =	sadd.s32 s3, s2  }
0x8d: {  	s2 =	sadd.s32 s2, s17  }
0x8e: {  	[smem:$0x3FC2] =	sst s2  }
0x8f: {  	_ = 	snop  }
0x90: {  	s2 =	sld [smem:$0x3FD0];
	(tm) =	ssettm $0x1  }
0x91: {  	s18 =	sld [smem:$0x3FFB];
	_ =	sdelay $0x3  }
0x92: {  	_ =	strace s18  }
0x93: {  	s3 =	sld [smem:$0x3FFC];
	_ =	sdelay $0x3  }
0x94: {  	_ =	strace s3  }
0x95: {  	s3 =	sld [smem:$0x3FFD];
	_ =	sdelay $0x3  }
0x96: {  	_ =	strace s3  }
0x97: {  	_ =	strace $0x8FFFFFFF  }
0x98: {  	s19 =	sld [smem:$0x3FDB];
	_ =	sdelay $0x1  }
0x99: {  	s4 =	simm.s32 $_scs_section_size  }
0x9a: {  	s5 =	simm.s32 $_size__tile_overlayer_lowered;
	s6 =	simm.s32 $_tile_overlayer_lowered  }
0x9b: {  	s22 =	simm.s32 $0x1BFF;
	s21 =	sshll.u32 s6, $0x1;
	s3 =	sadd.s32 s4, s19  }
0x9c: {  	s7 =	simm.s32 $0x0;
	s20 =	sshll.u32 s5, $0x1;
	s5 =	sadd.s32 s21, s3  }
0x9d: {  	[timem:s7], [sflag:s22] =	dma.local [hbm:s5], s20  }
0x9e: {  	_ =	swait.ge [sflag:s22], s20  }
0x9f: {  	s4 =	ssub.s32 $0x0, s20;
	[sflag:s22] =	ssyncset.done $0x0  }
0xa0: {  	[sflag:s22] =	ssyncadd.s32 s4;
	_ =	sdelay $0x1  }
0xa1: {  	s23 =	simm.s32 $0x1B8B  }
0xa2: {  	_ =	swait.ge [sflag:s23], $0x1  }
0xa3: {  	[sflag:s23] =	ssyncset.done $0x0  }
0xa4: {  	s25 =	simm.s32 $0x1B8E;
	s24 =	sld [smem:$0x3FFE];
	[sflag:s23] =	ssyncadd.s32 $0xFFFFFFFF  }
0xa5: {  	s26 =	simm.s32 $execute0_lowered;
	[smem:$0x3FD2] =	sst s25  }
0xa6: {  	s5 =	sshll.u32 s26, $0x1;
	_ =	strace $0x80000046;
	[dreg:$0x1] =	wrdreg $0xFFFFFFFF  }
0xa7: {  	s28 =	simm.s32 $_size_execute0_lowered;
	s3 =	sadd.s32 s3, s5;
	[dreg:$0x0] =	wrdreg $0x0  }
0xa8: {  	s5 =	sshll.u32 s28, $0x1;
	[dreg:$0x2] =	wrdreg s3  }
0xa9: {  	[dreg:$0x3] =	wrdreg s5  }
0xaa: {  	[dreg:$0x4] =	wrdreg $0xC0  }
0xab: {  	_ =	task [dreg:s7], $0x5FFFF  }
0xac: {  	[dreg:$0x1] =	wrdreg $0xFFFFFFFF  }
0xad: {  	[dreg:$0x0] =	wrdreg $0x60  }
0xae: {  	[dreg:$0x2] =	wrdreg s24  }
0xaf: {  	[dreg:$0x3] =	wrdreg s2  }
0xb0: {  	[dreg:$0x4] =	wrdreg $0x9  }
0xb1: {  	_ =	task.clear_ibuf [dreg:s7], $0x5FFFF;
	_ =	strace $0x90000046  }
0xb2: {  	s29 =	simm.s32 $0x9;
	_ =	strace $0x80000048  }
0xb3: {  	_ =	swait.ge [sflag:s29], $0x1  }
0xb4: {  	[sflag:s29] =	ssyncadd.s32 $0xFFFFFFFF  }
0xb5: {  	_ =	strace $0x90000048  }
0xb6: {  	_ =	sfence  }
0xb7: {  	s30 =	sld [smem:$0x0];
	_ =	sdelay $0x2  }
0xb8: {  	s31 =	sshll.u32 s1, $0xD;
	s1 =	sshrl.u32 s1, $0x2  }
0xb9: {  	s3 =	sand.u32 $0x4000, s31;
	s1 =	sadd.s32 s1, s30  }
0xba: {  	s0 =	sor.u32 s3, s0;
	s1 =	sshll.u32 s1, $0x11  }
0xbb: {  	s0 =	sor.u32 s1, s0  }
0xbc: {  	s0 =	sadd.s32 $0x8F2B, s0  }
0xbd: {  	[sflag:s0] =	ssyncadd.remote.s32 $0x1  }
0xbe: {  	_ =	sfence.sel $0xFFFF  }
0xbf: {  	[dreg:$0x0] =	wrdreg $0xFFFFFFFF;
	(pc) =	sbr.abs _section_cstart, $3  }
0xc0: {  	[dreg:$0x1] =	wrdreg $0xFFFFFFFF  }
0xc1: {  	_ =	task.clear_ibuf [dreg:s7], $0x2FFFF;
	_ =	strace $0x9FFFFFFF  }
0xc2: {  	(tm) =	ssettm $0x7FFFFFFF  }
0xc3: {  	_ =	shalt  }
tec
execute0_lowered:
.L_overlay_start_1:
0x0: {  	(tag) =	ssettag $0x1  }
0x1: {  	s0 =	rddreg [dreg:$0x0]  }
0x2: {  	s1 =	rddreg [dreg:$0x1]  }
0x3: {  	s2 =	srdreg.scid;
	s3 =	stileid.u32;
	s6 =	simm.s32 $0x0  }
0x4: {  	s2 =	sand.u32 $0x1, s2;
	s3 =	sshll.u32 s3, $0x1;
	s5 =	sadd.s32 $0x1E9200, s0  }
0x5: {  	[smem:$0x7FF] =	sst s6;
	s7 =	sadd.s32 $0xC00, s0;
	s0 =	sadd.s32 $0x24D200, s0  }
0x6: {  	s3 =	sor.u32 s2, s3;
	_ =	strace $0x80000047;
	[dreg:$0x5] =	wrdreg s7  }
0x7: {  	s2 =	ssub.s32 $0x2, s2;
	[dreg:$0x6] =	wrdreg s0;
	s4 =	smul.u32 $0x19000, s3  }
0x8: {  	vm0 =	vcmask $0x300;
	vm1 =	vcmask $0x704;
	vm2 =	vcmask $0xB08;
	[dreg:$0x4] =	wrdreg s5;
	s29 =	sshrl.u32 s2, $0x1;
	s31 =	sshll.u32 s3, $0x6  }
0x9: {  	vm3 =	vcmask $0xF0C;
	vm4 =	vcmask $0x1310;
	vm5 =	vcmask $0x1714;
	s0 =	ssub.s32 s2, s29;
	s1 =	sadd.s32 s1, s31;
	[dreg:$0x3] =	wrdreg s4  }
0xa: {  	vm6 =	vcmask $0x1B18;
	vm7 =	vcmask $0x1F1C;
	vm8 =	vcmask $0x2320;
	s4 =	sshrl.u32 s4, $0x3;
	[dreg:$0x8] =	wrdreg s1;
	s0 =	smax.u32 s0, $0x1  }
0xb: {  	vm9 =	vcmask $0x2724;
	vm10 =	vcmask $0x2B28;
	vm11 =	vcmask $0x2F2C;
	s30 =	sadd.s32 s5, s4;
	[dreg:$0x9] =	wrdreg s0  }
0xc: {  	vm12 =	vcmask $0x3330;
	vm13 =	vcmask $0x3734;
	vm14 =	vcmask $0x3B38;
	s2 =	simm.s32 $0x2;
	s1 =	simm.s32 $0x0;
	[dreg:$0x7] =	wrdreg s30  }
.LBB2_1:
0xd: {  	[dreg:$0xa] =	wrdreg s1  }
0xe: {  	s0 =	rddreg [dreg:$0x6];
	s21 =	simm.s32 $0x1A900  }
0xf: {  	[tilespmem:s21], [sflag:$0x2] =	stream.linear.gather [hbm4b:s0+s6], $0x60, $0x38;
	[tilespmem:$0x1AB60] =	vst v63  }
0x10: {  	_ =	swait.ge [sflag:s2], $0x60  }
0x11: {  	[sflag:s2] =	ssyncset.done $0x0  }
0x12: {  	[sflag:s2] =	ssyncadd.s32 $0xFFFFFFA0  }
0x13: {  	v0 =	vld [tilespmem:$0x1A900];
	_ =	sdelay $0x4  }
0x14: {  	(v2sf) =	vpush v0, $0x0  }
0x15: {  	(v2sf) =	vpush v0, $0x1  }
0x16: {  	(v2sf) =	vpush v0, $0x2  }
0x17: {  	(v2sf) =	vpush v0, $0x3  }
0x18: {  	(v2sf) =	vpush v0, $0x4  }
0x19: {  	v1 =	vld [tilespmem:$0x1A910];
	(v2sf) =	vpush v0, $0x5  }
0x1a: {  	(v2sf) =	vpush v0, $0x6  }
0x1b: {  	(v2sf) =	vpush v0, $0x7  }
0x1c: {  	(v2sf) =	vpush v0, $0x8  }
0x1d: {  	(v2sf) =	vpush v0, $0x9  }
0x1e: {  	(v2sf) =	vpush v1, $0x0  }
0x1f: {  	v60 =	vld [tilespmem:$0x1A920];
	(v2sf) =	vpush v1, $0x1  }
0x20: {  	v61 =	vld [tilespmem:$0x1A930];
	(v2sf) =	vpush v1, $0x2  }
0x21: {  	s20 =	rddreg [dreg:$0x7];
	v62 =	vld [tilespmem:$0x1A940];
	(v2sf) =	vpush v1, $0x3  }
0x22: {  	v63 =	vld [tilespmem:$0x1A950];
	[tilespmem:s6], [sflag:$0x2] =	stream.linear.gather [hbm4b:s20+s6], $0xC80, $0x38;
	(v2sf) =	vpush v1, $0x4  }
0x23: {  	s22 =	spop (v2sf);
	(v2sf) =	vpush v1, $0x5  }
0x24: {  	s23 =	spop (v2sf);
	(v2sf) =	vpush v1, $0x6  }
0x25: {  	[dreg:$0xb] =	wrdreg s22;
	s24 =	spop (v2sf);
	(v2sf) =	vpush v1, $0x7  }
0x26: {  	[dreg:$0xc] =	wrdreg s23;
	s25 =	spop (v2sf);
	(v2sf) =	vpush v1, $0x8  }
0x27: {  	[dreg:$0xd] =	wrdreg s24;
	s26 =	spop (v2sf);
	(v2sf) =	vpush v1, $0x9  }
0x28: {  	[dreg:$0xe] =	wrdreg s25;
	s28 =	spop (v2sf);
	(v2sf) =	vpush v60, $0x0  }
0x29: {  	[dreg:$0xf] =	wrdreg s26;
	s29 =	spop (v2sf);
	(v2sf) =	vpush v60, $0x1  }
0x2a: {  	[dreg:$0x10] =	wrdreg s28;
	s30 =	spop (v2sf);
	(v2sf) =	vpush v60, $0x2  }
0x2b: {  	[dreg:$0x11] =	wrdreg s29;
	s31 =	spop (v2sf);
	(v2sf) =	vpush v60, $0x3  }
0x2c: {  	[dreg:$0x12] =	wrdreg s30;
	s1 =	spop (v2sf);
	(v2sf) =	vpush v60, $0x4  }
0x2d: {  	[dreg:$0x13] =	wrdreg s31;
	s3 =	spop (v2sf)  }
0x2e: {  	[dreg:$0x14] =	wrdreg s1;
	(v2sf) =	vpush v60, $0x5;
	s4 =	spop (v2sf)  }
0x2f: {  	[dreg:$0x15] =	wrdreg s3;
	(v2sf) =	vpush v60, $0x6;
	s5 =	spop (v2sf)  }
0x30: {  	[dreg:$0x16] =	wrdreg s4;
	(v2sf) =	vpush v60, $0x7;
	s7 =	spop (v2sf)  }
0x31: {  	[dreg:$0x17] =	wrdreg s5;
	(v2sf) =	vpush v60, $0x8;
	s8 =	spop (v2sf)  }
0x32: {  	[dreg:$0x18] =	wrdreg s7;
	s9 =	spop (v2sf);
	(v2sf) =	vpush v60, $0x9  }
0x33: {  	[dreg:$0x19] =	wrdreg s8;
	s10 =	spop (v2sf);
	(v2sf) =	vpush v61, $0x0  }
0x34: {  	[dreg:$0x1a] =	wrdreg s9;
	s11 =	spop (v2sf);
	(v2sf) =	vpush v61, $0x1  }
0x35: {  	[dreg:$0x1b] =	wrdreg s10;
	s12 =	spop (v2sf);
	(v2sf) =	vpush v61, $0x2  }
0x36: {  	[dreg:$0x1c] =	wrdreg s11;
	s13 =	spop (v2sf);
	(v2sf) =	vpush v61, $0x3  }
0x37: {  	[dreg:$0x1d] =	wrdreg s12;
	s14 =	spop (v2sf);
	(v2sf) =	vpush v61, $0x4  }
0x38: {  	[dreg:$0x1e] =	wrdreg s13;
	s15 =	spop (v2sf);
	(v2sf) =	vpush v61, $0x5  }
0x39: {  	[dreg:$0x1f] =	wrdreg s14;
	s16 =	spop (v2sf);
	(v2sf) =	vpush v61, $0x6  }
0x3a: {  	[smem:$0x7D6] =	sst s15;
	s17 =	spop (v2sf);
	(v2sf) =	vpush v61, $0x7  }
0x3b: {  	[smem:$0x7D7] =	sst s16;
	s18 =	spop (v2sf);
	(v2sf) =	vpush v61, $0x8  }
0x3c: {  	[smem:$0x7D8] =	sst s17;
	(v2sf) =	vpush v61, $0x9  }
0x3d: {  	[smem:$0x7D9] =	sst s18;
	s19 =	spop (v2sf);
	(v2sf) =	vpush v62, $0x0  }
0x3e: {  	[smem:$0x7DA] =	sst s19;
	s21 =	spop (v2sf);
	(v2sf) =	vpush v62, $0x1  }
0x3f: {  	[smem:$0x7DB] =	sst s21;
	s22 =	spop (v2sf);
	(v2sf) =	vpush v62, $0x2  }
0x40: {  	[smem:$0x7DC] =	sst s22;
	s23 =	spop (v2sf);
	(v2sf) =	vpush v62, $0x3  }
0x41: {  	[smem:$0x7DD] =	sst s23;
	(v2sf) =	vpush v62, $0x4;
	s24 =	spop (v2sf)  }
0x42: {  	[smem:$0x7DE] =	sst s24;
	(v2sf) =	vpush v62, $0x5;
	s25 =	spop (v2sf)  }
0x43: {  	[smem:$0x7DF] =	sst s25;
	(v2sf) =	vpush v62, $0x6;
	s26 =	spop (v2sf)  }
0x44: {  	[smem:$0x7E0] =	sst s26;
	(v2sf) =	vpush v62, $0x7;
	s28 =	spop (v2sf)  }
0x45: {  	[smem:$0x7E1] =	sst s28;
	(v2sf) =	vpush v62, $0x8;
	s29 =	spop (v2sf)  }
0x46: {  	[smem:$0x7E2] =	sst s29;
	(v2sf) =	vpush v62, $0x9;
	s30 =	spop (v2sf)  }
0x47: {  	[smem:$0x7E3] =	sst s30;
	(v2sf) =	vpush v63, $0x0;
	s31 =	spop (v2sf)  }
0x48: {  	[smem:$0x7E4] =	sst s31;
	(v2sf) =	vpush v63, $0x1;
	s1 =	spop (v2sf)  }
0x49: {  	[smem:$0x7E5] =	sst s1;
	(v2sf) =	vpush v63, $0x2;
	s3 =	spop (v2sf)  }
0x4a: {  	[smem:$0x7E6] =	sst s3;
	(v2sf) =	vpush v63, $0x3;
	s4 =	spop (v2sf)  }
0x4b: {  	[smem:$0x7E7] =	sst s4;
	(v2sf) =	vpush v63, $0x4;
	s5 =	spop (v2sf)  }
0x4c: {  	[smem:$0x7E8] =	sst s5;
	(v2sf) =	vpush v63, $0x5;
	s7 =	spop (v2sf)  }
0x4d: {  	[smem:$0x7E9] =	sst s7;
	(v2sf) =	vpush v63, $0x6;
	s8 =	spop (v2sf)  }
0x4e: {  	[smem:$0x7EA] =	sst s8;
	(v2sf) =	vpush v63, $0x7;
	s9 =	spop (v2sf)  }
0x4f: {  	[smem:$0x7EB] =	sst s9;
	(v2sf) =	vpush v63, $0x8;
	s10 =	spop (v2sf)  }
0x50: {  	[smem:$0x7EC] =	sst s10;
	(v2sf) =	vpush v63, $0x9;
	s11 =	spop (v2sf)  }
0x51: {  	[smem:$0x7ED] =	sst s11;
	(v2sf) =	vpush v63, $0xA;
	s12 =	spop (v2sf)  }
0x52: {  	[smem:$0x7EE] =	sst s12;
	s13 =	spop (v2sf)  }
0x53: {  	[smem:$0x7EF] =	sst s13;
	s14 =	spop (v2sf)  }
0x54: {  	[smem:$0x7F0] =	sst s14;
	s15 =	spop (v2sf)  }
0x55: {  	[smem:$0x7F1] =	sst s15;
	s16 =	spop (v2sf)  }
0x56: {  	[smem:$0x7F2] =	sst s16;
	s17 =	spop (v2sf)  }
0x57: {  	[smem:$0x7F3] =	sst s17;
	s18 =	spop (v2sf)  }
0x58: {  	[smem:$0x7F4] =	sst s18;
	s19 =	spop (v2sf)  }
0x59: {  	[smem:$0x7F5] =	sst s19;
	s20 =	spop (v2sf)  }
0x5a: {  	[smem:$0x7F6] =	sst s20;
	s21 =	spop (v2sf)  }
0x5b: {  	[smem:$0x7F7] =	sst s21;
	s22 =	spop (v2sf)  }
0x5c: {  	[smem:$0x7F8] =	sst s22;
	s23 =	spop (v2sf)  }
0x5d: {  	[smem:$0x7F9] =	sst s23;
	s24 =	spop (v2sf)  }
0x5e: {  	[smem:$0x7FA] =	sst s24;
	s25 =	spop (v2sf)  }
0x5f: {  	[smem:$0x7FB] =	sst s25;
	s26 =	spop (v2sf)  }
0x60: {  	[smem:$0x7FC] =	sst s26;
	s28 =	spop (v2sf)  }
0x61: {  	[smem:$0x7FD] =	sst s28  }
0x62: {  	p0 =	por $0x0, $0x0;
	_ =	swait.ge [sflag:s2], $0xC80  }
0x63: {  	s30 =	simm.s32 $0xC80;
	s31 =	simm.s32 $0x1900;
	[sflag:s2] =	ssyncset.done $0x0  }
0x64: {  	s1 =	simm.s32 $0x0;
	s29 =	rddreg [dreg:$0x5];
	[sflag:s2] =	ssyncadd.s32 $0xFFFFF380  }
0x65: {  	[tilespmem:s31], [sflag:$0x1] =	stream.indirect.gather [hbm4b:s29+s30], $0x10, s6, s30, $0xb8;
	[tilespmem:$0x1AB60] =	vst v63  }
.LBB2_2:
0x66: {  	s0 =	simm.s32 $0x1;
	s2 =	sadd.s32 $0x1, s1  }
0x67: {  	p1 =	seq.s32 s1, $0x1F;
	[smem:$0x7D4] =	sst s1;
	s1 =	sand.u32 $0x1, s1  }
0x68: {  	s3 =	simm.s32 $0x1;
	s0 =	simm.s32 @!p0 $0x0;
	s6 =	smul.u32 @!p1 $0xC80, s2  }
0x69: {  	[smem:$0x7D5] =	sst s2;
	s1 =	sxor.u32 @!p1 $0x1, s1;
	s0 =	smul.u32 $0x32000, s0  }
0x6a: {  	_ =	swait.ge [sflag:s3], $0xC800;
	s7 =	smul.u32 @!p1 $0x3200, s1  }
0x6b: {  	s8 =	simm.s32 @!p1 $0x0;
	s1 =	smul.u32 @!p1 $0x32000, s1;
	s2 =	rddreg [dreg:$0x3]  }
0x6c: {  	[sflag:s3] =	ssyncset.done $0x0;
	s6 =	sadd.s32 @!p1 s2, s6;
	s0 =	sshrl.u32 s0, $0x2  }
0x6d: {  	[sflag:s3] =	ssyncadd.s32 $0xFFFF3800;
	s2 =	rddreg [dreg:$0x4];
	s6 =	sshrl.u32 @!p1 s6, $0x3  }
0x6e: {  	s7 =	sshrl.u32 @!p1 s7, $0x2;
	s30 =	sadd.s32 $0x1940, s0;
	s6 =	sadd.s32 @!p1 s2, s6  }
0x6f: {  	[tilespmem:s7], [sflag:$0x2] =	stream.linear.gather @!p1 [hbm4b:s6+s8], $0xC80, $0x38;
	[tilespmem:$0x1AB60] =	vst v63  }
0x70: {  	v1 =	vmov s30;
	s8 =	simm.s32 @!p1 $0x2  }
0x71: {  	s1 =	sshrl.u32 @!p1 s1, $0x2;
	_ =	swait.ge @!p1 [sflag:s8], $0xC80  }
0x72: {  	s31 =	simm.s32 $0x0;
	s1 =	sadd.s32 @!p1 $0x1900, s1;
	[sflag:s8] =	ssyncset.done @!p1 $0x0  }
0x73: {  	s6 =	simm.s32 @!p1 $0xC80;
	s2 =	rddreg [dreg:$0x5];
	[sflag:s8] =	ssyncadd.s32 @!p1 $0xFFFFF380  }
0x74: {  	[tilespmem:s1], [sflag:$0x1] =	stream.indirect.gather @!p1 [hbm4b:s2+s6], $0x10, s7, s6, $0xb8;
	[tilespmem:$0x1AB60] =	vst v63  }
0x75: {  	v9 =	vld.idx.msk [tilespmem:v1+s31+$0x0 ss:$0x1], $0xffff  }
0x76: {  	v13 =	vld.idx.msk [tilespmem:v1+s31+$0x10 ss:$0x1], $0xffff  }
0x77: {  	v7 =	vld.idx.msk [tilespmem:v1+s31+$0xFFFFFFC0 ss:$0x1], $0xffff  }
0x78: {  	v8 =	vld.idx.msk [tilespmem:v1+s31+$0xFFFFFFD0 ss:$0x1], $0xffff  }
0x79: {  	v10 =	vld.idx.msk [tilespmem:v1+s31+$0xFFFFFFE0 ss:$0x1], $0xffff  }
0x7a: {  	v12 =	vld.idx.msk [tilespmem:v1+s31+$0xFFFFFFF0 ss:$0x1], $0xffff  }
0x7b: {  	v4 =	vld.idx.msk [tilespmem:v1+s31+$0x20 ss:$0x1], $0xffff  }
0x7c: {  	s1 =	simm.s32 $0x80;
	v6 =	vld.idx.msk [tilespmem:v1+s31+$0x30 ss:$0x1], $0xffff  }
0x7d: {  	v3 =	vld.idx.msk [tilespmem:v1+s1+$0x0 ss:$0x1], $0xffff  }
0x7e: {  	v0 =	vimm.f32 $0.0e+00;
	v2 =	vld.idx.msk [tilespmem:v1+s1+$0x10 ss:$0x1], $0xffff  }
0x7f: {  	s17 =	sadd.s32 $0x1900, s0;
	v5 =	vld.idx.msk [tilespmem:v1+s1+$0xFFFFFFC0 ss:$0x1], $0xffff;
	v14 =	vadd.f32 v7, v0;
	v15 =	vadd.f32 v8, v0  }
0x80: {  	s14 =	sadd.s32 $0x5780, s0;
	s18 =	sadd.s32 $0x4B00, s0;
	s19 =	sadd.s32 $0x3E80, s0;
	v7 =	vld.idx.msk [tilespmem:v1+s1+$0xFFFFFFD0 ss:$0x1], $0xffff;
	v11 =	vadd.f32 v10, v0;
	v12 =	vadd.f32 v12, v0  }
0x81: {  	s20 =	sadd.s32 $0x3200, s0;
	s0 =	sadd.s32 $0x2580, s0;
	s6 =	simm.s32 $0x400;
	v8 =	vld.idx.msk [tilespmem:v1+s1+$0xFFFFFFE0 ss:$0x1], $0xffff;
	v10 =	vadd.f32 v9, v14;
	v9 =	vadd.f32 v13, v15  }
.LBB2_3:
0x82: {  	p1 =	sne.s32 s6, $0x3000;
	v13 =	vld.idx.msk [tilespmem:v1+s1+$0xFFFFFFF0 ss:$0x1], $0xffff;
	v11 =	vadd.f32 v4, v11;
	v12 =	vadd.f32 v6, v12  }
0x83: {  	v14 =	vmov v3;
	v4 =	vld.idx.msk [tilespmem:v1+s1+$0x20 ss:$0x1], $0xffff  }
0x84: {  	v15 =	vmov v2;
	v6 =	vld.idx.msk [tilespmem:v1+s1+$0x30 ss:$0x1], $0xffff;
	s1 =	sshra.s32 s6, $0x2  }
.Ltmp0:
0x85: {  	v3 =	vld.idx.msk [tilespmem:v1+s1+$0x0 ss:$0x1], $0xffff;
	(pc) =	sbr.rel @p1 .LBB2_3-.Ltmp0, $4  }
0x86: {  	v2 =	vld.idx.msk [tilespmem:v1+s1+$0x10 ss:$0x1], $0xffff  }
0x87: {  	v10 =	vadd.f32 v5, v10;
	v9 =	vadd.f32 v7, v9;
	v5 =	vld.idx.msk [tilespmem:v1+s1+$0xFFFFFFC0 ss:$0x1], $0xffff  }
0x88: {  	v11 =	vadd.f32 v8, v11;
	v12 =	vadd.f32 v13, v12;
	v7 =	vld.idx.msk [tilespmem:v1+s1+$0xFFFFFFD0 ss:$0x1], $0xffff  }
0x89: {  	s6 =	sadd.s32 $0x200, s6;
	v10 =	vadd.f32 v14, v10;
	v9 =	vadd.f32 v15, v9;
	v8 =	vld.idx.msk [tilespmem:v1+s1+$0xFFFFFFE0 ss:$0x1], $0xffff  }
0x8a: {  	_ =	sdelay $0x3  }
0x8b: {  	v13 =	vld.idx.msk [tilespmem:v1+s1+$0xFFFFFFF0 ss:$0x1], $0xffff  }
0x8c: {  	v14 =	vld.idx.msk [tilespmem:v1+s1+$0x20 ss:$0x1], $0xffff  }
0x8d: {  	v1 =	vld.idx.msk [tilespmem:v1+s1+$0x30 ss:$0x1], $0xffff;
	s6 =	sadd.s32 $0x0, s0  }
0x8e: {  	v16 =	vld [tilespmem:s6+$0x40]  }
0x8f: {  	v17 =	vld [tilespmem:s6+$0x50]  }
0x90: {  	v18 =	vld [tilespmem:s6+$0x0]  }
0x91: {  	v19 =	vld [tilespmem:s6+$0x10]  }
0x92: {  	v4 =	vadd.f32 v4, v11;
	v11 =	vld [tilespmem:s6+$0x20];
	v5 =	vadd.f32 v5, v10  }
0x93: {  	v6 =	vadd.f32 v6, v12;
	v7 =	vadd.f32 v7, v9;
	v9 =	vld [tilespmem:s6+$0x30]  }
0x94: {  	v8 =	vadd.f32 v8, v4;
	v4 =	vld [tilespmem:s6+$0x60];
	v12 =	vadd.f32 v3, v5  }
0x95: {  	s1 =	sadd.s32 $0x80, s0;
	v5 =	vld [tilespmem:s6+$0x70];
	v6 =	vadd.f32 v13, v6;
	v13 =	vadd.f32 v2, v7  }
0x96: {  	v3 =	vld [tilespmem:s1+$0x40];
	v14 =	vadd.f32 v14, v8;
	v7 =	vadd.f32 v19, v0  }
0x97: {  	v15 =	vadd.f32 v1, v6;
	v1 =	vld [tilespmem:s1+$0x50];
	v6 =	vadd.f32 v18, v0  }
0x98: {  	v2 =	vld [tilespmem:s1+$0x0];
	v8 =	vadd.f32 v11, v0;
	v9 =	vadd.f32 v9, v0  }
0x99: {  	s6 =	simm.s32 $0x400;
	v0 =	vld [tilespmem:s1+$0x10];
	v7 =	vadd.f32 v17, v7;
	v6 =	vadd.f32 v16, v6  }
.LBB2_5:
0x9a: {  	p1 =	sne.s32 s6, $0x3000;
	v10 =	vld [tilespmem:s1+$0x20];
	v8 =	vadd.f32 v4, v8;
	v9 =	vadd.f32 v5, v9  }
0x9b: {  	v11 =	vld [tilespmem:s1+$0x30];
	v16 =	vmov v3  }
0x9c: {  	s7 =	sshra.s32 s6, $0x2;
	v4 =	vld [tilespmem:s1+$0x60];
	v17 =	vmov v1  }
.Ltmp1:
0x9d: {  	v5 =	vld [tilespmem:s1+$0x70];
	s1 =	sadd.s32 s7, s0;
	(pc) =	sbr.rel @p1 .LBB2_5-.Ltmp1, $4  }
0x9e: {  	v3 =	vld [tilespmem:s1+$0x40]  }
0x9f: {  	v6 =	vadd.f32 v2, v6;
	v7 =	vadd.f32 v0, v7;
	v1 =	vld [tilespmem:s1+$0x50]  }
0xa0: {  	v8 =	vadd.f32 v10, v8;
	v2 =	vld [tilespmem:s1+$0x0];
	v9 =	vadd.f32 v11, v9  }
0xa1: {  	s6 =	sadd.s32 $0x200, s6;
	v6 =	vadd.f32 v16, v6;
	v7 =	vadd.f32 v17, v7;
	v0 =	vld [tilespmem:s1+$0x10]  }
0xa2: {  	v10 =	vld [tilespmem:s1+$0x20]  }
0xa3: {  	v11 =	vld [tilespmem:s1+$0x30]  }
0xa4: {  	v16 =	vld [tilespmem:s1+$0x60]  }
0xa5: {  	v17 =	vld [tilespmem:s1+$0x70];
	s31 =	sadd.s32 $0x0, s20  }
0xa6: {  	v18 =	vld [tilespmem:s31+$0x40]  }
0xa7: {  	v19 =	vld [tilespmem:s31+$0x50]  }
0xa8: {  	v20 =	vld [tilespmem:s31+$0x0]  }
0xa9: {  	v21 =	vld [tilespmem:s31+$0x10]  }
0xaa: {  	v4 =	vadd.f32 v4, v8;
	v5 =	vadd.f32 v5, v9;
	v8 =	vld [tilespmem:s31+$0x20]  }
0xab: {  	v6 =	vadd.f32 v2, v6;
	v0 =	vadd.f32 v0, v7;
	v7 =	vld [tilespmem:s31+$0x30]  }
0xac: {  	v2 =	vld [tilespmem:s31+$0x60];
	v9 =	vadd.f32 v10, v4;
	v5 =	vadd.f32 v11, v5  }
0xad: {  	s0 =	sadd.s32 $0x80, s20;
	v62 =	vadd.f32 v3, v6;
	v4 =	vld [tilespmem:s31+$0x70];
	v63 =	vadd.f32 v1, v0  }
0xae: {  	v3 =	vld [tilespmem:s0+$0x40];
	v0 =	vimm.f32 $0.0e+00;
	v10 =	vadd.f32 v16, v9;
	v11 =	vadd.f32 v17, v5  }
0xaf: {  	v1 =	vld [tilespmem:s0+$0x50];
	v17 =	vadd.f32 v20, v0;
	v61 =	vadd.f32 v21, v0  }
0xb0: {  	v6 =	vld [tilespmem:s0+$0x10];
	v9 =	vadd.f32 v8, v0;
	v16 =	vadd.f32 v7, v0  }
0xb1: {  	s1 =	simm.s32 $0x400;
	v5 =	vld [tilespmem:s0+$0x0];
	v7 =	vadd.f32 v18, v17;
	v8 =	vadd.f32 v19, v61  }
.LBB2_7:
0xb2: {  	p1 =	sne.s32 s1, $0x3000;
	v17 =	vld [tilespmem:s0+$0x20];
	v9 =	vadd.f32 v2, v9;
	v16 =	vadd.f32 v4, v16  }
0xb3: {  	v18 =	vld [tilespmem:s0+$0x30];
	v19 =	vmov v3  }
0xb4: {  	s6 =	sshra.s32 s1, $0x2;
	v2 =	vld [tilespmem:s0+$0x60];
	v20 =	vmov v1  }
.Ltmp2:
0xb5: {  	v4 =	vld [tilespmem:s0+$0x70];
	s0 =	sadd.s32 s6, s20;
	(pc) =	sbr.rel @p1 .LBB2_7-.Ltmp2, $4  }
0xb6: {  	v3 =	vld [tilespmem:s0+$0x40]  }
0xb7: {  	v7 =	vadd.f32 v5, v7;
	v8 =	vadd.f32 v6, v8;
	v1 =	vld [tilespmem:s0+$0x50]  }
0xb8: {  	v9 =	vadd.f32 v17, v9;
	v5 =	vld [tilespmem:s0+$0x0];
	v16 =	vadd.f32 v18, v16  }
0xb9: {  	s1 =	sadd.s32 $0x200, s1;
	v7 =	vadd.f32 v19, v7;
	v8 =	vadd.f32 v20, v8;
	v6 =	vld [tilespmem:s0+$0x10]  }
0xba: {  	v17 =	vld [tilespmem:s0+$0x20]  }
0xbb: {  	v18 =	vld [tilespmem:s0+$0x30]  }
0xbc: {  	v19 =	vld [tilespmem:s0+$0x60]  }
0xbd: {  	v20 =	vld [tilespmem:s0+$0x70];
	s1 =	sadd.s32 $0x0, s19  }
0xbe: {  	v21 =	vld [tilespmem:s1+$0x40]  }
0xbf: {  	v22 =	vld [tilespmem:s1+$0x50]  }
0xc0: {  	v23 =	vld [tilespmem:s1+$0x0]  }
0xc1: {  	v24 =	vld [tilespmem:s1+$0x10]  }
0xc2: {  	v2 =	vadd.f32 v2, v9;
	v4 =	vadd.f32 v4, v16;
	v9 =	vld [tilespmem:s1+$0x20]  }
0xc3: {  	v5 =	vadd.f32 v5, v7;
	v7 =	vld [tilespmem:s1+$0x30];
	v6 =	vadd.f32 v6, v8  }
0xc4: {  	v8 =	vadd.f32 v17, v2;
	v4 =	vadd.f32 v18, v4;
	v2 =	vld [tilespmem:s1+$0x60]  }
0xc5: {  	s0 =	sadd.s32 $0x80, s19;
	v58 =	vadd.f32 v3, v5;
	v5 =	vld [tilespmem:s1+$0x70];
	v59 =	vadd.f32 v1, v6  }
0xc6: {  	v3 =	vld [tilespmem:s0+$0x40];
	v6 =	vadd.f32 v23, v0;
	v16 =	vadd.f32 v24, v0  }
0xc7: {  	v1 =	vld [tilespmem:s0+$0x50];
	v60 =	vadd.f32 v19, v8;
	v61 =	vadd.f32 v20, v4  }
0xc8: {  	v4 =	vld [tilespmem:s0+$0x0];
	v8 =	vadd.f32 v9, v0;
	v9 =	vadd.f32 v7, v0  }
0xc9: {  	s1 =	simm.s32 $0x400;
	v0 =	vld [tilespmem:s0+$0x10];
	v6 =	vadd.f32 v21, v6;
	v7 =	vadd.f32 v22, v16  }
.LBB2_9:
0xca: {  	p1 =	sne.s32 s1, $0x3000;
	v16 =	vld [tilespmem:s0+$0x20];
	v8 =	vadd.f32 v2, v8;
	v9 =	vadd.f32 v5, v9  }
0xcb: {  	v17 =	vld [tilespmem:s0+$0x30];
	v18 =	vmov v3  }
0xcc: {  	s6 =	sshra.s32 s1, $0x2;
	v2 =	vld [tilespmem:s0+$0x60];
	v19 =	vmov v1  }
.Ltmp3:
0xcd: {  	v5 =	vld [tilespmem:s0+$0x70];
	s0 =	sadd.s32 s6, s19;
	(pc) =	sbr.rel @p1 .LBB2_9-.Ltmp3, $4  }
0xce: {  	v3 =	vld [tilespmem:s0+$0x40]  }
0xcf: {  	v6 =	vadd.f32 v4, v6;
	v7 =	vadd.f32 v0, v7;
	v1 =	vld [tilespmem:s0+$0x50]  }
0xd0: {  	v8 =	vadd.f32 v16, v8;
	v4 =	vld [tilespmem:s0+$0x0];
	v9 =	vadd.f32 v17, v9  }
0xd1: {  	s1 =	sadd.s32 $0x200, s1;
	v6 =	vadd.f32 v18, v6;
	v7 =	vadd.f32 v19, v7;
	v0 =	vld [tilespmem:s0+$0x10]  }
0xd2: {  	v16 =	vld [tilespmem:s0+$0x20]  }
0xd3: {  	v17 =	vld [tilespmem:s0+$0x30]  }
0xd4: {  	v18 =	vld [tilespmem:s0+$0x60]  }
0xd5: {  	v19 =	vld [tilespmem:s0+$0x70];
	s1 =	sadd.s32 $0x0, s18  }
0xd6: {  	v20 =	vld [tilespmem:s1+$0x40]  }
0xd7: {  	v21 =	vld [tilespmem:s1+$0x50]  }
0xd8: {  	v22 =	vld [tilespmem:s1+$0x0]  }
0xd9: {  	v23 =	vld [tilespmem:s1+$0x10]  }
0xda: {  	v2 =	vadd.f32 v2, v8;
	v5 =	vadd.f32 v5, v9;
	v8 =	vld [tilespmem:s1+$0x20]  }
0xdb: {  	v4 =	vadd.f32 v4, v6;
	v6 =	vld [tilespmem:s1+$0x30];
	v0 =	vadd.f32 v0, v7  }
0xdc: {  	v7 =	vadd.f32 v16, v2;
	v5 =	vadd.f32 v17, v5;
	v2 =	vld [tilespmem:s1+$0x60]  }
0xdd: {  	s0 =	sadd.s32 $0x80, s18;
	v54 =	vadd.f32 v3, v4;
	v4 =	vld [tilespmem:s1+$0x70];
	v55 =	vadd.f32 v1, v0  }
0xde: {  	v3 =	vld [tilespmem:s0+$0x40];
	v0 =	vimm.f32 $0.0e+00;
	v56 =	vadd.f32 v18, v7;
	v57 =	vadd.f32 v19, v5  }
0xdf: {  	v1 =	vld [tilespmem:s0+$0x50];
	v7 =	vadd.f32 v22, v0;
	v17 =	vadd.f32 v23, v0  }
0xe0: {  	v5 =	vld [tilespmem:s0+$0x0];
	v9 =	vadd.f32 v8, v0;
	v16 =	vadd.f32 v6, v0  }
0xe1: {  	s1 =	simm.s32 $0x400;
	v6 =	vld [tilespmem:s0+$0x10];
	v7 =	vadd.f32 v20, v7;
	v8 =	vadd.f32 v21, v17  }
.LBB2_11:
0xe2: {  	p1 =	sne.s32 s1, $0x3000;
	v17 =	vld [tilespmem:s0+$0x20];
	v9 =	vadd.f32 v2, v9;
	v16 =	vadd.f32 v4, v16  }
0xe3: {  	v18 =	vld [tilespmem:s0+$0x30];
	v19 =	vmov v3  }
0xe4: {  	s6 =	sshra.s32 s1, $0x2;
	v2 =	vld [tilespmem:s0+$0x60];
	v20 =	vmov v1  }
.Ltmp4:
0xe5: {  	v4 =	vld [tilespmem:s0+$0x70];
	s0 =	sadd.s32 s6, s18;
	(pc) =	sbr.rel @p1 .LBB2_11-.Ltmp4, $4  }
0xe6: {  	v3 =	vld [tilespmem:s0+$0x40]  }
0xe7: {  	v7 =	vadd.f32 v5, v7;
	v8 =	vadd.f32 v6, v8;
	v1 =	vld [tilespmem:s0+$0x50]  }
0xe8: {  	v9 =	vadd.f32 v17, v9;
	v5 =	vld [tilespmem:s0+$0x0];
	v16 =	vadd.f32 v18, v16  }
0xe9: {  	s1 =	sadd.s32 $0x200, s1;
	v7 =	vadd.f32 v19, v7;
	v8 =	vadd.f32 v20, v8;
	v6 =	vld [tilespmem:s0+$0x10]  }
0xea: {  	v17 =	vld [tilespmem:s0+$0x20]  }
0xeb: {  	v18 =	vld [tilespmem:s0+$0x30]  }
0xec: {  	v19 =	vld [tilespmem:s0+$0x60]  }
0xed: {  	v20 =	vld [tilespmem:s0+$0x70];
	s1 =	sadd.s32 $0x0, s14  }
0xee: {  	v21 =	vld [tilespmem:s1+$0x40]  }
0xef: {  	v22 =	vld [tilespmem:s1+$0x50]  }
0xf0: {  	v23 =	vld [tilespmem:s1+$0x0]  }
0xf1: {  	v24 =	vld [tilespmem:s1+$0x10]  }
0xf2: {  	v2 =	vadd.f32 v2, v9;
	v4 =	vadd.f32 v4, v16;
	v9 =	vld [tilespmem:s1+$0x20]  }
0xf3: {  	v5 =	vadd.f32 v5, v7;
	v7 =	vld [tilespmem:s1+$0x30];
	v6 =	vadd.f32 v6, v8  }
0xf4: {  	v8 =	vadd.f32 v17, v2;
	v4 =	vadd.f32 v18, v4;
	v2 =	vld [tilespmem:s1+$0x60]  }
0xf5: {  	s0 =	sadd.s32 $0x80, s14;
	v50 =	vadd.f32 v3, v5;
	v5 =	vld [tilespmem:s1+$0x70];
	v51 =	vadd.f32 v1, v6  }
0xf6: {  	v3 =	vld [tilespmem:s0+$0x40];
	v6 =	vadd.f32 v23, v0;
	v16 =	vadd.f32 v24, v0  }
0xf7: {  	v1 =	vld [tilespmem:s0+$0x50];
	v52 =	vadd.f32 v19, v8;
	v53 =	vadd.f32 v20, v4  }
0xf8: {  	v4 =	vld [tilespmem:s0+$0x0];
	v8 =	vadd.f32 v9, v0;
	v9 =	vadd.f32 v7, v0  }
0xf9: {  	s1 =	simm.s32 $0x400;
	v0 =	vld [tilespmem:s0+$0x10];
	v6 =	vadd.f32 v21, v6;
	v7 =	vadd.f32 v22, v16  }
.LBB2_13:
0xfa: {  	p1 =	sne.s32 s1, $0x3000;
	v16 =	vld [tilespmem:s0+$0x20];
	v8 =	vadd.f32 v2, v8;
	v9 =	vadd.f32 v5, v9  }
0xfb: {  	v17 =	vld [tilespmem:s0+$0x30];
	v18 =	vmov v3  }
0xfc: {  	s6 =	sshra.s32 s1, $0x2;
	v2 =	vld [tilespmem:s0+$0x60];
	v19 =	vmov v1  }
.Ltmp5:
0xfd: {  	v5 =	vld [tilespmem:s0+$0x70];
	s0 =	sadd.s32 s6, s14;
	(pc) =	sbr.rel @p1 .LBB2_13-.Ltmp5, $4  }
0xfe: {  	v3 =	vld [tilespmem:s0+$0x40]  }
0xff: {  	v6 =	vadd.f32 v4, v6;
	v7 =	vadd.f32 v0, v7;
	v1 =	vld [tilespmem:s0+$0x50]  }
0x100: {  	v8 =	vadd.f32 v16, v8;
	v4 =	vld [tilespmem:s0+$0x0];
	v9 =	vadd.f32 v17, v9  }
0x101: {  	s1 =	sadd.s32 $0x200, s1;
	v6 =	vadd.f32 v18, v6;
	v7 =	vadd.f32 v19, v7;
	v0 =	vld [tilespmem:s0+$0x10]  }
0x102: {  	v16 =	vld [tilespmem:s0+$0x20]  }
0x103: {  	v17 =	vld [tilespmem:s0+$0x30]  }
0x104: {  	v18 =	vld [tilespmem:s0+$0x60]  }
0x105: {  	v19 =	vld [tilespmem:s0+$0x70];
	s0 =	sadd.s32 $0x0, s17  }
0x106: {  	v20 =	vld [tilespmem:s0+$0x4B40]  }
0x107: {  	v21 =	vld [tilespmem:s0+$0x4B50]  }
0x108: {  	v22 =	vld [tilespmem:s0+$0x4B00]  }
0x109: {  	v23 =	vld [tilespmem:s0+$0x4B10]  }
0x10a: {  	v2 =	vadd.f32 v2, v8;
	v5 =	vadd.f32 v5, v9;
	v8 =	vld [tilespmem:s0+$0x4B20]  }
0x10b: {  	v4 =	vadd.f32 v4, v6;
	v6 =	vld [tilespmem:s0+$0x4B30];
	v0 =	vadd.f32 v0, v7  }
0x10c: {  	v7 =	vadd.f32 v16, v2;
	v5 =	vadd.f32 v17, v5;
	v2 =	vld [tilespmem:s0+$0x4B60]  }
0x10d: {  	s1 =	sadd.s32 $0x80, s17;
	v46 =	vadd.f32 v3, v4;
	v4 =	vld [tilespmem:s0+$0x4B70];
	v47 =	vadd.f32 v1, v0  }
0x10e: {  	v3 =	vld [tilespmem:s1+$0x4B40];
	v0 =	vimm.f32 $0.0e+00;
	v48 =	vadd.f32 v18, v7;
	v49 =	vadd.f32 v19, v5  }
0x10f: {  	v1 =	vld [tilespmem:s1+$0x4B50];
	v7 =	vadd.f32 v22, v0;
	v17 =	vadd.f32 v23, v0  }
0x110: {  	v5 =	vld [tilespmem:s1+$0x4B00];
	v9 =	vadd.f32 v8, v0;
	v16 =	vadd.f32 v6, v0  }
0x111: {  	s6 =	simm.s32 $0x400;
	v6 =	vld [tilespmem:s1+$0x4B10];
	v7 =	vadd.f32 v20, v7;
	v8 =	vadd.f32 v21, v17  }
.LBB2_15:
0x112: {  	p1 =	sne.s32 s6, $0x3000;
	v17 =	vld [tilespmem:s1+$0x4B20];
	v9 =	vadd.f32 v2, v9;
	v16 =	vadd.f32 v4, v16  }
0x113: {  	v18 =	vld [tilespmem:s1+$0x4B30];
	v19 =	vmov v3  }
0x114: {  	s7 =	sshra.s32 s6, $0x2;
	v2 =	vld [tilespmem:s1+$0x4B60];
	v20 =	vmov v1  }
.Ltmp6:
0x115: {  	v4 =	vld [tilespmem:s1+$0x4B70];
	s1 =	sadd.s32 s7, s17;
	(pc) =	sbr.rel @p1 .LBB2_15-.Ltmp6, $4  }
0x116: {  	v3 =	vld [tilespmem:s1+$0x4B40]  }
0x117: {  	v7 =	vadd.f32 v5, v7;
	v8 =	vadd.f32 v6, v8;
	v1 =	vld [tilespmem:s1+$0x4B50]  }
0x118: {  	v9 =	vadd.f32 v17, v9;
	v5 =	vld [tilespmem:s1+$0x4B00];
	v16 =	vadd.f32 v18, v16  }
0x119: {  	s6 =	sadd.s32 $0x200, s6;
	v7 =	vadd.f32 v19, v7;
	v8 =	vadd.f32 v20, v8;
	v6 =	vld [tilespmem:s1+$0x4B10]  }
0x11a: {  	v17 =	vld [tilespmem:s1+$0x4B20]  }
0x11b: {  	v18 =	vld [tilespmem:s1+$0x4B30]  }
0x11c: {  	v19 =	vld [tilespmem:s1+$0x4B60]  }
0x11d: {  	v20 =	vld [tilespmem:s1+$0x4B70]  }
0x11e: {  	v21 =	vld [tilespmem:s0+$0x57C0]  }
0x11f: {  	v22 =	vld [tilespmem:s0+$0x57D0]  }
0x120: {  	v24 =	vld [tilespmem:s0+$0x5790]  }
0x121: {  	v23 =	vld [tilespmem:s0+$0x5780]  }
0x122: {  	v2 =	vadd.f32 v2, v9;
	v4 =	vadd.f32 v4, v16;
	v9 =	vld [tilespmem:s0+$0x57A0]  }
0x123: {  	v5 =	vadd.f32 v5, v7;
	v7 =	vld [tilespmem:s0+$0x57B0];
	v6 =	vadd.f32 v6, v8  }
0x124: {  	v8 =	vadd.f32 v17, v2;
	v4 =	vadd.f32 v18, v4;
	v2 =	vld [tilespmem:s0+$0x57E0]  }
0x125: {  	s1 =	sadd.s32 $0x80, s17;
	v42 =	vadd.f32 v3, v5;
	v5 =	vld [tilespmem:s0+$0x57F0];
	v16 =	vadd.f32 v24, v0  }
0x126: {  	v3 =	vld [tilespmem:s1+$0x57C0];
	v43 =	vadd.f32 v1, v6;
	v6 =	vadd.f32 v23, v0  }
0x127: {  	v1 =	vld [tilespmem:s1+$0x57D0];
	v44 =	vadd.f32 v19, v8;
	v45 =	vadd.f32 v20, v4  }
0x128: {  	v4 =	vld [tilespmem:s1+$0x5780];
	v8 =	vadd.f32 v9, v0;
	v9 =	vadd.f32 v7, v0  }
0x129: {  	s0 =	simm.s32 $0x400;
	v0 =	vld [tilespmem:s1+$0x5790];
	v6 =	vadd.f32 v21, v6;
	v7 =	vadd.f32 v22, v16  }
.LBB2_17:
0x12a: {  	p1 =	sne.s32 s0, $0x3000;
	v16 =	vld [tilespmem:s1+$0x57A0];
	v8 =	vadd.f32 v2, v8;
	v9 =	vadd.f32 v5, v9  }
0x12b: {  	v17 =	vld [tilespmem:s1+$0x57B0];
	v18 =	vmov v3  }
0x12c: {  	s6 =	sshra.s32 s0, $0x2;
	v2 =	vld [tilespmem:s1+$0x57E0];
	v19 =	vmov v1  }
.Ltmp7:
0x12d: {  	v5 =	vld [tilespmem:s1+$0x57F0];
	s1 =	sadd.s32 s6, s17;
	(pc) =	sbr.rel @p1 .LBB2_17-.Ltmp7, $4  }
0x12e: {  	v3 =	vld [tilespmem:s1+$0x57C0]  }
0x12f: {  	v6 =	vadd.f32 v4, v6;
	v7 =	vadd.f32 v0, v7;
	v1 =	vld [tilespmem:s1+$0x57D0]  }
0x130: {  	v8 =	vadd.f32 v16, v8;
	v4 =	vld [tilespmem:s1+$0x5780];
	v9 =	vadd.f32 v17, v9  }
0x131: {  	s0 =	sadd.s32 $0x200, s0;
	v6 =	vadd.f32 v18, v6;
	v7 =	vadd.f32 v19, v7;
	v0 =	vld [tilespmem:s1+$0x5790]  }
0x132: {  	v16 =	vld [tilespmem:s1+$0x57A0]  }
0x133: {  	v17 =	vld [tilespmem:s1+$0x57B0]  }
0x134: {  	v18 =	vld [tilespmem:s1+$0x57E0]  }
0x135: {  	v19 =	vld [tilespmem:s1+$0x57F0];
	s0 =	sadd.s32 $0x0, s17  }
0x136: {  	v20 =	vld [tilespmem:s0+$0x6440]  }
0x137: {  	v21 =	vld [tilespmem:s0+$0x6450]  }
0x138: {  	v22 =	vld [tilespmem:s0+$0x6400]  }
0x139: {  	v23 =	vld [tilespmem:s0+$0x6410]  }
0x13a: {  	v2 =	vadd.f32 v2, v8;
	v5 =	vadd.f32 v5, v9;
	v8 =	vld [tilespmem:s0+$0x6420]  }
0x13b: {  	v4 =	vadd.f32 v4, v6;
	v6 =	vld [tilespmem:s0+$0x6430];
	v0 =	vadd.f32 v0, v7  }
0x13c: {  	v7 =	vadd.f32 v16, v2;
	v5 =	vadd.f32 v17, v5;
	v2 =	vld [tilespmem:s0+$0x6460]  }
0x13d: {  	s1 =	sadd.s32 $0x80, s17;
	v38 =	vadd.f32 v3, v4;
	v4 =	vld [tilespmem:s0+$0x6470];
	v39 =	vadd.f32 v1, v0  }
0x13e: {  	v3 =	vld [tilespmem:s1+$0x6440];
	v0 =	vimm.f32 $0.0e+00;
	v40 =	vadd.f32 v18, v7;
	v41 =	vadd.f32 v19, v5  }
0x13f: {  	v1 =	vld [tilespmem:s1+$0x6450];
	v7 =	vadd.f32 v22, v0;
	v17 =	vadd.f32 v23, v0  }
0x140: {  	v5 =	vld [tilespmem:s1+$0x6400];
	v9 =	vadd.f32 v8, v0;
	v16 =	vadd.f32 v6, v0  }
0x141: {  	s6 =	simm.s32 $0x400;
	v6 =	vld [tilespmem:s1+$0x6410];
	v7 =	vadd.f32 v20, v7;
	v8 =	vadd.f32 v21, v17  }
.LBB2_19:
0x142: {  	p1 =	sne.s32 s6, $0x3000;
	v17 =	vld [tilespmem:s1+$0x6420];
	v9 =	vadd.f32 v2, v9;
	v16 =	vadd.f32 v4, v16  }
0x143: {  	v18 =	vld [tilespmem:s1+$0x6430];
	v19 =	vmov v3  }
0x144: {  	s7 =	sshra.s32 s6, $0x2;
	v2 =	vld [tilespmem:s1+$0x6460];
	v20 =	vmov v1  }
.Ltmp8:
0x145: {  	v4 =	vld [tilespmem:s1+$0x6470];
	s1 =	sadd.s32 s7, s17;
	(pc) =	sbr.rel @p1 .LBB2_19-.Ltmp8, $4  }
0x146: {  	v3 =	vld [tilespmem:s1+$0x6440]  }
0x147: {  	v7 =	vadd.f32 v5, v7;
	v8 =	vadd.f32 v6, v8;
	v1 =	vld [tilespmem:s1+$0x6450]  }
0x148: {  	v9 =	vadd.f32 v17, v9;
	v5 =	vld [tilespmem:s1+$0x6400];
	v16 =	vadd.f32 v18, v16  }
0x149: {  	s6 =	sadd.s32 $0x200, s6;
	v7 =	vadd.f32 v19, v7;
	v8 =	vadd.f32 v20, v8;
	v6 =	vld [tilespmem:s1+$0x6410]  }
0x14a: {  	v17 =	vld [tilespmem:s1+$0x6420]  }
0x14b: {  	v18 =	vld [tilespmem:s1+$0x6430]  }
0x14c: {  	v19 =	vld [tilespmem:s1+$0x6460]  }
0x14d: {  	v20 =	vld [tilespmem:s1+$0x6470]  }
0x14e: {  	v21 =	vld [tilespmem:s0+$0x70C0]  }
0x14f: {  	v22 =	vld [tilespmem:s0+$0x70D0]  }
0x150: {  	v24 =	vld [tilespmem:s0+$0x7090]  }
0x151: {  	v23 =	vld [tilespmem:s0+$0x7080]  }
0x152: {  	v2 =	vadd.f32 v2, v9;
	v4 =	vadd.f32 v4, v16;
	v9 =	vld [tilespmem:s0+$0x70A0]  }
0x153: {  	v5 =	vadd.f32 v5, v7;
	v7 =	vld [tilespmem:s0+$0x70B0];
	v6 =	vadd.f32 v6, v8  }
0x154: {  	v8 =	vadd.f32 v17, v2;
	v4 =	vadd.f32 v18, v4;
	v2 =	vld [tilespmem:s0+$0x70E0]  }
0x155: {  	s1 =	sadd.s32 $0x80, s17;
	v34 =	vadd.f32 v3, v5;
	v5 =	vld [tilespmem:s0+$0x70F0];
	v16 =	vadd.f32 v24, v0  }
0x156: {  	v3 =	vld [tilespmem:s1+$0x70C0];
	v35 =	vadd.f32 v1, v6;
	v6 =	vadd.f32 v23, v0  }
0x157: {  	v1 =	vld [tilespmem:s1+$0x70D0];
	v36 =	vadd.f32 v19, v8;
	v37 =	vadd.f32 v20, v4  }
0x158: {  	v4 =	vld [tilespmem:s1+$0x7080];
	v8 =	vadd.f32 v9, v0;
	v9 =	vadd.f32 v7, v0  }
0x159: {  	s0 =	simm.s32 $0x400;
	v0 =	vld [tilespmem:s1+$0x7090];
	v6 =	vadd.f32 v21, v6;
	v7 =	vadd.f32 v22, v16  }
.LBB2_21:
0x15a: {  	p1 =	sne.s32 s0, $0x3000;
	v16 =	vld [tilespmem:s1+$0x70A0];
	v8 =	vadd.f32 v2, v8;
	v9 =	vadd.f32 v5, v9  }
0x15b: {  	v17 =	vld [tilespmem:s1+$0x70B0];
	v18 =	vmov v3  }
0x15c: {  	s6 =	sshra.s32 s0, $0x2;
	v2 =	vld [tilespmem:s1+$0x70E0];
	v19 =	vmov v1  }
.Ltmp9:
0x15d: {  	v5 =	vld [tilespmem:s1+$0x70F0];
	s1 =	sadd.s32 s6, s17;
	(pc) =	sbr.rel @p1 .LBB2_21-.Ltmp9, $4  }
0x15e: {  	v3 =	vld [tilespmem:s1+$0x70C0]  }
0x15f: {  	v6 =	vadd.f32 v4, v6;
	v7 =	vadd.f32 v0, v7;
	v1 =	vld [tilespmem:s1+$0x70D0]  }
0x160: {  	v8 =	vadd.f32 v16, v8;
	v4 =	vld [tilespmem:s1+$0x7080];
	v9 =	vadd.f32 v17, v9  }
0x161: {  	s0 =	sadd.s32 $0x200, s0;
	v6 =	vadd.f32 v18, v6;
	v7 =	vadd.f32 v19, v7;
	v0 =	vld [tilespmem:s1+$0x7090]  }
0x162: {  	v16 =	vld [tilespmem:s1+$0x70A0]  }
0x163: {  	v17 =	vld [tilespmem:s1+$0x70B0]  }
0x164: {  	v18 =	vld [tilespmem:s1+$0x70E0]  }
0x165: {  	v19 =	vld [tilespmem:s1+$0x70F0];
	s0 =	sadd.s32 $0x0, s17  }
0x166: {  	v20 =	vld [tilespmem:s0+$0x7D40]  }
0x167: {  	v21 =	vld [tilespmem:s0+$0x7D50]  }
0x168: {  	v22 =	vld [tilespmem:s0+$0x7D00]  }
0x169: {  	v23 =	vld [tilespmem:s0+$0x7D10]  }
0x16a: {  	v2 =	vadd.f32 v2, v8;
	v5 =	vadd.f32 v5, v9;
	v8 =	vld [tilespmem:s0+$0x7D20]  }
0x16b: {  	v4 =	vadd.f32 v4, v6;
	v6 =	vld [tilespmem:s0+$0x7D30];
	v0 =	vadd.f32 v0, v7  }
0x16c: {  	v7 =	vadd.f32 v16, v2;
	v5 =	vadd.f32 v17, v5;
	v2 =	vld [tilespmem:s0+$0x7D60]  }
0x16d: {  	s1 =	sadd.s32 $0x80, s17;
	v30 =	vadd.f32 v3, v4;
	v4 =	vld [tilespmem:s0+$0x7D70];
	v31 =	vadd.f32 v1, v0  }
0x16e: {  	v3 =	vld [tilespmem:s1+$0x7D40];
	v0 =	vimm.f32 $0.0e+00;
	v32 =	vadd.f32 v18, v7;
	v33 =	vadd.f32 v19, v5  }
0x16f: {  	v1 =	vld [tilespmem:s1+$0x7D50];
	v7 =	vadd.f32 v22, v0;
	v17 =	vadd.f32 v23, v0  }
0x170: {  	v5 =	vld [tilespmem:s1+$0x7D00];
	v9 =	vadd.f32 v8, v0;
	v16 =	vadd.f32 v6, v0  }
0x171: {  	s6 =	simm.s32 $0x400;
	v6 =	vld [tilespmem:s1+$0x7D10];
	v7 =	vadd.f32 v20, v7;
	v8 =	vadd.f32 v21, v17  }
.LBB2_23:
0x172: {  	p1 =	sne.s32 s6, $0x3000;
	v17 =	vld [tilespmem:s1+$0x7D20];
	v9 =	vadd.f32 v2, v9;
	v16 =	vadd.f32 v4, v16  }
0x173: {  	v18 =	vld [tilespmem:s1+$0x7D30];
	v19 =	vmov v3  }
0x174: {  	s7 =	sshra.s32 s6, $0x2;
	v2 =	vld [tilespmem:s1+$0x7D60];
	v20 =	vmov v1  }
.Ltmp10:
0x175: {  	v4 =	vld [tilespmem:s1+$0x7D70];
	s1 =	sadd.s32 s7, s17;
	(pc) =	sbr.rel @p1 .LBB2_23-.Ltmp10, $4  }
0x176: {  	v3 =	vld [tilespmem:s1+$0x7D40]  }
0x177: {  	v7 =	vadd.f32 v5, v7;
	v8 =	vadd.f32 v6, v8;
	v1 =	vld [tilespmem:s1+$0x7D50]  }
0x178: {  	v9 =	vadd.f32 v17, v9;
	v5 =	vld [tilespmem:s1+$0x7D00];
	v16 =	vadd.f32 v18, v16  }
0x179: {  	s6 =	sadd.s32 $0x200, s6;
	v7 =	vadd.f32 v19, v7;
	v8 =	vadd.f32 v20, v8;
	v6 =	vld [tilespmem:s1+$0x7D10]  }
0x17a: {  	v17 =	vld [tilespmem:s1+$0x7D20]  }
0x17b: {  	v18 =	vld [tilespmem:s1+$0x7D30]  }
0x17c: {  	v19 =	vld [tilespmem:s1+$0x7D60]  }
0x17d: {  	v20 =	vld [tilespmem:s1+$0x7D70]  }
0x17e: {  	v21 =	vld [tilespmem:s0+$0x89C0]  }
0x17f: {  	v22 =	vld [tilespmem:s0+$0x89D0]  }
0x180: {  	v24 =	vld [tilespmem:s0+$0x8990]  }
0x181: {  	v23 =	vld [tilespmem:s0+$0x8980]  }
0x182: {  	v2 =	vadd.f32 v2, v9;
	v4 =	vadd.f32 v4, v16;
	v9 =	vld [tilespmem:s0+$0x89A0]  }
0x183: {  	v5 =	vadd.f32 v5, v7;
	v7 =	vld [tilespmem:s0+$0x89B0];
	v6 =	vadd.f32 v6, v8  }
0x184: {  	v8 =	vadd.f32 v17, v2;
	v4 =	vadd.f32 v18, v4;
	v2 =	vld [tilespmem:s0+$0x89E0]  }
0x185: {  	s1 =	sadd.s32 $0x80, s17;
	v26 =	vadd.f32 v3, v5;
	v5 =	vld [tilespmem:s0+$0x89F0];
	v16 =	vadd.f32 v24, v0  }
0x186: {  	v3 =	vld [tilespmem:s1+$0x89C0];
	v27 =	vadd.f32 v1, v6;
	v6 =	vadd.f32 v23, v0  }
0x187: {  	v1 =	vld [tilespmem:s1+$0x89D0];
	v28 =	vadd.f32 v19, v8;
	v29 =	vadd.f32 v20, v4  }
0x188: {  	v4 =	vld [tilespmem:s1+$0x8980];
	v8 =	vadd.f32 v9, v0;
	v9 =	vadd.f32 v7, v0  }
0x189: {  	s0 =	simm.s32 $0x400;
	v0 =	vld [tilespmem:s1+$0x8990];
	v6 =	vadd.f32 v21, v6;
	v7 =	vadd.f32 v22, v16  }
.LBB2_25:
0x18a: {  	p1 =	sne.s32 s0, $0x3000;
	v16 =	vld [tilespmem:s1+$0x89A0];
	v8 =	vadd.f32 v2, v8;
	v9 =	vadd.f32 v5, v9  }
0x18b: {  	v17 =	vld [tilespmem:s1+$0x89B0];
	v18 =	vmov v3  }
0x18c: {  	s6 =	sshra.s32 s0, $0x2;
	v2 =	vld [tilespmem:s1+$0x89E0];
	v19 =	vmov v1  }
.Ltmp11:
0x18d: {  	v5 =	vld [tilespmem:s1+$0x89F0];
	s1 =	sadd.s32 s6, s17;
	(pc) =	sbr.rel @p1 .LBB2_25-.Ltmp11, $4  }
0x18e: {  	v3 =	vld [tilespmem:s1+$0x89C0]  }
0x18f: {  	v6 =	vadd.f32 v4, v6;
	v7 =	vadd.f32 v0, v7;
	v1 =	vld [tilespmem:s1+$0x89D0]  }
0x190: {  	v8 =	vadd.f32 v16, v8;
	v4 =	vld [tilespmem:s1+$0x8980];
	v9 =	vadd.f32 v17, v9  }
0x191: {  	s0 =	sadd.s32 $0x200, s0;
	v6 =	vadd.f32 v18, v6;
	v7 =	vadd.f32 v19, v7;
	v0 =	vld [tilespmem:s1+$0x8990]  }
0x192: {  	v16 =	vld [tilespmem:s1+$0x89A0]  }
0x193: {  	v17 =	vld [tilespmem:s1+$0x89B0]  }
0x194: {  	v18 =	vld [tilespmem:s1+$0x89E0]  }
0x195: {  	v19 =	vld [tilespmem:s1+$0x89F0];
	s0 =	sadd.s32 $0x0, s17  }
0x196: {  	v20 =	vld [tilespmem:s0+$0x9640]  }
0x197: {  	v21 =	vld [tilespmem:s0+$0x9650]  }
0x198: {  	v2 =	vadd.f32 v2, v8;
	v22 =	vld [tilespmem:s0+$0x9600];
	v0 =	vadd.f32 v0, v7  }
0x199: {  	v5 =	vadd.f32 v5, v9;
	v23 =	vld [tilespmem:s0+$0x9610];
	v4 =	vadd.f32 v4, v6  }
0x19a: {  	v8 =	vld [tilespmem:s0+$0x9620];
	v7 =	vadd.f32 v16, v2;
	v0 =	vadd.f32 v1, v0  }
0x19b: {  	v6 =	vld [tilespmem:s0+$0x9630];
	v3 =	vadd.f32 v3, v4  }
0x19c: {  	v5 =	vadd.f32 v17, v5;
	v2 =	vld [tilespmem:s0+$0x9660];
	[tilespmem:$0x1FFE0] =	vst v0;
	v0 =	vadd.f32 v18, v7  }
0x19d: {  	s1 =	sadd.s32 $0x80, s17;
	v4 =	vld [tilespmem:s0+$0x9670];
	[tilespmem:$0x1FFD0] =	vst v3  }
0x19e: {  	v25 =	vadd.f32 v19, v5;
	v3 =	vld [tilespmem:s1+$0x9640];
	[tilespmem:$0x1FFF0] =	vst v0;
	v0 =	vimm.f32 $0.0e+00  }
0x19f: {  	v1 =	vld [tilespmem:s1+$0x9650];
	v7 =	vadd.f32 v22, v0;
	v18 =	vadd.f32 v23, v0  }
0x1a0: {  	v5 =	vld [tilespmem:s1+$0x9600];
	v9 =	vadd.f32 v8, v0;
	v16 =	vadd.f32 v6, v0  }
0x1a1: {  	s6 =	simm.s32 $0x400;
	v6 =	vld [tilespmem:s1+$0x9610];
	v7 =	vadd.f32 v20, v7;
	v8 =	vadd.f32 v21, v18  }
.LBB2_27:
0x1a2: {  	p1 =	sne.s32 s6, $0x3000;
	v18 =	vld [tilespmem:s1+$0x9620];
	v9 =	vadd.f32 v2, v9;
	v16 =	vadd.f32 v4, v16  }
0x1a3: {  	v19 =	vld [tilespmem:s1+$0x9630];
	v20 =	vmov v3  }
0x1a4: {  	s7 =	sshra.s32 s6, $0x2;
	v2 =	vld [tilespmem:s1+$0x9660];
	v21 =	vmov v1  }
.Ltmp12:
0x1a5: {  	v4 =	vld [tilespmem:s1+$0x9670];
	s1 =	sadd.s32 s7, s17;
	(pc) =	sbr.rel @p1 .LBB2_27-.Ltmp12, $4  }
0x1a6: {  	v3 =	vld [tilespmem:s1+$0x9640]  }
0x1a7: {  	v7 =	vadd.f32 v5, v7;
	v8 =	vadd.f32 v6, v8;
	v1 =	vld [tilespmem:s1+$0x9650]  }
0x1a8: {  	v9 =	vadd.f32 v18, v9;
	v5 =	vld [tilespmem:s1+$0x9600];
	v16 =	vadd.f32 v19, v16  }
0x1a9: {  	s6 =	sadd.s32 $0x200, s6;
	v7 =	vadd.f32 v20, v7;
	v8 =	vadd.f32 v21, v8;
	v6 =	vld [tilespmem:s1+$0x9610]  }
0x1aa: {  	v18 =	vld [tilespmem:s1+$0x9620]  }
0x1ab: {  	v19 =	vld [tilespmem:s1+$0x9630]  }
0x1ac: {  	v20 =	vld [tilespmem:s1+$0x9660]  }
0x1ad: {  	v21 =	vld [tilespmem:s1+$0x9670]  }
0x1ae: {  	v22 =	vld [tilespmem:s0+$0xA2C0]  }
0x1af: {  	v23 =	vld [tilespmem:s0+$0xA2D0];
	v2 =	vadd.f32 v2, v9;
	v6 =	vadd.f32 v6, v8  }
0x1b0: {  	v17 =	vld [tilespmem:s0+$0xA280];
	v4 =	vadd.f32 v4, v16  }
0x1b1: {  	v24 =	vld [tilespmem:s0+$0xA290];
	v8 =	vadd.f32 v18, v2;
	v1 =	vadd.f32 v1, v6  }
0x1b2: {  	v9 =	vld [tilespmem:s0+$0xA2A0];
	v5 =	vadd.f32 v5, v7  }
0x1b3: {  	v7 =	vld [tilespmem:s0+$0xA2B0];
	v4 =	vadd.f32 v19, v4;
	[tilespmem:$0x1FFA0] =	vst v1;
	v1 =	vadd.f32 v20, v8  }
0x1b4: {  	v2 =	vld [tilespmem:s0+$0xA2E0];
	v3 =	vadd.f32 v3, v5  }
0x1b5: {  	s1 =	sadd.s32 $0x80, s17;
	v5 =	vld [tilespmem:s0+$0xA2F0];
	[tilespmem:$0x1FFB0] =	vst v1;
	v1 =	vadd.f32 v21, v4  }
0x1b6: {  	[tilespmem:$0x1FF90] =	vst v3;
	v3 =	vld [tilespmem:s1+$0xA2C0]  }
0x1b7: {  	v16 =	vadd.f32 v24, v0;
	v6 =	vadd.f32 v17, v0;
	[tilespmem:$0x1FFC0] =	vst v1;
	v1 =	vld [tilespmem:s1+$0xA2D0]  }
0x1b8: {  	v8 =	vadd.f32 v9, v0;
	v9 =	vadd.f32 v7, v0;
	v0 =	vld [tilespmem:s1+$0xA290]  }
0x1b9: {  	s0 =	simm.s32 $0x400;
	v6 =	vadd.f32 v22, v6;
	v7 =	vadd.f32 v23, v16;
	v4 =	vld [tilespmem:s1+$0xA280]  }
.LBB2_29:
0x1ba: {  	p1 =	sne.s32 s0, $0x3000;
	v16 =	vld [tilespmem:s1+$0xA2A0];
	v8 =	vadd.f32 v2, v8;
	v9 =	vadd.f32 v5, v9  }
0x1bb: {  	v17 =	vld [tilespmem:s1+$0xA2B0];
	v22 =	vmov v3  }
0x1bc: {  	s6 =	sshra.s32 s0, $0x2;
	v2 =	vld [tilespmem:s1+$0xA2E0];
	v23 =	vmov v1  }
.Ltmp13:
0x1bd: {  	v5 =	vld [tilespmem:s1+$0xA2F0];
	s1 =	sadd.s32 s6, s17;
	(pc) =	sbr.rel @p1 .LBB2_29-.Ltmp13, $4  }
0x1be: {  	v3 =	vld [tilespmem:s1+$0xA2C0]  }
0x1bf: {  	v6 =	vadd.f32 v4, v6;
	v7 =	vadd.f32 v0, v7;
	v1 =	vld [tilespmem:s1+$0xA2D0]  }
0x1c0: {  	v8 =	vadd.f32 v16, v8;
	v4 =	vld [tilespmem:s1+$0xA280];
	v9 =	vadd.f32 v17, v9  }
0x1c1: {  	s0 =	sadd.s32 $0x200, s0;
	v6 =	vadd.f32 v22, v6;
	v7 =	vadd.f32 v23, v7;
	v0 =	vld [tilespmem:s1+$0xA290]  }
0x1c2: {  	v16 =	vld [tilespmem:s1+$0xA2A0]  }
0x1c3: {  	v17 =	vld [tilespmem:s1+$0xA2B0]  }
0x1c4: {  	v22 =	vld [tilespmem:s1+$0xA2E0]  }
0x1c5: {  	v23 =	vld [tilespmem:s1+$0xA2F0];
	s0 =	sadd.s32 $0x0, s17  }
0x1c6: {  	v24 =	vld [tilespmem:s0+$0xAF40]  }
0x1c7: {  	v2 =	vadd.f32 v2, v8;
	v18 =	vld [tilespmem:s0+$0xAF50];
	v0 =	vadd.f32 v0, v7  }
0x1c8: {  	v5 =	vadd.f32 v5, v9;
	v19 =	vld [tilespmem:s0+$0xAF00];
	v4 =	vadd.f32 v4, v6  }
0x1c9: {  	v20 =	vld [tilespmem:s0+$0xAF10];
	v7 =	vadd.f32 v16, v2;
	v0 =	vadd.f32 v1, v0  }
0x1ca: {  	v8 =	vld [tilespmem:s0+$0xAF20];
	v3 =	vadd.f32 v3, v4  }
0x1cb: {  	v6 =	vld [tilespmem:s0+$0xAF30];
	v5 =	vadd.f32 v17, v5;
	[tilespmem:$0x1FF60] =	vst v0;
	v0 =	vadd.f32 v22, v7  }
0x1cc: {  	v2 =	vld [tilespmem:s0+$0xAF60];
	[tilespmem:$0x1FF50] =	vst v3  }
0x1cd: {  	s1 =	sadd.s32 $0x80, s17;
	v3 =	vld [tilespmem:s0+$0xAF70];
	[tilespmem:$0x1FF70] =	vst v0;
	v0 =	vadd.f32 v23, v5  }
0x1ce: {  	v1 =	vld [tilespmem:s1+$0xAF40];
	v5 =	vimm.f32 $0.0e+00  }
0x1cf: {  	v7 =	vadd.f32 v19, v5;
	v17 =	vadd.f32 v20, v5;
	[tilespmem:$0x1FF80] =	vst v0;
	v0 =	vld [tilespmem:s1+$0xAF50]  }
0x1d0: {  	v4 =	vld [tilespmem:s1+$0xAF00];
	v9 =	vadd.f32 v8, v5;
	v16 =	vadd.f32 v6, v5  }
0x1d1: {  	s6 =	simm.s32 $0x400;
	v6 =	vld [tilespmem:s1+$0xAF10];
	v7 =	vadd.f32 v24, v7;
	v8 =	vadd.f32 v18, v17  }
.LBB2_31:
0x1d2: {  	p1 =	sne.s32 s6, $0x3000;
	v17 =	vld [tilespmem:s1+$0xAF20];
	v9 =	vadd.f32 v2, v9;
	v16 =	vadd.f32 v3, v16  }
0x1d3: {  	v18 =	vld [tilespmem:s1+$0xAF30];
	v19 =	vmov v1  }
0x1d4: {  	s7 =	sshra.s32 s6, $0x2;
	v2 =	vld [tilespmem:s1+$0xAF60];
	v20 =	vmov v0  }
.Ltmp14:
0x1d5: {  	v3 =	vld [tilespmem:s1+$0xAF70];
	s1 =	sadd.s32 s7, s17;
	(pc) =	sbr.rel @p1 .LBB2_31-.Ltmp14, $4  }
0x1d6: {  	v1 =	vld [tilespmem:s1+$0xAF40]  }
0x1d7: {  	v7 =	vadd.f32 v4, v7;
	v8 =	vadd.f32 v6, v8;
	v0 =	vld [tilespmem:s1+$0xAF50]  }
0x1d8: {  	v9 =	vadd.f32 v17, v9;
	v4 =	vld [tilespmem:s1+$0xAF00];
	v16 =	vadd.f32 v18, v16  }
0x1d9: {  	s6 =	sadd.s32 $0x200, s6;
	v7 =	vadd.f32 v19, v7;
	v8 =	vadd.f32 v20, v8;
	v6 =	vld [tilespmem:s1+$0xAF10]  }
0x1da: {  	v17 =	vld [tilespmem:s1+$0xAF20]  }
0x1db: {  	v18 =	vld [tilespmem:s1+$0xAF30]  }
0x1dc: {  	v19 =	vld [tilespmem:s1+$0xAF60]  }
0x1dd: {  	v20 =	vld [tilespmem:s1+$0xAF70]  }
0x1de: {  	v23 =	vld [tilespmem:s0+$0xBBC0]  }
0x1df: {  	v24 =	vld [tilespmem:s0+$0xBBD0]  }
0x1e0: {  	v22 =	vld [tilespmem:s0+$0xBB80]  }
0x1e1: {  	v21 =	vld [tilespmem:s0+$0xBB90];
	v2 =	vadd.f32 v2, v9;
	v6 =	vadd.f32 v6, v8  }
0x1e2: {  	v3 =	vadd.f32 v3, v16;
	v9 =	vld [tilespmem:s0+$0xBBA0];
	v4 =	vadd.f32 v4, v7  }
0x1e3: {  	v7 =	vld [tilespmem:s0+$0xBBB0];
	v8 =	vadd.f32 v17, v2;
	v0 =	vadd.f32 v0, v6  }
0x1e4: {  	v2 =	vld [tilespmem:s0+$0xBBE0];
	v1 =	vadd.f32 v1, v4  }
0x1e5: {  	s14 =	sadd.s32 $0x80, s17;
	v3 =	vadd.f32 v18, v3;
	v4 =	vld [tilespmem:s0+$0xBBF0];
	[tilespmem:$0x1FF30] =	vst v0;
	v0 =	vadd.f32 v19, v8  }
0x1e6: {  	v16 =	vadd.f32 v21, v5;
	[tilespmem:$0x1FF20] =	vst v1;
	v1 =	vld [tilespmem:s14+$0xBBC0]  }
0x1e7: {  	v6 =	vadd.f32 v22, v5;
	v20 =	vadd.f32 v20, v3;
	[tilespmem:$0x1FF40] =	vst v0;
	v0 =	vld [tilespmem:s14+$0xBBD0]  }
0x1e8: {  	v3 =	vld [tilespmem:s14+$0xBB80];
	v8 =	vadd.f32 v9, v5;
	v9 =	vadd.f32 v7, v5  }
0x1e9: {  	s0 =	simm.s32 $0x400;
	v5 =	vld [tilespmem:s14+$0xBB90];
	v6 =	vadd.f32 v23, v6;
	v7 =	vadd.f32 v24, v16  }
.LBB2_33:
0x1ea: {  	p1 =	sne.s32 s0, $0x3000;
	v16 =	vld [tilespmem:s14+$0xBBA0];
	v8 =	vadd.f32 v2, v8;
	v9 =	vadd.f32 v4, v9  }
0x1eb: {  	v17 =	vld [tilespmem:s14+$0xBBB0];
	v18 =	vmov v1  }
0x1ec: {  	s1 =	sshra.s32 s0, $0x2;
	v2 =	vld [tilespmem:s14+$0xBBE0];
	v19 =	vmov v0  }
.Ltmp15:
0x1ed: {  	v4 =	vld [tilespmem:s14+$0xBBF0];
	s14 =	sadd.s32 s1, s17;
	(pc) =	sbr.rel @p1 .LBB2_33-.Ltmp15, $4  }
0x1ee: {  	v1 =	vld [tilespmem:s14+$0xBBC0]  }
0x1ef: {  	v6 =	vadd.f32 v3, v6;
	v7 =	vadd.f32 v5, v7;
	v0 =	vld [tilespmem:s14+$0xBBD0]  }
0x1f0: {  	v8 =	vadd.f32 v16, v8;
	v3 =	vld [tilespmem:s14+$0xBB80];
	v9 =	vadd.f32 v17, v9  }
0x1f1: {  	s0 =	sadd.s32 $0x200, s0;
	v6 =	vadd.f32 v18, v6;
	v7 =	vadd.f32 v19, v7;
	v5 =	vld [tilespmem:s14+$0xBB90]  }
0x1f2: {  	v12 =	vadd.f32 v13, v12;
	v24 =	vadd.f32 v15, v14;
	_ =	sdelay $0x1  }
0x1f3: {  	v12 =	vadd.f32 v24, v12;
	_ =	sdelay $0x1  }
0x1f4: {  	(v2sf) =	vpush v12, $0x0  }
0x1f5: {  	(v2sf) =	vpush v12, $0x1  }
0x1f6: {  	(v2sf) =	vpush v12, $0x2;
	_ =	sdelay $0x1  }
0x1f7: {  	(v2sf) =	vpush v12, $0x3;
	_ =	sdelay $0x1  }
0x1f8: {  	s1 =	rddreg [dreg:$0xb]  }
0x1f9: {  	s6 =	sld [smem:$0x7F3]  }
0x1fa: {  	s7 =	rddreg [dreg:$0xc]  }
0x1fb: {  	s5 =	rddreg [dreg:$0xd];
	(v2sf) =	vpush v12, $0x4  }
0x1fc: {  	s2 =	rddreg [dreg:$0xe]  }
0x1fd: {  	s26 =	rddreg [dreg:$0xf];
	(v2sf) =	vpush v12, $0x5  }
0x1fe: {  	s28 =	rddreg [dreg:$0x10]  }
0x1ff: {  	s30 =	sld [smem:$0x7F4]  }
0x200: {  	s15 =	rddreg [dreg:$0x16]  }
0x201: {  	s29 =	rddreg [dreg:$0x17];
	(v2sf) =	vpush v12, $0x6;
	s25 =	spop (v2sf)  }
0x202: {  	s24 =	spop (v2sf);
	s0 =	smul.f32 s25, s1  }
0x203: {  	s3 =	rddreg [dreg:$0x12];
	(v2sf) =	vpush v12, $0x7;
	s23 =	spop (v2sf)  }
0x204: {  	s11 =	smov.u32 s1;
	(v2sf) =	vpush v12, $0x8;
	s1 =	smul.f32 s24, s7;
	s0 =	sadd.f32 s0, s6  }
0x205: {  	s31 =	rddreg [dreg:$0x18];
	s22 =	spop (v2sf)  }
0x206: {  	s8 =	smul.f32 s23, s5;
	s0 =	sadd.f32 s0, s1  }
0x207: {  	s9 =	smul.f32 s22, s2;
	s2 =	rddreg [dreg:$0x11]  }
0x208: {  	s0 =	sadd.f32 s0, s8  }
0x209: {  	s4 =	smul.f32 s22, s31;
	s31 =	rddreg [dreg:$0x14]  }
0x20a: {  	(v2sf) =	vpush v12, $0x9;
	s21 =	spop (v2sf);
	s1 =	sadd.f32 s0, s9  }
0x20b: {  	s6 =	smul.f32 s21, s26;
	s9 =	rddreg [dreg:$0x15]  }
0x20c: {  	s20 =	spop (v2sf);
	s7 =	smul.f32 s25, s9  }
0x20d: {  	s10 =	smul.f32 s20, s28;
	s1 =	sadd.f32 s1, s6  }
0x20e: {  	s13 =	smul.f32 s23, s29;
	s7 =	sadd.f32 s7, s30  }
0x20f: {  	s8 =	smul.f32 s24, s15;
	s1 =	sadd.f32 s1, s10  }
0x210: {  	s19 =	spop (v2sf);
	s10 =	rddreg [dreg:$0x13]  }
0x211: {  	s12 =	smul.f32 s19, s2;
	s7 =	sadd.f32 s7, s8  }
0x212: {  	s18 =	spop (v2sf);
	s8 =	sld [smem:$0x7DA]  }
0x213: {  	s17 =	spop (v2sf);
	s1 =	sadd.f32 s1, s12  }
0x214: {  	s12 =	smul.f32 s17, s10;
	s10 =	rddreg [dreg:$0x1a]  }
0x215: {  	s16 =	smul.f32 s18, s3;
	s7 =	sadd.f32 s7, s13  }
0x216: {  	s13 =	rddreg [dreg:$0x19]  }
0x217: {  	s1 =	sadd.f32 s1, s16  }
0x218: {  	s16 =	smul.f32 s21, s13;
	s13 =	rddreg [dreg:$0x1f]  }
0x219: {  	s0 =	spop (v2sf);
	s7 =	sadd.f32 s7, s4  }
0x21a: {  	s4 =	smul.f32 s0, s31;
	s31 =	rddreg [dreg:$0x1b]  }
0x21b: {  	s1 =	sadd.f32 s1, s12  }
0x21c: {  	s12 =	smul.f32 s20, s10;
	s10 =	sld [smem:$0x7F5]  }
0x21d: {  	s7 =	sadd.f32 s7, s16  }
0x21e: {  	s16 =	smul.f32 s25, s13;
	s1 =	sadd.f32 s1, s4  }
0x21f: {  	s4 =	smul.f32 s19, s31;
	s31 =	rddreg [dreg:$0x1c]  }
0x220: {  	s7 =	sadd.f32 s7, s12  }
0x221: {  	s6 =	sadd.f32 s16, s10  }
0x222: {  	s12 =	sld [smem:$0x7D6]  }
0x223: {  	s16 =	sld [smem:$0x7D7]  }
0x224: {  	s13 =	smul.f32 s18, s31;
	s7 =	sadd.f32 s7, s4  }
0x225: {  	s10 =	smul.f32 s24, s12;
	s12 =	rddreg [dreg:$0x1d]  }
0x226: {  	s4 =	smul.f32 s23, s16;
	s16 =	sld [smem:$0x7D8]  }
0x227: {  	s7 =	sadd.f32 s7, s13  }
0x228: {  	s13 =	smul.f32 s17, s12;
	s12 =	rddreg [dreg:$0x1e]  }
0x229: {  	s6 =	sadd.f32 s6, s10  }
0x22a: {  	s10 =	smul.f32 s20, s8;
	s8 =	sld [smem:$0x7DE]  }
0x22b: {  	s7 =	sadd.f32 s7, s13  }
0x22c: {  	s13 =	smul.f32 s0, s12;
	s12 =	sld [smem:$0x7F8]  }
0x22d: {  	s6 =	sadd.f32 s6, s4  }
0x22e: {  	s4 =	smul.f32 s22, s16;
	s16 =	sld [smem:$0x7D9]  }
0x22f: {  	s7 =	sadd.f32 s7, s13  }
0x230: {  	s1 =	smax.f32 s1, $0.0e+00;
	s13 =	sld [smem:$0x7DB]  }
0x231: {  	s6 =	sadd.f32 s6, s4;
	s4 =	smul.f32 s21, s16  }
0x232: {  	s1 =	smul.f32 s1, s12;
	s12 =	sld [smem:$0x7DC]  }
0x233: {  	s6 =	sadd.f32 s6, s4  }
0x234: {  	s4 =	sld [smem:$0x7FD]  }
0x235: {  	s6 =	sadd.f32 s6, s10  }
0x236: {  	s16 =	smul.f32 s19, s13;
	s10 =	sld [smem:$0x7F9]  }
0x237: {  	s1 =	sadd.f32 s1, s4  }
0x238: {  	s7 =	smax.f32 s7, $0.0e+00;
	s6 =	sadd.f32 s6, s16  }
0x239: {  	s13 =	smul.f32 s18, s12;
	s16 =	sld [smem:$0x7DF]  }
0x23a: {  	s7 =	smul.f32 s7, s10;
	s10 =	sld [smem:$0x7DD]  }
0x23b: {  	s6 =	sadd.f32 s6, s13  }
0x23c: {  	s4 =	smul.f32 s25, s16;
	s16 =	sld [smem:$0x7F6]  }
0x23d: {  	s13 =	sld [smem:$0x7E0]  }
0x23e: {  	s1 =	sadd.f32 s1, s7;
	s12 =	smul.f32 s17, s10  }
0x23f: {  	s7 =	sadd.f32 s4, s16  }
0x240: {  	s6 =	sadd.f32 s6, s12  }
0x241: {  	s4 =	smul.f32 s24, s13;
	s13 =	sld [smem:$0x7E1]  }
0x242: {  	s12 =	smul.f32 s0, s8;
	s8 =	sld [smem:$0x7E2]  }
0x243: {  	s7 =	sadd.f32 s7, s4  }
0x244: {  	s6 =	sadd.f32 s6, s12  }
0x245: {  	s12 =	sld [smem:$0x7E9];
	s4 =	smul.f32 s23, s13  }
0x246: {  	s10 =	smul.f32 s22, s8;
	s8 =	sld [smem:$0x7E7]  }
0x247: {  	s7 =	sadd.f32 s7, s4  }
0x248: {  	s13 =	smul.f32 s25, s12;
	s12 =	sld [smem:$0x7F7]  }
0x249: {  	s25 =	sld [smem:$0x7E3]  }
0x24a: {  	s7 =	sadd.f32 s7, s10  }
0x24b: {  	s10 =	sadd.f32 s13, s12  }
0x24c: {  	s4 =	smul.f32 s21, s25;
	s13 =	sld [smem:$0x7EA]  }
0x24d: {  	s25 =	sld [smem:$0x7E4]  }
0x24e: {  	s7 =	sadd.f32 s7, s4  }
0x24f: {  	s12 =	smul.f32 s24, s13;
	s13 =	sld [smem:$0x7EB]  }
0x250: {  	s4 =	smul.f32 s20, s25;
	s25 =	sld [smem:$0x7E5]  }
0x251: {  	s10 =	sadd.f32 s10, s12  }
0x252: {  	s7 =	sadd.f32 s7, s4  }
0x253: {  	s12 =	sld [smem:$0x7F2]  }
0x254: {  	s24 =	smul.f32 s23, s13;
	s13 =	sld [smem:$0x7EC]  }
0x255: {  	s23 =	sld [smem:$0x7E6]  }
0x256: {  	s4 =	smul.f32 s19, s25;
	s25 =	sld [smem:$0x7ED]  }
0x257: {  	v63 =	vadd.f32 v63, v62;
	v10 =	vadd.f32 v11, v10;
	s10 =	sadd.f32 s10, s24;
	s22 =	smul.f32 s22, s13  }
0x258: {  	s7 =	sadd.f32 s7, s4;
	s24 =	smul.f32 s18, s23  }
0x259: {  	v10 =	vadd.f32 v10, v63;
	s4 =	smul.f32 s21, s25;
	s21 =	sld [smem:$0x7EE]  }
0x25a: {  	s10 =	sadd.f32 s10, s22  }
0x25b: {  	(v2sf) =	vpush v10, $0x0;
	s7 =	sadd.f32 s7, s24  }
0x25c: {  	s13 =	smul.f32 s17, s8;
	s24 =	sld [smem:$0x7EF]  }
0x25d: {  	s10 =	sadd.f32 s10, s4  }
0x25e: {  	(v2sf) =	vpush v10, $0x1;
	s7 =	sadd.f32 s7, s13  }
0x25f: {  	(v2sf) =	vpush v10, $0x2;
	s13 =	sld [smem:$0x7E8]  }
0x260: {  	(v2sf) =	vpush v10, $0x3;
	s22 =	smul.f32 s20, s21;
	s4 =	sld [smem:$0x7FA]  }
0x261: {  	s25 =	smul.f32 s19, s24;
	s19 =	sld [smem:$0x7F0]  }
0x262: {  	s10 =	sadd.f32 s10, s22  }
0x263: {  	(v2sf) =	vpush v10, $0x4;
	s6 =	smax.f32 s6, $0.0e+00;
	s22 =	sld [smem:$0x7FB]  }
0x264: {  	s23 =	smul.f32 s0, s13;
	s13 =	sadd.f32 s10, s25  }
0x265: {  	(v2sf) =	vpush v10, $0x5;
	s6 =	smul.f32 s6, s4;
	s25 =	sld [smem:$0x7F1]  }
0x266: {  	s20 =	smul.f32 s18, s19;
	s7 =	sadd.f32 s7, s23  }
0x267: {  	s1 =	sadd.f32 s1, s6  }
0x268: {  	s0 =	smul.f32 s0, s12;
	s23 =	sadd.f32 s13, s20  }
0x269: {  	(v2sf) =	vpush v10, $0x6;
	s21 =	smax.f32 s7, $0.0e+00;
	s4 =	smul.f32 s17, s25  }
0x26a: {  	s25 =	spop (v2sf);
	s17 =	sld [smem:$0x7F3]  }
0x26b: {  	s7 =	rddreg [dreg:$0xe];
	s6 =	smul.f32 s21, s22  }
0x26c: {  	s13 =	smul.f32 s25, s11;
	s11 =	rddreg [dreg:$0xc]  }
0x26d: {  	s24 =	spop (v2sf);
	s10 =	sadd.f32 s23, s4  }
0x26e: {  	s23 =	spop (v2sf);
	s3 =	smul.f32 s24, s11  }
0x26f: {  	s1 =	sadd.f32 s1, s6;
	s22 =	spop (v2sf)  }
0x270: {  	s18 =	sadd.f32 s13, s17;
	s4 =	smul.f32 s23, s5  }
0x271: {  	s5 =	sld [smem:$0x7FC];
	s13 =	smul.f32 s25, s9  }
0x272: {  	s9 =	rddreg [dreg:$0x13];
	s21 =	spop (v2sf)  }
0x273: {  	s0 =	sadd.f32 s10, s0;
	s8 =	smul.f32 s22, s7  }
0x274: {  	s20 =	spop (v2sf);
	s6 =	sadd.f32 s18, s3  }
0x275: {  	s12 =	smul.f32 s21, s26;
	s7 =	sadd.f32 s13, s30  }
0x276: {  	s0 =	smax.f32 s0, $0.0e+00;
	s26 =	smul.f32 s20, s28  }
0x277: {  	(v2sf) =	vpush v10, $0x7;
	s28 =	smul.f32 s24, s15;
	s15 =	rddreg [dreg:$0x14]  }
0x278: {  	s19 =	spop (v2sf);
	s6 =	sadd.f32 s6, s4  }
0x279: {  	s30 =	smul.f32 s19, s2;
	s4 =	rddreg [dreg:$0x12]  }
0x27a: {  	(v2sf) =	vpush v10, $0x8;
	s2 =	smul.f32 s23, s29;
	s29 =	rddreg [dreg:$0x1f]  }
0x27b: {  	(v2sf) =	vpush v10, $0x9;
	s0 =	smul.f32 s0, s5;
	s7 =	sadd.f32 s7, s28  }
0x27c: {  	s28 =	rddreg [dreg:$0x19]  }
0x27d: {  	s0 =	sadd.f32 s1, s0  }
0x27e: {  	s10 =	sadd.f32 s6, s8  }
0x27f: {  	s7 =	sadd.f32 s7, s2  }
0x280: {  	s2 =	rddreg [dreg:$0x18]  }
0x281: {  	s1 =	sadd.f32 s10, s12  }
0x282: {  	[smem:$0x7C2] =	sst s0;
	s5 =	smul.f32 s22, s2  }
0x283: {  	s1 =	sadd.f32 s1, s26  }
0x284: {  	s7 =	sadd.f32 s7, s5  }
0x285: {  	s12 =	smul.f32 s21, s28;
	s5 =	rddreg [dreg:$0x1a]  }
0x286: {  	s18 =	spop (v2sf);
	s1 =	sadd.f32 s1, s30  }
0x287: {  	s3 =	smul.f32 s18, s4;
	s7 =	sadd.f32 s7, s12  }
0x288: {  	s30 =	smul.f32 s25, s29;
	s29 =	sld [smem:$0x7F5]  }
0x289: {  	s17 =	spop (v2sf);
	s1 =	sadd.f32 s1, s3  }
0x28a: {  	s0 =	spop (v2sf);
	s3 =	rddreg [dreg:$0x1b]  }
0x28b: {  	s10 =	smul.f32 s17, s9;
	s6 =	sadd.f32 s30, s29  }
0x28c: {  	s26 =	smul.f32 s20, s5;
	s30 =	sld [smem:$0x7D6]  }
0x28d: {  	s13 =	smul.f32 s0, s15;
	s1 =	sadd.f32 s1, s10  }
0x28e: {  	s7 =	sadd.f32 s7, s26;
	s10 =	smul.f32 s19, s3  }
0x28f: {  	s1 =	sadd.f32 s1, s13  }
0x290: {  	s12 =	smul.f32 s24, s30;
	s7 =	sadd.f32 s7, s10  }
0x291: {  	s13 =	smul.f32 s18, s31;
	s31 =	sld [smem:$0x7D7]  }
0x292: {  	s6 =	sadd.f32 s6, s12  }
0x293: {  	s7 =	sadd.f32 s7, s13  }
0x294: {  	s12 =	rddreg [dreg:$0x1d]  }
0x295: {  	s13 =	sld [smem:$0x7D8];
	s26 =	smul.f32 s23, s31  }
0x296: {  	s8 =	smul.f32 s17, s12;
	s12 =	sld [smem:$0x7D9]  }
0x297: {  	s6 =	sadd.f32 s6, s26  }
0x298: {  	s7 =	sadd.f32 s7, s8  }
0x299: {  	s26 =	rddreg [dreg:$0x1e]  }
0x29a: {  	s10 =	smul.f32 s22, s13;
	s13 =	sld [smem:$0x7DA]  }
0x29b: {  	s8 =	smul.f32 s0, s26;
	s26 =	sld [smem:$0x7F8]  }
0x29c: {  	s6 =	sadd.f32 s6, s10  }
0x29d: {  	s10 =	smul.f32 s21, s12;
	s12 =	sld [smem:$0x7DB]  }
0x29e: {  	s7 =	sadd.f32 s7, s8  }
0x29f: {  	s8 =	smul.f32 s20, s13;
	s13 =	sld [smem:$0x7FD]  }
0x2a0: {  	s1 =	smax.f32 s1, $0.0e+00;
	s6 =	sadd.f32 s6, s10  }
0x2a1: {  	s1 =	smul.f32 s1, s26;
	s26 =	sld [smem:$0x7F9]  }
0x2a2: {  	s10 =	sld [smem:$0x7DD]  }
0x2a3: {  	s7 =	smax.f32 s7, $0.0e+00;
	s6 =	sadd.f32 s6, s8  }
0x2a4: {  	s7 =	smul.f32 s7, s26;
	s26 =	sld [smem:$0x7DC]  }
0x2a5: {  	s8 =	smul.f32 s19, s12;
	s1 =	sadd.f32 s1, s13  }
0x2a6: {  	s13 =	sld [smem:$0x7DF]  }
0x2a7: {  	s6 =	sadd.f32 s6, s8;
	s12 =	smul.f32 s18, s26  }
0x2a8: {  	s1 =	sadd.f32 s1, s7  }
0x2a9: {  	s7 =	smul.f32 s25, s13;
	s6 =	sadd.f32 s6, s12  }
0x2aa: {  	s12 =	sld [smem:$0x7E0]  }
0x2ab: {  	s7 =	sadd.f32 s7, s16  }
0x2ac: {  	s8 =	smul.f32 s17, s10;
	s16 =	sld [smem:$0x7E1]  }
0x2ad: {  	s13 =	sld [smem:$0x7DE];
	s10 =	smul.f32 s24, s12  }
0x2ae: {  	s6 =	sadd.f32 s6, s8  }
0x2af: {  	s7 =	sadd.f32 s7, s10;
	s10 =	smul.f32 s23, s16  }
0x2b0: {  	s16 =	sld [smem:$0x7E9]  }
0x2b1: {  	s7 =	sadd.f32 s7, s10  }
0x2b2: {  	s8 =	smul.f32 s0, s13;
	s10 =	sld [smem:$0x7E2]  }
0x2b3: {  	s12 =	smul.f32 s25, s16;
	s25 =	sld [smem:$0x7F7]  }
0x2b4: {  	s13 =	sld [smem:$0x7E3]  }
0x2b5: {  	s6 =	sadd.f32 s6, s8;
	s8 =	smul.f32 s22, s10  }
0x2b6: {  	s10 =	sadd.f32 s12, s25  }
0x2b7: {  	s7 =	sadd.f32 s7, s8  }
0x2b8: {  	s8 =	smul.f32 s21, s13;
	s13 =	sld [smem:$0x7EA]  }
0x2b9: {  	s25 =	sld [smem:$0x7E4]  }
0x2ba: {  	s7 =	sadd.f32 s7, s8  }
0x2bb: {  	s12 =	smul.f32 s24, s13;
	s13 =	sld [smem:$0x7EB]  }
0x2bc: {  	s8 =	smul.f32 s20, s25;
	s25 =	sld [smem:$0x7E6]  }
0x2bd: {  	s10 =	sadd.f32 s10, s12  }
0x2be: {  	s12 =	smul.f32 s23, s13;
	s23 =	sld [smem:$0x7E5]  }
0x2bf: {  	s13 =	sld [smem:$0x7EC]  }
0x2c0: {  	s7 =	sadd.f32 s7, s8  }
0x2c1: {  	s10 =	sadd.f32 s10, s12;
	s8 =	smul.f32 s19, s23  }
0x2c2: {  	s24 =	smul.f32 s22, s13;
	s22 =	sld [smem:$0x7ED]  }
0x2c3: {  	s23 =	sld [smem:$0x7E7]  }
0x2c4: {  	s7 =	sadd.f32 s7, s8  }
0x2c5: {  	v13 =	vadd.f32 v61, v60;
	v12 =	vadd.f32 v59, v58;
	s10 =	sadd.f32 s10, s24  }
0x2c6: {  	s24 =	sld [smem:$0x7EE]  }
0x2c7: {  	v10 =	vadd.f32 v13, v12;
	s8 =	smul.f32 s18, s25;
	s25 =	sld [smem:$0x7E8]  }
0x2c8: {  	s12 =	smul.f32 s21, s22;
	s21 =	sld [smem:$0x7FA]  }
0x2c9: {  	(v2sf) =	vpush v10, $0x0;
	s7 =	sadd.f32 s7, s8  }
0x2ca: {  	s8 =	smul.f32 s17, s23;
	s23 =	sld [smem:$0x7F0]  }
0x2cb: {  	s10 =	sadd.f32 s10, s12  }
0x2cc: {  	(v2sf) =	vpush v10, $0x1;
	s12 =	smul.f32 s20, s24;
	s20 =	sld [smem:$0x7EF]  }
0x2cd: {  	s6 =	smax.f32 s6, $0.0e+00;
	s7 =	sadd.f32 s7, s8  }
0x2ce: {  	s8 =	smul.f32 s0, s25;
	s25 =	sld [smem:$0x7FB]  }
0x2cf: {  	s6 =	smul.f32 s6, s21;
	s10 =	sadd.f32 s10, s12  }
0x2d0: {  	(v2sf) =	vpush v10, $0x2;
	s7 =	sadd.f32 s7, s8  }
0x2d1: {  	s1 =	sadd.f32 s1, s6  }
0x2d2: {  	(v2sf) =	vpush v10, $0x3;
	s12 =	smul.f32 s19, s20;
	s19 =	sld [smem:$0x7F2]  }
0x2d3: {  	s20 =	rddreg [dreg:$0xb]  }
0x2d4: {  	s22 =	sadd.f32 s10, s12  }
0x2d5: {  	s10 =	smul.f32 s18, s23;
	s24 =	smax.f32 s7, $0.0e+00  }
0x2d6: {  	(v2sf) =	vpush v10, $0x4;
	s12 =	sld [smem:$0x7F1];
	s6 =	smul.f32 s24, s25  }
0x2d7: {  	(v2sf) =	vpush v10, $0x5;
	s10 =	sadd.f32 s22, s10  }
0x2d8: {  	s25 =	spop (v2sf);
	s1 =	sadd.f32 s1, s6  }
0x2d9: {  	s8 =	smul.f32 s17, s12;
	s12 =	sld [smem:$0x7FC]  }
0x2da: {  	(v2sf) =	vpush v10, $0x6;
	s0 =	smul.f32 s0, s19;
	s17 =	rddreg [dreg:$0xe]  }
0x2db: {  	(v2sf) =	vpush v10, $0x7;
	s24 =	spop (v2sf);
	s18 =	sadd.f32 s10, s8  }
0x2dc: {  	s7 =	smul.f32 s25, s20;
	s8 =	sld [smem:$0x7F3]  }
0x2dd: {  	s10 =	smul.f32 s24, s11;
	s11 =	rddreg [dreg:$0xd]  }
0x2de: {  	s0 =	sadd.f32 s18, s0  }
0x2df: {  	s23 =	spop (v2sf);
	s6 =	sadd.f32 s7, s8  }
0x2e0: {  	(v2sf) =	vpush v10, $0x8;
	s7 =	smul.f32 s23, s11;
	s11 =	rddreg [dreg:$0x10]  }
0x2e1: {  	s22 =	spop (v2sf);
	s6 =	sadd.f32 s6, s10  }
0x2e2: {  	s0 =	smax.f32 s0, $0.0e+00;
	s10 =	rddreg [dreg:$0x15]  }
0x2e3: {  	s6 =	sadd.f32 s6, s7;
	s7 =	smul.f32 s22, s17  }
0x2e4: {  	s0 =	smul.f32 s0, s12;
	s12 =	sld [smem:$0x7F4]  }
0x2e5: {  	s21 =	spop (v2sf);
	s6 =	sadd.f32 s6, s7  }
0x2e6: {  	s20 =	spop (v2sf);
	s7 =	rddreg [dreg:$0xf]  }
0x2e7: {  	s0 =	sadd.f32 s1, s0;
	s8 =	smul.f32 s21, s7  }
0x2e8: {  	s7 =	smul.f32 s25, s10;
	s10 =	rddreg [dreg:$0x16]  }
0x2e9: {  	s19 =	spop (v2sf);
	s1 =	sadd.f32 s6, s8  }
0x2ea: {  	(v2sf) =	vpush v10, $0x9;
	s18 =	spop (v2sf);
	s7 =	sadd.f32 s7, s12  }
0x2eb: {  	s6 =	smul.f32 s20, s11;
	s11 =	rddreg [dreg:$0x11]  }
0x2ec: {  	s8 =	smul.f32 s24, s10;
	s12 =	rddreg [dreg:$0x17]  }
0x2ed: {  	s1 =	sadd.f32 s1, s6;
	s6 =	smul.f32 s19, s11  }
0x2ee: {  	s7 =	sadd.f32 s7, s8;
	s8 =	smul.f32 s23, s12  }
0x2ef: {  	s17 =	spop (v2sf);
	s11 =	smul.f32 s22, s2  }
0x2f0: {  	[smem:$0x7C3] =	sst s0;
	s12 =	smul.f32 s17, s9  }
0x2f1: {  	s2 =	smul.f32 s21, s28;
	s28 =	rddreg [dreg:$0x1f]  }
0x2f2: {  	s9 =	smul.f32 s25, s28;
	s1 =	sadd.f32 s1, s6  }
0x2f3: {  	s10 =	smul.f32 s18, s4;
	s7 =	sadd.f32 s7, s8  }
0x2f4: {  	s6 =	sadd.f32 s9, s29  }
0x2f5: {  	s1 =	sadd.f32 s1, s10  }
0x2f6: {  	s7 =	sadd.f32 s7, s11  }
0x2f7: {  	s11 =	smul.f32 s24, s30;
	s30 =	rddreg [dreg:$0x1d]  }
0x2f8: {  	s1 =	sadd.f32 s1, s12  }
0x2f9: {  	s0 =	spop (v2sf);
	s7 =	sadd.f32 s7, s2  }
0x2fa: {  	s4 =	smul.f32 s0, s15;
	s12 =	rddreg [dreg:$0x1c]  }
0x2fb: {  	s5 =	smul.f32 s20, s5;
	s6 =	sadd.f32 s6, s11  }
0x2fc: {  	s29 =	smul.f32 s23, s31;
	s1 =	sadd.f32 s1, s4  }
0x2fd: {  	s10 =	smul.f32 s19, s3;
	s7 =	sadd.f32 s7, s5  }
0x2fe: {  	s6 =	sadd.f32 s6, s29  }
0x2ff: {  	s15 =	smul.f32 s18, s12;
	s7 =	sadd.f32 s7, s10  }
0x300: {  	s5 =	sld [smem:$0x7D8]  }
0x301: {  	s7 =	sadd.f32 s7, s15  }
0x302: {  	s15 =	rddreg [dreg:$0x1e]  }
0x303: {  	s11 =	sld [smem:$0x7D9]  }
0x304: {  	s8 =	sld [smem:$0x7DA]  }
0x305: {  	s10 =	sld [smem:$0x7F8]  }
0x306: {  	s2 =	smul.f32 s22, s5;
	s12 =	sld [smem:$0x7DB]  }
0x307: {  	s31 =	smul.f32 s17, s30;
	s30 =	sld [smem:$0x7FD]  }
0x308: {  	s6 =	sadd.f32 s6, s2  }
0x309: {  	s1 =	smax.f32 s1, $0.0e+00;
	s7 =	sadd.f32 s7, s31  }
0x30a: {  	s3 =	smul.f32 s0, s15;
	s31 =	sld [smem:$0x7F9]  }
0x30b: {  	s29 =	smul.f32 s19, s12;
	s12 =	sld [smem:$0x7E0]  }
0x30c: {  	s9 =	smul.f32 s20, s8;
	s8 =	sld [smem:$0x7F2]  }
0x30d: {  	s4 =	smul.f32 s21, s11;
	s7 =	sadd.f32 s7, s3  }
0x30e: {  	s1 =	smul.f32 s1, s10;
	s3 =	sld [smem:$0x7DF]  }
0x30f: {  	s6 =	sadd.f32 s6, s4  }
0x310: {  	s1 =	sadd.f32 s1, s30  }
0x311: {  	s6 =	sadd.f32 s6, s9  }
0x312: {  	s7 =	smax.f32 s7, $0.0e+00;
	s9 =	sld [smem:$0x7DD]  }
0x313: {  	s7 =	smul.f32 s7, s31;
	s31 =	sld [smem:$0x7E1]  }
0x314: {  	s6 =	sadd.f32 s6, s29  }
0x315: {  	s2 =	smul.f32 s18, s26;
	s1 =	sadd.f32 s1, s7  }
0x316: {  	s10 =	smul.f32 s17, s9;
	s9 =	sld [smem:$0x7F6]  }
0x317: {  	s4 =	smul.f32 s25, s3;
	s29 =	sld [smem:$0x7DE]  }
0x318: {  	s6 =	sadd.f32 s6, s2  }
0x319: {  	s26 =	smul.f32 s24, s12;
	s7 =	sadd.f32 s4, s9  }
0x31a: {  	s30 =	smul.f32 s0, s29;
	s6 =	sadd.f32 s6, s10  }
0x31b: {  	s4 =	smul.f32 s23, s31;
	s31 =	sld [smem:$0x7F7]  }
0x31c: {  	s7 =	sadd.f32 s7, s26  }
0x31d: {  	s29 =	smul.f32 s25, s16;
	s6 =	sadd.f32 s6, s30  }
0x31e: {  	s26 =	sld [smem:$0x7E2]  }
0x31f: {  	s10 =	sadd.f32 s29, s31  }
0x320: {  	s7 =	sadd.f32 s7, s4  }
0x321: {  	s4 =	sld [smem:$0x7E3];
	s12 =	smul.f32 s22, s26  }
0x322: {  	s29 =	sld [smem:$0x7EB]  }
0x323: {  	s7 =	sadd.f32 s7, s12  }
0x324: {  	s30 =	smul.f32 s21, s4;
	s12 =	sld [smem:$0x7EA]  }
0x325: {  	s31 =	sld [smem:$0x7E5]  }
0x326: {  	s7 =	sadd.f32 s7, s30;
	s30 =	smul.f32 s23, s29  }
0x327: {  	s23 =	sld [smem:$0x7ED];
	s16 =	smul.f32 s24, s12  }
0x328: {  	s24 =	sld [smem:$0x7E4]  }
0x329: {  	s10 =	sadd.f32 s10, s16  }
0x32a: {  	s16 =	sld [smem:$0x7E6]  }
0x32b: {  	s25 =	smul.f32 s20, s24;
	s10 =	sadd.f32 s10, s30  }
0x32c: {  	s30 =	sld [smem:$0x7EE]  }
0x32d: {  	s13 =	smul.f32 s22, s13;
	s7 =	sadd.f32 s7, s25  }
0x32e: {  	s25 =	sld [smem:$0x7E7]  }
0x32f: {  	s2 =	smul.f32 s19, s31;
	s10 =	sadd.f32 s10, s13  }
0x330: {  	v14 =	vadd.f32 v55, v54;
	v15 =	vadd.f32 v57, v56;
	s13 =	sld [smem:$0x7E8]  }
0x331: {  	s24 =	smul.f32 s21, s23;
	s7 =	sadd.f32 s7, s2  }
0x332: {  	v10 =	vadd.f32 v15, v14;
	s31 =	smul.f32 s20, s30;
	s20 =	sld [smem:$0x7EF]  }
0x333: {  	s22 =	smul.f32 s18, s16;
	s10 =	sadd.f32 s10, s24  }
0x334: {  	(v2sf) =	vpush v10, $0x0;
	s24 =	sld [smem:$0x7F0]  }
0x335: {  	s7 =	sadd.f32 s7, s22  }
0x336: {  	s22 =	sld [smem:$0x7FA]  }
0x337: {  	(v2sf) =	vpush v10, $0x1;
	s16 =	smul.f32 s0, s13;
	s13 =	sld [smem:$0x7FB]  }
0x338: {  	(v2sf) =	vpush v10, $0x2;
	s0 =	smul.f32 s0, s8;
	s8 =	sld [smem:$0x7FC]  }
0x339: {  	s29 =	smul.f32 s17, s25;
	s10 =	sadd.f32 s10, s31  }
0x33a: {  	s21 =	smul.f32 s19, s20;
	s31 =	sld [smem:$0x7F1]  }
0x33b: {  	s7 =	sadd.f32 s7, s29  }
0x33c: {  	s23 =	sadd.f32 s10, s21  }
0x33d: {  	(v2sf) =	vpush v10, $0x3;
	s6 =	smax.f32 s6, $0.0e+00;
	s10 =	rddreg [dreg:$0xb]  }
0x33e: {  	(v2sf) =	vpush v10, $0x4;
	s6 =	smul.f32 s6, s22;
	s7 =	sadd.f32 s7, s16  }
0x33f: {  	s2 =	smul.f32 s17, s31;
	s31 =	sld [smem:$0x7F3]  }
0x340: {  	s25 =	smul.f32 s18, s24;
	s17 =	rddreg [dreg:$0xc]  }
0x341: {  	s1 =	sadd.f32 s1, s6  }
0x342: {  	s30 =	sadd.f32 s23, s25  }
0x343: {  	s25 =	spop (v2sf);
	s29 =	smax.f32 s7, $0.0e+00  }
0x344: {  	s12 =	smul.f32 s25, s10;
	s7 =	sadd.f32 s30, s2  }
0x345: {  	s6 =	smul.f32 s29, s13;
	s29 =	rddreg [dreg:$0xd]  }
0x346: {  	s24 =	spop (v2sf);
	s2 =	sld [smem:$0x7F4]  }
0x347: {  	s23 =	spop (v2sf);
	s16 =	sadd.f32 s12, s31  }
0x348: {  	(v2sf) =	vpush v10, $0x5;
	s30 =	smul.f32 s23, s29;
	s29 =	rddreg [dreg:$0xf]  }
0x349: {  	(v2sf) =	vpush v10, $0x6;
	s1 =	sadd.f32 s1, s6  }
0x34a: {  	s18 =	smul.f32 s24, s17;
	s0 =	sadd.f32 s7, s0  }
0x34b: {  	s7 =	rddreg [dreg:$0x15]  }
0x34c: {  	s22 =	spop (v2sf);
	s6 =	sadd.f32 s16, s18  }
0x34d: {  	s21 =	spop (v2sf);
	s16 =	rddreg [dreg:$0xe]  }
0x34e: {  	s0 =	smax.f32 s0, $0.0e+00;
	s10 =	smul.f32 s22, s16  }
0x34f: {  	(v2sf) =	vpush v10, $0x7;
	s0 =	smul.f32 s0, s8;
	s6 =	sadd.f32 s6, s30  }
0x350: {  	s30 =	smul.f32 s21, s29;
	s29 =	rddreg [dreg:$0x16]  }
0x351: {  	s0 =	sadd.f32 s1, s0  }
0x352: {  	(v2sf) =	vpush v10, $0x8;
	s8 =	smul.f32 s25, s7;
	s12 =	sadd.f32 s6, s10  }
0x353: {  	s10 =	rddreg [dreg:$0x10]  }
0x354: {  	s7 =	sadd.f32 s8, s2  }
0x355: {  	s8 =	smul.f32 s24, s29;
	s29 =	rddreg [dreg:$0x17]  }
0x356: {  	(v2sf) =	vpush v10, $0x9;
	[smem:$0x7C4] =	sst s0  }
0x357: {  	s20 =	spop (v2sf);
	s1 =	sadd.f32 s12, s30  }
0x358: {  	s19 =	spop (v2sf);
	s30 =	rddreg [dreg:$0x11]  }
0x359: {  	s12 =	smul.f32 s20, s10;
	s7 =	sadd.f32 s7, s8  }
0x35a: {  	s6 =	smul.f32 s19, s30;
	s30 =	rddreg [dreg:$0x18]  }
0x35b: {  	s10 =	smul.f32 s23, s29;
	s1 =	sadd.f32 s1, s12  }
0x35c: {  	s12 =	rddreg [dreg:$0x12]  }
0x35d: {  	s7 =	sadd.f32 s7, s10  }
0x35e: {  	s18 =	spop (v2sf);
	s10 =	rddreg [dreg:$0x13]  }
0x35f: {  	s8 =	smul.f32 s22, s30;
	s30 =	rddreg [dreg:$0x19]  }
0x360: {  	s1 =	sadd.f32 s1, s6;
	s6 =	smul.f32 s18, s12  }
0x361: {  	s17 =	spop (v2sf);
	s7 =	sadd.f32 s7, s8  }
0x362: {  	s12 =	smul.f32 s21, s30;
	s1 =	sadd.f32 s1, s6  }
0x363: {  	s6 =	smul.f32 s17, s10;
	s10 =	rddreg [dreg:$0x14]  }
0x364: {  	s7 =	sadd.f32 s7, s12  }
0x365: {  	s0 =	spop (v2sf);
	s12 =	rddreg [dreg:$0x1a]  }
0x366: {  	s8 =	smul.f32 s20, s12;
	s12 =	rddreg [dreg:$0x1b]  }
0x367: {  	s1 =	sadd.f32 s1, s6;
	s6 =	smul.f32 s0, s10  }
0x368: {  	s10 =	smul.f32 s25, s28;
	s28 =	sld [smem:$0x7F5]  }
0x369: {  	s7 =	sadd.f32 s7, s8  }
0x36a: {  	s8 =	smul.f32 s19, s12;
	s12 =	sld [smem:$0x7D6]  }
0x36b: {  	s1 =	sadd.f32 s1, s6  }
0x36c: {  	s6 =	sadd.f32 s10, s28  }
0x36d: {  	s7 =	sadd.f32 s7, s8  }
0x36e: {  	s28 =	rddreg [dreg:$0x1c]  }
0x36f: {  	s10 =	smul.f32 s24, s12;
	s12 =	sld [smem:$0x7D7]  }
0x370: {  	s8 =	smul.f32 s18, s28;
	s28 =	rddreg [dreg:$0x1d]  }
0x371: {  	s6 =	sadd.f32 s6, s10  }
0x372: {  	s7 =	sadd.f32 s7, s8;
	s8 =	smul.f32 s17, s28  }
0x373: {  	s28 =	sld [smem:$0x7DA]  }
0x374: {  	s10 =	smul.f32 s23, s12;
	s7 =	sadd.f32 s7, s8  }
0x375: {  	s8 =	sld [smem:$0x7F1]  }
0x376: {  	s12 =	smul.f32 s0, s15;
	s6 =	sadd.f32 s6, s10  }
0x377: {  	s10 =	sld [smem:$0x7DB]  }
0x378: {  	s5 =	smul.f32 s22, s5;
	s7 =	sadd.f32 s7, s12  }
0x379: {  	s12 =	sld [smem:$0x7FD]  }
0x37a: {  	s15 =	smul.f32 s21, s11;
	s6 =	sadd.f32 s6, s5  }
0x37b: {  	s5 =	smul.f32 s20, s28;
	s28 =	sld [smem:$0x7F9]  }
0x37c: {  	s6 =	sadd.f32 s6, s15  }
0x37d: {  	s7 =	smax.f32 s7, $0.0e+00;
	s15 =	sld [smem:$0x7F8]  }
0x37e: {  	s7 =	smul.f32 s7, s28;
	s28 =	sld [smem:$0x7DD]  }
0x37f: {  	s11 =	smul.f32 s19, s10;
	s6 =	sadd.f32 s6, s5  }
0x380: {  	s1 =	smax.f32 s1, $0.0e+00;
	s10 =	sld [smem:$0x7DC]  }
0x381: {  	s1 =	smul.f32 s1, s15;
	s6 =	sadd.f32 s6, s11  }
0x382: {  	s5 =	smul.f32 s17, s28;
	s28 =	sld [smem:$0x7E1]  }
0x383: {  	s11 =	smul.f32 s18, s10;
	s1 =	sadd.f32 s1, s12  }
0x384: {  	s12 =	smul.f32 s25, s3;
	s3 =	sld [smem:$0x7E0]  }
0x385: {  	s6 =	sadd.f32 s6, s11  }
0x386: {  	s11 =	sld [smem:$0x7DE]  }
0x387: {  	s1 =	sadd.f32 s1, s7  }
0x388: {  	s7 =	sadd.f32 s12, s9  }
0x389: {  	s9 =	smul.f32 s24, s3;
	s6 =	sadd.f32 s6, s5  }
0x38a: {  	s5 =	sld [smem:$0x7EA]  }
0x38b: {  	s12 =	smul.f32 s0, s11;
	s7 =	sadd.f32 s7, s9  }
0x38c: {  	s9 =	smul.f32 s23, s28;
	s28 =	sld [smem:$0x7F7]  }
0x38d: {  	s6 =	sadd.f32 s6, s12  }
0x38e: {  	s12 =	sld [smem:$0x7E9]  }
0x38f: {  	s11 =	smul.f32 s22, s26;
	s7 =	sadd.f32 s7, s9  }
0x390: {  	s9 =	smul.f32 s24, s5;
	s5 =	sld [smem:$0x7EC]  }
0x391: {  	s25 =	smul.f32 s25, s12;
	s7 =	sadd.f32 s7, s11  }
0x392: {  	s26 =	smul.f32 s21, s4;
	s12 =	sld [smem:$0x7EB]  }
0x393: {  	s10 =	sadd.f32 s25, s28  }
0x394: {  	s7 =	sadd.f32 s7, s26  }
0x395: {  	s26 =	sld [smem:$0x7E4]  }
0x396: {  	s25 =	sld [smem:$0x7E5]  }
0x397: {  	s24 =	smul.f32 s23, s12;
	s23 =	sld [smem:$0x7ED]  }
0x398: {  	s12 =	rddreg [dreg:$0xb]  }
0x399: {  	s10 =	sadd.f32 s10, s9  }
0x39a: {  	s9 =	smul.f32 s22, s5;
	s5 =	sld [smem:$0x7EE]  }
0x39b: {  	v16 =	vadd.f32 v51, v50;
	v17 =	vadd.f32 v53, v52;
	s28 =	smul.f32 s19, s25;
	s25 =	sld [smem:$0x7E7]  }
0x39c: {  	s11 =	smul.f32 s20, s26;
	s10 =	sadd.f32 s10, s24  }
0x39d: {  	v10 =	vadd.f32 v17, v16;
	s24 =	smul.f32 s21, s23;
	s21 =	sld [smem:$0x7EF]  }
0x39e: {  	s23 =	sld [smem:$0x7FA]  }
0x39f: {  	(v2sf) =	vpush v10, $0x0;
	s7 =	sadd.f32 s7, s11  }
0x3a0: {  	s11 =	sld [smem:$0x7E6]  }
0x3a1: {  	(v2sf) =	vpush v10, $0x1;
	s10 =	sadd.f32 s10, s9  }
0x3a2: {  	(v2sf) =	vpush v10, $0x2;
	s6 =	smax.f32 s6, $0.0e+00;
	s7 =	sadd.f32 s7, s28  }
0x3a3: {  	s28 =	smul.f32 s17, s25;
	s25 =	sld [smem:$0x7F0]  }
0x3a4: {  	s6 =	smul.f32 s6, s23;
	s10 =	sadd.f32 s10, s24  }
0x3a5: {  	s22 =	smul.f32 s18, s11;
	s11 =	sld [smem:$0x7E8]  }
0x3a6: {  	s9 =	smul.f32 s20, s5;
	s1 =	sadd.f32 s1, s6  }
0x3a7: {  	s7 =	sadd.f32 s7, s22  }
0x3a8: {  	s10 =	sadd.f32 s10, s9  }
0x3a9: {  	s22 =	smul.f32 s19, s21;
	s19 =	rddreg [dreg:$0xc]  }
0x3aa: {  	s9 =	smul.f32 s17, s8;
	s8 =	sld [smem:$0x7FC]  }
0x3ab: {  	s20 =	smul.f32 s0, s11;
	s11 =	sld [smem:$0x7F2]  }
0x3ac: {  	s7 =	sadd.f32 s7, s28  }
0x3ad: {  	(v2sf) =	vpush v10, $0x3;
	s24 =	sadd.f32 s10, s22;
	s28 =	smul.f32 s18, s25  }
0x3ae: {  	s25 =	spop (v2sf);
	s7 =	sadd.f32 s7, s20  }
0x3af: {  	(v2sf) =	vpush v10, $0x4;
	s17 =	smul.f32 s25, s12;
	s5 =	sadd.f32 s24, s28  }
0x3b0: {  	(v2sf) =	vpush v10, $0x5;
	s24 =	spop (v2sf);
	s0 =	smul.f32 s0, s11  }
0x3b1: {  	s23 =	spop (v2sf);
	s18 =	sadd.f32 s17, s31  }
0x3b2: {  	(v2sf) =	vpush v10, $0x6;
	s31 =	rddreg [dreg:$0xd];
	s4 =	smax.f32 s7, $0.0e+00  }
0x3b3: {  	s10 =	sadd.f32 s5, s9;
	s5 =	smul.f32 s23, s31  }
0x3b4: {  	s31 =	rddreg [dreg:$0x10];
	s6 =	smul.f32 s4, s13  }
0x3b5: {  	(v2sf) =	vpush v10, $0x7;
	s28 =	smul.f32 s24, s19;
	s0 =	sadd.f32 s10, s0  }
0x3b6: {  	(v2sf) =	vpush v10, $0x8;
	s1 =	sadd.f32 s1, s6  }
0x3b7: {  	s6 =	sadd.f32 s18, s28  }
0x3b8: {  	s28 =	rddreg [dreg:$0x15]  }
0x3b9: {  	s0 =	smax.f32 s0, $0.0e+00;
	s6 =	sadd.f32 s6, s5  }
0x3ba: {  	s12 =	smul.f32 s25, s28;
	s5 =	rddreg [dreg:$0x16]  }
0x3bb: {  	s0 =	smul.f32 s0, s8;
	s8 =	rddreg [dreg:$0x1c]  }
0x3bc: {  	s22 =	spop (v2sf);
	s7 =	sadd.f32 s12, s2  }
0x3bd: {  	s9 =	smul.f32 s22, s16;
	s12 =	rddreg [dreg:$0x12]  }
0x3be: {  	s21 =	spop (v2sf);
	s0 =	sadd.f32 s1, s0  }
0x3bf: {  	s20 =	spop (v2sf);
	s10 =	sadd.f32 s6, s9  }
0x3c0: {  	s2 =	smul.f32 s24, s5;
	s9 =	rddreg [dreg:$0xf]  }
0x3c1: {  	(v2sf) =	vpush v10, $0x9;
	s19 =	spop (v2sf);
	s6 =	rddreg [dreg:$0x13]  }
0x3c2: {  	s11 =	smul.f32 s21, s9;
	s7 =	sadd.f32 s7, s2  }
0x3c3: {  	s16 =	smul.f32 s20, s31;
	[smem:$0x7C6] =	sst s0  }
0x3c4: {  	s18 =	spop (v2sf);
	s1 =	sadd.f32 s10, s11  }
0x3c5: {  	s17 =	spop (v2sf);
	s11 =	rddreg [dreg:$0x11]  }
0x3c6: {  	s10 =	smul.f32 s23, s29;
	s29 =	rddreg [dreg:$0x18]  }
0x3c7: {  	s4 =	smul.f32 s19, s11;
	s1 =	sadd.f32 s1, s16  }
0x3c8: {  	s16 =	smul.f32 s18, s12;
	s7 =	sadd.f32 s7, s10  }
0x3c9: {  	s12 =	smul.f32 s21, s30;
	s30 =	rddreg [dreg:$0x1a]  }
0x3ca: {  	s10 =	smul.f32 s17, s6;
	s1 =	sadd.f32 s1, s4  }
0x3cb: {  	s6 =	rddreg [dreg:$0x1f];
	s4 =	smul.f32 s22, s29  }
0x3cc: {  	s1 =	sadd.f32 s1, s16  }
0x3cd: {  	s7 =	sadd.f32 s7, s4  }
0x3ce: {  	s16 =	rddreg [dreg:$0x14]  }
0x3cf: {  	s4 =	smul.f32 s20, s30;
	s30 =	sld [smem:$0x7D6]  }
0x3d0: {  	s0 =	spop (v2sf);
	s7 =	sadd.f32 s7, s12  }
0x3d1: {  	s29 =	smul.f32 s0, s16;
	s12 =	rddreg [dreg:$0x1b]  }
0x3d2: {  	s1 =	sadd.f32 s1, s10;
	s16 =	smul.f32 s19, s12  }
0x3d3: {  	s12 =	smul.f32 s18, s8;
	s8 =	sld [smem:$0x7E3]  }
0x3d4: {  	s1 =	sadd.f32 s1, s29  }
0x3d5: {  	s7 =	sadd.f32 s7, s4  }
0x3d6: {  	s29 =	sld [smem:$0x7F5]  }
0x3d7: {  	s4 =	smul.f32 s24, s30;
	s30 =	rddreg [dreg:$0x1d]  }
0x3d8: {  	s10 =	smul.f32 s25, s6;
	s7 =	sadd.f32 s7, s16  }
0x3d9: {  	s16 =	sld [smem:$0x7D7]  }
0x3da: {  	s6 =	sadd.f32 s10, s29  }
0x3db: {  	s10 =	sld [smem:$0x7D8]  }
0x3dc: {  	s7 =	sadd.f32 s7, s12  }
0x3dd: {  	s6 =	sadd.f32 s6, s4  }
0x3de: {  	s29 =	smul.f32 s23, s16;
	s16 =	rddreg [dreg:$0x1e]  }
0x3df: {  	s4 =	smul.f32 s17, s30;
	s30 =	sld [smem:$0x7D9]  }
0x3e0: {  	s12 =	smul.f32 s22, s10;
	s10 =	sld [smem:$0x7FD]  }
0x3e1: {  	s6 =	sadd.f32 s6, s29  }
0x3e2: {  	s7 =	sadd.f32 s7, s4  }
0x3e3: {  	s29 =	smul.f32 s0, s16;
	s16 =	sld [smem:$0x7DA]  }
0x3e4: {  	s1 =	smax.f32 s1, $0.0e+00;
	s6 =	sadd.f32 s6, s12  }
0x3e5: {  	s4 =	smul.f32 s21, s30;
	s7 =	sadd.f32 s7, s29  }
0x3e6: {  	s1 =	smul.f32 s1, s15;
	s29 =	sld [smem:$0x7DB]  }
0x3e7: {  	s12 =	smul.f32 s20, s16;
	s6 =	sadd.f32 s6, s4  }
0x3e8: {  	s1 =	sadd.f32 s1, s10  }
0x3e9: {  	s6 =	sadd.f32 s6, s12  }
0x3ea: {  	s12 =	sld [smem:$0x7DC]  }
0x3eb: {  	s10 =	sld [smem:$0x7DD];
	s30 =	smul.f32 s19, s29  }
0x3ec: {  	s4 =	sld [smem:$0x7F9]  }
0x3ed: {  	s6 =	sadd.f32 s6, s30;
	s15 =	smul.f32 s18, s12  }
0x3ee: {  	s7 =	smax.f32 s7, $0.0e+00;
	s29 =	sld [smem:$0x7DF]  }
0x3ef: {  	s7 =	smul.f32 s7, s4;
	s6 =	sadd.f32 s6, s15  }
0x3f0: {  	s15 =	sld [smem:$0x7F6]  }
0x3f1: {  	s30 =	smul.f32 s25, s29;
	s1 =	sadd.f32 s1, s7  }
0x3f2: {  	s12 =	smul.f32 s17, s10;
	s10 =	sld [smem:$0x7E2]  }
0x3f3: {  	s7 =	sadd.f32 s30, s15  }
0x3f4: {  	s30 =	sld [smem:$0x7DE]  }
0x3f5: {  	s29 =	smul.f32 s24, s3;
	s15 =	sld [smem:$0x7E1]  }
0x3f6: {  	s6 =	sadd.f32 s6, s12  }
0x3f7: {  	s7 =	sadd.f32 s7, s29;
	s2 =	smul.f32 s0, s30  }
0x3f8: {  	s29 =	sld [smem:$0x7E9];
	s3 =	smul.f32 s23, s15  }
0x3f9: {  	s6 =	sadd.f32 s6, s2  }
0x3fa: {  	s12 =	smul.f32 s22, s10;
	s7 =	sadd.f32 s7, s3  }
0x3fb: {  	s3 =	smul.f32 s25, s29;
	s29 =	sld [smem:$0x7F7]  }
0x3fc: {  	s25 =	sld [smem:$0x7EA]  }
0x3fd: {  	s7 =	sadd.f32 s7, s12  }
0x3fe: {  	s12 =	smul.f32 s21, s8;
	s8 =	sld [smem:$0x7E6]  }
0x3ff: {  	s10 =	sadd.f32 s3, s29  }
0x400: {  	s2 =	smul.f32 s24, s25;
	s25 =	sld [smem:$0x7EC]  }
0x401: {  	s7 =	sadd.f32 s7, s12  }
0x402: {  	s3 =	smul.f32 s20, s26;
	s12 =	sld [smem:$0x7EB]  }
0x403: {  	s10 =	sadd.f32 s10, s2  }
0x404: {  	s7 =	sadd.f32 s7, s3  }
0x405: {  	s3 =	sld [smem:$0x7E5];
	s23 =	smul.f32 s23, s12  }
0x406: {  	s26 =	smul.f32 s22, s25;
	s25 =	sld [smem:$0x7E7]  }
0x407: {  	s10 =	sadd.f32 s10, s23  }
0x408: {  	v18 =	vadd.f32 v47, v46;
	v19 =	vadd.f32 v49, v48;
	s24 =	smul.f32 s19, s3;
	s23 =	sld [smem:$0x7ED]  }
0x409: {  	s12 =	sld [smem:$0x7EE]  }
0x40a: {  	v10 =	vadd.f32 v19, v18;
	s22 =	smul.f32 s18, s8;
	s7 =	sadd.f32 s7, s24  }
0x40b: {  	s10 =	sadd.f32 s10, s26;
	s24 =	smul.f32 s21, s23  }
0x40c: {  	(v2sf) =	vpush v10, $0x0;
	s21 =	smul.f32 s20, s12;
	s20 =	sld [smem:$0x7F0]  }
0x40d: {  	s12 =	sld [smem:$0x7F2]  }
0x40e: {  	s7 =	sadd.f32 s7, s22  }
0x40f: {  	s22 =	sld [smem:$0x7E8]  }
0x410: {  	s26 =	smul.f32 s17, s25;
	s10 =	sadd.f32 s10, s24  }
0x411: {  	(v2sf) =	vpush v10, $0x1;
	s24 =	sld [smem:$0x7EF]  }
0x412: {  	s7 =	sadd.f32 s7, s26  }
0x413: {  	s6 =	smax.f32 s6, $0.0e+00;
	s26 =	sld [smem:$0x7FA]  }
0x414: {  	(v2sf) =	vpush v10, $0x2;
	s23 =	smul.f32 s0, s22;
	s10 =	sadd.f32 s10, s21  }
0x415: {  	(v2sf) =	vpush v10, $0x3;
	s0 =	smul.f32 s0, s12;
	s12 =	sld [smem:$0x7FC]  }
0x416: {  	s25 =	smul.f32 s19, s24;
	s7 =	sadd.f32 s7, s23  }
0x417: {  	(v2sf) =	vpush v10, $0x4;
	s6 =	smul.f32 s6, s26;
	s26 =	sld [smem:$0x7F1]  }
0x418: {  	(v2sf) =	vpush v10, $0x5;
	s19 =	sadd.f32 s10, s25  }
0x419: {  	s21 =	smul.f32 s18, s20;
	s1 =	sadd.f32 s1, s6  }
0x41a: {  	s22 =	smax.f32 s7, $0.0e+00;
	s7 =	rddreg [dreg:$0xc]  }
0x41b: {  	s25 =	spop (v2sf);
	s23 =	sadd.f32 s19, s21  }
0x41c: {  	s2 =	smul.f32 s17, s26;
	s17 =	rddreg [dreg:$0xb]  }
0x41d: {  	(v2sf) =	vpush v10, $0x6;
	s6 =	smul.f32 s22, s13;
	s19 =	sld [smem:$0x7F3]  }
0x41e: {  	s18 =	smul.f32 s25, s17;
	s17 =	rddreg [dreg:$0xe]  }
0x41f: {  	s1 =	sadd.f32 s1, s6  }
0x420: {  	s24 =	spop (v2sf);
	s10 =	sadd.f32 s23, s2  }
0x421: {  	(v2sf) =	vpush v10, $0x7;
	s8 =	smul.f32 s24, s7;
	s26 =	sadd.f32 s18, s19  }
0x422: {  	s0 =	sadd.f32 s10, s0  }
0x423: {  	s23 =	spop (v2sf);
	s6 =	sadd.f32 s26, s8  }
0x424: {  	s22 =	spop (v2sf);
	s26 =	rddreg [dreg:$0xd]  }
0x425: {  	s0 =	smax.f32 s0, $0.0e+00;
	s10 =	smul.f32 s23, s26  }
0x426: {  	s21 =	spop (v2sf);
	s0 =	smul.f32 s0, s12  }
0x427: {  	s20 =	spop (v2sf);
	s12 =	smul.f32 s25, s28  }
0x428: {  	s28 =	smul.f32 s20, s31;
	s31 =	sld [smem:$0x7F4]  }
0x429: {  	s2 =	smul.f32 s22, s17;
	s6 =	sadd.f32 s6, s10  }
0x42a: {  	s10 =	smul.f32 s21, s9;
	s9 =	rddreg [dreg:$0x17]  }
0x42b: {  	s0 =	sadd.f32 s1, s0  }
0x42c: {  	(v2sf) =	vpush v10, $0x8;
	s19 =	spop (v2sf);
	s8 =	sadd.f32 s6, s2  }
0x42d: {  	s7 =	sadd.f32 s12, s31;
	s2 =	smul.f32 s24, s5  }
0x42e: {  	s5 =	smul.f32 s19, s11;
	s11 =	rddreg [dreg:$0x12]  }
0x42f: {  	s31 =	rddreg [dreg:$0x13]  }
0x430: {  	(v2sf) =	vpush v10, $0x9;
	s18 =	spop (v2sf);
	[smem:$0x7C8] =	sst s0  }
0x431: {  	s12 =	smul.f32 s18, s11;
	s11 =	rddreg [dreg:$0x18]  }
0x432: {  	s1 =	sadd.f32 s8, s10  }
0x433: {  	s7 =	sadd.f32 s7, s2  }
0x434: {  	s10 =	smul.f32 s23, s9;
	s9 =	rddreg [dreg:$0x19]  }
0x435: {  	s8 =	rddreg [dreg:$0x1d]  }
0x436: {  	s2 =	sld [smem:$0x7DD]  }
0x437: {  	s1 =	sadd.f32 s1, s28  }
0x438: {  	s7 =	sadd.f32 s7, s10;
	s28 =	smul.f32 s22, s11  }
0x439: {  	s10 =	smul.f32 s21, s9;
	s9 =	rddreg [dreg:$0x1f]  }
0x43a: {  	s1 =	sadd.f32 s1, s5  }
0x43b: {  	s17 =	spop (v2sf);
	s7 =	sadd.f32 s7, s28  }
0x43c: {  	s5 =	smul.f32 s17, s31;
	s31 =	rddreg [dreg:$0x1a]  }
0x43d: {  	s1 =	sadd.f32 s1, s12  }
0x43e: {  	s12 =	rddreg [dreg:$0x14]  }
0x43f: {  	s0 =	spop (v2sf);
	s7 =	sadd.f32 s7, s10  }
0x440: {  	s28 =	smul.f32 s0, s12;
	s12 =	rddreg [dreg:$0x1b]  }
0x441: {  	s1 =	sadd.f32 s1, s5  }
0x442: {  	s5 =	smul.f32 s20, s31;
	s31 =	sld [smem:$0x7F5]  }
0x443: {  	s1 =	sadd.f32 s1, s28  }
0x444: {  	s7 =	sadd.f32 s7, s5  }
0x445: {  	s10 =	smul.f32 s25, s9;
	s5 =	sld [smem:$0x7D6]  }
0x446: {  	s28 =	smul.f32 s19, s12;
	s12 =	rddreg [dreg:$0x1c]  }
0x447: {  	s6 =	sadd.f32 s10, s31  }
0x448: {  	s31 =	sld [smem:$0x7D7]  }
0x449: {  	s7 =	sadd.f32 s7, s28;
	s28 =	smul.f32 s18, s12  }
0x44a: {  	s10 =	sld [smem:$0x7D8]  }
0x44b: {  	s7 =	sadd.f32 s7, s28  }
0x44c: {  	s9 =	smul.f32 s24, s5;
	s28 =	rddreg [dreg:$0x1e]  }
0x44d: {  	s12 =	smul.f32 s22, s10;
	s10 =	sld [smem:$0x7DF]  }
0x44e: {  	s5 =	smul.f32 s23, s31;
	s6 =	sadd.f32 s6, s9  }
0x44f: {  	s9 =	smul.f32 s17, s8;
	s8 =	sld [smem:$0x7DC]  }
0x450: {  	s6 =	sadd.f32 s6, s5  }
0x451: {  	s7 =	sadd.f32 s7, s9  }
0x452: {  	s31 =	smul.f32 s0, s28;
	s5 =	sld [smem:$0x7D9]  }
0x453: {  	s6 =	sadd.f32 s6, s12  }
0x454: {  	s1 =	smax.f32 s1, $0.0e+00;
	s7 =	sadd.f32 s7, s31  }
0x455: {  	s12 =	smul.f32 s20, s16;
	s16 =	sld [smem:$0x7F8]  }
0x456: {  	s31 =	sld [smem:$0x7FD];
	s9 =	smul.f32 s21, s5  }
0x457: {  	s5 =	sld [smem:$0x7DB];
	s7 =	smax.f32 s7, $0.0e+00  }
0x458: {  	s6 =	sadd.f32 s6, s9;
	s1 =	smul.f32 s1, s16  }
0x459: {  	s7 =	smul.f32 s7, s4;
	s4 =	sld [smem:$0x7EA]  }
0x45a: {  	s6 =	sadd.f32 s6, s12  }
0x45b: {  	s28 =	smul.f32 s19, s5;
	s1 =	sadd.f32 s1, s31  }
0x45c: {  	s31 =	sld [smem:$0x7E0]  }
0x45d: {  	s6 =	sadd.f32 s6, s28  }
0x45e: {  	s9 =	smul.f32 s18, s8;
	s1 =	sadd.f32 s1, s7  }
0x45f: {  	s28 =	sld [smem:$0x7F6]  }
0x460: {  	s12 =	smul.f32 s25, s10;
	s6 =	sadd.f32 s6, s9  }
0x461: {  	s9 =	smul.f32 s24, s31;
	s31 =	sld [smem:$0x7E9]  }
0x462: {  	s16 =	smul.f32 s17, s2;
	s7 =	sadd.f32 s12, s28  }
0x463: {  	s28 =	sld [smem:$0x7E2]  }
0x464: {  	s12 =	smul.f32 s0, s30;
	s6 =	sadd.f32 s6, s16  }
0x465: {  	s7 =	sadd.f32 s7, s9  }
0x466: {  	s16 =	smul.f32 s23, s15;
	s6 =	sadd.f32 s6, s12  }
0x467: {  	s9 =	smul.f32 s25, s31;
	s12 =	sld [smem:$0x7E3]  }
0x468: {  	s30 =	smul.f32 s22, s28;
	s28 =	sld [smem:$0x7EB]  }
0x469: {  	s7 =	sadd.f32 s7, s16  }
0x46a: {  	s10 =	sadd.f32 s9, s29  }
0x46b: {  	s16 =	smul.f32 s24, s4;
	s24 =	sld [smem:$0x7E4]  }
0x46c: {  	s7 =	sadd.f32 s7, s30  }
0x46d: {  	s10 =	sadd.f32 s10, s16  }
0x46e: {  	s30 =	sld [smem:$0x7EC]  }
0x46f: {  	s15 =	smul.f32 s21, s12;
	s16 =	sld [smem:$0x7E7]  }
0x470: {  	s25 =	smul.f32 s23, s28;
	s12 =	sld [smem:$0x7F0]  }
0x471: {  	s8 =	smul.f32 s20, s24;
	s24 =	sld [smem:$0x7E8]  }
0x472: {  	v21 =	vadd.f32 v43, v42;
	v22 =	vadd.f32 v45, v44;
	s7 =	sadd.f32 s7, s15  }
0x473: {  	s10 =	sadd.f32 s10, s25  }
0x474: {  	v10 =	vadd.f32 v22, v21;
	s31 =	smul.f32 s22, s30;
	s22 =	sld [smem:$0x7EE]  }
0x475: {  	s7 =	sadd.f32 s7, s8  }
0x476: {  	(v2sf) =	vpush v10, $0x0;
	s8 =	sld [smem:$0x7E6]  }
0x477: {  	(v2sf) =	vpush v10, $0x1;
	s29 =	smul.f32 s19, s3;
	s10 =	sadd.f32 s10, s31  }
0x478: {  	s31 =	sld [smem:$0x7ED]  }
0x479: {  	(v2sf) =	vpush v10, $0x2;
	s7 =	sadd.f32 s7, s29  }
0x47a: {  	s29 =	sld [smem:$0x7EF];
	s9 =	smul.f32 s18, s8  }
0x47b: {  	(v2sf) =	vpush v10, $0x3;
	s8 =	rddreg [dreg:$0xb]  }
0x47c: {  	s23 =	smul.f32 s20, s22;
	s7 =	sadd.f32 s7, s9  }
0x47d: {  	s15 =	smul.f32 s21, s31;
	s9 =	sld [smem:$0x7FA]  }
0x47e: {  	(v2sf) =	vpush v10, $0x4;
	s30 =	smul.f32 s19, s29;
	s29 =	sld [smem:$0x7F2]  }
0x47f: {  	s21 =	smul.f32 s17, s16;
	s10 =	sadd.f32 s10, s15  }
0x480: {  	s15 =	smul.f32 s18, s12;
	s12 =	rddreg [dreg:$0xc]  }
0x481: {  	s25 =	smul.f32 s0, s24;
	s7 =	sadd.f32 s7, s21  }
0x482: {  	s6 =	smax.f32 s6, $0.0e+00;
	s10 =	sadd.f32 s10, s23  }
0x483: {  	s6 =	smul.f32 s6, s9;
	s7 =	sadd.f32 s7, s25  }
0x484: {  	s10 =	sadd.f32 s10, s30  }
0x485: {  	(v2sf) =	vpush v10, $0x5;
	s25 =	spop (v2sf);
	s1 =	sadd.f32 s1, s6  }
0x486: {  	s30 =	sld [smem:$0x7F1];
	s24 =	spop (v2sf)  }
0x487: {  	s9 =	smul.f32 s25, s8;
	s8 =	rddreg [dreg:$0x10]  }
0x488: {  	s16 =	smax.f32 s7, $0.0e+00;
	s23 =	spop (v2sf)  }
0x489: {  	s6 =	smul.f32 s16, s13;
	s18 =	sadd.f32 s10, s15  }
0x48a: {  	s22 =	spop (v2sf);
	s10 =	sld [smem:$0x7F3]  }
0x48b: {  	s16 =	smul.f32 s23, s26;
	s26 =	rddreg [dreg:$0xf]  }
0x48c: {  	s19 =	smul.f32 s17, s30;
	s17 =	rddreg [dreg:$0xe]  }
0x48d: {  	(v2sf) =	vpush v10, $0x6;
	s21 =	spop (v2sf);
	s1 =	sadd.f32 s1, s6  }
0x48e: {  	s3 =	smul.f32 s21, s26;
	s26 =	sld [smem:$0x7F4]  }
0x48f: {  	s20 =	sadd.f32 s18, s19  }
0x490: {  	s0 =	smul.f32 s0, s29;
	s7 =	sadd.f32 s9, s10  }
0x491: {  	(v2sf) =	vpush v10, $0x7;
	s13 =	smul.f32 s24, s12;
	s9 =	sld [smem:$0x7FC]  }
0x492: {  	(v2sf) =	vpush v10, $0x8;
	s0 =	sadd.f32 s20, s0  }
0x493: {  	s18 =	smul.f32 s22, s17;
	s15 =	sadd.f32 s7, s13  }
0x494: {  	s20 =	spop (v2sf);
	s13 =	rddreg [dreg:$0x11]  }
0x495: {  	s10 =	smul.f32 s20, s8;
	s8 =	rddreg [dreg:$0x16]  }
0x496: {  	s0 =	smax.f32 s0, $0.0e+00;
	s6 =	sadd.f32 s15, s16  }
0x497: {  	s16 =	rddreg [dreg:$0x15];
	s0 =	smul.f32 s0, s9  }
0x498: {  	(v2sf) =	vpush v10, $0x9;
	s6 =	sadd.f32 s6, s18  }
0x499: {  	s0 =	sadd.f32 s1, s0  }
0x49a: {  	s7 =	sadd.f32 s6, s3  }
0x49b: {  	s12 =	smul.f32 s25, s16;
	[smem:$0x7C9] =	sst s0  }
0x49c: {  	s19 =	spop (v2sf);
	s1 =	sadd.f32 s7, s10  }
0x49d: {  	s15 =	smul.f32 s19, s13;
	s7 =	sadd.f32 s12, s26  }
0x49e: {  	s10 =	smul.f32 s24, s8;
	s12 =	rddreg [dreg:$0x12]  }
0x49f: {  	s1 =	sadd.f32 s1, s15  }
0x4a0: {  	s17 =	spop (v2sf);
	s7 =	sadd.f32 s7, s10  }
0x4a1: {  	s18 =	spop (v2sf);
	s15 =	rddreg [dreg:$0x17]  }
0x4a2: {  	s13 =	smul.f32 s17, s12;
	s10 =	rddreg [dreg:$0x13]  }
0x4a3: {  	s26 =	smul.f32 s23, s15;
	s15 =	rddreg [dreg:$0x14]  }
0x4a4: {  	s12 =	smul.f32 s18, s10;
	s10 =	rddreg [dreg:$0x19]  }
0x4a5: {  	s1 =	sadd.f32 s1, s13;
	s13 =	smul.f32 s22, s11  }
0x4a6: {  	s11 =	smul.f32 s21, s10;
	s10 =	sld [smem:$0x7F5]  }
0x4a7: {  	s0 =	spop (v2sf);
	s7 =	sadd.f32 s7, s26  }
0x4a8: {  	s26 =	smul.f32 s0, s15;
	s15 =	rddreg [dreg:$0x1a]  }
0x4a9: {  	s1 =	sadd.f32 s1, s12  }
0x4aa: {  	s12 =	rddreg [dreg:$0x1f]  }
0x4ab: {  	s7 =	sadd.f32 s7, s13  }
0x4ac: {  	s13 =	smul.f32 s25, s12;
	s1 =	sadd.f32 s1, s26  }
0x4ad: {  	s7 =	sadd.f32 s7, s11  }
0x4ae: {  	s6 =	sadd.f32 s13, s10  }
0x4af: {  	s26 =	smul.f32 s20, s15;
	s11 =	sld [smem:$0x7D6]  }
0x4b0: {  	s10 =	sld [smem:$0x7F8]  }
0x4b1: {  	s7 =	sadd.f32 s7, s26  }
0x4b2: {  	s1 =	smax.f32 s1, $0.0e+00;
	s26 =	sld [smem:$0x7D7]  }
0x4b3: {  	s12 =	smul.f32 s24, s11;
	s11 =	rddreg [dreg:$0x1b]  }
0x4b4: {  	s1 =	smul.f32 s1, s10;
	s10 =	sld [smem:$0x7FD]  }
0x4b5: {  	s13 =	smul.f32 s19, s11;
	s6 =	sadd.f32 s6, s12  }
0x4b6: {  	s3 =	smul.f32 s23, s26;
	s26 =	rddreg [dreg:$0x1c]  }
0x4b7: {  	s12 =	sld [smem:$0x7D8]  }
0x4b8: {  	s7 =	sadd.f32 s7, s13;
	s8 =	smul.f32 s17, s26  }
0x4b9: {  	s6 =	sadd.f32 s6, s3  }
0x4ba: {  	s13 =	smul.f32 s22, s12;
	s7 =	sadd.f32 s7, s8  }
0x4bb: {  	s8 =	rddreg [dreg:$0x1d]  }
0x4bc: {  	s12 =	smul.f32 s18, s8;
	s6 =	sadd.f32 s6, s13  }
0x4bd: {  	s13 =	sld [smem:$0x7D9]  }
0x4be: {  	s7 =	sadd.f32 s7, s12  }
0x4bf: {  	s12 =	sld [smem:$0x7DA]  }
0x4c0: {  	s1 =	sadd.f32 s1, s10;
	s3 =	smul.f32 s21, s13  }
0x4c1: {  	s13 =	rddreg [dreg:$0x1e]  }
0x4c2: {  	s6 =	sadd.f32 s6, s3;
	s3 =	smul.f32 s20, s12  }
0x4c3: {  	s8 =	smul.f32 s0, s13;
	s12 =	sld [smem:$0x7DC]  }
0x4c4: {  	s5 =	smul.f32 s19, s5;
	s6 =	sadd.f32 s6, s3  }
0x4c5: {  	s7 =	sadd.f32 s7, s8  }
0x4c6: {  	s6 =	sadd.f32 s6, s5  }
0x4c7: {  	s5 =	smul.f32 s17, s12;
	s12 =	sld [smem:$0x7F9]  }
0x4c8: {  	s10 =	sld [smem:$0x7DF];
	s7 =	smax.f32 s7, $0.0e+00  }
0x4c9: {  	s6 =	sadd.f32 s6, s5;
	s5 =	smul.f32 s18, s2  }
0x4ca: {  	s3 =	sld [smem:$0x7DE];
	s7 =	smul.f32 s7, s12  }
0x4cb: {  	s12 =	smul.f32 s25, s10;
	s10 =	sld [smem:$0x7F6]  }
0x4cc: {  	s6 =	sadd.f32 s6, s5  }
0x4cd: {  	s1 =	sadd.f32 s1, s7  }
0x4ce: {  	s5 =	smul.f32 s0, s3;
	s7 =	sadd.f32 s12, s10  }
0x4cf: {  	s12 =	sld [smem:$0x7E0]  }
0x4d0: {  	s6 =	sadd.f32 s6, s5  }
0x4d1: {  	s5 =	sld [smem:$0x7E1]  }
0x4d2: {  	s4 =	smul.f32 s24, s4;
	s10 =	sld [smem:$0x7E9]  }
0x4d3: {  	s2 =	smul.f32 s24, s12;
	s12 =	sld [smem:$0x7E2]  }
0x4d4: {  	s28 =	smul.f32 s23, s28;
	s24 =	sld [smem:$0x7E3]  }
0x4d5: {  	s3 =	smul.f32 s23, s5;
	s23 =	sld [smem:$0x7EC]  }
0x4d6: {  	s7 =	sadd.f32 s7, s2  }
0x4d7: {  	s10 =	smul.f32 s25, s10;
	s2 =	sld [smem:$0x7E7]  }
0x4d8: {  	s25 =	smul.f32 s22, s12;
	s12 =	sld [smem:$0x7EE]  }
0x4d9: {  	s7 =	sadd.f32 s7, s3  }
0x4da: {  	s3 =	sld [smem:$0x7F7]  }
0x4db: {  	s7 =	sadd.f32 s7, s25;
	s25 =	smul.f32 s21, s24  }
0x4dc: {  	s24 =	smul.f32 s22, s23;
	s23 =	sld [smem:$0x7EF]  }
0x4dd: {  	s10 =	sadd.f32 s10, s3  }
0x4de: {  	s3 =	sld [smem:$0x7E4]  }
0x4df: {  	s7 =	sadd.f32 s7, s25  }
0x4e0: {  	v23 =	vadd.f32 v39, v38;
	v24 =	vadd.f32 v41, v40;
	s10 =	sadd.f32 s10, s4  }
0x4e1: {  	s4 =	smul.f32 s20, s3;
	s3 =	sld [smem:$0x7E5]  }
0x4e2: {  	v10 =	vadd.f32 v24, v23;
	s10 =	sadd.f32 s10, s28  }
0x4e3: {  	s7 =	sadd.f32 s7, s4  }
0x4e4: {  	(v2sf) =	vpush v10, $0x0;
	s4 =	sld [smem:$0x7E6];
	s25 =	smul.f32 s19, s3  }
0x4e5: {  	s28 =	smul.f32 s21, s31;
	s10 =	sadd.f32 s10, s24  }
0x4e6: {  	(v2sf) =	vpush v10, $0x1;
	s7 =	sadd.f32 s7, s25  }
0x4e7: {  	s10 =	sadd.f32 s10, s28  }
0x4e8: {  	s31 =	smul.f32 s17, s4;
	s28 =	sld [smem:$0x7E8]  }
0x4e9: {  	(v2sf) =	vpush v10, $0x2;
	s21 =	smul.f32 s20, s12;
	s25 =	sld [smem:$0x7F0]  }
0x4ea: {  	s22 =	smul.f32 s18, s2;
	s7 =	sadd.f32 s7, s31  }
0x4eb: {  	s12 =	smul.f32 s19, s23;
	s10 =	sadd.f32 s10, s21  }
0x4ec: {  	s31 =	sld [smem:$0x7FA];
	s24 =	smul.f32 s0, s28  }
0x4ed: {  	s0 =	smul.f32 s0, s29;
	s29 =	sld [smem:$0x7FB]  }
0x4ee: {  	s6 =	smax.f32 s6, $0.0e+00;
	s7 =	sadd.f32 s7, s22  }
0x4ef: {  	s10 =	sadd.f32 s10, s12;
	s12 =	smul.f32 s17, s25  }
0x4f0: {  	s6 =	smul.f32 s6, s31;
	s31 =	sld [smem:$0x7F3]  }
0x4f1: {  	s7 =	sadd.f32 s7, s24  }
0x4f2: {  	s20 =	smul.f32 s18, s30;
	s19 =	sadd.f32 s10, s12  }
0x4f3: {  	s25 =	spop (v2sf);
	s12 =	rddreg [dreg:$0xd]  }
0x4f4: {  	(v2sf) =	vpush v10, $0x3;
	s10 =	smul.f32 s25, s16;
	s16 =	sld [smem:$0x7F4]  }
0x4f5: {  	(v2sf) =	vpush v10, $0x4;
	s24 =	spop (v2sf);
	s1 =	sadd.f32 s1, s6  }
0x4f6: {  	s21 =	smax.f32 s7, $0.0e+00;
	s22 =	sadd.f32 s19, s20  }
0x4f7: {  	s6 =	smul.f32 s21, s29;
	s29 =	rddreg [dreg:$0xb]  }
0x4f8: {  	s23 =	spop (v2sf);
	s0 =	sadd.f32 s22, s0  }
0x4f9: {  	s30 =	smul.f32 s25, s29;
	s1 =	sadd.f32 s1, s6  }
0x4fa: {  	(v2sf) =	vpush v10, $0x5;
	s6 =	smul.f32 s23, s12;
	s12 =	rddreg [dreg:$0x17]  }
0x4fb: {  	(v2sf) =	vpush v10, $0x6;
	s0 =	smax.f32 s0, $0.0e+00;
	s7 =	sadd.f32 s30, s31  }
0x4fc: {  	s0 =	smul.f32 s0, s9;
	s9 =	rddreg [dreg:$0xc]  }
0x4fd: {  	s30 =	rddreg [dreg:$0x16];
	s8 =	smul.f32 s24, s9  }
0x4fe: {  	s0 =	sadd.f32 s1, s0  }
0x4ff: {  	s1 =	sadd.f32 s7, s8  }
0x500: {  	s7 =	sadd.f32 s10, s16  }
0x501: {  	s16 =	rddreg [dreg:$0xe]  }
0x502: {  	s8 =	smul.f32 s24, s30;
	s30 =	rddreg [dreg:$0xf]  }
0x503: {  	(v2sf) =	vpush v10, $0x7;
	s22 =	spop (v2sf);
	[smem:$0x7CB] =	sst s0  }
0x504: {  	s21 =	spop (v2sf);
	s1 =	sadd.f32 s1, s6  }
0x505: {  	s10 =	smul.f32 s22, s16;
	s7 =	sadd.f32 s7, s8  }
0x506: {  	(v2sf) =	vpush v10, $0x8;
	s8 =	smul.f32 s23, s12;
	s12 =	rddreg [dreg:$0x10]  }
0x507: {  	s6 =	smul.f32 s21, s30;
	s30 =	rddreg [dreg:$0x19]  }
0x508: {  	s1 =	sadd.f32 s1, s10  }
0x509: {  	s20 =	spop (v2sf);
	s7 =	sadd.f32 s7, s8  }
0x50a: {  	(v2sf) =	vpush v10, $0x9;
	s19 =	spop (v2sf);
	s10 =	rddreg [dreg:$0x18]  }
0x50b: {  	s8 =	smul.f32 s22, s10;
	s10 =	rddreg [dreg:$0x11]  }
0x50c: {  	s1 =	sadd.f32 s1, s6;
	s6 =	smul.f32 s20, s12  }
0x50d: {  	s12 =	smul.f32 s20, s15;
	s15 =	rddreg [dreg:$0x12]  }
0x50e: {  	s7 =	sadd.f32 s7, s8;
	s8 =	smul.f32 s21, s30  }
0x50f: {  	s30 =	smul.f32 s19, s11;
	s11 =	rddreg [dreg:$0x13]  }
0x510: {  	s1 =	sadd.f32 s1, s6;
	s6 =	smul.f32 s19, s10  }
0x511: {  	s7 =	sadd.f32 s7, s8  }
0x512: {  	s18 =	spop (v2sf);
	s1 =	sadd.f32 s1, s6  }
0x513: {  	s6 =	smul.f32 s18, s15;
	s15 =	rddreg [dreg:$0x14]  }
0x514: {  	s7 =	sadd.f32 s7, s12  }
0x515: {  	s0 =	spop (v2sf);
	s1 =	sadd.f32 s1, s6  }
0x516: {  	s10 =	smul.f32 s0, s11;
	s7 =	sadd.f32 s7, s30  }
0x517: {  	s30 =	rddreg [dreg:$0x1d]  }
0x518: {  	s12 =	smul.f32 s18, s26;
	s1 =	sadd.f32 s1, s10  }
0x519: {  	s17 =	spop (v2sf);
	s10 =	rddreg [dreg:$0x1f]  }
0x51a: {  	s26 =	smul.f32 s17, s15;
	s7 =	sadd.f32 s7, s12  }
0x51b: {  	s12 =	smul.f32 s17, s13;
	s13 =	sld [smem:$0x7F5]  }
0x51c: {  	s8 =	smul.f32 s0, s30;
	s1 =	sadd.f32 s1, s26  }
0x51d: {  	s6 =	smul.f32 s25, s10;
	s26 =	sld [smem:$0x7D6]  }
0x51e: {  	s7 =	sadd.f32 s7, s8  }
0x51f: {  	s6 =	sadd.f32 s6, s13  }
0x520: {  	s7 =	sadd.f32 s7, s12  }
0x521: {  	s30 =	smul.f32 s24, s26;
	s12 =	sld [smem:$0x7F8]  }
0x522: {  	_ = 	snop  }
0x523: {  	s1 =	smax.f32 s1, $0.0e+00;
	s6 =	sadd.f32 s6, s30  }
0x524: {  	s1 =	smul.f32 s1, s12;
	s12 =	sld [smem:$0x7FD]  }
0x525: {  	s30 =	sld [smem:$0x7D7];
	_ =	sdelay $0x1  }
0x526: {  	s1 =	sadd.f32 s1, s12  }
0x527: {  	s8 =	smul.f32 s23, s30;
	s12 =	sld [smem:$0x7F9]  }
0x528: {  	s10 =	sld [smem:$0x7D8]  }
0x529: {  	s7 =	smax.f32 s7, $0.0e+00;
	s6 =	sadd.f32 s6, s8  }
0x52a: {  	s7 =	smul.f32 s7, s12;
	s12 =	sld [smem:$0x7DF]  }
0x52b: {  	s8 =	smul.f32 s22, s10;
	s10 =	sld [smem:$0x7D9]  }
0x52c: {  	s1 =	sadd.f32 s1, s7  }
0x52d: {  	s7 =	smul.f32 s25, s12;
	s12 =	sld [smem:$0x7F6]  }
0x52e: {  	s6 =	sadd.f32 s6, s8  }
0x52f: {  	s8 =	smul.f32 s21, s10;
	s10 =	sld [smem:$0x7DA]  }
0x530: {  	s7 =	sadd.f32 s7, s12  }
0x531: {  	s12 =	sld [smem:$0x7E0];
	_ =	sdelay $0x1  }
0x532: {  	s6 =	sadd.f32 s6, s8;
	s8 =	smul.f32 s20, s10  }
0x533: {  	s10 =	smul.f32 s24, s12;
	s12 =	sld [smem:$0x7DB]  }
0x534: {  	_ = 	snop  }
0x535: {  	s6 =	sadd.f32 s6, s8  }
0x536: {  	s7 =	sadd.f32 s7, s10;
	s8 =	smul.f32 s19, s12  }
0x537: {  	s10 =	sld [smem:$0x7E2]  }
0x538: {  	s12 =	smul.f32 s23, s5;
	s6 =	sadd.f32 s6, s8  }
0x539: {  	s8 =	sld [smem:$0x7DC]  }
0x53a: {  	s7 =	sadd.f32 s7, s12  }
0x53b: {  	s12 =	smul.f32 s22, s10;
	s10 =	sld [smem:$0x7E3]  }
0x53c: {  	s8 =	smul.f32 s18, s8  }
0x53d: {  	s7 =	sadd.f32 s7, s12  }
0x53e: {  	s12 =	smul.f32 s21, s10;
	s6 =	sadd.f32 s6, s8  }
0x53f: {  	s8 =	sld [smem:$0x7DD]  }
0x540: {  	s7 =	sadd.f32 s7, s12  }
0x541: {  	s12 =	sld [smem:$0x7E4]  }
0x542: {  	s5 =	sld [smem:$0x7DE]  }
0x543: {  	s8 =	smul.f32 s0, s8  }
0x544: {  	s10 =	smul.f32 s20, s12;
	s12 =	sld [smem:$0x7E9]  }
0x545: {  	s6 =	sadd.f32 s6, s8;
	s8 =	smul.f32 s17, s5  }
0x546: {  	s7 =	sadd.f32 s7, s10;
	s10 =	smul.f32 s19, s3  }
0x547: {  	s3 =	smul.f32 s18, s4;
	s4 =	sld [smem:$0x7EB]  }
0x548: {  	s6 =	sadd.f32 s6, s8  }
0x549: {  	s8 =	smul.f32 s25, s12;
	s25 =	sld [smem:$0x7F7]  }
0x54a: {  	s12 =	sld [smem:$0x7EA]  }
0x54b: {  	s7 =	sadd.f32 s7, s10  }
0x54c: {  	v35 =	vadd.f32 v35, v34;
	v38 =	vadd.f32 v37, v36;
	s10 =	sld [smem:$0x7F2]  }
0x54d: {  	s7 =	sadd.f32 s7, s3  }
0x54e: {  	v10 =	vadd.f32 v38, v35;
	s8 =	sadd.f32 s8, s25;
	s25 =	smul.f32 s24, s12  }
0x54f: {  	s24 =	smul.f32 s0, s2;
	s2 =	sld [smem:$0x7EC]  }
0x550: {  	(v2sf) =	vpush v10, $0x0;
	s12 =	sld [smem:$0x7ED]  }
0x551: {  	s8 =	sadd.f32 s8, s25  }
0x552: {  	s28 =	smul.f32 s17, s28;
	s7 =	sadd.f32 s7, s24  }
0x553: {  	(v2sf) =	vpush v10, $0x1;
	s23 =	smul.f32 s23, s4;
	s24 =	sld [smem:$0x7FA]  }
0x554: {  	s25 =	smul.f32 s22, s2;
	s22 =	sld [smem:$0x7EE]  }
0x555: {  	(v2sf) =	vpush v10, $0x2;
	s8 =	sadd.f32 s8, s23  }
0x556: {  	s6 =	smax.f32 s6, $0.0e+00;
	s7 =	sadd.f32 s7, s28  }
0x557: {  	s6 =	smul.f32 s6, s24;
	s8 =	sadd.f32 s8, s25  }
0x558: {  	s25 =	sld [smem:$0x7EF]  }
0x559: {  	(v2sf) =	vpush v10, $0x3;
	s21 =	smul.f32 s21, s12;
	s1 =	sadd.f32 s1, s6  }
0x55a: {  	(v2sf) =	vpush v10, $0x4;
	s6 =	sld [smem:$0x7FB]  }
0x55b: {  	s23 =	smul.f32 s20, s22;
	s8 =	sadd.f32 s8, s21  }
0x55c: {  	(v2sf) =	vpush v10, $0x5;
	s7 =	smax.f32 s7, $0.0e+00;
	s20 =	sld [smem:$0x7F0]  }
0x55d: {  	s28 =	smul.f32 s19, s25;
	s8 =	sadd.f32 s8, s23  }
0x55e: {  	s12 =	smul.f32 s7, s6;
	s7 =	rddreg [dreg:$0x10]  }
0x55f: {  	s25 =	spop (v2sf);
	s19 =	sadd.f32 s8, s28  }
0x560: {  	s3 =	smul.f32 s25, s29;
	s1 =	sadd.f32 s1, s12  }
0x561: {  	s21 =	smul.f32 s18, s20;
	s28 =	sld [smem:$0x7F1]  }
0x562: {  	(v2sf) =	vpush v10, $0x6;
	s24 =	spop (v2sf);
	s8 =	sadd.f32 s3, s31  }
0x563: {  	(v2sf) =	vpush v10, $0x7;
	s9 =	smul.f32 s24, s9;
	s31 =	sld [smem:$0x7FC]  }
0x564: {  	s23 =	spop (v2sf);
	s22 =	sadd.f32 s19, s21  }
0x565: {  	(v2sf) =	vpush v10, $0x8;
	s12 =	smul.f32 s17, s10;
	s6 =	sadd.f32 s8, s9  }
0x566: {  	s9 =	rddreg [dreg:$0xd];
	s0 =	smul.f32 s0, s28  }
0x567: {  	s17 =	smul.f32 s23, s9;
	s28 =	rddreg [dreg:$0xf]  }
0x568: {  	(v2sf) =	vpush v10, $0x9;
	s0 =	sadd.f32 s22, s0;
	s22 =	spop (v2sf)  }
0x569: {  	s6 =	sadd.f32 s6, s17;
	s21 =	spop (v2sf)  }
0x56a: {  	s18 =	smul.f32 s22, s16;
	s0 =	sadd.f32 s0, s12  }
0x56b: {  	s20 =	spop (v2sf);
	s12 =	rddreg [dreg:$0x11]  }
0x56c: {  	s29 =	smul.f32 s21, s28;
	s6 =	sadd.f32 s6, s18  }
0x56d: {  	s28 =	rddreg [dreg:$0x15];
	s8 =	smul.f32 s20, s7  }
0x56e: {  	s0 =	smax.f32 s0, $0.0e+00;
	s6 =	sadd.f32 s6, s29  }
0x56f: {  	s0 =	smul.f32 s0, s31;
	s31 =	sld [smem:$0x7F4]  }
0x570: {  	s29 =	smul.f32 s25, s28;
	s28 =	rddreg [dreg:$0x17]  }
0x571: {  	s19 =	spop (v2sf);
	s0 =	sadd.f32 s1, s0  }
0x572: {  	s18 =	spop (v2sf);
	s10 =	sadd.f32 s6, s8  }
0x573: {  	s16 =	smul.f32 s19, s12;
	s6 =	rddreg [dreg:$0x12]  }
0x574: {  	s17 =	spop (v2sf);
	s7 =	sadd.f32 s29, s31  }
0x575: {  	s29 =	smul.f32 s23, s28;
	s28 =	rddreg [dreg:$0x18]  }
0x576: {  	s8 =	smul.f32 s18, s6;
	[smem:$0x7CC] =	sst s0  }
0x577: {  	s0 =	spop (v2sf);
	s1 =	sadd.f32 s10, s16  }
0x578: {  	s10 =	rddreg [dreg:$0x16];
	s16 =	smul.f32 s17, s11  }
0x579: {  	s11 =	rddreg [dreg:$0x1f];
	s12 =	smul.f32 s24, s10  }
0x57a: {  	s3 =	smul.f32 s0, s15;
	s15 =	rddreg [dreg:$0x19]  }
0x57b: {  	s1 =	sadd.f32 s1, s8  }
0x57c: {  	s7 =	sadd.f32 s7, s12  }
0x57d: {  	s12 =	smul.f32 s25, s11;
	s11 =	rddreg [dreg:$0x1a]  }
0x57e: {  	s1 =	sadd.f32 s1, s16  }
0x57f: {  	s7 =	sadd.f32 s7, s29  }
0x580: {  	s6 =	sadd.f32 s12, s13  }
0x581: {  	s26 =	smul.f32 s24, s26;
	s13 =	sld [smem:$0x7D8]  }
0x582: {  	s10 =	smul.f32 s22, s28;
	s1 =	sadd.f32 s1, s3  }
0x583: {  	s3 =	smul.f32 s23, s30;
	s30 =	sld [smem:$0x7D9]  }
0x584: {  	s7 =	sadd.f32 s7, s10  }
0x585: {  	s6 =	sadd.f32 s6, s26  }
0x586: {  	s16 =	smul.f32 s21, s15;
	s26 =	rddreg [dreg:$0x1c]  }
0x587: {  	s15 =	smul.f32 s22, s13;
	s13 =	sld [smem:$0x7DA]  }
0x588: {  	s7 =	sadd.f32 s7, s16  }
0x589: {  	s16 =	rddreg [dreg:$0x1b]  }
0x58a: {  	s29 =	smul.f32 s20, s11;
	s6 =	sadd.f32 s6, s3  }
0x58b: {  	s3 =	smul.f32 s21, s30;
	s30 =	sld [smem:$0x7DB]  }
0x58c: {  	s7 =	sadd.f32 s7, s29  }
0x58d: {  	s12 =	smul.f32 s19, s16;
	s6 =	sadd.f32 s6, s15  }
0x58e: {  	s10 =	smul.f32 s19, s30;
	s30 =	sld [smem:$0x7DC]  }
0x58f: {  	s7 =	sadd.f32 s7, s12  }
0x590: {  	s29 =	smul.f32 s18, s26;
	s6 =	sadd.f32 s6, s3  }
0x591: {  	s3 =	rddreg [dreg:$0x1e]  }
0x592: {  	s15 =	smul.f32 s20, s13;
	s7 =	sadd.f32 s7, s29  }
0x593: {  	s29 =	rddreg [dreg:$0x1d]  }
0x594: {  	s6 =	sadd.f32 s6, s15  }
0x595: {  	s15 =	sld [smem:$0x7F6];
	s12 =	smul.f32 s17, s29  }
0x596: {  	s6 =	sadd.f32 s6, s10  }
0x597: {  	s26 =	smul.f32 s0, s3;
	s7 =	sadd.f32 s7, s12  }
0x598: {  	s12 =	sld [smem:$0x7DF]  }
0x599: {  	s7 =	sadd.f32 s7, s26  }
0x59a: {  	s13 =	smul.f32 s18, s30;
	s26 =	sld [smem:$0x7E0]  }
0x59b: {  	s8 =	smul.f32 s25, s12  }
0x59c: {  	s6 =	sadd.f32 s6, s13  }
0x59d: {  	s8 =	sadd.f32 s8, s15;
	s12 =	smul.f32 s24, s26  }
0x59e: {  	s15 =	sld [smem:$0x7F8]  }
0x59f: {  	s8 =	sadd.f32 s8, s12  }
0x5a0: {  	s1 =	smax.f32 s1, $0.0e+00;
	s12 =	sld [smem:$0x7DD]  }
0x5a1: {  	s13 =	sld [smem:$0x7E1];
	s26 =	smul.f32 s0, s5  }
0x5a2: {  	s1 =	smul.f32 s1, s15;
	s15 =	sld [smem:$0x7FD]  }
0x5a3: {  	s5 =	sld [smem:$0x7E2];
	s10 =	smul.f32 s17, s12  }
0x5a4: {  	s12 =	smul.f32 s23, s13;
	s13 =	sld [smem:$0x7E3]  }
0x5a5: {  	s1 =	sadd.f32 s1, s15  }
0x5a6: {  	s15 =	sld [smem:$0x7E9]  }
0x5a7: {  	s6 =	sadd.f32 s6, s10  }
0x5a8: {  	s7 =	smax.f32 s7, $0.0e+00;
	s8 =	sadd.f32 s8, s12  }
0x5a9: {  	s12 =	smul.f32 s22, s5;
	s10 =	sld [smem:$0x7F9]  }
0x5aa: {  	s5 =	smul.f32 s22, s2;
	s22 =	sld [smem:$0x7E7]  }
0x5ab: {  	s6 =	sadd.f32 s6, s26;
	s26 =	smul.f32 s25, s15  }
0x5ac: {  	s8 =	sadd.f32 s8, s12;
	s7 =	smul.f32 s7, s10  }
0x5ad: {  	s25 =	sld [smem:$0x7EA];
	s10 =	smul.f32 s21, s13  }
0x5ae: {  	s13 =	sld [smem:$0x7F7]  }
0x5af: {  	s8 =	sadd.f32 s8, s10  }
0x5b0: {  	s10 =	sld [smem:$0x7E4]  }
0x5b1: {  	s12 =	sadd.f32 s26, s13;
	s26 =	smul.f32 s24, s25  }
0x5b2: {  	s2 =	sld [smem:$0x7EE]  }
0x5b3: {  	s10 =	smul.f32 s20, s10;
	s12 =	sadd.f32 s12, s26  }
0x5b4: {  	v39 =	vadd.f32 v31, v30;
	v40 =	vadd.f32 v33, v32;
	s26 =	sld [smem:$0x7E6]  }
0x5b5: {  	s8 =	sadd.f32 s8, s10  }
0x5b6: {  	v10 =	vadd.f32 v40, v39;
	s25 =	smul.f32 s23, s4;
	s10 =	sld [smem:$0x7E5]  }
0x5b7: {  	s1 =	sadd.f32 s1, s7  }
0x5b8: {  	(v2sf) =	vpush v10, $0x0;
	s12 =	sadd.f32 s12, s25;
	s4 =	smul.f32 s18, s26  }
0x5b9: {  	s26 =	sld [smem:$0x7E8];
	s24 =	smul.f32 s19, s10  }
0x5ba: {  	s12 =	sadd.f32 s12, s5  }
0x5bb: {  	s8 =	sadd.f32 s8, s24  }
0x5bc: {  	s24 =	sld [smem:$0x7ED]  }
0x5bd: {  	s23 =	smul.f32 s17, s22;
	s8 =	sadd.f32 s8, s4  }
0x5be: {  	(v2sf) =	vpush v10, $0x1;
	s4 =	smul.f32 s0, s26;
	s26 =	sld [smem:$0x7F0]  }
0x5bf: {  	s25 =	smul.f32 s21, s24;
	s21 =	sld [smem:$0x7EF]  }
0x5c0: {  	s8 =	sadd.f32 s8, s23  }
0x5c1: {  	(v2sf) =	vpush v10, $0x2;
	s23 =	sld [smem:$0x7FA]  }
0x5c2: {  	(v2sf) =	vpush v10, $0x3;
	s5 =	smul.f32 s20, s2;
	s12 =	sadd.f32 s12, s25  }
0x5c3: {  	s6 =	smax.f32 s6, $0.0e+00;
	s8 =	sadd.f32 s8, s4  }
0x5c4: {  	s22 =	smul.f32 s19, s21;
	s20 =	sadd.f32 s12, s5  }
0x5c5: {  	(v2sf) =	vpush v10, $0x4;
	s6 =	smul.f32 s6, s23;
	s12 =	sld [smem:$0x7F1]  }
0x5c6: {  	(v2sf) =	vpush v10, $0x5;
	s5 =	smul.f32 s18, s26;
	s18 =	rddreg [dreg:$0xb]  }
0x5c7: {  	(v2sf) =	vpush v10, $0x6;
	s23 =	spop (v2sf);
	s26 =	rddreg [dreg:$0xc]  }
0x5c8: {  	s19 =	smul.f32 s23, s18;
	s18 =	sld [smem:$0x7FC]  }
0x5c9: {  	s25 =	sadd.f32 s20, s22  }
0x5ca: {  	s1 =	sadd.f32 s1, s6  }
0x5cb: {  	s24 =	smax.f32 s8, $0.0e+00;
	s6 =	sld [smem:$0x7FB]  }
0x5cc: {  	s20 =	sld [smem:$0x7F3];
	s13 =	smul.f32 s17, s12  }
0x5cd: {  	s10 =	sadd.f32 s25, s5;
	s25 =	spop (v2sf)  }
0x5ce: {  	(v2sf) =	vpush v10, $0x7;
	s5 =	sld [smem:$0x7F2];
	s7 =	smul.f32 s24, s6  }
0x5cf: {  	s4 =	smul.f32 s25, s26;
	s26 =	rddreg [dreg:$0xf]  }
0x5d0: {  	s24 =	spop (v2sf);
	s17 =	sadd.f32 s10, s13  }
0x5d1: {  	s22 =	spop (v2sf);
	s13 =	rddreg [dreg:$0xe]  }
0x5d2: {  	s12 =	smul.f32 s24, s9;
	s9 =	rddreg [dreg:$0x15]  }
0x5d3: {  	s1 =	sadd.f32 s1, s7;
	s0 =	smul.f32 s0, s5  }
0x5d4: {  	s21 =	spop (v2sf);
	s7 =	sadd.f32 s19, s20  }
0x5d5: {  	s20 =	spop (v2sf);
	s0 =	sadd.f32 s17, s0  }
0x5d6: {  	(v2sf) =	vpush v10, $0x8;
	s10 =	sadd.f32 s7, s4;
	s19 =	spop (v2sf)  }
0x5d7: {  	(v2sf) =	vpush v10, $0x9;
	s17 =	smul.f32 s22, s13;
	s7 =	rddreg [dreg:$0x10]  }
0x5d8: {  	s4 =	smul.f32 s21, s26;
	s26 =	rddreg [dreg:$0x16]  }
0x5d9: {  	s8 =	smul.f32 s20, s7;
	s6 =	sadd.f32 s10, s12  }
0x5da: {  	s0 =	smax.f32 s0, $0.0e+00;
	s12 =	rddreg [dreg:$0x11]  }
0x5db: {  	s10 =	smul.f32 s23, s9;
	s9 =	rddreg [dreg:$0x12]  }
0x5dc: {  	s0 =	smul.f32 s0, s18;
	s6 =	sadd.f32 s6, s17  }
0x5dd: {  	s18 =	spop (v2sf);
	s7 =	sadd.f32 s10, s31  }
0x5de: {  	s10 =	smul.f32 s18, s9;
	s9 =	rddreg [dreg:$0x17]  }
0x5df: {  	s31 =	smul.f32 s25, s26;
	s0 =	sadd.f32 s1, s0  }
0x5e0: {  	s6 =	sadd.f32 s6, s4  }
0x5e1: {  	s7 =	sadd.f32 s7, s31  }
0x5e2: {  	s13 =	smul.f32 s19, s12;
	s31 =	rddreg [dreg:$0x14]  }
0x5e3: {  	s12 =	smul.f32 s24, s9;
	[smem:$0x7CD] =	sst s0  }
0x5e4: {  	s1 =	sadd.f32 s6, s8  }
0x5e5: {  	s17 =	spop (v2sf);
	s7 =	sadd.f32 s7, s12  }
0x5e6: {  	s0 =	spop (v2sf);
	s12 =	rddreg [dreg:$0x1f]  }
0x5e7: {  	s4 =	smul.f32 s0, s31;
	s31 =	sld [smem:$0x7F5]  }
0x5e8: {  	s1 =	sadd.f32 s1, s13  }
0x5e9: {  	s28 =	smul.f32 s22, s28;
	s13 =	rddreg [dreg:$0x13]  }
0x5ea: {  	s26 =	smul.f32 s17, s13;
	s1 =	sadd.f32 s1, s10  }
0x5eb: {  	s7 =	sadd.f32 s7, s28  }
0x5ec: {  	s13 =	smul.f32 s23, s12;
	s1 =	sadd.f32 s1, s26  }
0x5ed: {  	s26 =	rddreg [dreg:$0x19]  }
0x5ee: {  	s6 =	sadd.f32 s13, s31;
	s10 =	smul.f32 s21, s26  }
0x5ef: {  	s1 =	sadd.f32 s1, s4  }
0x5f0: {  	s7 =	sadd.f32 s7, s10  }
0x5f1: {  	s28 =	smul.f32 s20, s11;
	s10 =	sld [smem:$0x7D6]  }
0x5f2: {  	s13 =	sld [smem:$0x7D7]  }
0x5f3: {  	s7 =	sadd.f32 s7, s28  }
0x5f4: {  	s12 =	smul.f32 s19, s16;
	s28 =	rddreg [dreg:$0x1c]  }
0x5f5: {  	s8 =	sld [smem:$0x7DE];
	s11 =	smul.f32 s25, s10  }
0x5f6: {  	s10 =	sld [smem:$0x7DB];
	s16 =	smul.f32 s24, s13  }
0x5f7: {  	s7 =	sadd.f32 s7, s12;
	s13 =	smul.f32 s17, s29  }
0x5f8: {  	s29 =	smul.f32 s0, s3;
	s3 =	sld [smem:$0x7DF]  }
0x5f9: {  	s31 =	smul.f32 s18, s28;
	s6 =	sadd.f32 s6, s11  }
0x5fa: {  	s11 =	sld [smem:$0x7D8]  }
0x5fb: {  	s7 =	sadd.f32 s7, s31  }
0x5fc: {  	s31 =	sld [smem:$0x7DA]  }
0x5fd: {  	s6 =	sadd.f32 s6, s16  }
0x5fe: {  	s16 =	sld [smem:$0x7D9]  }
0x5ff: {  	s12 =	smul.f32 s22, s11;
	s7 =	sadd.f32 s7, s13  }
0x600: {  	s13 =	sld [smem:$0x7DD]  }
0x601: {  	s6 =	sadd.f32 s6, s12  }
0x602: {  	s1 =	smax.f32 s1, $0.0e+00;
	s7 =	sadd.f32 s7, s29  }
0x603: {  	s28 =	smul.f32 s21, s16;
	s29 =	sld [smem:$0x7F8]  }
0x604: {  	s12 =	smul.f32 s18, s30;
	s30 =	sld [smem:$0x7F9]  }
0x605: {  	s4 =	smul.f32 s20, s31;
	s6 =	sadd.f32 s6, s28  }
0x606: {  	s11 =	smul.f32 s19, s10;
	s28 =	sld [smem:$0x7FD]  }
0x607: {  	s16 =	smul.f32 s17, s13;
	s6 =	sadd.f32 s6, s4  }
0x608: {  	s13 =	sld [smem:$0x7E1];
	s1 =	smul.f32 s1, s29  }
0x609: {  	s6 =	sadd.f32 s6, s11  }
0x60a: {  	s1 =	sadd.f32 s1, s28  }
0x60b: {  	s6 =	sadd.f32 s6, s12  }
0x60c: {  	s31 =	smul.f32 s23, s3;
	s11 =	sld [smem:$0x7E0]  }
0x60d: {  	s7 =	smax.f32 s7, $0.0e+00;
	s6 =	sadd.f32 s6, s16  }
0x60e: {  	s7 =	smul.f32 s7, s30;
	s16 =	sld [smem:$0x7F6]  }
0x60f: {  	s4 =	smul.f32 s23, s15;
	s15 =	sld [smem:$0x7EA]  }
0x610: {  	s10 =	smul.f32 s0, s8;
	s1 =	sadd.f32 s1, s7  }
0x611: {  	s12 =	smul.f32 s25, s11;
	s7 =	sadd.f32 s31, s16  }
0x612: {  	s31 =	smul.f32 s24, s13;
	s13 =	sld [smem:$0x7F7]  }
0x613: {  	s6 =	sadd.f32 s6, s10  }
0x614: {  	s7 =	sadd.f32 s7, s12  }
0x615: {  	s10 =	sadd.f32 s4, s13  }
0x616: {  	s7 =	sadd.f32 s7, s31  }
0x617: {  	s31 =	sld [smem:$0x7E2]  }
0x618: {  	s23 =	smul.f32 s25, s15;
	s4 =	sld [smem:$0x7E3]  }
0x619: {  	s13 =	sld [smem:$0x7EB]  }
0x61a: {  	s10 =	sadd.f32 s10, s23;
	s12 =	smul.f32 s22, s31  }
0x61b: {  	s23 =	sld [smem:$0x7EC]  }
0x61c: {  	s25 =	smul.f32 s21, s4;
	s7 =	sadd.f32 s7, s12  }
0x61d: {  	s12 =	smul.f32 s24, s13;
	s13 =	sld [smem:$0x7E4]  }
0x61e: {  	s24 =	sld [smem:$0x7E5]  }
0x61f: {  	s7 =	sadd.f32 s7, s25  }
0x620: {  	s10 =	sadd.f32 s10, s12  }
0x621: {  	s25 =	sld [smem:$0x7ED]  }
0x622: {  	s12 =	smul.f32 s22, s23;
	s22 =	sld [smem:$0x7EF]  }
0x623: {  	s23 =	sld [smem:$0x7E8];
	s15 =	smul.f32 s20, s13  }
0x624: {  	s20 =	smul.f32 s20, s2;
	s2 =	sld [smem:$0x7E7]  }
0x625: {  	s8 =	smul.f32 s19, s24;
	s24 =	sld [smem:$0x7F0]  }
0x626: {  	s10 =	sadd.f32 s10, s12  }
0x627: {  	v42 =	vadd.f32 v29, v28;
	v41 =	vadd.f32 v27, v26;
	s7 =	sadd.f32 s7, s15  }
0x628: {  	s15 =	sld [smem:$0x7E6]  }
0x629: {  	v10 =	vadd.f32 v42, v41;
	s12 =	smul.f32 s21, s25;
	s25 =	sld [smem:$0x7FA]  }
0x62a: {  	s7 =	sadd.f32 s7, s8  }
0x62b: {  	(v2sf) =	vpush v10, $0x0;
	s10 =	sadd.f32 s10, s12  }
0x62c: {  	(v2sf) =	vpush v10, $0x1;
	s12 =	smul.f32 s19, s22;
	s19 =	rddreg [dreg:$0xb]  }
0x62d: {  	s6 =	smax.f32 s6, $0.0e+00;
	s22 =	sld [smem:$0x7F3]  }
0x62e: {  	s8 =	smul.f32 s18, s15;
	s15 =	sld [smem:$0x7F1]  }
0x62f: {  	(v2sf) =	vpush v10, $0x2;
	s6 =	smul.f32 s6, s25;
	s10 =	sadd.f32 s10, s20  }
0x630: {  	s7 =	sadd.f32 s7, s8  }
0x631: {  	s8 =	smul.f32 s0, s23;
	s1 =	sadd.f32 s1, s6  }
0x632: {  	s0 =	smul.f32 s0, s5;
	s5 =	sld [smem:$0x7FC]  }
0x633: {  	s21 =	smul.f32 s17, s2;
	s10 =	sadd.f32 s10, s12  }
0x634: {  	s12 =	smul.f32 s18, s24;
	s24 =	rddreg [dreg:$0xc]  }
0x635: {  	(v2sf) =	vpush v10, $0x3;
	s7 =	sadd.f32 s7, s21  }
0x636: {  	s12 =	sadd.f32 s10, s12  }
0x637: {  	(v2sf) =	vpush v10, $0x4;
	s10 =	smul.f32 s17, s15;
	s15 =	sld [smem:$0x7FB]  }
0x638: {  	s7 =	sadd.f32 s7, s8  }
0x639: {  	s8 =	rddreg [dreg:$0x15]  }
0x63a: {  	s25 =	spop (v2sf);
	s18 =	sadd.f32 s12, s10  }
0x63b: {  	s23 =	spop (v2sf);
	s10 =	rddreg [dreg:$0xd]  }
0x63c: {  	s17 =	smax.f32 s7, $0.0e+00;
	s7 =	smul.f32 s23, s24  }
0x63d: {  	s24 =	rddreg [dreg:$0xe];
	s6 =	smul.f32 s17, s15  }
0x63e: {  	s21 =	spop (v2sf);
	s0 =	sadd.f32 s18, s0  }
0x63f: {  	(v2sf) =	vpush v10, $0x5;
	s12 =	smul.f32 s21, s10;
	s1 =	sadd.f32 s1, s6  }
0x640: {  	s6 =	smul.f32 s25, s19;
	s0 =	smax.f32 s0, $0.0e+00  }
0x641: {  	(v2sf) =	vpush v10, $0x6;
	s10 =	rddreg [dreg:$0xf];
	s0 =	smul.f32 s0, s5  }
0x642: {  	s6 =	sadd.f32 s6, s22  }
0x643: {  	s0 =	sadd.f32 s1, s0  }
0x644: {  	(v2sf) =	vpush v10, $0x7;
	s20 =	spop (v2sf);
	s6 =	sadd.f32 s6, s7  }
0x645: {  	s7 =	smul.f32 s25, s8;
	s8 =	rddreg [dreg:$0x1c]  }
0x646: {  	s17 =	spop (v2sf);
	[smem:$0x7CF] =	sst s0  }
0x647: {  	s5 =	smul.f32 s20, s24;
	s22 =	sadd.f32 s6, s12  }
0x648: {  	s6 =	smul.f32 s17, s10;
	s12 =	sld [smem:$0x7F4]  }
0x649: {  	(v2sf) =	vpush v10, $0x8;
	s10 =	smul.f32 s21, s9;
	s9 =	rddreg [dreg:$0x12]  }
0x64a: {  	s1 =	sadd.f32 s22, s5  }
0x64b: {  	s22 =	rddreg [dreg:$0x16]  }
0x64c: {  	s5 =	rddreg [dreg:$0x10]  }
0x64d: {  	(v2sf) =	vpush v10, $0x9;
	s7 =	sadd.f32 s7, s12  }
0x64e: {  	s19 =	spop (v2sf);
	s12 =	rddreg [dreg:$0x11]  }
0x64f: {  	s24 =	smul.f32 s23, s22;
	s22 =	rddreg [dreg:$0x18]  }
0x650: {  	s18 =	spop (v2sf);
	s1 =	sadd.f32 s1, s6  }
0x651: {  	s6 =	smul.f32 s19, s5;
	s7 =	sadd.f32 s7, s24  }
0x652: {  	s24 =	smul.f32 s20, s22;
	s22 =	rddreg [dreg:$0x13]  }
0x653: {  	s0 =	spop (v2sf);
	s1 =	sadd.f32 s1, s6  }
0x654: {  	s6 =	smul.f32 s18, s12;
	s7 =	sadd.f32 s7, s10  }
0x655: {  	s10 =	smul.f32 s0, s9;
	s9 =	rddreg [dreg:$0x1a]  }
0x656: {  	s1 =	sadd.f32 s1, s6  }
0x657: {  	s12 =	smul.f32 s17, s26;
	s7 =	sadd.f32 s7, s24  }
0x658: {  	s24 =	spop (v2sf);
	s1 =	sadd.f32 s1, s10  }
0x659: {  	s10 =	smul.f32 s19, s9;
	s9 =	rddreg [dreg:$0x1b]  }
0x65a: {  	s26 =	smul.f32 s24, s22;
	s7 =	sadd.f32 s7, s12  }
0x65b: {  	s12 =	rddreg [dreg:$0x14]  }
0x65c: {  	s22 =	spop (v2sf);
	s1 =	sadd.f32 s1, s26  }
0x65d: {  	s26 =	smul.f32 s22, s12;
	s12 =	rddreg [dreg:$0x1f]  }
0x65e: {  	s7 =	sadd.f32 s7, s10;
	s10 =	smul.f32 s18, s9  }
0x65f: {  	s9 =	smul.f32 s0, s8;
	s8 =	rddreg [dreg:$0x1d]  }
0x660: {  	s1 =	sadd.f32 s1, s26  }
0x661: {  	s26 =	smul.f32 s25, s12;
	s12 =	sld [smem:$0x7D6]  }
0x662: {  	s7 =	sadd.f32 s7, s10  }
0x663: {  	s10 =	sld [smem:$0x7F5]  }
0x664: {  	s7 =	sadd.f32 s7, s9  }
0x665: {  	s9 =	smul.f32 s24, s8;
	s8 =	rddreg [dreg:$0x1e]  }
0x666: {  	s1 =	smax.f32 s1, $0.0e+00;
	s6 =	sadd.f32 s26, s10  }
0x667: {  	s26 =	smul.f32 s23, s12;
	s12 =	sld [smem:$0x7D7]  }
0x668: {  	s1 =	smul.f32 s1, s29;
	s10 =	sld [smem:$0x7D8]  }
0x669: {  	s7 =	sadd.f32 s7, s9  }
0x66a: {  	s1 =	sadd.f32 s1, s28  }
0x66b: {  	s9 =	smul.f32 s22, s8;
	s28 =	sld [smem:$0x7DB]  }
0x66c: {  	s6 =	sadd.f32 s6, s26;
	s26 =	smul.f32 s21, s12  }
0x66d: {  	s7 =	sadd.f32 s7, s9  }
0x66e: {  	s12 =	smul.f32 s20, s10;
	s6 =	sadd.f32 s6, s26  }
0x66f: {  	s7 =	smax.f32 s7, $0.0e+00;
	s26 =	sld [smem:$0x7D9]  }
0x670: {  	s7 =	smul.f32 s7, s30;
	s30 =	sld [smem:$0x7E1]  }
0x671: {  	s9 =	smul.f32 s25, s3;
	s6 =	sadd.f32 s6, s12  }
0x672: {  	s12 =	smul.f32 s23, s11;
	s11 =	sld [smem:$0x7DE]  }
0x673: {  	s29 =	smul.f32 s17, s26;
	s26 =	sld [smem:$0x7DA]  }
0x674: {  	s1 =	sadd.f32 s1, s7  }
0x675: {  	s7 =	sadd.f32 s9, s16  }
0x676: {  	s16 =	sld [smem:$0x7DC];
	s9 =	smul.f32 s20, s31  }
0x677: {  	s31 =	smul.f32 s19, s13;
	s13 =	sld [smem:$0x7EB]  }
0x678: {  	s6 =	sadd.f32 s6, s29  }
0x679: {  	s3 =	smul.f32 s21, s30;
	s7 =	sadd.f32 s7, s12  }
0x67a: {  	s29 =	smul.f32 s0, s16;
	s16 =	sld [smem:$0x7DD]  }
0x67b: {  	s5 =	smul.f32 s19, s26;
	s7 =	sadd.f32 s7, s3  }
0x67c: {  	s3 =	sld [smem:$0x7EA]  }
0x67d: {  	s10 =	smul.f32 s18, s28;
	s6 =	sadd.f32 s6, s5  }
0x67e: {  	s7 =	sadd.f32 s7, s9  }
0x67f: {  	s6 =	sadd.f32 s6, s10  }
0x680: {  	s9 =	smul.f32 s23, s3;
	s10 =	sld [smem:$0x7E5]  }
0x681: {  	s23 =	smul.f32 s21, s13;
	s13 =	sld [smem:$0x7E8]  }
0x682: {  	v43 =	vld [tilespmem:$0x1FFD0];
	s5 =	smul.f32 s24, s16;
	s6 =	sadd.f32 s6, s29  }
0x683: {  	v44 =	vld [tilespmem:$0x1FFE0];
	s29 =	smul.f32 s17, s4;
	s4 =	sld [smem:$0x7F7]  }
0x684: {  	v45 =	vld [tilespmem:$0x1FFF0];
	s6 =	sadd.f32 s6, s5  }
0x685: {  	s12 =	smul.f32 s22, s11;
	s5 =	sld [smem:$0x7E9]  }
0x686: {  	s7 =	sadd.f32 s7, s29  }
0x687: {  	s6 =	sadd.f32 s6, s12  }
0x688: {  	s7 =	sadd.f32 s7, s31  }
0x689: {  	v11 =	vadd.f32 v25, v45;
	v10 =	vadd.f32 v44, v43;
	s11 =	smul.f32 s18, s10;
	s12 =	sld [smem:$0x7F3]  }
0x68a: {  	s30 =	smul.f32 s25, s5;
	s25 =	sld [smem:$0x7E6]  }
0x68b: {  	v10 =	vadd.f32 v11, v10;
	s7 =	sadd.f32 s7, s11  }
0x68c: {  	s8 =	sadd.f32 s30, s4  }
0x68d: {  	(v2sf) =	vpush v10, $0x0;
	s30 =	sld [smem:$0x7EC]  }
0x68e: {  	s4 =	smul.f32 s24, s2;
	s2 =	rddreg [dreg:$0x15]  }
0x68f: {  	s29 =	smul.f32 s0, s25;
	s25 =	sld [smem:$0x7FA]  }
0x690: {  	s8 =	sadd.f32 s8, s9  }
0x691: {  	s9 =	sld [smem:$0x7ED]  }
0x692: {  	s7 =	sadd.f32 s7, s29  }
0x693: {  	s31 =	smul.f32 s20, s30;
	s20 =	sld [smem:$0x7EE]  }
0x694: {  	(v2sf) =	vpush v10, $0x1;
	s29 =	sld [smem:$0x7F0]  }
0x695: {  	(v2sf) =	vpush v10, $0x2;
	s6 =	smax.f32 s6, $0.0e+00;
	s8 =	sadd.f32 s8, s23  }
0x696: {  	s6 =	smul.f32 s6, s25;
	s7 =	sadd.f32 s7, s4  }
0x697: {  	s11 =	smul.f32 s17, s9;
	s9 =	sld [smem:$0x7EF]  }
0x698: {  	(v2sf) =	vpush v10, $0x3;
	s17 =	smul.f32 s22, s13;
	s13 =	rddreg [dreg:$0xc]  }
0x699: {  	(v2sf) =	vpush v10, $0x4;
	s8 =	sadd.f32 s8, s31  }
0x69a: {  	s1 =	sadd.f32 s1, s6  }
0x69b: {  	s31 =	sld [smem:$0x7F1]  }
0x69c: {  	s25 =	spop (v2sf);
	s7 =	sadd.f32 s7, s17  }
0x69d: {  	s21 =	smul.f32 s19, s20;
	s8 =	sadd.f32 s8, s11  }
0x69e: {  	(v2sf) =	vpush v10, $0x5;
	s23 =	smul.f32 s18, s9;
	s18 =	rddreg [dreg:$0xd]  }
0x69f: {  	s4 =	smul.f32 s24, s31;
	s31 =	rddreg [dreg:$0xf]  }
0x6a0: {  	s7 =	smax.f32 s7, $0.0e+00;
	s8 =	sadd.f32 s8, s21  }
0x6a1: {  	(v2sf) =	vpush v10, $0x6;
	s30 =	smul.f32 s7, s15;
	s15 =	sld [smem:$0x7F2]  }
0x6a2: {  	s0 =	smul.f32 s0, s29;
	s7 =	rddreg [dreg:$0x10]  }
0x6a3: {  	s24 =	spop (v2sf);
	s8 =	sadd.f32 s8, s23  }
0x6a4: {  	s21 =	spop (v2sf);
	s1 =	sadd.f32 s1, s30  }
0x6a5: {  	s17 =	smul.f32 s24, s13;
	s23 =	rddreg [dreg:$0xe]  }
0x6a6: {  	s30 =	sld [smem:$0x7FC];
	s11 =	smul.f32 s22, s15  }
0x6a7: {  	s22 =	spop (v2sf);
	s0 =	sadd.f32 s8, s0  }
0x6a8: {  	s8 =	rddreg [dreg:$0xb];
	s20 =	spop (v2sf)  }
0x6a9: {  	s29 =	smul.f32 s22, s23;
	s23 =	rddreg [dreg:$0x12]  }
0x6aa: {  	s10 =	smul.f32 s25, s8;
	s0 =	sadd.f32 s0, s4  }
0x6ab: {  	s4 =	smul.f32 s20, s31;
	s31 =	rddreg [dreg:$0x17]  }
0x6ac: {  	(v2sf) =	vpush v10, $0x7;
	s19 =	smul.f32 s21, s18;
	s6 =	sadd.f32 s10, s12  }
0x6ad: {  	s18 =	spop (v2sf);
	s12 =	rddreg [dreg:$0x11]  }
0x6ae: {  	(v2sf) =	vpush v10, $0x8;
	s8 =	smul.f32 s18, s7;
	s0 =	sadd.f32 s0, s11  }
0x6af: {  	(v2sf) =	vpush v10, $0x9;
	s10 =	smul.f32 s25, s2;
	s11 =	sld [smem:$0x7F4]  }
0x6b0: {  	s6 =	sadd.f32 s6, s17;
	s17 =	spop (v2sf)  }
0x6b1: {  	s13 =	smul.f32 s17, s12;
	s12 =	rddreg [dreg:$0x13]  }
0x6b2: {  	s0 =	smax.f32 s0, $0.0e+00;
	s6 =	sadd.f32 s6, s19  }
0x6b3: {  	s0 =	smul.f32 s0, s30;
	s7 =	sadd.f32 s10, s11  }
0x6b4: {  	s6 =	sadd.f32 s6, s29  }
0x6b5: {  	s0 =	sadd.f32 s1, s0  }
0x6b6: {  	s29 =	rddreg [dreg:$0x16]  }
0x6b7: {  	[smem:$0x7D0] =	sst s0  }
0x6b8: {  	s19 =	smul.f32 s24, s29;
	s6 =	sadd.f32 s6, s4  }
0x6b9: {  	s4 =	smul.f32 s21, s31;
	s31 =	rddreg [dreg:$0x14]  }
0x6ba: {  	s7 =	sadd.f32 s7, s19  }
0x6bb: {  	s0 =	spop (v2sf);
	s1 =	sadd.f32 s6, s8  }
0x6bc: {  	s30 =	smul.f32 s0, s23;
	s10 =	sadd.f32 s7, s4  }
0x6bd: {  	s23 =	spop (v2sf);
	s4 =	rddreg [dreg:$0x18]  }
0x6be: {  	s19 =	spop (v2sf);
	s1 =	sadd.f32 s1, s13  }
0x6bf: {  	s7 =	smul.f32 s19, s31;
	s31 =	sld [smem:$0x7F5]  }
0x6c0: {  	s13 =	smul.f32 s23, s12;
	s1 =	sadd.f32 s1, s30  }
0x6c1: {  	s12 =	rddreg [dreg:$0x1f];
	s30 =	smul.f32 s22, s4  }
0x6c2: {  	s1 =	sadd.f32 s1, s13  }
0x6c3: {  	s6 =	sadd.f32 s10, s30  }
0x6c4: {  	s10 =	rddreg [dreg:$0x19]  }
0x6c5: {  	s30 =	rddreg [dreg:$0x1a]  }
0x6c6: {  	s8 =	smul.f32 s20, s10;
	s1 =	sadd.f32 s1, s7  }
0x6c7: {  	s7 =	smul.f32 s25, s12;
	s12 =	sld [smem:$0x7D6]  }
0x6c8: {  	s6 =	sadd.f32 s6, s8  }
0x6c9: {  	s13 =	smul.f32 s18, s30;
	s7 =	sadd.f32 s7, s31  }
0x6ca: {  	s31 =	rddreg [dreg:$0x1b]  }
0x6cb: {  	s10 =	smul.f32 s24, s12;
	s6 =	sadd.f32 s6, s13  }
0x6cc: {  	s13 =	smul.f32 s17, s31;
	s12 =	sld [smem:$0x7D7]  }
0x6cd: {  	s7 =	sadd.f32 s7, s10  }
0x6ce: {  	s6 =	sadd.f32 s6, s13  }
0x6cf: {  	s13 =	rddreg [dreg:$0x1c]  }
0x6d0: {  	s10 =	smul.f32 s21, s12;
	s12 =	sld [smem:$0x7D8]  }
0x6d1: {  	s8 =	smul.f32 s0, s13;
	s13 =	rddreg [dreg:$0x1d]  }
0x6d2: {  	s7 =	sadd.f32 s7, s10  }
0x6d3: {  	s6 =	sadd.f32 s6, s8  }
0x6d4: {  	s8 =	smul.f32 s23, s13;
	s13 =	rddreg [dreg:$0x1e]  }
0x6d5: {  	s10 =	smul.f32 s22, s12;
	s12 =	sld [smem:$0x7D9]  }
0x6d6: {  	s6 =	sadd.f32 s6, s8;
	s8 =	smul.f32 s19, s13  }
0x6d7: {  	s26 =	smul.f32 s18, s26;
	s7 =	sadd.f32 s7, s10  }
0x6d8: {  	s1 =	smax.f32 s1, $0.0e+00;
	s6 =	sadd.f32 s6, s8  }
0x6d9: {  	s10 =	smul.f32 s20, s12;
	s12 =	sld [smem:$0x7F8]  }
0x6da: {  	s13 =	smul.f32 s17, s28;
	s28 =	sld [smem:$0x7F9]  }
0x6db: {  	s7 =	sadd.f32 s7, s10;
	s6 =	smax.f32 s6, $0.0e+00  }
0x6dc: {  	s1 =	smul.f32 s1, s12;
	s12 =	sld [smem:$0x7DC]  }
0x6dd: {  	s6 =	smul.f32 s6, s28;
	s28 =	sld [smem:$0x7F6]  }
0x6de: {  	s7 =	sadd.f32 s7, s26  }
0x6df: {  	s26 =	sld [smem:$0x7FD]  }
0x6e0: {  	s7 =	sadd.f32 s7, s13  }
0x6e1: {  	s13 =	sld [smem:$0x7DF]  }
0x6e2: {  	s8 =	smul.f32 s0, s12;
	s12 =	sld [smem:$0x7E0]  }
0x6e3: {  	s1 =	sadd.f32 s1, s26  }
0x6e4: {  	s26 =	smul.f32 s23, s16;
	s16 =	sld [smem:$0x7E1]  }
0x6e5: {  	s7 =	sadd.f32 s7, s8  }
0x6e6: {  	s1 =	sadd.f32 s1, s6;
	s6 =	smul.f32 s25, s13  }
0x6e7: {  	s25 =	smul.f32 s25, s5;
	s5 =	sld [smem:$0x7F7]  }
0x6e8: {  	s6 =	sadd.f32 s6, s28  }
0x6e9: {  	s10 =	smul.f32 s24, s12;
	s28 =	sld [smem:$0x7DE]  }
0x6ea: {  	s7 =	sadd.f32 s7, s26  }
0x6eb: {  	s6 =	sadd.f32 s6, s10;
	s10 =	smul.f32 s21, s16  }
0x6ec: {  	s8 =	sadd.f32 s25, s5;
	s13 =	smul.f32 s19, s28  }
0x6ed: {  	s16 =	smul.f32 s24, s3;
	s24 =	sld [smem:$0x7E3]  }
0x6ee: {  	s7 =	sadd.f32 s7, s13  }
0x6ef: {  	s13 =	sld [smem:$0x7E2]  }
0x6f0: {  	s3 =	sld [smem:$0x7E8]  }
0x6f1: {  	s6 =	sadd.f32 s6, s10  }
0x6f2: {  	s8 =	sadd.f32 s8, s16;
	s26 =	smul.f32 s22, s13  }
0x6f3: {  	s16 =	sld [smem:$0x7EC]  }
0x6f4: {  	s25 =	smul.f32 s20, s24;
	s6 =	sadd.f32 s6, s26  }
0x6f5: {  	s26 =	sld [smem:$0x7EB]  }
0x6f6: {  	s6 =	sadd.f32 s6, s25  }
0x6f7: {  	s25 =	sld [smem:$0x7ED]  }
0x6f8: {  	v46 =	vld [tilespmem:$0x1FF90];
	s10 =	sld [smem:$0x7E6];
	s5 =	smul.f32 s21, s26  }
0x6f9: {  	v47 =	vld [tilespmem:$0x1FFA0];
	s26 =	sld [smem:$0x7E4];
	s21 =	smul.f32 s22, s16  }
0x6fa: {  	v48 =	vld [tilespmem:$0x1FFB0];
	s8 =	sadd.f32 s8, s5;
	s5 =	smul.f32 s20, s25  }
0x6fb: {  	v49 =	vld [tilespmem:$0x1FFC0];
	s22 =	sld [smem:$0x7E5];
	s25 =	smul.f32 s19, s3  }
0x6fc: {  	s20 =	sld [smem:$0x7EE];
	s19 =	smul.f32 s19, s15  }
0x6fd: {  	s15 =	rddreg [dreg:$0xf];
	s12 =	smul.f32 s18, s26  }
0x6fe: {  	s8 =	sadd.f32 s8, s21  }
0x6ff: {  	s6 =	sadd.f32 s6, s12  }
0x700: {  	v11 =	vadd.f32 v49, v48;
	v10 =	vadd.f32 v47, v46;
	s12 =	sld [smem:$0x7FA]  }
0x701: {  	s21 =	smul.f32 s18, s20;
	s18 =	sld [smem:$0x7FB]  }
0x702: {  	v10 =	vadd.f32 v11, v10;
	s20 =	rddreg [dreg:$0xb]  }
0x703: {  	s24 =	smul.f32 s17, s22;
	s8 =	sadd.f32 s8, s5  }
0x704: {  	(v2sf) =	vpush v10, $0x0;
	s5 =	sld [smem:$0x7F0]  }
0x705: {  	(v2sf) =	vpush v10, $0x1;
	s6 =	sadd.f32 s6, s24  }
0x706: {  	s24 =	smul.f32 s17, s9;
	s17 =	sld [smem:$0x7F1]  }
0x707: {  	s9 =	sld [smem:$0x7FC]  }
0x708: {  	(v2sf) =	vpush v10, $0x2;
	s16 =	smul.f32 s0, s10;
	s8 =	sadd.f32 s8, s21  }
0x709: {  	s21 =	sld [smem:$0x7F3]  }
0x70a: {  	s7 =	smax.f32 s7, $0.0e+00;
	s6 =	sadd.f32 s6, s16  }
0x70b: {  	s7 =	smul.f32 s7, s12;
	s16 =	sld [smem:$0x7E7]  }
0x70c: {  	(v2sf) =	vpush v10, $0x3;
	s0 =	smul.f32 s0, s5;
	s8 =	sadd.f32 s8, s24  }
0x70d: {  	(v2sf) =	vpush v10, $0x4;
	s1 =	sadd.f32 s1, s7  }
0x70e: {  	s22 =	smul.f32 s23, s16;
	s0 =	sadd.f32 s8, s0  }
0x70f: {  	s8 =	smul.f32 s23, s17;
	s23 =	rddreg [dreg:$0xc]  }
0x710: {  	(v2sf) =	vpush v10, $0x5;
	s6 =	sadd.f32 s6, s22  }
0x711: {  	s0 =	sadd.f32 s0, s8  }
0x712: {  	s6 =	sadd.f32 s6, s25  }
0x713: {  	(v2sf) =	vpush v10, $0x6;
	s25 =	spop (v2sf);
	s0 =	sadd.f32 s0, s19  }
0x714: {  	(v2sf) =	vpush v10, $0x7;
	s22 =	spop (v2sf);
	s17 =	smul.f32 s25, s2  }
0x715: {  	s6 =	smax.f32 s6, $0.0e+00;
	s7 =	smul.f32 s22, s23  }
0x716: {  	s24 =	rddreg [dreg:$0xd];
	s6 =	smul.f32 s6, s18  }
0x717: {  	s0 =	smax.f32 s0, $0.0e+00;
	s23 =	spop (v2sf)  }
0x718: {  	s1 =	sadd.f32 s1, s6;
	s6 =	smul.f32 s25, s20  }
0x719: {  	s0 =	smul.f32 s0, s9;
	s18 =	rddreg [dreg:$0x10]  }
0x71a: {  	s5 =	smul.f32 s23, s24;
	s6 =	sadd.f32 s6, s21  }
0x71b: {  	s24 =	spop (v2sf);
	s0 =	sadd.f32 s1, s0  }
0x71c: {  	s19 =	spop (v2sf);
	s6 =	sadd.f32 s6, s7  }
0x71d: {  	s12 =	smul.f32 s19, s15;
	[smem:$0x7D2] =	sst s0  }
0x71e: {  	(v2sf) =	vpush v10, $0x8;
	s21 =	smul.f32 s22, s29;
	s7 =	sadd.f32 s17, s11  }
0x71f: {  	s0 =	spop (v2sf);
	s6 =	sadd.f32 s6, s5  }
0x720: {  	s20 =	smul.f32 s0, s18;
	s5 =	rddreg [dreg:$0xe]  }
0x721: {  	s11 =	smov.u32 s29;
	s29 =	rddreg [dreg:$0x12];
	s8 =	smul.f32 s24, s5  }
0x722: {  	(v2sf) =	vpush v10, $0x9;
	s18 =	spop (v2sf);
	s7 =	sadd.f32 s7, s21  }
0x723: {  	s17 =	spop (v2sf);
	s10 =	sadd.f32 s6, s8  }
0x724: {  	s2 =	smul.f32 s17, s29;
	s29 =	rddreg [dreg:$0x19]  }
0x725: {  	s1 =	sadd.f32 s10, s12  }
0x726: {  	s10 =	rddreg [dreg:$0x11]  }
0x727: {  	s1 =	sadd.f32 s1, s20  }
0x728: {  	s12 =	smul.f32 s18, s10;
	s20 =	rddreg [dreg:$0x17]  }
0x729: {  	s10 =	rddreg [dreg:$0x13];
	s21 =	smul.f32 s23, s20  }
0x72a: {  	s1 =	sadd.f32 s1, s12  }
0x72b: {  	s4 =	smul.f32 s24, s4;
	s7 =	sadd.f32 s7, s21  }
0x72c: {  	s1 =	sadd.f32 s1, s2  }
0x72d: {  	s21 =	spop (v2sf);
	s8 =	sadd.f32 s7, s4  }
0x72e: {  	s12 =	smul.f32 s21, s10;
	s7 =	rddreg [dreg:$0x14]  }
0x72f: {  	s4 =	smul.f32 s19, s29;
	s29 =	rddreg [dreg:$0x1f]  }
0x730: {  	s1 =	sadd.f32 s1, s12  }
0x731: {  	s20 =	spop (v2sf);
	s6 =	sadd.f32 s8, s4  }
0x732: {  	s10 =	smul.f32 s20, s7;
	s4 =	sld [smem:$0x7F5]  }
0x733: {  	s8 =	sld [smem:$0x7F8]  }
0x734: {  	s12 =	smul.f32 s0, s30;
	s1 =	sadd.f32 s1, s10  }
0x735: {  	s30 =	smul.f32 s25, s29;
	s10 =	sld [smem:$0x7D6]  }
0x736: {  	s6 =	sadd.f32 s6, s12  }
0x737: {  	s7 =	sadd.f32 s30, s4  }
0x738: {  	s31 =	smul.f32 s18, s31;
	s30 =	rddreg [dreg:$0x1c]  }
0x739: {  	s4 =	rddreg [dreg:$0x1d]  }
0x73a: {  	s12 =	smul.f32 s22, s10;
	s6 =	sadd.f32 s6, s31  }
0x73b: {  	s29 =	smul.f32 s17, s30;
	s31 =	sld [smem:$0x7D7]  }
0x73c: {  	s7 =	sadd.f32 s7, s12  }
0x73d: {  	s6 =	sadd.f32 s6, s29;
	s12 =	smul.f32 s21, s4  }
0x73e: {  	s29 =	sld [smem:$0x7D8]  }
0x73f: {  	s2 =	smul.f32 s23, s31;
	s6 =	sadd.f32 s6, s12  }
0x740: {  	s12 =	rddreg [dreg:$0x1e]  }
0x741: {  	s7 =	sadd.f32 s7, s2;
	s31 =	smul.f32 s24, s29  }
0x742: {  	s10 =	sld [smem:$0x7DA];
	s29 =	smul.f32 s20, s12  }
0x743: {  	s7 =	sadd.f32 s7, s31  }
0x744: {  	s6 =	sadd.f32 s6, s29  }
0x745: {  	s1 =	smax.f32 s1, $0.0e+00;
	s29 =	sld [smem:$0x7FD]  }
0x746: {  	s1 =	smul.f32 s1, s8;
	s31 =	sld [smem:$0x7D9]  }
0x747: {  	s8 =	sld [smem:$0x7DC]  }
0x748: {  	s1 =	sadd.f32 s1, s29  }
0x749: {  	s2 =	smul.f32 s19, s31;
	s31 =	sld [smem:$0x7F9]  }
0x74a: {  	s12 =	smul.f32 s0, s10;
	s29 =	sld [smem:$0x7DF]  }
0x74b: {  	s10 =	sld [smem:$0x7DB];
	s6 =	smax.f32 s6, $0.0e+00  }
0x74c: {  	s7 =	sadd.f32 s7, s2;
	s6 =	smul.f32 s6, s31  }
0x74d: {  	s31 =	smul.f32 s25, s29;
	s29 =	sld [smem:$0x7E0]  }
0x74e: {  	s7 =	sadd.f32 s7, s12;
	s12 =	smul.f32 s18, s10  }
0x74f: {  	s10 =	smul.f32 s17, s8;
	s8 =	sld [smem:$0x7DD]  }
0x750: {  	s1 =	sadd.f32 s1, s6  }
0x751: {  	s7 =	sadd.f32 s7, s12  }
0x752: {  	s12 =	sld [smem:$0x7F6]  }
0x753: {  	s7 =	sadd.f32 s7, s10  }
0x754: {  	s10 =	rddreg [dreg:$0xc]  }
0x755: {  	s6 =	sadd.f32 s31, s12;
	s31 =	smul.f32 s22, s29  }
0x756: {  	s12 =	smul.f32 s21, s8;
	s29 =	sld [smem:$0x7E1]  }
0x757: {  	s2 =	smul.f32 s20, s28;
	s6 =	sadd.f32 s6, s31  }
0x758: {  	s7 =	sadd.f32 s7, s12;
	s12 =	smul.f32 s24, s13  }
0x759: {  	s13 =	sld [smem:$0x7E9];
	s31 =	smul.f32 s23, s29  }
0x75a: {  	s7 =	sadd.f32 s7, s2  }
0x75b: {  	s6 =	sadd.f32 s6, s31  }
0x75c: {  	s31 =	sld [smem:$0x7E3]  }
0x75d: {  	s25 =	smul.f32 s25, s13;
	s13 =	sld [smem:$0x7EA]  }
0x75e: {  	s6 =	sadd.f32 s6, s12  }
0x75f: {  	s12 =	sld [smem:$0x7F7]  }
0x760: {  	s2 =	sld [smem:$0x7E6];
	s28 =	smul.f32 s19, s31  }
0x761: {  	v50 =	vld [tilespmem:$0x1FF50];
	s22 =	smul.f32 s22, s13;
	s13 =	sld [smem:$0x7E5]  }
0x762: {  	v51 =	vld [tilespmem:$0x1FF60];
	s8 =	sadd.f32 s25, s12  }
0x763: {  	v52 =	vld [tilespmem:$0x1FF70];
	s6 =	sadd.f32 s6, s28  }
0x764: {  	v53 =	vld [tilespmem:$0x1FF80];
	s25 =	smul.f32 s0, s26;
	s26 =	sld [smem:$0x7EB]  }
0x765: {  	s8 =	sadd.f32 s8, s22  }
0x766: {  	s6 =	sadd.f32 s6, s25  }
0x767: {  	s22 =	smul.f32 s18, s13;
	s13 =	sld [smem:$0x7EF]  }
0x768: {  	s28 =	smul.f32 s23, s26;
	s23 =	sld [smem:$0x7EC]  }
0x769: {  	v11 =	vadd.f32 v53, v52;
	v10 =	vadd.f32 v51, v50;
	s26 =	sld [smem:$0x7ED]  }
0x76a: {  	s6 =	sadd.f32 s6, s22  }
0x76b: {  	v10 =	vadd.f32 v11, v10;
	s25 =	smul.f32 s17, s2;
	s8 =	sadd.f32 s8, s28  }
0x76c: {  	s28 =	smul.f32 s21, s16;
	s16 =	sld [smem:$0x7EE]  }
0x76d: {  	(v2sf) =	vpush v10, $0x0;
	s6 =	sadd.f32 s6, s25  }
0x76e: {  	(v2sf) =	vpush v10, $0x1;
	s12 =	smul.f32 s19, s26;
	s19 =	sld [smem:$0x7F0]  }
0x76f: {  	(v2sf) =	vpush v10, $0x2;
	s24 =	smul.f32 s24, s23;
	s23 =	sld [smem:$0x7F1]  }
0x770: {  	s25 =	sld [smem:$0x7FB]  }
0x771: {  	(v2sf) =	vpush v10, $0x3;
	s26 =	sld [smem:$0x7F2]  }
0x772: {  	s7 =	smax.f32 s7, $0.0e+00;
	s8 =	sadd.f32 s8, s24  }
0x773: {  	(v2sf) =	vpush v10, $0x4;
	s18 =	smul.f32 s18, s13;
	s6 =	sadd.f32 s6, s28  }
0x774: {  	s0 =	smul.f32 s0, s16;
	s28 =	sld [smem:$0x7FA]  }
0x775: {  	s22 =	smul.f32 s17, s19;
	s8 =	sadd.f32 s8, s12  }
0x776: {  	s17 =	rddreg [dreg:$0xd];
	s12 =	smul.f32 s20, s3  }
0x777: {  	s24 =	smul.f32 s21, s23;
	s0 =	sadd.f32 s8, s0  }
0x778: {  	s3 =	smul.f32 s20, s26;
	s6 =	sadd.f32 s6, s12  }
0x779: {  	s7 =	smul.f32 s7, s28;
	s8 =	sld [smem:$0x7F3]  }
0x77a: {  	s0 =	sadd.f32 s0, s18;
	s6 =	smax.f32 s6, $0.0e+00  }
0x77b: {  	s1 =	sadd.f32 s1, s7;
	s6 =	smul.f32 s6, s25  }
0x77c: {  	s25 =	spop (v2sf);
	s0 =	sadd.f32 s0, s22  }
0x77d: {  	s22 =	spop (v2sf);
	s1 =	sadd.f32 s1, s6  }
0x77e: {  	(v2sf) =	vpush v10, $0x5;
	s6 =	rddreg [dreg:$0xb];
	s18 =	spop (v2sf)  }
0x77f: {  	s0 =	sadd.f32 s0, s24;
	s7 =	smul.f32 s25, s6  }
0x780: {  	s19 =	spop (v2sf);
	s12 =	smul.f32 s18, s17  }
0x781: {  	s21 =	smul.f32 s19, s5;
	s5 =	sld [smem:$0x7F4]  }
0x782: {  	(v2sf) =	vpush v10, $0x6;
	s20 =	spop (v2sf);
	s0 =	sadd.f32 s0, s3  }
0x783: {  	s6 =	sadd.f32 s7, s8;
	s7 =	smul.f32 s22, s10  }
0x784: {  	s24 =	smul.f32 s20, s15;
	s15 =	rddreg [dreg:$0x11]  }
0x785: {  	s0 =	smax.f32 s0, $0.0e+00;
	s6 =	sadd.f32 s6, s7  }
0x786: {  	(v2sf) =	vpush v10, $0x7;
	s0 =	smul.f32 s0, s9;
	s9 =	rddreg [dreg:$0x15]  }
0x787: {  	s13 =	sadd.f32 s6, s12  }
0x788: {  	(v2sf) =	vpush v10, $0x8;
	s6 =	rddreg [dreg:$0x10]  }
0x789: {  	s23 =	smul.f32 s25, s9;
	s0 =	sadd.f32 s1, s0  }
0x78a: {  	s1 =	sadd.f32 s13, s21  }
0x78b: {  	(v2sf) =	vpush v10, $0x9;
	s7 =	sadd.f32 s23, s5  }
0x78c: {  	s26 =	smul.f32 s22, s11;
	s13 =	rddreg [dreg:$0x17]  }
0x78d: {  	[smem:$0x7D3] =	sst s0;
	s0 =	spop (v2sf)  }
0x78e: {  	s1 =	sadd.f32 s1, s24;
	s10 =	smul.f32 s0, s6  }
0x78f: {  	s11 =	smul.f32 s18, s13;
	s7 =	sadd.f32 s7, s26  }
0x790: {  	s1 =	sadd.f32 s1, s10  }
0x791: {  	s24 =	spop (v2sf);
	s12 =	sadd.f32 s7, s11  }
0x792: {  	s21 =	smul.f32 s24, s15;
	s11 =	rddreg [dreg:$0x18]  }
0x793: {  	s7 =	rddreg [dreg:$0x12]  }
0x794: {  	s26 =	smul.f32 s19, s11;
	s1 =	sadd.f32 s1, s21  }
0x795: {  	s23 =	spop (v2sf);
	s21 =	rddreg [dreg:$0x13]  }
0x796: {  	s10 =	smul.f32 s23, s7;
	s6 =	sadd.f32 s12, s26  }
0x797: {  	s12 =	rddreg [dreg:$0x19];
	s26 =	spop (v2sf)  }
0x798: {  	s15 =	smul.f32 s20, s12;
	s1 =	sadd.f32 s1, s10  }
0x799: {  	s3 =	smul.f32 s26, s21;
	s10 =	rddreg [dreg:$0x14]  }
0x79a: {  	s21 =	spop (v2sf);
	s6 =	sadd.f32 s6, s15  }
0x79b: {  	s12 =	smul.f32 s21, s10;
	s1 =	sadd.f32 s1, s3  }
0x79c: {  	s15 =	rddreg [dreg:$0x1a]  }
0x79d: {  	s8 =	smul.f32 s0, s15;
	s1 =	sadd.f32 s1, s12  }
0x79e: {  	s12 =	rddreg [dreg:$0x1f]  }
0x79f: {  	s6 =	sadd.f32 s6, s8  }
0x7a0: {  	s8 =	rddreg [dreg:$0x1b];
	s3 =	smul.f32 s25, s12  }
0x7a1: {  	s12 =	sld [smem:$0x7F5];
	s10 =	smul.f32 s24, s8  }
0x7a2: {  	s8 =	rddreg [dreg:$0x1e]  }
0x7a3: {  	s6 =	sadd.f32 s6, s10  }
0x7a4: {  	s10 =	smul.f32 s23, s30;
	s7 =	sadd.f32 s3, s12  }
0x7a5: {  	s30 =	sld [smem:$0x7D6]  }
0x7a6: {  	s6 =	sadd.f32 s6, s10  }
0x7a7: {  	s12 =	smul.f32 s26, s4;
	s10 =	sld [smem:$0x7D9]  }
0x7a8: {  	s3 =	smul.f32 s22, s30;
	s30 =	sld [smem:$0x7D7]  }
0x7a9: {  	s6 =	sadd.f32 s6, s12  }
0x7aa: {  	s7 =	sadd.f32 s7, s3  }
0x7ab: {  	s12 =	smul.f32 s21, s8;
	s3 =	sld [smem:$0x7F8]  }
0x7ac: {  	s4 =	smul.f32 s18, s30;
	s30 =	sld [smem:$0x7D8]  }
0x7ad: {  	s6 =	sadd.f32 s6, s12  }
0x7ae: {  	s12 =	smul.f32 s20, s10;
	s10 =	sld [smem:$0x7DB]  }
0x7af: {  	s7 =	sadd.f32 s7, s4;
	s4 =	smul.f32 s19, s30  }
0x7b0: {  	s30 =	sld [smem:$0x7F9]  }
0x7b1: {  	s7 =	sadd.f32 s7, s4  }
0x7b2: {  	s1 =	smax.f32 s1, $0.0e+00;
	s4 =	sld [smem:$0x7FD]  }
0x7b3: {  	s1 =	smul.f32 s1, s3;
	s7 =	sadd.f32 s7, s12  }
0x7b4: {  	s6 =	smax.f32 s6, $0.0e+00;
	s12 =	sld [smem:$0x7DA]  }
0x7b5: {  	s6 =	smul.f32 s6, s30;
	s1 =	sadd.f32 s1, s4  }
0x7b6: {  	s30 =	sld [smem:$0x7DF]  }
0x7b7: {  	s1 =	sadd.f32 s1, s6  }
0x7b8: {  	s8 =	smul.f32 s0, s12;
	s12 =	sld [smem:$0x7F6]  }
0x7b9: {  	s6 =	smul.f32 s25, s30;
	s30 =	sld [smem:$0x7E0]  }
0x7ba: {  	s7 =	sadd.f32 s7, s8  }
0x7bb: {  	s8 =	smul.f32 s24, s10;
	s6 =	sadd.f32 s6, s12  }
0x7bc: {  	s10 =	smul.f32 s22, s30;
	s12 =	sld [smem:$0x7DC]  }
0x7bd: {  	s30 =	smul.f32 s18, s29;
	s29 =	sld [smem:$0x7E2]  }
0x7be: {  	s7 =	sadd.f32 s7, s8  }
0x7bf: {  	s6 =	sadd.f32 s6, s10  }
0x7c0: {  	s8 =	smul.f32 s23, s12;
	s12 =	sld [smem:$0x7DD]  }
0x7c1: {  	s10 =	smul.f32 s19, s29;
	s29 =	sld [smem:$0x7E9]  }
0x7c2: {  	s6 =	sadd.f32 s6, s30  }
0x7c3: {  	s30 =	sld [smem:$0x7DE]  }
0x7c4: {  	s7 =	sadd.f32 s7, s8  }
0x7c5: {  	s8 =	smul.f32 s26, s12;
	s6 =	sadd.f32 s6, s10  }
0x7c6: {  	s12 =	smul.f32 s20, s31;
	s31 =	sld [smem:$0x7F7]  }
0x7c7: {  	s7 =	sadd.f32 s7, s8  }
0x7c8: {  	s8 =	smul.f32 s21, s30;
	s6 =	sadd.f32 s6, s12  }
0x7c9: {  	s30 =	sld [smem:$0x7E4]  }
0x7ca: {  	s7 =	sadd.f32 s7, s8  }
0x7cb: {  	s8 =	smul.f32 s25, s29;
	s25 =	sld [smem:$0x7EA]  }
0x7cc: {  	s29 =	sld [smem:$0x7E5]  }
0x7cd: {  	s10 =	smul.f32 s0, s30;
	s30 =	sld [smem:$0x7EB]  }
0x7ce: {  	s0 =	smul.f32 s0, s16;
	s16 =	sld [smem:$0x7F0]  }
0x7cf: {  	v54 =	vld [tilespmem:$0x1FF20];
	s8 =	sadd.f32 s8, s31  }
0x7d0: {  	v55 =	vld [tilespmem:$0x1FF30];
	s7 =	smax.f32 s7, $0.0e+00;
	s6 =	sadd.f32 s6, s10  }
0x7d1: {  	v56 =	vld [tilespmem:$0x1FF40];
	s12 =	smul.f32 s22, s25;
	s22 =	sld [smem:$0x7E7]  }
0x7d2: {  	s10 =	smul.f32 s24, s29;
	s29 =	sld [smem:$0x7ED]  }
0x7d3: {  	s7 =	smul.f32 s7, s28;
	s28 =	sld [smem:$0x7F2]  }
0x7d4: {  	s8 =	sadd.f32 s8, s12  }
0x7d5: {  	s6 =	sadd.f32 s6, s10  }
0x7d6: {  	v11 =	vadd.f32 v20, v56;
	v10 =	vadd.f32 v55, v54;
	s12 =	smul.f32 s18, s30;
	s18 =	sld [smem:$0x7EC]  }
0x7d7: {  	s10 =	sld [smem:$0x7EF]  }
0x7d8: {  	v10 =	vadd.f32 v11, v10;
	s31 =	smul.f32 s23, s2;
	s1 =	sadd.f32 s1, s7  }
0x7d9: {  	s25 =	smul.f32 s26, s22;
	s22 =	sld [smem:$0x7F1]  }
0x7da: {  	(v2sf) =	vpush v10, $0x0;
	s8 =	sadd.f32 s8, s12  }
0x7db: {  	s6 =	sadd.f32 s6, s31  }
0x7dc: {  	s31 =	sld [smem:$0x7E8];
	s19 =	smul.f32 s19, s18  }
0x7dd: {  	(v2sf) =	vpush v10, $0x1;
	s6 =	sadd.f32 s6, s25  }
0x7de: {  	s30 =	smul.f32 s20, s29;
	s8 =	sadd.f32 s8, s19  }
0x7df: {  	(v2sf) =	vpush v10, $0x2;
	s2 =	smul.f32 s21, s31;
	s19 =	sld [smem:$0x7FB]  }
0x7e0: {  	s8 =	sadd.f32 s8, s30  }
0x7e1: {  	(v2sf) =	vpush v10, $0x3;
	s6 =	sadd.f32 s6, s2  }
0x7e2: {  	s12 =	smul.f32 s24, s10;
	s0 =	sadd.f32 s8, s0  }
0x7e3: {  	s30 =	rddreg [dreg:$0xc];
	s6 =	smax.f32 s6, $0.0e+00  }
0x7e4: {  	s6 =	smul.f32 s6, s19;
	s0 =	sadd.f32 s0, s12  }
0x7e5: {  	s18 =	smul.f32 s23, s16;
	s12 =	sld [smem:$0x7F3]  }
0x7e6: {  	s24 =	sadd.f32 s1, s6  }
0x7e7: {  	(v2sf) =	vpush v10, $0x4;
	s29 =	smul.f32 s21, s28;
	s20 =	sadd.f32 s0, s18  }
0x7e8: {  	s23 =	smul.f32 s26, s22;
	s18 =	rddreg [dreg:$0xb]  }
0x7e9: {  	s0 =	spop (v2sf);
	[smem:$0x7D1] =	sst s24  }
0x7ea: {  	(v2sf) =	vpush v10, $0x5;
	s16 =	smul.f32 s0, s9;
	s9 =	rddreg [dreg:$0x10]  }
0x7eb: {  	s26 =	smul.f32 s0, s18;
	s25 =	sadd.f32 s20, s23  }
0x7ec: {  	s31 =	spop (v2sf);
	s20 =	rddreg [dreg:$0x16]  }
0x7ed: {  	s2 =	smul.f32 s31, s30;
	s23 =	rddreg [dreg:$0xf]  }
0x7ee: {  	s30 =	spop (v2sf);
	s6 =	sadd.f32 s26, s12  }
0x7ef: {  	s10 =	smul.f32 s30, s17;
	s17 =	rddreg [dreg:$0xe]  }
0x7f0: {  	s28 =	spop (v2sf);
	s7 =	sadd.f32 s16, s5  }
0x7f1: {  	(v2sf) =	vpush v10, $0x6;
	s21 =	smul.f32 s31, s20;
	s1 =	sadd.f32 s25, s29  }
0x7f2: {  	s5 =	smul.f32 s28, s11;
	s11 =	rddreg [dreg:$0x19]  }
0x7f3: {  	s8 =	sadd.f32 s6, s2  }
0x7f4: {  	(v2sf) =	vpush v10, $0x7;
	s22 =	sadd.f32 s7, s21  }
0x7f5: {  	s19 =	smul.f32 s28, s17;
	s21 =	rddreg [dreg:$0x12]  }
0x7f6: {  	s17 =	spop (v2sf);
	s2 =	rddreg [dreg:$0x13]  }
0x7f7: {  	s20 =	smul.f32 s17, s11;
	s11 =	rddreg [dreg:$0x14]  }
0x7f8: {  	s26 =	smul.f32 s30, s13;
	[smem:$0x7BC] =	sst s17  }
0x7f9: {  	s25 =	spop (v2sf);
	[smem:$0x7CE] =	sst s1  }
0x7fa: {  	s29 =	smul.f32 s25, s9;
	s13 =	smov.u32 s25;
	s25 =	rddreg [dreg:$0x1b]  }
0x7fb: {  	s1 =	sadd.f32 s8, s10  }
0x7fc: {  	s6 =	sadd.f32 s22, s26  }
0x7fd: {  	(v2sf) =	vpush v10, $0x8;
	s8 =	rddreg [dreg:$0x11]  }
0x7fe: {  	[smem:$0x7BD] =	sst s13  }
0x7ff: {  	s24 =	smul.f32 s17, s23;
	s1 =	sadd.f32 s1, s19  }
0x800: {  	(v2sf) =	vpush v10, $0x9;
	s19 =	spop (v2sf);
	s6 =	sadd.f32 s6, s5  }
0x801: {  	[smem:$0x7BF] =	sst s19  }
0x802: {  	s1 =	sadd.f32 s1, s24  }
0x803: {  	s16 =	spop (v2sf);
	s6 =	sadd.f32 s6, s20  }
0x804: {  	s23 =	smul.f32 s13, s15;
	[smem:$0x7BE] =	sst s16  }
0x805: {  	s22 =	smul.f32 s16, s21;
	s21 =	rddreg [dreg:$0x1f]  }
0x806: {  	s1 =	sadd.f32 s1, s29  }
0x807: {  	s10 =	smul.f32 s19, s8;
	s6 =	sadd.f32 s6, s23  }
0x808: {  	s26 =	smul.f32 s19, s25;
	s23 =	rddreg [dreg:$0x1d]  }
0x809: {  	v57 =	vld [tilespmem:s14+$0xBBA0];
	s1 =	sadd.f32 s1, s10  }
0x80a: {  	v58 =	vld [tilespmem:s14+$0xBBB0];
	s6 =	sadd.f32 s6, s26  }
0x80b: {  	v59 =	vld [tilespmem:s14+$0xBBE0];
	s10 =	rddreg [dreg:$0x1c]  }
0x80c: {  	v60 =	vld [tilespmem:s14+$0xBBF0];
	s26 =	sld [smem:$0x7D6];
	s14 =	spop (v2sf)  }
0x80d: {  	s20 =	smul.f32 s16, s10;
	s1 =	sadd.f32 s1, s22  }
0x80e: {  	s24 =	smul.f32 s14, s2;
	[smem:$0x7C1] =	sst s14  }
0x80f: {  	s15 =	spop (v2sf);
	s6 =	sadd.f32 s6, s20  }
0x810: {  	s1 =	sadd.f32 s1, s24;
	s29 =	smul.f32 s15, s11  }
0x811: {  	s20 =	rddreg [dreg:$0x1e]  }
0x812: {  	s24 =	smul.f32 s14, s23;
	s1 =	sadd.f32 s1, s29  }
0x813: {  	s22 =	smul.f32 s0, s21;
	s29 =	sld [smem:$0x7F5]  }
0x814: {  	s21 =	smul.f32 s15, s20;
	s6 =	sadd.f32 s6, s24  }
0x815: {  	s20 =	sld [smem:$0x7F6]  }
0x816: {  	s6 =	sadd.f32 s6, s21  }
0x817: {  	s25 =	smul.f32 s31, s26;
	s7 =	sadd.f32 s22, s29  }
0x818: {  	s1 =	smax.f32 s1, $0.0e+00;
	s21 =	sld [smem:$0x7E0]  }
0x819: {  	s1 =	smul.f32 s1, s3;
	s7 =	sadd.f32 s7, s25  }
0x81a: {  	s25 =	sld [smem:$0x7D7]  }
0x81b: {  	s1 =	sadd.f32 s1, s4  }
0x81c: {  	s4 =	sld [smem:$0x7F9]  }
0x81d: {  	s24 =	sld [smem:$0x7D8];
	s3 =	smul.f32 s31, s21  }
0x81e: {  	s6 =	smax.f32 s6, $0.0e+00;
	s22 =	smul.f32 s30, s25  }
0x81f: {  	v2 =	vadd.f32 v2, v8;
	v4 =	vadd.f32 v4, v9;
	s21 =	sld [smem:$0x7DB];
	s6 =	smul.f32 s6, s4  }
0x820: {  	v3 =	vadd.f32 v3, v6;
	v5 =	vadd.f32 v5, v7;
	s7 =	sadd.f32 s7, s22  }
0x821: {  	v2 =	vadd.f32 v57, v2;
	v4 =	vadd.f32 v58, v4;
	s23 =	smul.f32 s28, s24;
	s1 =	sadd.f32 s1, s6  }
0x822: {  	v1 =	vadd.f32 v1, v3;
	v0 =	vadd.f32 v0, v5;
	s6 =	sld [smem:$0x7DF]  }
0x823: {  	v2 =	vadd.f32 v59, v2;
	v61 =	vadd.f32 v60, v4;
	s7 =	sadd.f32 s7, s23  }
0x824: {  	s23 =	sld [smem:$0x7D9]  }
0x825: {  	v0 =	vadd.f32 v0, v1;
	v62 =	vadd.f32 v61, v2;
	[smem:$0x7CA] =	sst s1;
	s1 =	smul.f32 s0, s6  }
0x826: {  	s22 =	sld [smem:$0x7DA]  }
0x827: {  	v0 =	vadd.f32 v62, v0;
	s5 =	smul.f32 s17, s23;
	s1 =	sadd.f32 s1, s20  }
0x828: {  	s20 =	sld [smem:$0x7DC]  }
0x829: {  	(v2sf) =	vpush v0, $0x0;
	s10 =	smul.f32 s13, s22;
	s8 =	sadd.f32 s7, s5  }
0x82a: {  	s4 =	smov.u32 s19;
	s5 =	smul.f32 s19, s21;
	s19 =	sld [smem:$0x7E2]  }
0x82b: {  	s6 =	sadd.f32 s8, s10  }
0x82c: {  	s8 =	sld [smem:$0x7E1]  }
0x82d: {  	s1 =	sadd.f32 s1, s3;
	s16 =	smul.f32 s16, s20  }
0x82e: {  	(v2sf) =	vpush v0, $0x1;
	s3 =	smul.f32 s28, s19;
	s6 =	sadd.f32 s6, s5  }
0x82f: {  	s19 =	sld [smem:$0x7DD];
	s10 =	smul.f32 s30, s8  }
0x830: {  	s6 =	sadd.f32 s6, s16  }
0x831: {  	s1 =	sadd.f32 s1, s10  }
0x832: {  	s10 =	sld [smem:$0x7E3]  }
0x833: {  	s1 =	sadd.f32 s1, s3  }
0x834: {  	s5 =	smul.f32 s14, s19;
	s3 =	sld [smem:$0x7DE]  }
0x835: {  	(v2sf) =	vpush v0, $0x2;
	[smem:$0x7C5] =	sst s15  }
0x836: {  	s6 =	sadd.f32 s6, s5;
	s14 =	smul.f32 s17, s10  }
0x837: {  	s17 =	sld [smem:$0x7E4];
	s16 =	smul.f32 s15, s3  }
0x838: {  	s8 =	sadd.f32 s1, s14;
	s1 =	spop (v2sf)  }
0x839: {  	s15 =	smul.f32 s1, s18;
	s18 =	rddreg [dreg:$0xc]  }
0x83a: {  	(v2sf) =	vpush v0, $0x3;
	s5 =	smul.f32 s13, s17;
	s13 =	sadd.f32 s6, s16  }
0x83b: {  	s16 =	sld [smem:$0x7E5]  }
0x83c: {  	(v2sf) =	vpush v0, $0x4;
	s14 =	sadd.f32 s8, s5  }
0x83d: {  	s10 =	spop (v2sf);
	s7 =	sadd.f32 s15, s12  }
0x83e: {  	(v2sf) =	vpush v0, $0x5;
	s5 =	smul.f32 s10, s18;
	s18 =	sld [smem:$0x7E9]  }
0x83f: {  	s8 =	rddreg [dreg:$0xd]  }
0x840: {  	[smem:$0x7C7] =	sst s13  }
0x841: {  	s17 =	smul.f32 s4, s16;
	s7 =	sadd.f32 s7, s5  }
0x842: {  	(v2sf) =	vpush v0, $0x6;
	s16 =	rddreg [dreg:$0xe]  }
0x843: {  	(v2sf) =	vpush v0, $0x7;
	s6 =	sadd.f32 s14, s17  }
0x844: {  	s12 =	spop (v2sf);
	s17 =	sld [smem:$0x7F7]  }
0x845: {  	s13 =	smul.f32 s12, s8;
	s14 =	sld [smem:$0x7EA]  }
0x846: {  	(v2sf) =	vpush v0, $0x8;
	s0 =	smul.f32 s0, s18;
	[smem:$0x7C0] =	sst s6  }
0x847: {  	s6 =	sadd.f32 s7, s13  }
0x848: {  	s0 =	sadd.f32 s0, s17  }
0x849: {  	s15 =	smul.f32 s31, s14;
	s31 =	spop (v2sf)  }
0x84a: {  	s7 =	rddreg [dreg:$0xf];
	s5 =	smul.f32 s31, s16  }
0x84b: {  	(v2sf) =	vpush v0, $0x9;
	s13 =	spop (v2sf);
	s0 =	sadd.f32 s0, s15  }
0x84c: {  	s8 =	smul.f32 s13, s7;
	s6 =	sadd.f32 s6, s5  }
0x84d: {  	s15 =	spop (v2sf);
	s5 =	sld [smem:$0x7EB]  }
0x84e: {  	s4 =	smul.f32 s15, s9;
	s9 =	rddreg [dreg:$0x11]  }
0x84f: {  	s7 =	sadd.f32 s6, s8  }
0x850: {  	s16 =	smul.f32 s30, s5;
	s30 =	rddreg [dreg:$0x12]  }
0x851: {  	s6 =	spop (v2sf);
	s8 =	sadd.f32 s7, s4  }
0x852: {  	s4 =	sld [smem:$0x7EC];
	s7 =	spop (v2sf)  }
0x853: {  	s0 =	sadd.f32 s0, s16;
	s16 =	smul.f32 s6, s9  }
0x854: {  	s9 =	smul.f32 s7, s30  }
0x855: {  	s30 =	spop (v2sf);
	s8 =	sadd.f32 s8, s16  }
0x856: {  	s28 =	smul.f32 s28, s4;
	s16 =	rddreg [dreg:$0x15]  }
0x857: {  	s8 =	sadd.f32 s8, s9;
	s9 =	smul.f32 s30, s2  }
0x858: {  	s2 =	smul.f32 s1, s16;
	s16 =	sld [smem:$0x7F4]  }
0x859: {  	s0 =	sadd.f32 s0, s28  }
0x85a: {  	s28 =	spop (v2sf);
	s8 =	sadd.f32 s8, s9  }
0x85b: {  	s9 =	smul.f32 s28, s11;
	s2 =	sadd.f32 s2, s16  }
0x85c: {  	s16 =	rddreg [dreg:$0x16]  }
0x85d: {  	s8 =	sadd.f32 s8, s9  }
0x85e: {  	s11 =	smul.f32 s10, s16;
	s16 =	rddreg [dreg:$0x1f]  }
0x85f: {  	s9 =	smul.f32 s1, s16;
	s16 =	rddreg [dreg:$0x17]  }
0x860: {  	s2 =	sadd.f32 s2, s11  }
0x861: {  	s11 =	smul.f32 s12, s16;
	s16 =	sld [smem:$0x7ED]  }
0x862: {  	s9 =	sadd.f32 s9, s29  }
0x863: {  	s26 =	smul.f32 s10, s26;
	s29 =	rddreg [dreg:$0x18]  }
0x864: {  	s2 =	sadd.f32 s2, s11;
	s11 =	smul.f32 s31, s29  }
0x865: {  	s29 =	smul.f32 s31, s24;
	s24 =	rddreg [dreg:$0x1a]  }
0x866: {  	s9 =	sadd.f32 s9, s26  }
0x867: {  	s26 =	rddreg [dreg:$0x19]  }
0x868: {  	s25 =	smul.f32 s12, s25;
	s2 =	sadd.f32 s2, s11  }
0x869: {  	s11 =	smul.f32 s13, s26;
	s26 =	rddreg [dreg:$0x1b]  }
0x86a: {  	s9 =	sadd.f32 s9, s25;
	s25 =	smul.f32 s13, s23  }
0x86b: {  	s23 =	smul.f32 s6, s21;
	s21 =	sld [smem:$0x7F6]  }
0x86c: {  	s2 =	sadd.f32 s2, s11  }
0x86d: {  	s11 =	smul.f32 s15, s24;
	s24 =	rddreg [dreg:$0x1d]  }
0x86e: {  	s9 =	sadd.f32 s9, s29  }
0x86f: {  	s29 =	smul.f32 s15, s22;
	s22 =	rddreg [dreg:$0x1c]  }
0x870: {  	s2 =	sadd.f32 s2, s11  }
0x871: {  	s11 =	smul.f32 s6, s26;
	s26 =	rddreg [dreg:$0x1e]  }
0x872: {  	s9 =	sadd.f32 s9, s25  }
0x873: {  	s2 =	sadd.f32 s2, s11  }
0x874: {  	s11 =	smul.f32 s7, s22;
	s22 =	sld [smem:$0x7E0]  }
0x875: {  	s9 =	sadd.f32 s9, s29  }
0x876: {  	s29 =	smul.f32 s30, s19;
	s19 =	sld [smem:$0x7DF]  }
0x877: {  	s25 =	smul.f32 s7, s20;
	s2 =	sadd.f32 s2, s11  }
0x878: {  	s11 =	smul.f32 s30, s24;
	s24 =	sld [smem:$0x7E2]  }
0x879: {  	s20 =	smul.f32 s28, s3;
	s9 =	sadd.f32 s9, s23  }
0x87a: {  	s3 =	smul.f32 s10, s22;
	s23 =	sld [smem:$0x7E1]  }
0x87b: {  	s10 =	smul.f32 s10, s14;
	s2 =	sadd.f32 s2, s11  }
0x87c: {  	s11 =	smul.f32 s28, s26;
	s26 =	sld [smem:$0x7E3]  }
0x87d: {  	s9 =	sadd.f32 s9, s25;
	s25 =	smul.f32 s12, s5  }
0x87e: {  	s5 =	smul.f32 s31, s4;
	s4 =	sld [smem:$0x7EF]  }
0x87f: {  	s14 =	smul.f32 s13, s16;
	s2 =	sadd.f32 s2, s11  }
0x880: {  	s11 =	smul.f32 s1, s19;
	s9 =	sadd.f32 s9, s29  }
0x881: {  	s29 =	smul.f32 s13, s26;
	s13 =	sld [smem:$0x7F1]  }
0x882: {  	s1 =	smul.f32 s1, s18;
	s26 =	sld [smem:$0x7F8]  }
0x883: {  	s11 =	sadd.f32 s11, s21  }
0x884: {  	s1 =	sadd.f32 s1, s17  }
0x885: {  	s17 =	sld [smem:$0x7E5]  }
0x886: {  	s9 =	sadd.f32 s9, s20  }
0x887: {  	s3 =	sadd.f32 s11, s3  }
0x888: {  	s11 =	smul.f32 s12, s23;
	s1 =	sadd.f32 s1, s10  }
0x889: {  	s10 =	sld [smem:$0x7E8]  }
0x88a: {  	s3 =	sadd.f32 s3, s11  }
0x88b: {  	s11 =	smul.f32 s31, s24;
	s1 =	sadd.f32 s1, s25  }
0x88c: {  	s31 =	sld [smem:$0x7EE];
	s24 =	smax.f32 s8, $0.0e+00  }
0x88d: {  	s8 =	smax.f32 s9, $0.0e+00;
	s9 =	sld [smem:$0x7F2]  }
0x88e: {  	s3 =	sadd.f32 s3, s11  }
0x88f: {  	s11 =	sld [smem:$0x7E4]  }
0x890: {  	s1 =	sadd.f32 s1, s5  }
0x891: {  	s5 =	sld [smem:$0x7FA]  }
0x892: {  	s3 =	sadd.f32 s3, s29  }
0x893: {  	s1 =	sadd.f32 s1, s14  }
0x894: {  	s29 =	smul.f32 s24, s26;
	s24 =	sld [smem:$0x7C1]  }
0x895: {  	s18 =	smul.f32 s6, s17;
	s26 =	sld [smem:$0x7C2]  }
0x896: {  	s12 =	smul.f32 s15, s11;
	s11 =	sld [smem:$0x7E7]  }
0x897: {  	s19 =	smul.f32 s15, s31;
	s15 =	sld [smem:$0x7F0]  }
0x898: {  	s17 =	smul.f32 s8, s5;
	s8 =	sld [smem:$0x7FB]  }
0x899: {  	s1 =	sadd.f32 s1, s19  }
0x89a: {  	s19 =	sld [smem:$0x7BD]  }
0x89b: {  	s6 =	smul.f32 s6, s4;
	s3 =	sadd.f32 s3, s12  }
0x89c: {  	s12 =	sld [smem:$0x7E6]  }
0x89d: {  	s25 =	smul.f32 s30, s13;
	s1 =	sadd.f32 s1, s6  }
0x89e: {  	s21 =	smul.f32 s30, s11;
	s30 =	sld [smem:$0x7FD]  }
0x89f: {  	s22 =	smul.f32 s7, s15;
	s3 =	sadd.f32 s3, s18  }
0x8a0: {  	s18 =	sld [smem:$0x7BC]  }
0x8a1: {  	s1 =	sadd.f32 s1, s22  }
0x8a2: {  	s20 =	smul.f32 s7, s12;
	s7 =	sld [smem:$0x7F9]  }
0x8a3: {  	s22 =	sld [smem:$0x7BF]  }
0x8a4: {  	s6 =	sadd.f32 s29, s30  }
0x8a5: {  	s29 =	sld [smem:$0x7C3]  }
0x8a6: {  	s30 =	sld [smem:$0x7C4]  }
0x8a7: {  	s3 =	sadd.f32 s3, s20  }
0x8a8: {  	s2 =	smax.f32 s2, $0.0e+00;
	s1 =	sadd.f32 s1, s25  }
0x8a9: {  	s14 =	smul.f32 s28, s9;
	s20 =	sld [smem:$0x7BE]  }
0x8aa: {  	s2 =	smul.f32 s2, s7;
	s7 =	sld [smem:$0x7FC]  }
0x8ab: {  	s3 =	sadd.f32 s3, s21  }
0x8ac: {  	s1 =	sadd.f32 s1, s14  }
0x8ad: {  	s14 =	sld [smem:$0x7C7]  }
0x8ae: {  	s2 =	sadd.f32 s6, s2  }
0x8af: {  	s21 =	smul.f32 s20, s12;
	s12 =	sld [smem:$0x7C6]  }
0x8b0: {  	s6 =	smul.f32 s18, s16;
	s16 =	sld [smem:$0x7C8]  }
0x8b1: {  	s23 =	smul.f32 s28, s10;
	s18 =	sld [smem:$0x7C9]  }
0x8b2: {  	s28 =	smul.f32 s20, s15;
	s20 =	sld [smem:$0x7CA]  }
0x8b3: {  	s25 =	smul.f32 s24, s11;
	s3 =	sadd.f32 s3, s23  }
0x8b4: {  	s15 =	smul.f32 s24, s13;
	s24 =	sld [smem:$0x7CE]  }
0x8b5: {  	s23 =	sld [smem:$0x7C0];
	s3 =	smax.f32 s3, $0.0e+00  }
0x8b6: {  	s2 =	sadd.f32 s2, s17;
	s3 =	smul.f32 s3, s8  }
0x8b7: {  	s1 =	smax.f32 s1, $0.0e+00;
	s0 =	sadd.f32 s0, s6  }
0x8b8: {  	s1 =	smul.f32 s1, s7;
	s2 =	sadd.f32 s2, s3  }
0x8b9: {  	s3 =	smul.f32 s19, s31;
	s31 =	sld [smem:$0x7C5]  }
0x8ba: {  	s1 =	sadd.f32 s2, s1  }
0x8bb: {  	s0 =	sadd.f32 s0, s3  }
0x8bc: {  	s2 =	sadd.f32 s23, s21  }
0x8bd: {  	s21 =	sld [smem:$0x7CB]  }
0x8be: {  	s3 =	smul.f32 s22, s4;
	s22 =	sld [smem:$0x7CC]  }
0x8bf: {  	s23 =	sld [smem:$0x7CD]  }
0x8c0: {  	s0 =	sadd.f32 s0, s3  }
0x8c1: {  	v63 =	vmov s1;
	s1 =	sadd.f32 s2, s25  }
0x8c2: {  	s25 =	sld [smem:$0x7CF];
	v0 =	vsel vm0, s26, v63  }
0x8c3: {  	s10 =	smul.f32 s31, s10;
	s26 =	sld [smem:$0x7D0];
	v0 =	vsel vm1, s29, v0  }
0x8c4: {  	s19 =	smul.f32 s31, s9;
	s0 =	sadd.f32 s0, s28;
	v0 =	vsel vm2, s30, v0  }
0x8c5: {  	s3 =	smax.f32 s14, $0.0e+00;
	s1 =	sadd.f32 s1, s10;
	v0 =	vsel vm3, s12, v0  }
0x8c6: {  	s17 =	smul.f32 s3, s5;
	s28 =	sld [smem:$0x7D1];
	v0 =	vsel vm4, s16, v0  }
0x8c7: {  	s3 =	smax.f32 s24, $0.0e+00;
	s0 =	sadd.f32 s0, s15;
	v0 =	vsel vm5, s18, v0  }
0x8c8: {  	s3 =	smul.f32 s3, s7;
	s29 =	sld [smem:$0x7D2];
	v0 =	vsel vm6, s21, v0  }
0x8c9: {  	s1 =	smax.f32 s1, $0.0e+00;
	s0 =	sadd.f32 s0, s19;
	v0 =	vsel vm7, s22, v0  }
0x8ca: {  	s2 =	sadd.f32 s20, s17;
	s1 =	smul.f32 s1, s8;
	v0 =	vsel vm8, s23, v0  }
0x8cb: {  	s30 =	sld [smem:$0x7D3];
	s0 =	smax.f32 s0, $0.0e+00;
	v0 =	vsel vm9, s25, v0  }
0x8cc: {  	s1 =	sadd.f32 s2, s1;
	s0 =	smul.f32 s0, s7;
	v0 =	vsel vm10, s26, v0  }
0x8cd: {  	s2 =	sadd.f32 s28, s3;
	v0 =	vsel vm11, s29, v0  }
0x8ce: {  	s0 =	sadd.f32 s1, s0;
	v0 =	vsel vm12, s30, v0  }
0x8cf: {  	v0 =	vsel vm13, s2, v0  }
0x8d0: {  	v0 =	vsel vm14, s0, v0  }
0x8d1: {  	v0 =	vsub.f32 $0.0e+00, v0;
	_ =	sdelay $0x1  }
0x8d2: {  	v0 =	vmul.f32 $1.442695020e+00, v0;
	_ =	sdelay $0x1  }
0x8d3: {  	(erf) = vpow2.f32 v0;
	_ =	sdelay $0x8  }
0x8d4: {  	v0 =	vpop (erf)  }
0x8d5: {  	v0 =	vadd.f32 $1.000000000e+00, v0;
	_ =	sdelay $0x1  }
0x8d6: {  	(erf) = vrcp.f32 v0;
	_ =	sdelay $0x1  }
0x8d7: {  	s1 =	sld [smem:$0x7D5];
	_ =	sdelay $0x2  }
0x8d8: {  	s31 =	sld [smem:$0x7D4];
	p1 =	sne.s32 s1, $0x20  }
.Ltmp16:
0x8d9: {  	_ = 	snop;
	(pc) =	sbr.rel @p1 .LBB2_2-.Ltmp16, $4  }
0x8da: {  	_ = 	snop  }
0x8db: {  	s0 =	sshll.u32 s31, $0x4  }
0x8dc: {  	s0 =	sand.u32 $0x3FFFFFF0, s0;
	v0 =	vpop (erf)  }
0x8dd: {  	p0 =	por !p0, !p0;
	[tilespmem:s0+$0x1A960] =	vst v0  }
0x8de: {  	s6 =	simm.s32 $0x0  }
0x8df: {  	s0 =	rddreg [dreg:$0x8];
	s1 =	simm.s32 $0x1A960;
	s2 =	simm.s32 $0x2  }
0x8e0: {  	[hbm4b:s0+s6] =	stream.linear.scatter [tilespmem:s1], [sflag:$0x2], $0x200, $0x38;
	[tilespmem:$0x1AB60] =	vst v63  }
0x8e1: {  	_ =	swait.ge [sflag:s2], $0x200  }
0x8e2: {  	s30 =	rddreg [dreg:$0xa]  }
0x8e3: {  	s31 =	rddreg [dreg:$0x9];
	s1 =	sadd.s32 $0x1, s30  }
0x8e4: {  	p0 =	sne.s32 s1, s31  }
.Ltmp17:
0x8e5: {  	_ = 	snop;
	(pc) =	sbr.rel @p0 .LBB2_1-.Ltmp17, $3  }
0x8e6: {  	_ =	sdelay $0x1  }
0x8e7: {  	[sflag:s2] =	ssyncset.done $0x0  }
0x8e8: {  	[sflag:s2] =	ssyncadd.s32 $0xFFFFFE00  }
0x8e9: {  	_ =	sfence.sel $0x180000  }
0x8ea: {  	[bflag:$0x0] =	sbarrier.arrive $0xFFFF  }
0x8eb: {  	_ =	strace $0x90000047  }
0x8ec: {  	s0 =	stileid.u32;
	[bflag:$0x2] =	sbarrier.arrive $0xFFFF  }
0x8ed: {  	p0 =	sne.s32 s0, $0x0;
	s0 =	rddreg [dreg:$0x2]  }
0x8ee: {  	s0 =	sadd.s32 @!p0 $0x100000, s0  }
0x8ef: {  	[sflag:s0] =	ssyncadd.tile.s32 @!p0 $0x1;
	_ =	shalt  }
.Lfunc_end2:
_tile_overlayer_lowered:
.L_overlay_start_2:
0x8f0: {  	(tag) =	ssettag $0x2  }
0x8f1: {  	s0 =	rddreg [dreg:$0x0];
	s2 =	stileid.u32  }
0x8f2: {  	s1 =	rddreg [dreg:$0x1];
	p0 =	sne.s32 s2, $0x0  }
0x8f3: {  	s3 =	rddreg [dreg:$0x2];
	[bflag:$0x3] =	sbarrier.arrive $0xFFFF;
	s2 =	simm.s32 @!p0 $0x1C02  }
0x8f4: {  	[timem:s3], [sflag:s2] =	dma.local @!p0 [hbm:s0], s1  }
0x8f5: {  	s0 =	simm.s32 @!p0 $0x2  }
0x8f6: {  	_ =	swait.ge @!p0 [sflag:s0], s1  }
0x8f7: {  	s1 =	ssub.s32 @!p0 $0x0, s1;
	[sflag:s0] =	ssyncset.done @!p0 $0x0  }
0x8f8: {  	[sflag:s0] =	ssyncadd.s32 @!p0 s1  }
0x8f9: {  	[bflag:$0x3] =	sbarrier.arrive $0xFFFF  }
0x8fa: {  	_ =	shalt  }

</sc_bundles>
